<compile_context>
chip_gen: v7x
topology: tpu7x:2x2x1
jax: 0.10.2.dev20260603
libtpu: 0.0.44.dev20260713+nightly
codegen_flags: <defaults>
</compile_context>

<pallas_src>
import functools

import jax
import jax.numpy as jnp
from jax import lax
from jax.experimental import pallas as pl
from jax.experimental.pallas import tpu as pltpu
from jax.experimental.pallas import tpu_sc as plsc

N = 10000
E = 320000
D = 128
S = 256
M = 32
V = 3
TEMP = 0.5

NC = 2
NS = 16
NW = NC * NS

EB = 128
ENB = 80
EPAD = NW * ENB * EB
NP = 10240

PB = 128
PNB = 2


def _zero_fill(ref, rows):
    def body(i, carry):
        r = i // (D // 16)
        c = (i % (D // 16)) * 16
        ref[r, pl.ds(c, 16)] = jnp.zeros((16,), jnp.float32)
        return carry
    lax.fori_loop(0, rows * (D // 16), body, 0)


@functools.lru_cache(maxsize=None)
def _make_segsum(num_seg, nb, b, nb0=None):
    if nb0 is None:
        nb0 = nb
    nb1 = 2 * nb - nb0
    assert nb0 % 2 == 0 and nb1 % 2 == 0
    zr = num_seg // NS
    zb = zr if zr <= 64 else 64
    assert zr % zb == 0 and zr % 8 == 0
    mesh = plsc.VectorSubcoreMesh(core_axis_name="c", subcore_axis_name="s",
                                  num_cores=NC, num_subcores=NS)

    @functools.partial(
        pl.kernel,
        out_type=jax.ShapeDtypeStruct((NC * num_seg, D), jnp.float32),
        mesh=mesh,
        scratch_types=[
            pltpu.VMEM((2, 2, b), jnp.int32),
            pltpu.VMEM((2, b, D), jnp.float32),
            pltpu.VMEM((zb, D), jnp.float32),
            pltpu.VMEM_SHARED((num_seg, D), jnp.float32),
            pltpu.SemaphoreType.DMA,
            pltpu.SemaphoreType.DMA,
            pltpu.SemaphoreType.DMA,
            pltpu.SemaphoreType.DMA,
        ],
    )
    def segsum(table_hbm, adj_hbm, out_hbm, sd, rows, zbuf, acc, g0, g1, i0, i1):
        def idx_block(q):
            return adj_hbm.at[:, pl.ds(q * b, b)]
        c = lax.axis_index("c")
        s = lax.axis_index("s")
        nb = lax.select(c == 0, nb0, nb1)
        q0 = lax.select(c == 0, s * nb0, NS * nb0 + s * nb1)

        def work():

            pltpu.async_copy(idx_block(q0), sd.at[0], i0)
            pltpu.async_copy(idx_block(q0 + 1), sd.at[1], i1)

            _zero_fill(zbuf, zb)
            row0 = pl.multiple_of(s * zr, 8)
            for q in range(zr // zb):
                pltpu.async_copy(zbuf, acc.at[pl.ds(row0 + q * zb, zb)], g1)
            for q in range(zr // zb):
                pltpu.make_async_copy(zbuf, acc.at[pl.ds(row0, zb)], g1).wait()

            pltpu.make_async_copy(idx_block(q0), sd.at[0], i0).wait()
            pltpu.async_copy(table_hbm.at[sd.at[0, 0]], rows.at[0], g0)
            plsc.subcore_barrier()

            def body(i, carry):
                k0 = 2 * i
                pltpu.make_async_copy(idx_block(q0 + 1), sd.at[1], i1).wait()
                pltpu.async_copy(table_hbm.at[sd.at[1, 0]], rows.at[1], g1)
                pltpu.make_async_copy(
                    table_hbm.at[sd.at[0, 0]], rows.at[0], g0).wait()
                pltpu.sync_copy(rows.at[0], acc.at[sd.at[0, 1]], add=True)

                @pl.when(k0 + 2 < nb)
                def _():
                    pltpu.async_copy(idx_block(q0 + k0 + 2), sd.at[0], i0)

                pltpu.make_async_copy(
                    table_hbm.at[sd.at[1, 0]], rows.at[1], g1).wait()
                pltpu.sync_copy(rows.at[1], acc.at[sd.at[1, 1]], add=True)

                @pl.when(k0 + 3 < nb)
                def _():
                    pltpu.async_copy(idx_block(q0 + k0 + 3), sd.at[1], i1)

                @pl.when(k0 + 2 < nb)
                def _():
                    pltpu.make_async_copy(
                        idx_block(q0 + k0 + 2), sd.at[0], i0).wait()
                    pltpu.async_copy(table_hbm.at[sd.at[0, 0]], rows.at[0], g0)

                return carry

            lax.fori_loop(0, nb // 2, body, 0)
            plsc.subcore_barrier()

            base = pl.multiple_of(c * num_seg + row0, 8)
            pltpu.sync_copy(acc.at[pl.ds(row0, zr)], out_hbm.at[pl.ds(base, zr)])

        work()

    return segsum


BN = 1000


def _mlp_body(norm, p_ref, wa_ref, ba_ref, wb_ref, bb_ref, o_ref):
    x = p_ref[0]
    for q in range(1, p_ref.shape[0]):
        x = x + p_ref[q]
    y = jnp.maximum(
        jnp.dot(x, wa_ref[...], preferred_element_type=jnp.float32) + ba_ref[...], 0.0)
    z = jnp.maximum(
        jnp.dot(y, wb_ref[...], preferred_element_type=jnp.float32) + bb_ref[...], 0.0)
    if norm:
        nrm = jnp.sqrt(jnp.sum(z * z, axis=1, keepdims=True))
        z = z / jnp.maximum(nrm, 1e-12)
    o_ref[...] = z


def _mlp(p, wa, ba, wb, bb, norm):
    return pl.pallas_call(
        functools.partial(_mlp_body, norm),
        out_shape=jax.ShapeDtypeStruct((N, D), jnp.float32),
        grid=(N // BN,),
        in_specs=[
            pl.BlockSpec((p.shape[0], BN, D), lambda i: (0, i, 0)),
            pl.BlockSpec((D, D), lambda i: (0, 0)),
            pl.BlockSpec((1, D), lambda i: (0, 0)),
            pl.BlockSpec((D, D), lambda i: (0, 0)),
            pl.BlockSpec((1, D), lambda i: (0, 0)),
        ],
        out_specs=pl.BlockSpec((BN, D), lambda i: (i, 0)),
    )(p, wa, ba, wb, bb)


def _loss_body(psub_ref, idx_ref, o_ref):
    i = pl.program_id(0)
    sub = (psub_ref[:S] + psub_ref[S:]) * (1.0 / M)
    idx2d = idx_ref[0]
    ohT = jnp.where(
        lax.broadcasted_iota(jnp.int32, (S, idx2d.shape[1]), 0)
        == jnp.broadcast_to(idx2d, (S, idx2d.shape[1])), 1.0, 0.0)
    f = lax.dot_general(
        ohT, sub, (((0,), (0,)), ((), ())), preferred_element_type=jnp.float32)
    nrm = jnp.sqrt(jnp.sum(f * f, axis=1, keepdims=True))
    fn = f / jnp.maximum(nrm, 1e-12)
    logits = lax.dot_general(
        fn, fn, (((1,), (1,)), ((), ())), preferred_element_type=jnp.float32)
    logits = logits * (1.0 / TEMP)
    logits = logits - jnp.max(logits, axis=1, keepdims=True)
    r = lax.broadcasted_iota(jnp.int32, logits.shape, 0)
    cc = lax.broadcasted_iota(jnp.int32, logits.shape, 1)
    lmask = jnp.where(r == cc, 0.0, 1.0)
    pmask = jnp.where(lax.rem(r, 64) == lax.rem(cc, 64), 1.0, 0.0) * lmask
    el = jnp.exp(logits) * lmask
    denom = jnp.sum(el, axis=1, keepdims=True) + 1e-12
    lp = logits - jnp.log(denom)
    mlpp = jnp.sum(pmask * lp, axis=1) / jnp.sum(pmask, axis=1)
    bl = -jnp.sum(mlpp) / logits.shape[0]

    @pl.when(i == 0)
    def _():
        o_ref[...] = jnp.zeros((1, 1), jnp.float32)

    o_ref[...] += bl.reshape(1, 1)


def _loss(psub, cfidx3):
    nblk = cfidx3.shape[0]
    return pl.pallas_call(
        _loss_body,
        out_shape=jax.ShapeDtypeStruct((1, 1), jnp.float32),
        grid=(nblk,),
        in_specs=[
            pl.BlockSpec((NC * S, D), lambda i: (0, 0)),
            pl.BlockSpec((1, 1, cfidx3.shape[2]), lambda i: (i, 0, 0)),
        ],
        out_specs=pl.BlockSpec((1, 1), lambda i: (0, 0)),
    )(psub, cfidx3)


def kernel(seq1, adj, train_nodeSet, pathDict, bsz,
           W0a, b0a, W0b, b0b, W1a, b1a, W1b, b1b, W2a, b2a, W2b, b2b):
    npad = EPAD - E
    pad_src = jnp.arange(npad, dtype=jnp.int32) % N
    pad_dst = N + (jnp.arange(npad, dtype=jnp.int32) % 128)
    adjp = jnp.concatenate([adj, jnp.stack([pad_src, pad_dst])], axis=1)

    _segsum_edges = _make_segsum(NP, ENB, EB)
    _segsum_pool = _make_segsum(S, PNB, PB)

    h = seq1
    layers = ((W0a, b0a, W0b, b0b), (W1a, b1a, W1b, b1b), (W2a, b2a, W2b, b2b))
    for li, (wa, ba, wb, bb) in enumerate(layers):
        p = _segsum_edges(h, adjp).reshape(NC, NP, D)
        h = _mlp(p, wa, ba.reshape(1, D), wb, bb.reshape(1, D),
                 norm=(li == len(layers) - 1))

    adj_pool = jnp.stack(
        [train_nodeSet.reshape(-1),
         jnp.repeat(jnp.arange(S, dtype=jnp.int32), M)])
    psub = _segsum_pool(h, adj_pool)

    vi = jnp.concatenate(
        [pathDict, jnp.arange(S, dtype=pathDict.dtype)[:, None]], axis=1)
    cfidx3 = jnp.transpose(vi.reshape(4, 64, V + 1), (0, 2, 1)).reshape(4, 1, -1)
    lsum = _loss(psub, cfidx3.astype(jnp.int32))

    nb = S // bsz
    return lsum[0, 0] / nb

# --- scband reference (transcript-rebuilt; emitter-appended) ---
"""Pipeline reference for scband-rgcn-gcl-10539849745010 (READ-ONLY COPY).

The authoritative reference and input builder live on the scoring server;
editing this copy changes nothing except your own understanding.
"""

import jax, jax.numpy as jnp
import numpy as np

N = 10000; E = 320000; D = 128; H = 128; S = 256; M = 32; V = 3
TEMP = 0.5


def setup_inputs(seed: int = 0) -> dict:
    key = jax.random.key(seed)
    ks = jax.random.split(key, 20)
    inp = {}
    inp["seq1"] = jax.random.normal(ks[0], (N, D), jnp.float32)
    inp["adj"] = jax.random.randint(ks[1], (2, E), 0, N, dtype=jnp.int32)
    inp["train_nodeSet"] = jax.random.randint(ks[2], (S, M), 0, N, dtype=jnp.int32)
    inp["pathDict"] = jax.random.randint(ks[3], (S, V), 0, S, dtype=jnp.int32)
    inp["bsz"] = 64
    dims = [(D, H), (H, H), (H, H)]
    i = 4
    for l, (di, do) in enumerate(dims):
        inp["W%da" % l] = (jax.random.normal(ks[i], (di, do), jnp.float32) / np.sqrt(di)); i += 1
        inp["b%da" % l] = jnp.zeros((do,), jnp.float32)
        inp["W%db" % l] = (jax.random.normal(ks[i], (do, do), jnp.float32) / np.sqrt(do)); i += 1
        inp["b%db" % l] = jnp.zeros((do,), jnp.float32)
    return inp


def _con_loss(feats):
    b, v, d = feats.shape
    f = feats / jnp.clip(jnp.linalg.norm(feats, axis=-1, keepdims=True), 1e-12)
    cf = jnp.transpose(f, (1, 0, 2)).reshape(b * v, d)
    logits = cf @ cf.T / TEMP
    logits = logits - jax.lax.stop_gradient(jnp.max(logits, axis=1, keepdims=True))
    logits_mask = 1.0 - jnp.eye(b * v, dtype=jnp.float32)
    mask = jnp.tile(jnp.eye(b, dtype=jnp.float32), (v, v)) * logits_mask
    exp_logits = jnp.exp(logits) * logits_mask
    log_prob = logits - jnp.log(exp_logits.sum(axis=1, keepdims=True) + 1e-12)
    mean_log_prob_pos = (mask * log_prob).sum(axis=1) / mask.sum(axis=1)
    return -mean_log_prob_pos.mean()


def reference(seq1, adj, train_nodeSet, pathDict, bsz, W0a, b0a, W0b, b0b, W1a, b1a, W1b, b1b, W2a, b2a, W2b, b2b):
    src, dst = adj[0], adj[1]
    h = seq1
    for (Wa, ba, Wb, bb) in ((W0a, b0a, W0b, b0b), (W1a, b1a, W1b, b1b), (W2a, b2a, W2b, b2b)):
        agg = jax.ops.segment_sum(h[src], dst, num_segments=N)
        h = jax.nn.relu(agg @ Wa + ba)
        h = jax.nn.relu(h @ Wb + bb)
    h1 = h / jnp.clip(jnp.linalg.norm(h, axis=1, keepdims=True), 1e-12)
    sub = jnp.mean(h1[train_nodeSet], axis=1)
    views_idx = jnp.concatenate([pathDict, jnp.arange(S, dtype=pathDict.dtype)[:, None]], axis=1)
    viewsList = sub[views_idx]
    bsz_static = 64
    nb_static = S // bsz_static
    nb = S // bsz
    loss = 0.0
    for i in range(nb_static):
        loss = loss + _con_loss(viewsList[i * bsz_static:(i + 1) * bsz_static])
    return loss / nb

if __name__ == "__main__":
    import jax
    _d = setup_inputs()
    print(jax.jit(kernel)(*tuple(_d.values())))

</pallas_src>

<mosaic_0001>
#map = affine_map<(d0, d1) -> (0, 0)>
module attributes {stable_mosaic.version = 14 : i64} {
  func.func @segsum(%arg0: i32, %arg1: i32, %arg2: memref<10000x128xf32, #tpu.memory_space<hbm>>, %arg3: memref<2x327680xi32, #tpu.memory_space<hbm>>, %arg4: memref<20480x128xf32, #tpu.memory_space<hbm>>, %arg5: memref<2x2x128xi32, #tpu.memory_space<vmem>>, %arg6: memref<2x128x128xf32, #tpu.memory_space<vmem>>, %arg7: memref<64x128xf32, #tpu.memory_space<vmem>>, %arg8: memref<10240x128xf32, #tpu.memory_space<vmem_shared>>, %arg9: memref<!tpu.dma_semaphore, #tpu.memory_space<semaphore_mem>>, %arg10: memref<!tpu.dma_semaphore, #tpu.memory_space<semaphore_mem>>, %arg11: memref<!tpu.dma_semaphore, #tpu.memory_space<semaphore_mem>>, %arg12: memref<!tpu.dma_semaphore, #tpu.memory_space<semaphore_mem>>) attributes {dimension_semantics = [#tpu.dimension_semantics<core_parallel>, #tpu.dimension_semantics<subcore_parallel>], iteration_bounds = array<i64: 2, 16>, scalar_prefetch = 0 : i64, scratch_operands = 8 : i64, tpu.core_type = #tpu.core_type<sc_vector_subcore>, window_params = [{transform_indices = #map}, {transform_indices = #map}, {transform_indices = #map}]} {
    %eq3A = arith.constant 0 : i32
    %eq3A_0 = arith.cmpi eq, %arg0, %eq3A : i32
    %select_n3A = arith.constant 80 : i32
    %select_n3A_1 = arith.constant 80 : i32
    %select_n3A_2 = arith.select %eq3A_0, %select_n3A_1, %select_n3A : i32
    %eq3A_3 = arith.constant 0 : i32
    %eq3A_4 = arith.cmpi eq, %arg0, %eq3A_3 : i32
    %mul3A = arith.constant 80 : i32
    %mul3A_5 = arith.muli %arg1, %mul3A : i32
    %mul3A_6 = arith.constant 80 : i32
    %mul3A_7 = arith.muli %arg1, %mul3A_6 : i32
    %add3A = arith.constant 1280 : i32
    %add3A_8 = arith.addi %add3A, %mul3A_7 : i32
    %select_n3A_9 = arith.select %eq3A_4, %mul3A_5, %add3A_8 : i32
    %mul3A_10 = arith.constant 128 : i32
    %mul3A_11 = arith.muli %select_n3A_9, %mul3A_10 : i32
    %dma_start3A = arith.constant 0 : i32
    %dma_start3A_12 = arith.constant 0 : i32
    %dma_start3A_13 = arith.constant 0 : i32
    %dma_start3A_14 = tpu.memref_slice %arg5[%dma_start3A, %dma_start3A_12, %dma_start3A_13] : memref<2x2x128xi32, #tpu.memory_space<vmem>> -> memref<1x2x128xi32, #tpu.memory_space<vmem>>
    %dma_start3A_15 = tpu.memref_squeeze %dma_start3A_14 : memref<1x2x128xi32, #tpu.memory_space<vmem>> -> memref<2x128xi32, #tpu.memory_space<vmem>>
    %dma_start3A_16 = arith.constant 0 : i32
    %dma_start3A_17 = tpu.memref_slice %arg3[%dma_start3A_16, %mul3A_11] : memref<2x327680xi32, #tpu.memory_space<hbm>> -> memref<2x128xi32, #tpu.memory_space<hbm>>
    %dma_start3A_18 = arith.constant 0 : i32
    %dma_start3A_19 = arith.constant 0 : i32
    %dma_start3A_20 = tpu.memref_slice %arg5[%dma_start3A, %dma_start3A_18, %dma_start3A_19] : memref<2x2x128xi32, #tpu.memory_space<vmem>> -> memref<1x2x128xi32, #tpu.memory_space<vmem>>
    %dma_start3A_21 = tpu.memref_squeeze %dma_start3A_20 : memref<1x2x128xi32, #tpu.memory_space<vmem>> -> memref<2x128xi32, #tpu.memory_space<vmem>>
    %dma_start3A_22 = arith.constant 0 : i32
    %dma_start3A_23 = tpu.memref_slice %arg3[%dma_start3A_22, %mul3A_11] : memref<2x327680xi32, #tpu.memory_space<hbm>> -> memref<2x128xi32, #tpu.memory_space<hbm>>
    tpu.enqueue_dma source(%dma_start3A_23 : memref<2x128xi32, #tpu.memory_space<hbm>>) target(%dma_start3A_21 : memref<2x128xi32, #tpu.memory_space<vmem>>) target_semaphore(%arg11 : memref<!tpu.dma_semaphore, #tpu.memory_space<semaphore_mem>>)
    %add3A_24 = arith.constant 1 : i32
    %add3A_25 = arith.addi %select_n3A_9, %add3A_24 : i32
    %mul3A_26 = arith.constant 128 : i32
    %mul3A_27 = arith.muli %add3A_25, %mul3A_26 : i32
    %dma_start3A_28 = arith.constant 1 : i32
    %dma_start3A_29 = arith.constant 0 : i32
    %dma_start3A_30 = arith.constant 0 : i32
    %dma_start3A_31 = tpu.memref_slice %arg5[%dma_start3A_28, %dma_start3A_29, %dma_start3A_30] : memref<2x2x128xi32, #tpu.memory_space<vmem>> -> memref<1x2x128xi32, #tpu.memory_space<vmem>>
    %dma_start3A_32 = tpu.memref_squeeze %dma_start3A_31 : memref<1x2x128xi32, #tpu.memory_space<vmem>> -> memref<2x128xi32, #tpu.memory_space<vmem>>
    %dma_start3A_33 = arith.constant 0 : i32
    %dma_start3A_34 = tpu.memref_slice %arg3[%dma_start3A_33, %mul3A_27] : memref<2x327680xi32, #tpu.memory_space<hbm>> -> memref<2x128xi32, #tpu.memory_space<hbm>>
    %dma_start3A_35 = arith.constant 0 : i32
    %dma_start3A_36 = arith.constant 0 : i32
    %dma_start3A_37 = tpu.memref_slice %arg5[%dma_start3A_28, %dma_start3A_35, %dma_start3A_36] : memref<2x2x128xi32, #tpu.memory_space<vmem>> -> memref<1x2x128xi32, #tpu.memory_space<vmem>>
    %dma_start3A_38 = tpu.memref_squeeze %dma_start3A_37 : memref<1x2x128xi32, #tpu.memory_space<vmem>> -> memref<2x128xi32, #tpu.memory_space<vmem>>
    %dma_start3A_39 = arith.constant 0 : i32
    %dma_start3A_40 = tpu.memref_slice %arg3[%dma_start3A_39, %mul3A_27] : memref<2x327680xi32, #tpu.memory_space<hbm>> -> memref<2x128xi32, #tpu.memory_space<hbm>>
    tpu.enqueue_dma source(%dma_start3A_40 : memref<2x128xi32, #tpu.memory_space<hbm>>) target(%dma_start3A_38 : memref<2x128xi32, #tpu.memory_space<vmem>>) target_semaphore(%arg12 : memref<!tpu.dma_semaphore, #tpu.memory_space<semaphore_mem>>)
    %scan3A = arith.constant 0 : i32
    %scan3A_41 = arith.constant 0 : i32
    %scan3A_42 = arith.constant 512 : i32
    %scan3A_43 = arith.addi %scan3A_41, %scan3A_42 : i32
    %scan3A_44 = arith.constant 1 : i32
    scf.for %scan3A_206 = %scan3A_41 to %scan3A_43 step %scan3A_44  : i32 {
      %jit3A_207 = arith.constant 8 : i32
      %div3A_208 = arith.divsi %scan3A_206, %jit3A_207 : i32
      %sign3A_209 = arith.constant 0 : i32
      %sign3A_210 = arith.cmpi sgt, %scan3A_206, %sign3A_209 : i32
      %sign3A_211 = arith.extui %sign3A_210 : i1 to i32
      %sign3A_212 = arith.constant 0 : i32
      %sign3A_213 = arith.cmpi slt, %scan3A_206, %sign3A_212 : i32
      %sign3A_214 = arith.extui %sign3A_213 : i1 to i32
      %sign3A_215 = arith.subi %sign3A_211, %sign3A_214 : i32
      %sign3A_216 = arith.constant 0 : i32
      %sign3A_217 = arith.cmpi sgt, %jit3A_207, %sign3A_216 : i32
      %sign3A_218 = arith.extui %sign3A_217 : i1 to i32
      %sign3A_219 = arith.constant 0 : i32
      %sign3A_220 = arith.cmpi slt, %jit3A_207, %sign3A_219 : i32
      %sign3A_221 = arith.extui %sign3A_220 : i1 to i32
      %sign3A_222 = arith.subi %sign3A_218, %sign3A_221 : i32
      %ne3A_223 = arith.cmpi ne, %sign3A_215, %sign3A_222 : i32
      %rem3A_224 = arith.remsi %scan3A_206, %jit3A_207 : i32
      %ne3A_225 = arith.constant 0 : i32
      %ne3A_226 = arith.cmpi ne, %rem3A_224, %ne3A_225 : i32
      %and3A_227 = arith.andi %ne3A_223, %ne3A_226 : i1
      %sub3A_228 = arith.constant 1 : i32
      %sub3A_229 = arith.subi %div3A_208, %sub3A_228 : i32
      %select_n3A_230 = arith.select %and3A_227, %sub3A_229, %div3A_208 : i32
      %jit3A_231 = arith.constant 8 : i32
      %eq3A_232 = arith.constant 0 : i32
      %eq3A_233 = arith.cmpi eq, %jit3A_231, %eq3A_232 : i32
      %jit3A_234 = arith.constant 1 : i32
      %select_n3A_235 = arith.select %eq3A_233, %jit3A_234, %jit3A_231 : i32
      %rem3A_236 = arith.remsi %scan3A_206, %select_n3A_235 : i32
      %ne3A_237 = arith.constant 0 : i32
      %ne3A_238 = arith.cmpi ne, %rem3A_236, %ne3A_237 : i32
      %lt3A = arith.constant 0 : i32
      %lt3A_239 = arith.cmpi slt, %rem3A_236, %lt3A : i32
      %lt3A_240 = arith.constant 0 : i32
      %lt3A_241 = arith.cmpi slt, %select_n3A_235, %lt3A_240 : i32
      %ne3A_242 = arith.xori %lt3A_239, %lt3A_241 : i1
      %and3A_243 = arith.andi %ne3A_242, %ne3A_238 : i1
      %add3A_244 = arith.addi %rem3A_236, %select_n3A_235 : i32
      %select_n3A_245 = arith.select %and3A_243, %add3A_244, %rem3A_236 : i32
      %mul3A_246 = arith.constant 16 : i32
      %mul3A_247 = arith.muli %select_n3A_245, %mul3A_246 : i32
      %broadcast_in_dim3A = arith.constant 0.000000e+00 : f32
      %broadcast_in_dim3A_248 = vector.broadcast %broadcast_in_dim3A : f32 to vector<16xf32>
      %swap3A = arith.index_cast %select_n3A_230 : i32 to index
      %swap3A_249 = arith.index_cast %mul3A_247 : i32 to index
      %swap3A_250 = tpu.vector_load %arg7[%swap3A, %swap3A_249] {strides = array<i32>} : memref<64x128xf32, #tpu.memory_space<vmem>>, vector<1x16xf32>,
      %swap3A_251 = vector.shape_cast %swap3A_250 : vector<1x16xf32> to vector<16xf32>
      %swap3A_252 = vector.shape_cast %broadcast_in_dim3A_248 : vector<16xf32> to vector<1x16xf32>
      tpu.vector_store %arg7[%swap3A, %swap3A_249], %swap3A_252 {strides = array<i32>} : memref<64x128xf32, #tpu.memory_space<vmem>>, vector<1x16xf32>,
    }
    %scan3A_45 = arith.constant 512 : i32
    %mul3A_46 = arith.constant 640 : i32
    %mul3A_47 = arith.muli %arg1, %mul3A_46 : i32
    %multiple_of3A = tpu.assume_multiple %mul3A_47, 8 : i32
    %add3A_48 = arith.constant 0 : i32
    %add3A_49 = arith.addi %multiple_of3A, %add3A_48 : i32
    %dma_start3A_50 = arith.constant 0 : i32
    %dma_start3A_51 = tpu.memref_slice %arg8[%add3A_49, %dma_start3A_50] : memref<10240x128xf32, #tpu.memory_space<vmem_shared>> -> memref<64x128xf32, #tpu.memory_space<vmem_shared>>
    %dma_start3A_52 = arith.constant 0 : i32
    %dma_start3A_53 = tpu.memref_slice %arg8[%add3A_49, %dma_start3A_52] : memref<10240x128xf32, #tpu.memory_space<vmem_shared>> -> memref<64x128xf32, #tpu.memory_space<vmem_shared>>
    tpu.enqueue_dma source(%arg7 : memref<64x128xf32, #tpu.memory_space<vmem>>) target(%dma_start3A_53 : memref<64x128xf32, #tpu.memory_space<vmem_shared>>) target_semaphore(%arg10 : memref<!tpu.dma_semaphore, #tpu.memory_space<semaphore_mem>>)
    %add3A_54 = arith.constant 64 : i32
    %add3A_55 = arith.addi %multiple_of3A, %add3A_54 : i32
    %dma_start3A_56 = arith.constant 0 : i32
    %dma_start3A_57 = tpu.memref_slice %arg8[%add3A_55, %dma_start3A_56] : memref<10240x128xf32, #tpu.memory_space<vmem_shared>> -> memref<64x128xf32, #tpu.memory_space<vmem_shared>>
    %dma_start3A_58 = arith.constant 0 : i32
    %dma_start3A_59 = tpu.memref_slice %arg8[%add3A_55, %dma_start3A_58] : memref<10240x128xf32, #tpu.memory_space<vmem_shared>> -> memref<64x128xf32, #tpu.memory_space<vmem_shared>>
    tpu.enqueue_dma source(%arg7 : memref<64x128xf32, #tpu.memory_space<vmem>>) target(%dma_start3A_59 : memref<64x128xf32, #tpu.memory_space<vmem_shared>>) target_semaphore(%arg10 : memref<!tpu.dma_semaphore, #tpu.memory_space<semaphore_mem>>)
    %add3A_60 = arith.constant 128 : i32
    %add3A_61 = arith.addi %multiple_of3A, %add3A_60 : i32
    %dma_start3A_62 = arith.constant 0 : i32
    %dma_start3A_63 = tpu.memref_slice %arg8[%add3A_61, %dma_start3A_62] : memref<10240x128xf32, #tpu.memory_space<vmem_shared>> -> memref<64x128xf32, #tpu.memory_space<vmem_shared>>
    %dma_start3A_64 = arith.constant 0 : i32
    %dma_start3A_65 = tpu.memref_slice %arg8[%add3A_61, %dma_start3A_64] : memref<10240x128xf32, #tpu.memory_space<vmem_shared>> -> memref<64x128xf32, #tpu.memory_space<vmem_shared>>
    tpu.enqueue_dma source(%arg7 : memref<64x128xf32, #tpu.memory_space<vmem>>) target(%dma_start3A_65 : memref<64x128xf32, #tpu.memory_space<vmem_shared>>) target_semaphore(%arg10 : memref<!tpu.dma_semaphore, #tpu.memory_space<semaphore_mem>>)
    %add3A_66 = arith.constant 192 : i32
    %add3A_67 = arith.addi %multiple_of3A, %add3A_66 : i32
    %dma_start3A_68 = arith.constant 0 : i32
    %dma_start3A_69 = tpu.memref_slice %arg8[%add3A_67, %dma_start3A_68] : memref<10240x128xf32, #tpu.memory_space<vmem_shared>> -> memref<64x128xf32, #tpu.memory_space<vmem_shared>>
    %dma_start3A_70 = arith.constant 0 : i32
    %dma_start3A_71 = tpu.memref_slice %arg8[%add3A_67, %dma_start3A_70] : memref<10240x128xf32, #tpu.memory_space<vmem_shared>> -> memref<64x128xf32, #tpu.memory_space<vmem_shared>>
    tpu.enqueue_dma source(%arg7 : memref<64x128xf32, #tpu.memory_space<vmem>>) target(%dma_start3A_71 : memref<64x128xf32, #tpu.memory_space<vmem_shared>>) target_semaphore(%arg10 : memref<!tpu.dma_semaphore, #tpu.memory_space<semaphore_mem>>)
    %add3A_72 = arith.constant 256 : i32
    %add3A_73 = arith.addi %multiple_of3A, %add3A_72 : i32
    %dma_start3A_74 = arith.constant 0 : i32
    %dma_start3A_75 = tpu.memref_slice %arg8[%add3A_73, %dma_start3A_74] : memref<10240x128xf32, #tpu.memory_space<vmem_shared>> -> memref<64x128xf32, #tpu.memory_space<vmem_shared>>
    %dma_start3A_76 = arith.constant 0 : i32
    %dma_start3A_77 = tpu.memref_slice %arg8[%add3A_73, %dma_start3A_76] : memref<10240x128xf32, #tpu.memory_space<vmem_shared>> -> memref<64x128xf32, #tpu.memory_space<vmem_shared>>
    tpu.enqueue_dma source(%arg7 : memref<64x128xf32, #tpu.memory_space<vmem>>) target(%dma_start3A_77 : memref<64x128xf32, #tpu.memory_space<vmem_shared>>) target_semaphore(%arg10 : memref<!tpu.dma_semaphore, #tpu.memory_space<semaphore_mem>>)
    %add3A_78 = arith.constant 320 : i32
    %add3A_79 = arith.addi %multiple_of3A, %add3A_78 : i32
    %dma_start3A_80 = arith.constant 0 : i32
    %dma_start3A_81 = tpu.memref_slice %arg8[%add3A_79, %dma_start3A_80] : memref<10240x128xf32, #tpu.memory_space<vmem_shared>> -> memref<64x128xf32, #tpu.memory_space<vmem_shared>>
    %dma_start3A_82 = arith.constant 0 : i32
    %dma_start3A_83 = tpu.memref_slice %arg8[%add3A_79, %dma_start3A_82] : memref<10240x128xf32, #tpu.memory_space<vmem_shared>> -> memref<64x128xf32, #tpu.memory_space<vmem_shared>>
    tpu.enqueue_dma source(%arg7 : memref<64x128xf32, #tpu.memory_space<vmem>>) target(%dma_start3A_83 : memref<64x128xf32, #tpu.memory_space<vmem_shared>>) target_semaphore(%arg10 : memref<!tpu.dma_semaphore, #tpu.memory_space<semaphore_mem>>)
    %add3A_84 = arith.constant 384 : i32
    %add3A_85 = arith.addi %multiple_of3A, %add3A_84 : i32
    %dma_start3A_86 = arith.constant 0 : i32
    %dma_start3A_87 = tpu.memref_slice %arg8[%add3A_85, %dma_start3A_86] : memref<10240x128xf32, #tpu.memory_space<vmem_shared>> -> memref<64x128xf32, #tpu.memory_space<vmem_shared>>
    %dma_start3A_88 = arith.constant 0 : i32
    %dma_start3A_89 = tpu.memref_slice %arg8[%add3A_85, %dma_start3A_88] : memref<10240x128xf32, #tpu.memory_space<vmem_shared>> -> memref<64x128xf32, #tpu.memory_space<vmem_shared>>
    tpu.enqueue_dma source(%arg7 : memref<64x128xf32, #tpu.memory_space<vmem>>) target(%dma_start3A_89 : memref<64x128xf32, #tpu.memory_space<vmem_shared>>) target_semaphore(%arg10 : memref<!tpu.dma_semaphore, #tpu.memory_space<semaphore_mem>>)
    %add3A_90 = arith.constant 448 : i32
    %add3A_91 = arith.addi %multiple_of3A, %add3A_90 : i32
    %dma_start3A_92 = arith.constant 0 : i32
    %dma_start3A_93 = tpu.memref_slice %arg8[%add3A_91, %dma_start3A_92] : memref<10240x128xf32, #tpu.memory_space<vmem_shared>> -> memref<64x128xf32, #tpu.memory_space<vmem_shared>>
    %dma_start3A_94 = arith.constant 0 : i32
    %dma_start3A_95 = tpu.memref_slice %arg8[%add3A_91, %dma_start3A_94] : memref<10240x128xf32, #tpu.memory_space<vmem_shared>> -> memref<64x128xf32, #tpu.memory_space<vmem_shared>>
    tpu.enqueue_dma source(%arg7 : memref<64x128xf32, #tpu.memory_space<vmem>>) target(%dma_start3A_95 : memref<64x128xf32, #tpu.memory_space<vmem_shared>>) target_semaphore(%arg10 : memref<!tpu.dma_semaphore, #tpu.memory_space<semaphore_mem>>)
    %add3A_96 = arith.constant 512 : i32
    %add3A_97 = arith.addi %multiple_of3A, %add3A_96 : i32
    %dma_start3A_98 = arith.constant 0 : i32
    %dma_start3A_99 = tpu.memref_slice %arg8[%add3A_97, %dma_start3A_98] : memref<10240x128xf32, #tpu.memory_space<vmem_shared>> -> memref<64x128xf32, #tpu.memory_space<vmem_shared>>
    %dma_start3A_100 = arith.constant 0 : i32
    %dma_start3A_101 = tpu.memref_slice %arg8[%add3A_97, %dma_start3A_100] : memref<10240x128xf32, #tpu.memory_space<vmem_shared>> -> memref<64x128xf32, #tpu.memory_space<vmem_shared>>
    tpu.enqueue_dma source(%arg7 : memref<64x128xf32, #tpu.memory_space<vmem>>) target(%dma_start3A_101 : memref<64x128xf32, #tpu.memory_space<vmem_shared>>) target_semaphore(%arg10 : memref<!tpu.dma_semaphore, #tpu.memory_space<semaphore_mem>>)
    %add3A_102 = arith.constant 576 : i32
    %add3A_103 = arith.addi %multiple_of3A, %add3A_102 : i32
    %dma_start3A_104 = arith.constant 0 : i32
    %dma_start3A_105 = tpu.memref_slice %arg8[%add3A_103, %dma_start3A_104] : memref<10240x128xf32, #tpu.memory_space<vmem_shared>> -> memref<64x128xf32, #tpu.memory_space<vmem_shared>>
    %dma_start3A_106 = arith.constant 0 : i32
    %dma_start3A_107 = tpu.memref_slice %arg8[%add3A_103, %dma_start3A_106] : memref<10240x128xf32, #tpu.memory_space<vmem_shared>> -> memref<64x128xf32, #tpu.memory_space<vmem_shared>>
    tpu.enqueue_dma source(%arg7 : memref<64x128xf32, #tpu.memory_space<vmem>>) target(%dma_start3A_107 : memref<64x128xf32, #tpu.memory_space<vmem_shared>>) target_semaphore(%arg10 : memref<!tpu.dma_semaphore, #tpu.memory_space<semaphore_mem>>)
    %dma_wait3A = arith.constant 0 : i32
    %dma_wait3A_108 = tpu.memref_slice %arg8[%multiple_of3A, %dma_wait3A] : memref<10240x128xf32, #tpu.memory_space<vmem_shared>> -> memref<64x128xf32, #tpu.memory_space<vmem_shared>>
    %dma_wait3A_109 = arith.constant 0 : i32
    %dma_wait3A_110 = tpu.memref_slice %arg8[%multiple_of3A, %dma_wait3A_109] : memref<10240x128xf32, #tpu.memory_space<vmem_shared>> -> memref<64x128xf32, #tpu.memory_space<vmem_shared>>
    tpu.wait_dma2 semaphore(%arg10 : memref<!tpu.dma_semaphore, #tpu.memory_space<semaphore_mem>>) src(%arg7 : memref<64x128xf32, #tpu.memory_space<vmem>>) dst(%dma_wait3A_110 : memref<64x128xf32, #tpu.memory_space<vmem_shared>>)
    %dma_wait3A_111 = arith.constant 0 : i32
    %dma_wait3A_112 = tpu.memref_slice %arg8[%multiple_of3A, %dma_wait3A_111] : memref<10240x128xf32, #tpu.memory_space<vmem_shared>> -> memref<64x128xf32, #tpu.memory_space<vmem_shared>>
    %dma_wait3A_113 = arith.constant 0 : i32
    %dma_wait3A_114 = tpu.memref_slice %arg8[%multiple_of3A, %dma_wait3A_113] : memref<10240x128xf32, #tpu.memory_space<vmem_shared>> -> memref<64x128xf32, #tpu.memory_space<vmem_shared>>
    tpu.wait_dma2 semaphore(%arg10 : memref<!tpu.dma_semaphore, #tpu.memory_space<semaphore_mem>>) src(%arg7 : memref<64x128xf32, #tpu.memory_space<vmem>>) dst(%dma_wait3A_114 : memref<64x128xf32, #tpu.memory_space<vmem_shared>>)
    %dma_wait3A_115 = arith.constant 0 : i32
    %dma_wait3A_116 = tpu.memref_slice %arg8[%multiple_of3A, %dma_wait3A_115] : memref<10240x128xf32, #tpu.memory_space<vmem_shared>> -> memref<64x128xf32, #tpu.memory_space<vmem_shared>>
    %dma_wait3A_117 = arith.constant 0 : i32
    %dma_wait3A_118 = tpu.memref_slice %arg8[%multiple_of3A, %dma_wait3A_117] : memref<10240x128xf32, #tpu.memory_space<vmem_shared>> -> memref<64x128xf32, #tpu.memory_space<vmem_shared>>
    tpu.wait_dma2 semaphore(%arg10 : memref<!tpu.dma_semaphore, #tpu.memory_space<semaphore_mem>>) src(%arg7 : memref<64x128xf32, #tpu.memory_space<vmem>>) dst(%dma_wait3A_118 : memref<64x128xf32, #tpu.memory_space<vmem_shared>>)
    %dma_wait3A_119 = arith.constant 0 : i32
    %dma_wait3A_120 = tpu.memref_slice %arg8[%multiple_of3A, %dma_wait3A_119] : memref<10240x128xf32, #tpu.memory_space<vmem_shared>> -> memref<64x128xf32, #tpu.memory_space<vmem_shared>>
    %dma_wait3A_121 = arith.constant 0 : i32
    %dma_wait3A_122 = tpu.memref_slice %arg8[%multiple_of3A, %dma_wait3A_121] : memref<10240x128xf32, #tpu.memory_space<vmem_shared>> -> memref<64x128xf32, #tpu.memory_space<vmem_shared>>
    tpu.wait_dma2 semaphore(%arg10 : memref<!tpu.dma_semaphore, #tpu.memory_space<semaphore_mem>>) src(%arg7 : memref<64x128xf32, #tpu.memory_space<vmem>>) dst(%dma_wait3A_122 : memref<64x128xf32, #tpu.memory_space<vmem_shared>>)
    %dma_wait3A_123 = arith.constant 0 : i32
    %dma_wait3A_124 = tpu.memref_slice %arg8[%multiple_of3A, %dma_wait3A_123] : memref<10240x128xf32, #tpu.memory_space<vmem_shared>> -> memref<64x128xf32, #tpu.memory_space<vmem_shared>>
    %dma_wait3A_125 = arith.constant 0 : i32
    %dma_wait3A_126 = tpu.memref_slice %arg8[%multiple_of3A, %dma_wait3A_125] : memref<10240x128xf32, #tpu.memory_space<vmem_shared>> -> memref<64x128xf32, #tpu.memory_space<vmem_shared>>
    tpu.wait_dma2 semaphore(%arg10 : memref<!tpu.dma_semaphore, #tpu.memory_space<semaphore_mem>>) src(%arg7 : memref<64x128xf32, #tpu.memory_space<vmem>>) dst(%dma_wait3A_126 : memref<64x128xf32, #tpu.memory_space<vmem_shared>>)
    %dma_wait3A_127 = arith.constant 0 : i32
    %dma_wait3A_128 = tpu.memref_slice %arg8[%multiple_of3A, %dma_wait3A_127] : memref<10240x128xf32, #tpu.memory_space<vmem_shared>> -> memref<64x128xf32, #tpu.memory_space<vmem_shared>>
    %dma_wait3A_129 = arith.constant 0 : i32
    %dma_wait3A_130 = tpu.memref_slice %arg8[%multiple_of3A, %dma_wait3A_129] : memref<10240x128xf32, #tpu.memory_space<vmem_shared>> -> memref<64x128xf32, #tpu.memory_space<vmem_shared>>
    tpu.wait_dma2 semaphore(%arg10 : memref<!tpu.dma_semaphore, #tpu.memory_space<semaphore_mem>>) src(%arg7 : memref<64x128xf32, #tpu.memory_space<vmem>>) dst(%dma_wait3A_130 : memref<64x128xf32, #tpu.memory_space<vmem_shared>>)
    %dma_wait3A_131 = arith.constant 0 : i32
    %dma_wait3A_132 = tpu.memref_slice %arg8[%multiple_of3A, %dma_wait3A_131] : memref<10240x128xf32, #tpu.memory_space<vmem_shared>> -> memref<64x128xf32, #tpu.memory_space<vmem_shared>>
    %dma_wait3A_133 = arith.constant 0 : i32
    %dma_wait3A_134 = tpu.memref_slice %arg8[%multiple_of3A, %dma_wait3A_133] : memref<10240x128xf32, #tpu.memory_space<vmem_shared>> -> memref<64x128xf32, #tpu.memory_space<vmem_shared>>
    tpu.wait_dma2 semaphore(%arg10 : memref<!tpu.dma_semaphore, #tpu.memory_space<semaphore_mem>>) src(%arg7 : memref<64x128xf32, #tpu.memory_space<vmem>>) dst(%dma_wait3A_134 : memref<64x128xf32, #tpu.memory_space<vmem_shared>>)
    %dma_wait3A_135 = arith.constant 0 : i32
    %dma_wait3A_136 = tpu.memref_slice %arg8[%multiple_of3A, %dma_wait3A_135] : memref<10240x128xf32, #tpu.memory_space<vmem_shared>> -> memref<64x128xf32, #tpu.memory_space<vmem_shared>>
    %dma_wait3A_137 = arith.constant 0 : i32
    %dma_wait3A_138 = tpu.memref_slice %arg8[%multiple_of3A, %dma_wait3A_137] : memref<10240x128xf32, #tpu.memory_space<vmem_shared>> -> memref<64x128xf32, #tpu.memory_space<vmem_shared>>
    tpu.wait_dma2 semaphore(%arg10 : memref<!tpu.dma_semaphore, #tpu.memory_space<semaphore_mem>>) src(%arg7 : memref<64x128xf32, #tpu.memory_space<vmem>>) dst(%dma_wait3A_138 : memref<64x128xf32, #tpu.memory_space<vmem_shared>>)
    %dma_wait3A_139 = arith.constant 0 : i32
    %dma_wait3A_140 = tpu.memref_slice %arg8[%multiple_of3A, %dma_wait3A_139] : memref<10240x128xf32, #tpu.memory_space<vmem_shared>> -> memref<64x128xf32, #tpu.memory_space<vmem_shared>>
    %dma_wait3A_141 = arith.constant 0 : i32
    %dma_wait3A_142 = tpu.memref_slice %arg8[%multiple_of3A, %dma_wait3A_141] : memref<10240x128xf32, #tpu.memory_space<vmem_shared>> -> memref<64x128xf32, #tpu.memory_space<vmem_shared>>
    tpu.wait_dma2 semaphore(%arg10 : memref<!tpu.dma_semaphore, #tpu.memory_space<semaphore_mem>>) src(%arg7 : memref<64x128xf32, #tpu.memory_space<vmem>>) dst(%dma_wait3A_142 : memref<64x128xf32, #tpu.memory_space<vmem_shared>>)
    %dma_wait3A_143 = arith.constant 0 : i32
    %dma_wait3A_144 = tpu.memref_slice %arg8[%multiple_of3A, %dma_wait3A_143] : memref<10240x128xf32, #tpu.memory_space<vmem_shared>> -> memref<64x128xf32, #tpu.memory_space<vmem_shared>>
    %dma_wait3A_145 = arith.constant 0 : i32
    %dma_wait3A_146 = tpu.memref_slice %arg8[%multiple_of3A, %dma_wait3A_145] : memref<10240x128xf32, #tpu.memory_space<vmem_shared>> -> memref<64x128xf32, #tpu.memory_space<vmem_shared>>
    tpu.wait_dma2 semaphore(%arg10 : memref<!tpu.dma_semaphore, #tpu.memory_space<semaphore_mem>>) src(%arg7 : memref<64x128xf32, #tpu.memory_space<vmem>>) dst(%dma_wait3A_146 : memref<64x128xf32, #tpu.memory_space<vmem_shared>>)
    %mul3A_147 = arith.constant 128 : i32
    %mul3A_148 = arith.muli %select_n3A_9, %mul3A_147 : i32
    %dma_wait3A_149 = arith.constant 0 : i32
    %dma_wait3A_150 = arith.constant 0 : i32
    %dma_wait3A_151 = arith.constant 0 : i32
    %dma_wait3A_152 = tpu.memref_slice %arg5[%dma_wait3A_149, %dma_wait3A_150, %dma_wait3A_151] : memref<2x2x128xi32, #tpu.memory_space<vmem>> -> memref<1x2x128xi32, #tpu.memory_space<vmem>>
    %dma_wait3A_153 = tpu.memref_squeeze %dma_wait3A_152 : memref<1x2x128xi32, #tpu.memory_space<vmem>> -> memref<2x128xi32, #tpu.memory_space<vmem>>
    %dma_wait3A_154 = arith.constant 0 : i32
    %dma_wait3A_155 = tpu.memref_slice %arg3[%dma_wait3A_154, %mul3A_148] : memref<2x327680xi32, #tpu.memory_space<hbm>> -> memref<2x128xi32, #tpu.memory_space<hbm>>
    %dma_wait3A_156 = arith.constant 0 : i32
    %dma_wait3A_157 = arith.constant 0 : i32
    %dma_wait3A_158 = tpu.memref_slice %arg5[%dma_wait3A_149, %dma_wait3A_156, %dma_wait3A_157] : memref<2x2x128xi32, #tpu.memory_space<vmem>> -> memref<1x2x128xi32, #tpu.memory_space<vmem>>
    %dma_wait3A_159 = tpu.memref_squeeze %dma_wait3A_158 : memref<1x2x128xi32, #tpu.memory_space<vmem>> -> memref<2x128xi32, #tpu.memory_space<vmem>>
    %dma_wait3A_160 = arith.constant 0 : i32
    %dma_wait3A_161 = tpu.memref_slice %arg3[%dma_wait3A_160, %mul3A_148] : memref<2x327680xi32, #tpu.memory_space<hbm>> -> memref<2x128xi32, #tpu.memory_space<hbm>>
    tpu.wait_dma2 semaphore(%arg11 : memref<!tpu.dma_semaphore, #tpu.memory_space<semaphore_mem>>) src(%dma_wait3A_161 : memref<2x128xi32, #tpu.memory_space<hbm>>) dst(%dma_wait3A_159 : memref<2x128xi32, #tpu.memory_space<vmem>>)
    %dma_start3A_162 = arith.constant 0 : i32
    %dma_start3A_163 = arith.constant 0 : i32
    %dma_start3A_164 = arith.constant 0 : i32
    %dma_start3A_165 = arith.constant 0 : i32
    %dma_start3A_166 = arith.constant 0 : i32
    %dma_start3A_167 = tpu.memref_slice %arg6[%dma_start3A_164, %dma_start3A_165, %dma_start3A_166] : memref<2x128x128xf32, #tpu.memory_space<vmem>> -> memref<1x128x128xf32, #tpu.memory_space<vmem>>
    %dma_start3A_168 = tpu.memref_squeeze %dma_start3A_167 : memref<1x128x128xf32, #tpu.memory_space<vmem>> -> memref<128x128xf32, #tpu.memory_space<vmem>>
    %dma_start3A_169 = arith.constant 0 : i32
    %dma_start3A_170 = tpu.memref_slice %arg5[%dma_start3A_162, %dma_start3A_163, %dma_start3A_169] : memref<2x2x128xi32, #tpu.memory_space<vmem>> -> memref<1x1x128xi32, #tpu.memory_space<vmem>>
    %dma_start3A_171 = tpu.memref_squeeze %dma_start3A_170 : memref<1x1x128xi32, #tpu.memory_space<vmem>> -> memref<128xi32, #tpu.memory_space<vmem>>
    %dma_start3A_172 = arith.constant 0 : i32
    %dma_start3A_173 = arith.constant 0 : i32
    %dma_start3A_174 = tpu.memref_slice %arg2[%dma_start3A_172, %dma_start3A_173] : memref<10000x128xf32, #tpu.memory_space<hbm>> -> memref<10000x128xf32, #tpu.memory_space<hbm>>
    tpu.enqueue_indirect_dma source(%dma_start3A_174 : memref<10000x128xf32, #tpu.memory_space<hbm>>) target(%dma_start3A_168 : memref<128x128xf32, #tpu.memory_space<vmem>>) offsets(%dma_start3A_171 : memref<128xi32, #tpu.memory_space<vmem>>) semaphore(%arg9 : memref<!tpu.dma_semaphore, #tpu.memory_space<semaphore_mem>>)
    %barrier3A = arith.constant 0 : index
    tpu.barrier barrier_id(%barrier3A)
    %jit3A = arith.constant 2 : i32
    %div3A = arith.divsi %select_n3A_2, %jit3A : i32
    %sign3A = arith.constant 0 : i32
    %sign3A_175 = arith.cmpi sgt, %select_n3A_2, %sign3A : i32
    %sign3A_176 = arith.extui %sign3A_175 : i1 to i32
    %sign3A_177 = arith.constant 0 : i32
    %sign3A_178 = arith.cmpi slt, %select_n3A_2, %sign3A_177 : i32
    %sign3A_179 = arith.extui %sign3A_178 : i1 to i32
    %sign3A_180 = arith.subi %sign3A_176, %sign3A_179 : i32
    %sign3A_181 = arith.constant 0 : i32
    %sign3A_182 = arith.cmpi sgt, %jit3A, %sign3A_181 : i32
    %sign3A_183 = arith.extui %sign3A_182 : i1 to i32
    %sign3A_184 = arith.constant 0 : i32
    %sign3A_185 = arith.cmpi slt, %jit3A, %sign3A_184 : i32
    %sign3A_186 = arith.extui %sign3A_185 : i1 to i32
    %sign3A_187 = arith.subi %sign3A_183, %sign3A_186 : i32
    %ne3A = arith.cmpi ne, %sign3A_180, %sign3A_187 : i32
    %rem3A = arith.remsi %select_n3A_2, %jit3A : i32
    %ne3A_188 = arith.constant 0 : i32
    %ne3A_189 = arith.cmpi ne, %rem3A, %ne3A_188 : i32
    %and3A = arith.andi %ne3A, %ne3A_189 : i1
    %sub3A = arith.constant 1 : i32
    %sub3A_190 = arith.subi %div3A, %sub3A : i32
    %select_n3A_191 = arith.select %and3A, %sub3A_190, %div3A : i32
    %while3A = arith.constant 0 : i32
    %while3A_192 = arith.constant 0 : i32
    %while3A_193 = arith.subi %select_n3A_191, %while3A_192 : i32
    %while3A_194 = arith.addi %while3A_192, %while3A_193 : i32
    %while3A_195 = arith.constant 1 : i32
    %while3A_196 = arith.divsi %while3A_193, %while3A_195 : i32
    %while3A_197 = arith.muli %while3A_196, %while3A_195 : i32
    %while3A_198 = arith.addi %while3A_192, %while3A_197 : i32
    %while3A_199 = arith.constant 1 : i32
    scf.for %while3A_206 = %while3A_192 to %while3A_198 step %while3A_199  : i32 {
      %mul3A_207 = arith.constant 2 : i32
      %mul3A_208 = arith.muli %mul3A_207, %while3A_206 : i32
      %add3A_209 = arith.constant 1 : i32
      %add3A_210 = arith.addi %select_n3A_9, %add3A_209 : i32
      %mul3A_211 = arith.constant 128 : i32
      %mul3A_212 = arith.muli %add3A_210, %mul3A_211 : i32
      %dma_wait3A_213 = arith.constant 1 : i32
      %dma_wait3A_214 = arith.constant 0 : i32
      %dma_wait3A_215 = arith.constant 0 : i32
      %dma_wait3A_216 = tpu.memref_slice %arg5[%dma_wait3A_213, %dma_wait3A_214, %dma_wait3A_215] : memref<2x2x128xi32, #tpu.memory_space<vmem>> -> memref<1x2x128xi32, #tpu.memory_space<vmem>>
      %dma_wait3A_217 = tpu.memref_squeeze %dma_wait3A_216 : memref<1x2x128xi32, #tpu.memory_space<vmem>> -> memref<2x128xi32, #tpu.memory_space<vmem>>
      %dma_wait3A_218 = arith.constant 0 : i32
      %dma_wait3A_219 = tpu.memref_slice %arg3[%dma_wait3A_218, %mul3A_212] : memref<2x327680xi32, #tpu.memory_space<hbm>> -> memref<2x128xi32, #tpu.memory_space<hbm>>
      %dma_wait3A_220 = arith.constant 0 : i32
      %dma_wait3A_221 = arith.constant 0 : i32
      %dma_wait3A_222 = tpu.memref_slice %arg5[%dma_wait3A_213, %dma_wait3A_220, %dma_wait3A_221] : memref<2x2x128xi32, #tpu.memory_space<vmem>> -> memref<1x2x128xi32, #tpu.memory_space<vmem>>
      %dma_wait3A_223 = tpu.memref_squeeze %dma_wait3A_222 : memref<1x2x128xi32, #tpu.memory_space<vmem>> -> memref<2x128xi32, #tpu.memory_space<vmem>>
      %dma_wait3A_224 = arith.constant 0 : i32
      %dma_wait3A_225 = tpu.memref_slice %arg3[%dma_wait3A_224, %mul3A_212] : memref<2x327680xi32, #tpu.memory_space<hbm>> -> memref<2x128xi32, #tpu.memory_space<hbm>>
      tpu.wait_dma2 semaphore(%arg12 : memref<!tpu.dma_semaphore, #tpu.memory_space<semaphore_mem>>) src(%dma_wait3A_225 : memref<2x128xi32, #tpu.memory_space<hbm>>) dst(%dma_wait3A_223 : memref<2x128xi32, #tpu.memory_space<vmem>>)
      %dma_start3A_226 = arith.constant 1 : i32
      %dma_start3A_227 = arith.constant 0 : i32
      %dma_start3A_228 = arith.constant 1 : i32
      %dma_start3A_229 = arith.constant 0 : i32
      %dma_start3A_230 = arith.constant 0 : i32
      %dma_start3A_231 = tpu.memref_slice %arg6[%dma_start3A_228, %dma_start3A_229, %dma_start3A_230] : memref<2x128x128xf32, #tpu.memory_space<vmem>> -> memref<1x128x128xf32, #tpu.memory_space<vmem>>
      %dma_start3A_232 = tpu.memref_squeeze %dma_start3A_231 : memref<1x128x128xf32, #tpu.memory_space<vmem>> -> memref<128x128xf32, #tpu.memory_space<vmem>>
      %dma_start3A_233 = arith.constant 0 : i32
      %dma_start3A_234 = tpu.memref_slice %arg5[%dma_start3A_226, %dma_start3A_227, %dma_start3A_233] : memref<2x2x128xi32, #tpu.memory_space<vmem>> -> memref<1x1x128xi32, #tpu.memory_space<vmem>>
      %dma_start3A_235 = tpu.memref_squeeze %dma_start3A_234 : memref<1x1x128xi32, #tpu.memory_space<vmem>> -> memref<128xi32, #tpu.memory_space<vmem>>
      %dma_start3A_236 = arith.constant 0 : i32
      %dma_start3A_237 = arith.constant 0 : i32
      %dma_start3A_238 = tpu.memref_slice %arg2[%dma_start3A_236, %dma_start3A_237] : memref<10000x128xf32, #tpu.memory_space<hbm>> -> memref<10000x128xf32, #tpu.memory_space<hbm>>
      tpu.enqueue_indirect_dma source(%dma_start3A_238 : memref<10000x128xf32, #tpu.memory_space<hbm>>) target(%dma_start3A_232 : memref<128x128xf32, #tpu.memory_space<vmem>>) offsets(%dma_start3A_235 : memref<128xi32, #tpu.memory_space<vmem>>) semaphore(%arg10 : memref<!tpu.dma_semaphore, #tpu.memory_space<semaphore_mem>>)
      %dma_wait3A_239 = arith.constant 0 : i32
      %dma_wait3A_240 = arith.constant 0 : i32
      %dma_wait3A_241 = arith.constant 0 : i32
      %dma_wait3A_242 = arith.constant 0 : i32
      %dma_wait3A_243 = arith.constant 0 : i32
      %dma_wait3A_244 = tpu.memref_slice %arg6[%dma_wait3A_241, %dma_wait3A_242, %dma_wait3A_243] : memref<2x128x128xf32, #tpu.memory_space<vmem>> -> memref<1x128x128xf32, #tpu.memory_space<vmem>>
      %dma_wait3A_245 = tpu.memref_squeeze %dma_wait3A_244 : memref<1x128x128xf32, #tpu.memory_space<vmem>> -> memref<128x128xf32, #tpu.memory_space<vmem>>
      %dma_wait3A_246 = arith.constant 0 : i32
      %dma_wait3A_247 = tpu.memref_slice %arg5[%dma_wait3A_239, %dma_wait3A_240, %dma_wait3A_246] : memref<2x2x128xi32, #tpu.memory_space<vmem>> -> memref<1x1x128xi32, #tpu.memory_space<vmem>>
      %dma_wait3A_248 = tpu.memref_squeeze %dma_wait3A_247 : memref<1x1x128xi32, #tpu.memory_space<vmem>> -> memref<128xi32, #tpu.memory_space<vmem>>
      %dma_wait3A_249 = arith.constant 0 : i32
      %dma_wait3A_250 = arith.constant 0 : i32
      %dma_wait3A_251 = tpu.memref_slice %arg2[%dma_wait3A_249, %dma_wait3A_250] : memref<10000x128xf32, #tpu.memory_space<hbm>> -> memref<10000x128xf32, #tpu.memory_space<hbm>>
      tpu.wait_indirect_dma semaphore(%arg9 : memref<!tpu.dma_semaphore, #tpu.memory_space<semaphore_mem>>) src(%dma_wait3A_251 : memref<10000x128xf32, #tpu.memory_space<hbm>>) dst(%dma_wait3A_245 : memref<128x128xf32, #tpu.memory_space<vmem>>)
      %run_scoped3A = arith.constant 0 : i32
      %run_scoped3A_252 = arith.constant 0 : i32
      %run_scoped3A_253 = arith.constant 1 : i32
      "tpu.region"() ({
        %run_scoped3A_285 = tpu.sem_alloc : memref<!tpu.dma_semaphore, #tpu.memory_space<semaphore_mem>>
        %dma_start3A_286 = arith.constant 0 : i32
        %dma_start3A_287 = arith.constant 0 : i32
        %dma_start3A_288 = tpu.memref_slice %arg6[%run_scoped3A, %dma_start3A_286, %dma_start3A_287] : memref<2x128x128xf32, #tpu.memory_space<vmem>> -> memref<1x128x128xf32, #tpu.memory_space<vmem>>
        %dma_start3A_289 = tpu.memref_squeeze %dma_start3A_288 : memref<1x128x128xf32, #tpu.memory_space<vmem>> -> memref<128x128xf32, #tpu.memory_space<vmem>>
        %dma_start3A_290 = arith.constant 0 : i32
        %dma_start3A_291 = tpu.memref_slice %arg5[%run_scoped3A_252, %run_scoped3A_253, %dma_start3A_290] : memref<2x2x128xi32, #tpu.memory_space<vmem>> -> memref<1x1x128xi32, #tpu.memory_space<vmem>>
        %dma_start3A_292 = tpu.memref_squeeze %dma_start3A_291 : memref<1x1x128xi32, #tpu.memory_space<vmem>> -> memref<128xi32, #tpu.memory_space<vmem>>
        %dma_start3A_293 = arith.constant 0 : i32
        %dma_start3A_294 = arith.constant 0 : i32
        %dma_start3A_295 = tpu.memref_slice %arg8[%dma_start3A_293, %dma_start3A_294] : memref<10240x128xf32, #tpu.memory_space<vmem_shared>> -> memref<10240x128xf32, #tpu.memory_space<vmem_shared>>
        tpu.enqueue_indirect_dma source(%dma_start3A_289 : memref<128x128xf32, #tpu.memory_space<vmem>>) target(%dma_start3A_295 : memref<10240x128xf32, #tpu.memory_space<vmem_shared>>) offsets(%dma_start3A_292 : memref<128xi32, #tpu.memory_space<vmem>>) semaphore(%run_scoped3A_285 : memref<!tpu.dma_semaphore, #tpu.memory_space<semaphore_mem>>) {add = true}
        %dma_wait3A_296 = arith.constant 0 : i32
        %dma_wait3A_297 = arith.constant 0 : i32
        %dma_wait3A_298 = tpu.memref_slice %arg6[%run_scoped3A, %dma_wait3A_296, %dma_wait3A_297] : memref<2x128x128xf32, #tpu.memory_space<vmem>> -> memref<1x128x128xf32, #tpu.memory_space<vmem>>
        %dma_wait3A_299 = tpu.memref_squeeze %dma_wait3A_298 : memref<1x128x128xf32, #tpu.memory_space<vmem>> -> memref<128x128xf32, #tpu.memory_space<vmem>>
        %dma_wait3A_300 = arith.constant 0 : i32
        %dma_wait3A_301 = tpu.memref_slice %arg5[%run_scoped3A_252, %run_scoped3A_253, %dma_wait3A_300] : memref<2x2x128xi32, #tpu.memory_space<vmem>> -> memref<1x1x128xi32, #tpu.memory_space<vmem>>
        %dma_wait3A_302 = tpu.memref_squeeze %dma_wait3A_301 : memref<1x1x128xi32, #tpu.memory_space<vmem>> -> memref<128xi32, #tpu.memory_space<vmem>>
        %dma_wait3A_303 = arith.constant 0 : i32
        %dma_wait3A_304 = arith.constant 0 : i32
        %dma_wait3A_305 = tpu.memref_slice %arg8[%dma_wait3A_303, %dma_wait3A_304] : memref<10240x128xf32, #tpu.memory_space<vmem_shared>> -> memref<10240x128xf32, #tpu.memory_space<vmem_shared>>
        tpu.wait_indirect_dma semaphore(%run_scoped3A_285 : memref<!tpu.dma_semaphore, #tpu.memory_space<semaphore_mem>>) src(%dma_wait3A_299 : memref<128x128xf32, #tpu.memory_space<vmem>>) dst(%dma_wait3A_305 : memref<10240x128xf32, #tpu.memory_space<vmem_shared>>)
        tpu.yield
      }) : () -> ()
      %add3A_254 = arith.constant 2 : i32
      %add3A_255 = arith.addi %mul3A_208, %add3A_254 : i32
      %lt3A = arith.cmpi slt, %add3A_255, %select_n3A_2 : i32
      %convert_element_type3A = arith.extui %lt3A : i1 to i32
      %cond3A = arith.constant 0 : i32
      %cond3A_256 = arith.cmpi ne, %convert_element_type3A, %cond3A : i32
      scf.if %cond3A_256 {
        %add3A_285 = arith.addi %select_n3A_9, %mul3A_208 : i32
        %add3A_286 = arith.constant 2 : i32
        %add3A_287 = arith.addi %add3A_285, %add3A_286 : i32
        %mul3A_288 = arith.constant 128 : i32
        %mul3A_289 = arith.muli %add3A_287, %mul3A_288 : i32
        %dma_start3A_290 = arith.constant 0 : i32
        %dma_start3A_291 = arith.constant 0 : i32
        %dma_start3A_292 = arith.constant 0 : i32
        %dma_start3A_293 = tpu.memref_slice %arg5[%dma_start3A_290, %dma_start3A_291, %dma_start3A_292] : memref<2x2x128xi32, #tpu.memory_space<vmem>> -> memref<1x2x128xi32, #tpu.memory_space<vmem>>
        %dma_start3A_294 = tpu.memref_squeeze %dma_start3A_293 : memref<1x2x128xi32, #tpu.memory_space<vmem>> -> memref<2x128xi32, #tpu.memory_space<vmem>>
        %dma_start3A_295 = arith.constant 0 : i32
        %dma_start3A_296 = tpu.memref_slice %arg3[%dma_start3A_295, %mul3A_289] : memref<2x327680xi32, #tpu.memory_space<hbm>> -> memref<2x128xi32, #tpu.memory_space<hbm>>
        %dma_start3A_297 = arith.constant 0 : i32
        %dma_start3A_298 = arith.constant 0 : i32
        %dma_start3A_299 = tpu.memref_slice %arg5[%dma_start3A_290, %dma_start3A_297, %dma_start3A_298] : memref<2x2x128xi32, #tpu.memory_space<vmem>> -> memref<1x2x128xi32, #tpu.memory_space<vmem>>
        %dma_start3A_300 = tpu.memref_squeeze %dma_start3A_299 : memref<1x2x128xi32, #tpu.memory_space<vmem>> -> memref<2x128xi32, #tpu.memory_space<vmem>>
        %dma_start3A_301 = arith.constant 0 : i32
        %dma_start3A_302 = tpu.memref_slice %arg3[%dma_start3A_301, %mul3A_289] : memref<2x327680xi32, #tpu.memory_space<hbm>> -> memref<2x128xi32, #tpu.memory_space<hbm>>
        tpu.enqueue_dma source(%dma_start3A_302 : memref<2x128xi32, #tpu.memory_space<hbm>>) target(%dma_start3A_300 : memref<2x128xi32, #tpu.memory_space<vmem>>) target_semaphore(%arg11 : memref<!tpu.dma_semaphore, #tpu.memory_space<semaphore_mem>>)
      } else {
      }
      %dma_wait3A_257 = arith.constant 1 : i32
      %dma_wait3A_258 = arith.constant 0 : i32
      %dma_wait3A_259 = arith.constant 1 : i32
      %dma_wait3A_260 = arith.constant 0 : i32
      %dma_wait3A_261 = arith.constant 0 : i32
      %dma_wait3A_262 = tpu.memref_slice %arg6[%dma_wait3A_259, %dma_wait3A_260, %dma_wait3A_261] : memref<2x128x128xf32, #tpu.memory_space<vmem>> -> memref<1x128x128xf32, #tpu.memory_space<vmem>>
      %dma_wait3A_263 = tpu.memref_squeeze %dma_wait3A_262 : memref<1x128x128xf32, #tpu.memory_space<vmem>> -> memref<128x128xf32, #tpu.memory_space<vmem>>
      %dma_wait3A_264 = arith.constant 0 : i32
      %dma_wait3A_265 = tpu.memref_slice %arg5[%dma_wait3A_257, %dma_wait3A_258, %dma_wait3A_264] : memref<2x2x128xi32, #tpu.memory_space<vmem>> -> memref<1x1x128xi32, #tpu.memory_space<vmem>>
      %dma_wait3A_266 = tpu.memref_squeeze %dma_wait3A_265 : memref<1x1x128xi32, #tpu.memory_space<vmem>> -> memref<128xi32, #tpu.memory_space<vmem>>
      %dma_wait3A_267 = arith.constant 0 : i32
      %dma_wait3A_268 = arith.constant 0 : i32
      %dma_wait3A_269 = tpu.memref_slice %arg2[%dma_wait3A_267, %dma_wait3A_268] : memref<10000x128xf32, #tpu.memory_space<hbm>> -> memref<10000x128xf32, #tpu.memory_space<hbm>>
      tpu.wait_indirect_dma semaphore(%arg10 : memref<!tpu.dma_semaphore, #tpu.memory_space<semaphore_mem>>) src(%dma_wait3A_269 : memref<10000x128xf32, #tpu.memory_space<hbm>>) dst(%dma_wait3A_263 : memref<128x128xf32, #tpu.memory_space<vmem>>)
      %run_scoped3A_270 = arith.constant 1 : i32
      %run_scoped3A_271 = arith.constant 1 : i32
      %run_scoped3A_272 = arith.constant 1 : i32
      "tpu.region"() ({
        %run_scoped3A_285 = tpu.sem_alloc : memref<!tpu.dma_semaphore, #tpu.memory_space<semaphore_mem>>
        %dma_start3A_286 = arith.constant 0 : i32
        %dma_start3A_287 = arith.constant 0 : i32
        %dma_start3A_288 = tpu.memref_slice %arg6[%run_scoped3A_270, %dma_start3A_286, %dma_start3A_287] : memref<2x128x128xf32, #tpu.memory_space<vmem>> -> memref<1x128x128xf32, #tpu.memory_space<vmem>>
        %dma_start3A_289 = tpu.memref_squeeze %dma_start3A_288 : memref<1x128x128xf32, #tpu.memory_space<vmem>> -> memref<128x128xf32, #tpu.memory_space<vmem>>
        %dma_start3A_290 = arith.constant 0 : i32
        %dma_start3A_291 = tpu.memref_slice %arg5[%run_scoped3A_271, %run_scoped3A_272, %dma_start3A_290] : memref<2x2x128xi32, #tpu.memory_space<vmem>> -> memref<1x1x128xi32, #tpu.memory_space<vmem>>
        %dma_start3A_292 = tpu.memref_squeeze %dma_start3A_291 : memref<1x1x128xi32, #tpu.memory_space<vmem>> -> memref<128xi32, #tpu.memory_space<vmem>>
        %dma_start3A_293 = arith.constant 0 : i32
        %dma_start3A_294 = arith.constant 0 : i32
        %dma_start3A_295 = tpu.memref_slice %arg8[%dma_start3A_293, %dma_start3A_294] : memref<10240x128xf32, #tpu.memory_space<vmem_shared>> -> memref<10240x128xf32, #tpu.memory_space<vmem_shared>>
        tpu.enqueue_indirect_dma source(%dma_start3A_289 : memref<128x128xf32, #tpu.memory_space<vmem>>) target(%dma_start3A_295 : memref<10240x128xf32, #tpu.memory_space<vmem_shared>>) offsets(%dma_start3A_292 : memref<128xi32, #tpu.memory_space<vmem>>) semaphore(%run_scoped3A_285 : memref<!tpu.dma_semaphore, #tpu.memory_space<semaphore_mem>>) {add = true}
        %dma_wait3A_296 = arith.constant 0 : i32
        %dma_wait3A_297 = arith.constant 0 : i32
        %dma_wait3A_298 = tpu.memref_slice %arg6[%run_scoped3A_270, %dma_wait3A_296, %dma_wait3A_297] : memref<2x128x128xf32, #tpu.memory_space<vmem>> -> memref<1x128x128xf32, #tpu.memory_space<vmem>>
        %dma_wait3A_299 = tpu.memref_squeeze %dma_wait3A_298 : memref<1x128x128xf32, #tpu.memory_space<vmem>> -> memref<128x128xf32, #tpu.memory_space<vmem>>
        %dma_wait3A_300 = arith.constant 0 : i32
        %dma_wait3A_301 = tpu.memref_slice %arg5[%run_scoped3A_271, %run_scoped3A_272, %dma_wait3A_300] : memref<2x2x128xi32, #tpu.memory_space<vmem>> -> memref<1x1x128xi32, #tpu.memory_space<vmem>>
        %dma_wait3A_302 = tpu.memref_squeeze %dma_wait3A_301 : memref<1x1x128xi32, #tpu.memory_space<vmem>> -> memref<128xi32, #tpu.memory_space<vmem>>
        %dma_wait3A_303 = arith.constant 0 : i32
        %dma_wait3A_304 = arith.constant 0 : i32
        %dma_wait3A_305 = tpu.memref_slice %arg8[%dma_wait3A_303, %dma_wait3A_304] : memref<10240x128xf32, #tpu.memory_space<vmem_shared>> -> memref<10240x128xf32, #tpu.memory_space<vmem_shared>>
        tpu.wait_indirect_dma semaphore(%run_scoped3A_285 : memref<!tpu.dma_semaphore, #tpu.memory_space<semaphore_mem>>) src(%dma_wait3A_299 : memref<128x128xf32, #tpu.memory_space<vmem>>) dst(%dma_wait3A_305 : memref<10240x128xf32, #tpu.memory_space<vmem_shared>>)
        tpu.yield
      }) : () -> ()
      %add3A_273 = arith.constant 3 : i32
      %add3A_274 = arith.addi %mul3A_208, %add3A_273 : i32
      %lt3A_275 = arith.cmpi slt, %add3A_274, %select_n3A_2 : i32
      %convert_element_type3A_276 = arith.extui %lt3A_275 : i1 to i32
      %cond3A_277 = arith.constant 0 : i32
      %cond3A_278 = arith.cmpi ne, %convert_element_type3A_276, %cond3A_277 : i32
      scf.if %cond3A_278 {
        %add3A_285 = arith.addi %select_n3A_9, %mul3A_208 : i32
        %add3A_286 = arith.constant 3 : i32
        %add3A_287 = arith.addi %add3A_285, %add3A_286 : i32
        %mul3A_288 = arith.constant 128 : i32
        %mul3A_289 = arith.muli %add3A_287, %mul3A_288 : i32
        %dma_start3A_290 = arith.constant 1 : i32
        %dma_start3A_291 = arith.constant 0 : i32
        %dma_start3A_292 = arith.constant 0 : i32
        %dma_start3A_293 = tpu.memref_slice %arg5[%dma_start3A_290, %dma_start3A_291, %dma_start3A_292] : memref<2x2x128xi32, #tpu.memory_space<vmem>> -> memref<1x2x128xi32, #tpu.memory_space<vmem>>
        %dma_start3A_294 = tpu.memref_squeeze %dma_start3A_293 : memref<1x2x128xi32, #tpu.memory_space<vmem>> -> memref<2x128xi32, #tpu.memory_space<vmem>>
        %dma_start3A_295 = arith.constant 0 : i32
        %dma_start3A_296 = tpu.memref_slice %arg3[%dma_start3A_295, %mul3A_289] : memref<2x327680xi32, #tpu.memory_space<hbm>> -> memref<2x128xi32, #tpu.memory_space<hbm>>
        %dma_start3A_297 = arith.constant 0 : i32
        %dma_start3A_298 = arith.constant 0 : i32
        %dma_start3A_299 = tpu.memref_slice %arg5[%dma_start3A_290, %dma_start3A_297, %dma_start3A_298] : memref<2x2x128xi32, #tpu.memory_space<vmem>> -> memref<1x2x128xi32, #tpu.memory_space<vmem>>
        %dma_start3A_300 = tpu.memref_squeeze %dma_start3A_299 : memref<1x2x128xi32, #tpu.memory_space<vmem>> -> memref<2x128xi32, #tpu.memory_space<vmem>>
        %dma_start3A_301 = arith.constant 0 : i32
        %dma_start3A_302 = tpu.memref_slice %arg3[%dma_start3A_301, %mul3A_289] : memref<2x327680xi32, #tpu.memory_space<hbm>> -> memref<2x128xi32, #tpu.memory_space<hbm>>
        tpu.enqueue_dma source(%dma_start3A_302 : memref<2x128xi32, #tpu.memory_space<hbm>>) target(%dma_start3A_300 : memref<2x128xi32, #tpu.memory_space<vmem>>) target_semaphore(%arg12 : memref<!tpu.dma_semaphore, #tpu.memory_space<semaphore_mem>>)
      } else {
      }
      %add3A_279 = arith.constant 2 : i32
      %add3A_280 = arith.addi %mul3A_208, %add3A_279 : i32
      %lt3A_281 = arith.cmpi slt, %add3A_280, %select_n3A_2 : i32
      %convert_element_type3A_282 = arith.extui %lt3A_281 : i1 to i32
      %cond3A_283 = arith.constant 0 : i32
      %cond3A_284 = arith.cmpi ne, %convert_element_type3A_282, %cond3A_283 : i32
      scf.if %cond3A_284 {
        %add3A_285 = arith.addi %select_n3A_9, %mul3A_208 : i32
        %add3A_286 = arith.constant 2 : i32
        %add3A_287 = arith.addi %add3A_285, %add3A_286 : i32
        %mul3A_288 = arith.constant 128 : i32
        %mul3A_289 = arith.muli %add3A_287, %mul3A_288 : i32
        %dma_wait3A_290 = arith.constant 0 : i32
        %dma_wait3A_291 = arith.constant 0 : i32
        %dma_wait3A_292 = arith.constant 0 : i32
        %dma_wait3A_293 = tpu.memref_slice %arg5[%dma_wait3A_290, %dma_wait3A_291, %dma_wait3A_292] : memref<2x2x128xi32, #tpu.memory_space<vmem>> -> memref<1x2x128xi32, #tpu.memory_space<vmem>>
        %dma_wait3A_294 = tpu.memref_squeeze %dma_wait3A_293 : memref<1x2x128xi32, #tpu.memory_space<vmem>> -> memref<2x128xi32, #tpu.memory_space<vmem>>
        %dma_wait3A_295 = arith.constant 0 : i32
        %dma_wait3A_296 = tpu.memref_slice %arg3[%dma_wait3A_295, %mul3A_289] : memref<2x327680xi32, #tpu.memory_space<hbm>> -> memref<2x128xi32, #tpu.memory_space<hbm>>
        %dma_wait3A_297 = arith.constant 0 : i32
        %dma_wait3A_298 = arith.constant 0 : i32
        %dma_wait3A_299 = tpu.memref_slice %arg5[%dma_wait3A_290, %dma_wait3A_297, %dma_wait3A_298] : memref<2x2x128xi32, #tpu.memory_space<vmem>> -> memref<1x2x128xi32, #tpu.memory_space<vmem>>
        %dma_wait3A_300 = tpu.memref_squeeze %dma_wait3A_299 : memref<1x2x128xi32, #tpu.memory_space<vmem>> -> memref<2x128xi32, #tpu.memory_space<vmem>>
        %dma_wait3A_301 = arith.constant 0 : i32
        %dma_wait3A_302 = tpu.memref_slice %arg3[%dma_wait3A_301, %mul3A_289] : memref<2x327680xi32, #tpu.memory_space<hbm>> -> memref<2x128xi32, #tpu.memory_space<hbm>>
        tpu.wait_dma2 semaphore(%arg11 : memref<!tpu.dma_semaphore, #tpu.memory_space<semaphore_mem>>) src(%dma_wait3A_302 : memref<2x128xi32, #tpu.memory_space<hbm>>) dst(%dma_wait3A_300 : memref<2x128xi32, #tpu.memory_space<vmem>>)
        %dma_start3A_303 = arith.constant 0 : i32
        %dma_start3A_304 = arith.constant 0 : i32
        %dma_start3A_305 = arith.constant 0 : i32
        %dma_start3A_306 = arith.constant 0 : i32
        %dma_start3A_307 = arith.constant 0 : i32
        %dma_start3A_308 = tpu.memref_slice %arg6[%dma_start3A_305, %dma_start3A_306, %dma_start3A_307] : memref<2x128x128xf32, #tpu.memory_space<vmem>> -> memref<1x128x128xf32, #tpu.memory_space<vmem>>
        %dma_start3A_309 = tpu.memref_squeeze %dma_start3A_308 : memref<1x128x128xf32, #tpu.memory_space<vmem>> -> memref<128x128xf32, #tpu.memory_space<vmem>>
        %dma_start3A_310 = arith.constant 0 : i32
        %dma_start3A_311 = tpu.memref_slice %arg5[%dma_start3A_303, %dma_start3A_304, %dma_start3A_310] : memref<2x2x128xi32, #tpu.memory_space<vmem>> -> memref<1x1x128xi32, #tpu.memory_space<vmem>>
        %dma_start3A_312 = tpu.memref_squeeze %dma_start3A_311 : memref<1x1x128xi32, #tpu.memory_space<vmem>> -> memref<128xi32, #tpu.memory_space<vmem>>
        %dma_start3A_313 = arith.constant 0 : i32
        %dma_start3A_314 = arith.constant 0 : i32
        %dma_start3A_315 = tpu.memref_slice %arg2[%dma_start3A_313, %dma_start3A_314] : memref<10000x128xf32, #tpu.memory_space<hbm>> -> memref<10000x128xf32, #tpu.memory_space<hbm>>
        tpu.enqueue_indirect_dma source(%dma_start3A_315 : memref<10000x128xf32, #tpu.memory_space<hbm>>) target(%dma_start3A_309 : memref<128x128xf32, #tpu.memory_space<vmem>>) offsets(%dma_start3A_312 : memref<128xi32, #tpu.memory_space<vmem>>) semaphore(%arg9 : memref<!tpu.dma_semaphore, #tpu.memory_space<semaphore_mem>>)
      } else {
      }
    }
    %while3A_200 = arith.constant 1 : i32
    scf.for %while3A_206 = %while3A_198 to %while3A_194 step %while3A_200  : i32 {
      %mul3A_207 = arith.constant 2 : i32
      %mul3A_208 = arith.muli %mul3A_207, %while3A_206 : i32
      %add3A_209 = arith.constant 1 : i32
      %add3A_210 = arith.addi %select_n3A_9, %add3A_209 : i32
      %mul3A_211 = arith.constant 128 : i32
      %mul3A_212 = arith.muli %add3A_210, %mul3A_211 : i32
      %dma_wait3A_213 = arith.constant 1 : i32
      %dma_wait3A_214 = arith.constant 0 : i32
      %dma_wait3A_215 = arith.constant 0 : i32
      %dma_wait3A_216 = tpu.memref_slice %arg5[%dma_wait3A_213, %dma_wait3A_214, %dma_wait3A_215] : memref<2x2x128xi32, #tpu.memory_space<vmem>> -> memref<1x2x128xi32, #tpu.memory_space<vmem>>
      %dma_wait3A_217 = tpu.memref_squeeze %dma_wait3A_216 : memref<1x2x128xi32, #tpu.memory_space<vmem>> -> memref<2x128xi32, #tpu.memory_space<vmem>>
      %dma_wait3A_218 = arith.constant 0 : i32
      %dma_wait3A_219 = tpu.memref_slice %arg3[%dma_wait3A_218, %mul3A_212] : memref<2x327680xi32, #tpu.memory_space<hbm>> -> memref<2x128xi32, #tpu.memory_space<hbm>>
      %dma_wait3A_220 = arith.constant 0 : i32
      %dma_wait3A_221 = arith.constant 0 : i32
      %dma_wait3A_222 = tpu.memref_slice %arg5[%dma_wait3A_213, %dma_wait3A_220, %dma_wait3A_221] : memref<2x2x128xi32, #tpu.memory_space<vmem>> -> memref<1x2x128xi32, #tpu.memory_space<vmem>>
      %dma_wait3A_223 = tpu.memref_squeeze %dma_wait3A_222 : memref<1x2x128xi32, #tpu.memory_space<vmem>> -> memref<2x128xi32, #tpu.memory_space<vmem>>
      %dma_wait3A_224 = arith.constant 0 : i32
      %dma_wait3A_225 = tpu.memref_slice %arg3[%dma_wait3A_224, %mul3A_212] : memref<2x327680xi32, #tpu.memory_space<hbm>> -> memref<2x128xi32, #tpu.memory_space<hbm>>
      tpu.wait_dma2 semaphore(%arg12 : memref<!tpu.dma_semaphore, #tpu.memory_space<semaphore_mem>>) src(%dma_wait3A_225 : memref<2x128xi32, #tpu.memory_space<hbm>>) dst(%dma_wait3A_223 : memref<2x128xi32, #tpu.memory_space<vmem>>)
      %dma_start3A_226 = arith.constant 1 : i32
      %dma_start3A_227 = arith.constant 0 : i32
      %dma_start3A_228 = arith.constant 1 : i32
      %dma_start3A_229 = arith.constant 0 : i32
      %dma_start3A_230 = arith.constant 0 : i32
      %dma_start3A_231 = tpu.memref_slice %arg6[%dma_start3A_228, %dma_start3A_229, %dma_start3A_230] : memref<2x128x128xf32, #tpu.memory_space<vmem>> -> memref<1x128x128xf32, #tpu.memory_space<vmem>>
      %dma_start3A_232 = tpu.memref_squeeze %dma_start3A_231 : memref<1x128x128xf32, #tpu.memory_space<vmem>> -> memref<128x128xf32, #tpu.memory_space<vmem>>
      %dma_start3A_233 = arith.constant 0 : i32
      %dma_start3A_234 = tpu.memref_slice %arg5[%dma_start3A_226, %dma_start3A_227, %dma_start3A_233] : memref<2x2x128xi32, #tpu.memory_space<vmem>> -> memref<1x1x128xi32, #tpu.memory_space<vmem>>
      %dma_start3A_235 = tpu.memref_squeeze %dma_start3A_234 : memref<1x1x128xi32, #tpu.memory_space<vmem>> -> memref<128xi32, #tpu.memory_space<vmem>>
      %dma_start3A_236 = arith.constant 0 : i32
      %dma_start3A_237 = arith.constant 0 : i32
      %dma_start3A_238 = tpu.memref_slice %arg2[%dma_start3A_236, %dma_start3A_237] : memref<10000x128xf32, #tpu.memory_space<hbm>> -> memref<10000x128xf32, #tpu.memory_space<hbm>>
      tpu.enqueue_indirect_dma source(%dma_start3A_238 : memref<10000x128xf32, #tpu.memory_space<hbm>>) target(%dma_start3A_232 : memref<128x128xf32, #tpu.memory_space<vmem>>) offsets(%dma_start3A_235 : memref<128xi32, #tpu.memory_space<vmem>>) semaphore(%arg10 : memref<!tpu.dma_semaphore, #tpu.memory_space<semaphore_mem>>)
      %dma_wait3A_239 = arith.constant 0 : i32
      %dma_wait3A_240 = arith.constant 0 : i32
      %dma_wait3A_241 = arith.constant 0 : i32
      %dma_wait3A_242 = arith.constant 0 : i32
      %dma_wait3A_243 = arith.constant 0 : i32
      %dma_wait3A_244 = tpu.memref_slice %arg6[%dma_wait3A_241, %dma_wait3A_242, %dma_wait3A_243] : memref<2x128x128xf32, #tpu.memory_space<vmem>> -> memref<1x128x128xf32, #tpu.memory_space<vmem>>
      %dma_wait3A_245 = tpu.memref_squeeze %dma_wait3A_244 : memref<1x128x128xf32, #tpu.memory_space<vmem>> -> memref<128x128xf32, #tpu.memory_space<vmem>>
      %dma_wait3A_246 = arith.constant 0 : i32
      %dma_wait3A_247 = tpu.memref_slice %arg5[%dma_wait3A_239, %dma_wait3A_240, %dma_wait3A_246] : memref<2x2x128xi32, #tpu.memory_space<vmem>> -> memref<1x1x128xi32, #tpu.memory_space<vmem>>
      %dma_wait3A_248 = tpu.memref_squeeze %dma_wait3A_247 : memref<1x1x128xi32, #tpu.memory_space<vmem>> -> memref<128xi32, #tpu.memory_space<vmem>>
      %dma_wait3A_249 = arith.constant 0 : i32
      %dma_wait3A_250 = arith.constant 0 : i32
      %dma_wait3A_251 = tpu.memref_slice %arg2[%dma_wait3A_249, %dma_wait3A_250] : memref<10000x128xf32, #tpu.memory_space<hbm>> -> memref<10000x128xf32, #tpu.memory_space<hbm>>
      tpu.wait_indirect_dma semaphore(%arg9 : memref<!tpu.dma_semaphore, #tpu.memory_space<semaphore_mem>>) src(%dma_wait3A_251 : memref<10000x128xf32, #tpu.memory_space<hbm>>) dst(%dma_wait3A_245 : memref<128x128xf32, #tpu.memory_space<vmem>>)
      %run_scoped3A = arith.constant 0 : i32
      %run_scoped3A_252 = arith.constant 0 : i32
      %run_scoped3A_253 = arith.constant 1 : i32
      "tpu.region"() ({
        %run_scoped3A_285 = tpu.sem_alloc : memref<!tpu.dma_semaphore, #tpu.memory_space<semaphore_mem>>
        %dma_start3A_286 = arith.constant 0 : i32
        %dma_start3A_287 = arith.constant 0 : i32
        %dma_start3A_288 = tpu.memref_slice %arg6[%run_scoped3A, %dma_start3A_286, %dma_start3A_287] : memref<2x128x128xf32, #tpu.memory_space<vmem>> -> memref<1x128x128xf32, #tpu.memory_space<vmem>>
        %dma_start3A_289 = tpu.memref_squeeze %dma_start3A_288 : memref<1x128x128xf32, #tpu.memory_space<vmem>> -> memref<128x128xf32, #tpu.memory_space<vmem>>
        %dma_start3A_290 = arith.constant 0 : i32
        %dma_start3A_291 = tpu.memref_slice %arg5[%run_scoped3A_252, %run_scoped3A_253, %dma_start3A_290] : memref<2x2x128xi32, #tpu.memory_space<vmem>> -> memref<1x1x128xi32, #tpu.memory_space<vmem>>
        %dma_start3A_292 = tpu.memref_squeeze %dma_start3A_291 : memref<1x1x128xi32, #tpu.memory_space<vmem>> -> memref<128xi32, #tpu.memory_space<vmem>>
        %dma_start3A_293 = arith.constant 0 : i32
        %dma_start3A_294 = arith.constant 0 : i32
        %dma_start3A_295 = tpu.memref_slice %arg8[%dma_start3A_293, %dma_start3A_294] : memref<10240x128xf32, #tpu.memory_space<vmem_shared>> -> memref<10240x128xf32, #tpu.memory_space<vmem_shared>>
        tpu.enqueue_indirect_dma source(%dma_start3A_289 : memref<128x128xf32, #tpu.memory_space<vmem>>) target(%dma_start3A_295 : memref<10240x128xf32, #tpu.memory_space<vmem_shared>>) offsets(%dma_start3A_292 : memref<128xi32, #tpu.memory_space<vmem>>) semaphore(%run_scoped3A_285 : memref<!tpu.dma_semaphore, #tpu.memory_space<semaphore_mem>>) {add = true}
        %dma_wait3A_296 = arith.constant 0 : i32
        %dma_wait3A_297 = arith.constant 0 : i32
        %dma_wait3A_298 = tpu.memref_slice %arg6[%run_scoped3A, %dma_wait3A_296, %dma_wait3A_297] : memref<2x128x128xf32, #tpu.memory_space<vmem>> -> memref<1x128x128xf32, #tpu.memory_space<vmem>>
        %dma_wait3A_299 = tpu.memref_squeeze %dma_wait3A_298 : memref<1x128x128xf32, #tpu.memory_space<vmem>> -> memref<128x128xf32, #tpu.memory_space<vmem>>
        %dma_wait3A_300 = arith.constant 0 : i32
        %dma_wait3A_301 = tpu.memref_slice %arg5[%run_scoped3A_252, %run_scoped3A_253, %dma_wait3A_300] : memref<2x2x128xi32, #tpu.memory_space<vmem>> -> memref<1x1x128xi32, #tpu.memory_space<vmem>>
        %dma_wait3A_302 = tpu.memref_squeeze %dma_wait3A_301 : memref<1x1x128xi32, #tpu.memory_space<vmem>> -> memref<128xi32, #tpu.memory_space<vmem>>
        %dma_wait3A_303 = arith.constant 0 : i32
        %dma_wait3A_304 = arith.constant 0 : i32
        %dma_wait3A_305 = tpu.memref_slice %arg8[%dma_wait3A_303, %dma_wait3A_304] : memref<10240x128xf32, #tpu.memory_space<vmem_shared>> -> memref<10240x128xf32, #tpu.memory_space<vmem_shared>>
        tpu.wait_indirect_dma semaphore(%run_scoped3A_285 : memref<!tpu.dma_semaphore, #tpu.memory_space<semaphore_mem>>) src(%dma_wait3A_299 : memref<128x128xf32, #tpu.memory_space<vmem>>) dst(%dma_wait3A_305 : memref<10240x128xf32, #tpu.memory_space<vmem_shared>>)
        tpu.yield
      }) : () -> ()
      %add3A_254 = arith.constant 2 : i32
      %add3A_255 = arith.addi %mul3A_208, %add3A_254 : i32
      %lt3A = arith.cmpi slt, %add3A_255, %select_n3A_2 : i32
      %convert_element_type3A = arith.extui %lt3A : i1 to i32
      %cond3A = arith.constant 0 : i32
      %cond3A_256 = arith.cmpi ne, %convert_element_type3A, %cond3A : i32
      scf.if %cond3A_256 {
        %add3A_285 = arith.addi %select_n3A_9, %mul3A_208 : i32
        %add3A_286 = arith.constant 2 : i32
        %add3A_287 = arith.addi %add3A_285, %add3A_286 : i32
        %mul3A_288 = arith.constant 128 : i32
        %mul3A_289 = arith.muli %add3A_287, %mul3A_288 : i32
        %dma_start3A_290 = arith.constant 0 : i32
        %dma_start3A_291 = arith.constant 0 : i32
        %dma_start3A_292 = arith.constant 0 : i32
        %dma_start3A_293 = tpu.memref_slice %arg5[%dma_start3A_290, %dma_start3A_291, %dma_start3A_292] : memref<2x2x128xi32, #tpu.memory_space<vmem>> -> memref<1x2x128xi32, #tpu.memory_space<vmem>>
        %dma_start3A_294 = tpu.memref_squeeze %dma_start3A_293 : memref<1x2x128xi32, #tpu.memory_space<vmem>> -> memref<2x128xi32, #tpu.memory_space<vmem>>
        %dma_start3A_295 = arith.constant 0 : i32
        %dma_start3A_296 = tpu.memref_slice %arg3[%dma_start3A_295, %mul3A_289] : memref<2x327680xi32, #tpu.memory_space<hbm>> -> memref<2x128xi32, #tpu.memory_space<hbm>>
        %dma_start3A_297 = arith.constant 0 : i32
        %dma_start3A_298 = arith.constant 0 : i32
        %dma_start3A_299 = tpu.memref_slice %arg5[%dma_start3A_290, %dma_start3A_297, %dma_start3A_298] : memref<2x2x128xi32, #tpu.memory_space<vmem>> -> memref<1x2x128xi32, #tpu.memory_space<vmem>>
        %dma_start3A_300 = tpu.memref_squeeze %dma_start3A_299 : memref<1x2x128xi32, #tpu.memory_space<vmem>> -> memref<2x128xi32, #tpu.memory_space<vmem>>
        %dma_start3A_301 = arith.constant 0 : i32
        %dma_start3A_302 = tpu.memref_slice %arg3[%dma_start3A_301, %mul3A_289] : memref<2x327680xi32, #tpu.memory_space<hbm>> -> memref<2x128xi32, #tpu.memory_space<hbm>>
        tpu.enqueue_dma source(%dma_start3A_302 : memref<2x128xi32, #tpu.memory_space<hbm>>) target(%dma_start3A_300 : memref<2x128xi32, #tpu.memory_space<vmem>>) target_semaphore(%arg11 : memref<!tpu.dma_semaphore, #tpu.memory_space<semaphore_mem>>)
      } else {
      }
      %dma_wait3A_257 = arith.constant 1 : i32
      %dma_wait3A_258 = arith.constant 0 : i32
      %dma_wait3A_259 = arith.constant 1 : i32
      %dma_wait3A_260 = arith.constant 0 : i32
      %dma_wait3A_261 = arith.constant 0 : i32
      %dma_wait3A_262 = tpu.memref_slice %arg6[%dma_wait3A_259, %dma_wait3A_260, %dma_wait3A_261] : memref<2x128x128xf32, #tpu.memory_space<vmem>> -> memref<1x128x128xf32, #tpu.memory_space<vmem>>
      %dma_wait3A_263 = tpu.memref_squeeze %dma_wait3A_262 : memref<1x128x128xf32, #tpu.memory_space<vmem>> -> memref<128x128xf32, #tpu.memory_space<vmem>>
      %dma_wait3A_264 = arith.constant 0 : i32
      %dma_wait3A_265 = tpu.memref_slice %arg5[%dma_wait3A_257, %dma_wait3A_258, %dma_wait3A_264] : memref<2x2x128xi32, #tpu.memory_space<vmem>> -> memref<1x1x128xi32, #tpu.memory_space<vmem>>
      %dma_wait3A_266 = tpu.memref_squeeze %dma_wait3A_265 : memref<1x1x128xi32, #tpu.memory_space<vmem>> -> memref<128xi32, #tpu.memory_space<vmem>>
      %dma_wait3A_267 = arith.constant 0 : i32
      %dma_wait3A_268 = arith.constant 0 : i32
      %dma_wait3A_269 = tpu.memref_slice %arg2[%dma_wait3A_267, %dma_wait3A_268] : memref<10000x128xf32, #tpu.memory_space<hbm>> -> memref<10000x128xf32, #tpu.memory_space<hbm>>
      tpu.wait_indirect_dma semaphore(%arg10 : memref<!tpu.dma_semaphore, #tpu.memory_space<semaphore_mem>>) src(%dma_wait3A_269 : memref<10000x128xf32, #tpu.memory_space<hbm>>) dst(%dma_wait3A_263 : memref<128x128xf32, #tpu.memory_space<vmem>>)
      %run_scoped3A_270 = arith.constant 1 : i32
      %run_scoped3A_271 = arith.constant 1 : i32
      %run_scoped3A_272 = arith.constant 1 : i32
      "tpu.region"() ({
        %run_scoped3A_285 = tpu.sem_alloc : memref<!tpu.dma_semaphore, #tpu.memory_space<semaphore_mem>>
        %dma_start3A_286 = arith.constant 0 : i32
        %dma_start3A_287 = arith.constant 0 : i32
        %dma_start3A_288 = tpu.memref_slice %arg6[%run_scoped3A_270, %dma_start3A_286, %dma_start3A_287] : memref<2x128x128xf32, #tpu.memory_space<vmem>> -> memref<1x128x128xf32, #tpu.memory_space<vmem>>
        %dma_start3A_289 = tpu.memref_squeeze %dma_start3A_288 : memref<1x128x128xf32, #tpu.memory_space<vmem>> -> memref<128x128xf32, #tpu.memory_space<vmem>>
        %dma_start3A_290 = arith.constant 0 : i32
        %dma_start3A_291 = tpu.memref_slice %arg5[%run_scoped3A_271, %run_scoped3A_272, %dma_start3A_290] : memref<2x2x128xi32, #tpu.memory_space<vmem>> -> memref<1x1x128xi32, #tpu.memory_space<vmem>>
        %dma_start3A_292 = tpu.memref_squeeze %dma_start3A_291 : memref<1x1x128xi32, #tpu.memory_space<vmem>> -> memref<128xi32, #tpu.memory_space<vmem>>
        %dma_start3A_293 = arith.constant 0 : i32
        %dma_start3A_294 = arith.constant 0 : i32
        %dma_start3A_295 = tpu.memref_slice %arg8[%dma_start3A_293, %dma_start3A_294] : memref<10240x128xf32, #tpu.memory_space<vmem_shared>> -> memref<10240x128xf32, #tpu.memory_space<vmem_shared>>
        tpu.enqueue_indirect_dma source(%dma_start3A_289 : memref<128x128xf32, #tpu.memory_space<vmem>>) target(%dma_start3A_295 : memref<10240x128xf32, #tpu.memory_space<vmem_shared>>) offsets(%dma_start3A_292 : memref<128xi32, #tpu.memory_space<vmem>>) semaphore(%run_scoped3A_285 : memref<!tpu.dma_semaphore, #tpu.memory_space<semaphore_mem>>) {add = true}
        %dma_wait3A_296 = arith.constant 0 : i32
        %dma_wait3A_297 = arith.constant 0 : i32
        %dma_wait3A_298 = tpu.memref_slice %arg6[%run_scoped3A_270, %dma_wait3A_296, %dma_wait3A_297] : memref<2x128x128xf32, #tpu.memory_space<vmem>> -> memref<1x128x128xf32, #tpu.memory_space<vmem>>
        %dma_wait3A_299 = tpu.memref_squeeze %dma_wait3A_298 : memref<1x128x128xf32, #tpu.memory_space<vmem>> -> memref<128x128xf32, #tpu.memory_space<vmem>>
        %dma_wait3A_300 = arith.constant 0 : i32
        %dma_wait3A_301 = tpu.memref_slice %arg5[%run_scoped3A_271, %run_scoped3A_272, %dma_wait3A_300] : memref<2x2x128xi32, #tpu.memory_space<vmem>> -> memref<1x1x128xi32, #tpu.memory_space<vmem>>
        %dma_wait3A_302 = tpu.memref_squeeze %dma_wait3A_301 : memref<1x1x128xi32, #tpu.memory_space<vmem>> -> memref<128xi32, #tpu.memory_space<vmem>>
        %dma_wait3A_303 = arith.constant 0 : i32
        %dma_wait3A_304 = arith.constant 0 : i32
        %dma_wait3A_305 = tpu.memref_slice %arg8[%dma_wait3A_303, %dma_wait3A_304] : memref<10240x128xf32, #tpu.memory_space<vmem_shared>> -> memref<10240x128xf32, #tpu.memory_space<vmem_shared>>
        tpu.wait_indirect_dma semaphore(%run_scoped3A_285 : memref<!tpu.dma_semaphore, #tpu.memory_space<semaphore_mem>>) src(%dma_wait3A_299 : memref<128x128xf32, #tpu.memory_space<vmem>>) dst(%dma_wait3A_305 : memref<10240x128xf32, #tpu.memory_space<vmem_shared>>)
        tpu.yield
      }) : () -> ()
      %add3A_273 = arith.constant 3 : i32
      %add3A_274 = arith.addi %mul3A_208, %add3A_273 : i32
      %lt3A_275 = arith.cmpi slt, %add3A_274, %select_n3A_2 : i32
      %convert_element_type3A_276 = arith.extui %lt3A_275 : i1 to i32
      %cond3A_277 = arith.constant 0 : i32
      %cond3A_278 = arith.cmpi ne, %convert_element_type3A_276, %cond3A_277 : i32
      scf.if %cond3A_278 {
        %add3A_285 = arith.addi %select_n3A_9, %mul3A_208 : i32
        %add3A_286 = arith.constant 3 : i32
        %add3A_287 = arith.addi %add3A_285, %add3A_286 : i32
        %mul3A_288 = arith.constant 128 : i32
        %mul3A_289 = arith.muli %add3A_287, %mul3A_288 : i32
        %dma_start3A_290 = arith.constant 1 : i32
        %dma_start3A_291 = arith.constant 0 : i32
        %dma_start3A_292 = arith.constant 0 : i32
        %dma_start3A_293 = tpu.memref_slice %arg5[%dma_start3A_290, %dma_start3A_291, %dma_start3A_292] : memref<2x2x128xi32, #tpu.memory_space<vmem>> -> memref<1x2x128xi32, #tpu.memory_space<vmem>>
        %dma_start3A_294 = tpu.memref_squeeze %dma_start3A_293 : memref<1x2x128xi32, #tpu.memory_space<vmem>> -> memref<2x128xi32, #tpu.memory_space<vmem>>
        %dma_start3A_295 = arith.constant 0 : i32
        %dma_start3A_296 = tpu.memref_slice %arg3[%dma_start3A_295, %mul3A_289] : memref<2x327680xi32, #tpu.memory_space<hbm>> -> memref<2x128xi32, #tpu.memory_space<hbm>>
        %dma_start3A_297 = arith.constant 0 : i32
        %dma_start3A_298 = arith.constant 0 : i32
        %dma_start3A_299 = tpu.memref_slice %arg5[%dma_start3A_290, %dma_start3A_297, %dma_start3A_298] : memref<2x2x128xi32, #tpu.memory_space<vmem>> -> memref<1x2x128xi32, #tpu.memory_space<vmem>>
        %dma_start3A_300 = tpu.memref_squeeze %dma_start3A_299 : memref<1x2x128xi32, #tpu.memory_space<vmem>> -> memref<2x128xi32, #tpu.memory_space<vmem>>
        %dma_start3A_301 = arith.constant 0 : i32
        %dma_start3A_302 = tpu.memref_slice %arg3[%dma_start3A_301, %mul3A_289] : memref<2x327680xi32, #tpu.memory_space<hbm>> -> memref<2x128xi32, #tpu.memory_space<hbm>>
        tpu.enqueue_dma source(%dma_start3A_302 : memref<2x128xi32, #tpu.memory_space<hbm>>) target(%dma_start3A_300 : memref<2x128xi32, #tpu.memory_space<vmem>>) target_semaphore(%arg12 : memref<!tpu.dma_semaphore, #tpu.memory_space<semaphore_mem>>)
      } else {
      }
      %add3A_279 = arith.constant 2 : i32
      %add3A_280 = arith.addi %mul3A_208, %add3A_279 : i32
      %lt3A_281 = arith.cmpi slt, %add3A_280, %select_n3A_2 : i32
      %convert_element_type3A_282 = arith.extui %lt3A_281 : i1 to i32
      %cond3A_283 = arith.constant 0 : i32
      %cond3A_284 = arith.cmpi ne, %convert_element_type3A_282, %cond3A_283 : i32
      scf.if %cond3A_284 {
        %add3A_285 = arith.addi %select_n3A_9, %mul3A_208 : i32
        %add3A_286 = arith.constant 2 : i32
        %add3A_287 = arith.addi %add3A_285, %add3A_286 : i32
        %mul3A_288 = arith.constant 128 : i32
        %mul3A_289 = arith.muli %add3A_287, %mul3A_288 : i32
        %dma_wait3A_290 = arith.constant 0 : i32
        %dma_wait3A_291 = arith.constant 0 : i32
        %dma_wait3A_292 = arith.constant 0 : i32
        %dma_wait3A_293 = tpu.memref_slice %arg5[%dma_wait3A_290, %dma_wait3A_291, %dma_wait3A_292] : memref<2x2x128xi32, #tpu.memory_space<vmem>> -> memref<1x2x128xi32, #tpu.memory_space<vmem>>
        %dma_wait3A_294 = tpu.memref_squeeze %dma_wait3A_293 : memref<1x2x128xi32, #tpu.memory_space<vmem>> -> memref<2x128xi32, #tpu.memory_space<vmem>>
        %dma_wait3A_295 = arith.constant 0 : i32
        %dma_wait3A_296 = tpu.memref_slice %arg3[%dma_wait3A_295, %mul3A_289] : memref<2x327680xi32, #tpu.memory_space<hbm>> -> memref<2x128xi32, #tpu.memory_space<hbm>>
        %dma_wait3A_297 = arith.constant 0 : i32
        %dma_wait3A_298 = arith.constant 0 : i32
        %dma_wait3A_299 = tpu.memref_slice %arg5[%dma_wait3A_290, %dma_wait3A_297, %dma_wait3A_298] : memref<2x2x128xi32, #tpu.memory_space<vmem>> -> memref<1x2x128xi32, #tpu.memory_space<vmem>>
        %dma_wait3A_300 = tpu.memref_squeeze %dma_wait3A_299 : memref<1x2x128xi32, #tpu.memory_space<vmem>> -> memref<2x128xi32, #tpu.memory_space<vmem>>
        %dma_wait3A_301 = arith.constant 0 : i32
        %dma_wait3A_302 = tpu.memref_slice %arg3[%dma_wait3A_301, %mul3A_289] : memref<2x327680xi32, #tpu.memory_space<hbm>> -> memref<2x128xi32, #tpu.memory_space<hbm>>
        tpu.wait_dma2 semaphore(%arg11 : memref<!tpu.dma_semaphore, #tpu.memory_space<semaphore_mem>>) src(%dma_wait3A_302 : memref<2x128xi32, #tpu.memory_space<hbm>>) dst(%dma_wait3A_300 : memref<2x128xi32, #tpu.memory_space<vmem>>)
        %dma_start3A_303 = arith.constant 0 : i32
        %dma_start3A_304 = arith.constant 0 : i32
        %dma_start3A_305 = arith.constant 0 : i32
        %dma_start3A_306 = arith.constant 0 : i32
        %dma_start3A_307 = arith.constant 0 : i32
        %dma_start3A_308 = tpu.memref_slice %arg6[%dma_start3A_305, %dma_start3A_306, %dma_start3A_307] : memref<2x128x128xf32, #tpu.memory_space<vmem>> -> memref<1x128x128xf32, #tpu.memory_space<vmem>>
        %dma_start3A_309 = tpu.memref_squeeze %dma_start3A_308 : memref<1x128x128xf32, #tpu.memory_space<vmem>> -> memref<128x128xf32, #tpu.memory_space<vmem>>
        %dma_start3A_310 = arith.constant 0 : i32
        %dma_start3A_311 = tpu.memref_slice %arg5[%dma_start3A_303, %dma_start3A_304, %dma_start3A_310] : memref<2x2x128xi32, #tpu.memory_space<vmem>> -> memref<1x1x128xi32, #tpu.memory_space<vmem>>
        %dma_start3A_312 = tpu.memref_squeeze %dma_start3A_311 : memref<1x1x128xi32, #tpu.memory_space<vmem>> -> memref<128xi32, #tpu.memory_space<vmem>>
        %dma_start3A_313 = arith.constant 0 : i32
        %dma_start3A_314 = arith.constant 0 : i32
        %dma_start3A_315 = tpu.memref_slice %arg2[%dma_start3A_313, %dma_start3A_314] : memref<10000x128xf32, #tpu.memory_space<hbm>> -> memref<10000x128xf32, #tpu.memory_space<hbm>>
        tpu.enqueue_indirect_dma source(%dma_start3A_315 : memref<10000x128xf32, #tpu.memory_space<hbm>>) target(%dma_start3A_309 : memref<128x128xf32, #tpu.memory_space<vmem>>) offsets(%dma_start3A_312 : memref<128xi32, #tpu.memory_space<vmem>>) semaphore(%arg9 : memref<!tpu.dma_semaphore, #tpu.memory_space<semaphore_mem>>)
      } else {
      }
    }
    %barrier3A_201 = arith.constant 0 : index
    tpu.barrier barrier_id(%barrier3A_201)
    %mul3A_202 = arith.constant 10240 : i32
    %mul3A_203 = arith.muli %arg0, %mul3A_202 : i32
    %add3A_204 = arith.addi %mul3A_203, %multiple_of3A : i32
    %multiple_of3A_205 = tpu.assume_multiple %add3A_204, 8 : i32
    "tpu.region"() ({
      %run_scoped3A = tpu.sem_alloc : memref<!tpu.dma_semaphore, #tpu.memory_space<semaphore_mem>>
      %dma_start3A_206 = arith.constant 0 : i32
      %dma_start3A_207 = tpu.memref_slice %arg4[%multiple_of3A_205, %dma_start3A_206] : memref<20480x128xf32, #tpu.memory_space<hbm>> -> memref<640x128xf32, #tpu.memory_space<hbm>>
      %dma_start3A_208 = arith.constant 0 : i32
      %dma_start3A_209 = tpu.memref_slice %arg8[%multiple_of3A, %dma_start3A_208] : memref<10240x128xf32, #tpu.memory_space<vmem_shared>> -> memref<640x128xf32, #tpu.memory_space<vmem_shared>>
      tpu.enqueue_dma source(%dma_start3A_209 : memref<640x128xf32, #tpu.memory_space<vmem_shared>>) target(%dma_start3A_207 : memref<640x128xf32, #tpu.memory_space<hbm>>) target_semaphore(%run_scoped3A : memref<!tpu.dma_semaphore, #tpu.memory_space<semaphore_mem>>)
      %dma_wait3A_210 = arith.constant 0 : i32
      %dma_wait3A_211 = tpu.memref_slice %arg4[%multiple_of3A_205, %dma_wait3A_210] : memref<20480x128xf32, #tpu.memory_space<hbm>> -> memref<640x128xf32, #tpu.memory_space<hbm>>
      %dma_wait3A_212 = arith.constant 0 : i32
      %dma_wait3A_213 = tpu.memref_slice %arg8[%multiple_of3A, %dma_wait3A_212] : memref<10240x128xf32, #tpu.memory_space<vmem_shared>> -> memref<640x128xf32, #tpu.memory_space<vmem_shared>>
      tpu.wait_dma2 semaphore(%run_scoped3A : memref<!tpu.dma_semaphore, #tpu.memory_space<semaphore_mem>>) src(%dma_wait3A_213 : memref<640x128xf32, #tpu.memory_space<vmem_shared>>) dst(%dma_wait3A_211 : memref<640x128xf32, #tpu.memory_space<hbm>>)
      tpu.yield
    }) : () -> ()
    return
  }
}

#map = affine_map<(d0, d1) -> (0, 0)>
module attributes {stable_mosaic.version = 14 : i64} {
  func.func @segsum(%arg0: i32, %arg1: i32, %arg2: memref<10000x128xf32, #tpu.memory_space<hbm>>, %arg3: memref<2x327680xi32, #tpu.memory_space<hbm>>, %arg4: memref<20480x128xf32, #tpu.memory_space<hbm>>, %arg5: memref<2x2x128xi32, #tpu.memory_space<vmem>>, %arg6: memref<2x128x128xf32, #tpu.memory_space<vmem>>, %arg7: memref<64x128xf32, #tpu.memory_space<vmem>>, %arg8: memref<10240x128xf32, #tpu.memory_space<vmem_shared>>, %arg9: memref<!tpu.dma_semaphore, #tpu.memory_space<semaphore_mem>>, %arg10: memref<!tpu.dma_semaphore, #tpu.memory_space<semaphore_mem>>, %arg11: memref<!tpu.dma_semaphore, #tpu.memory_space<semaphore_mem>>, %arg12: memref<!tpu.dma_semaphore, #tpu.memory_space<semaphore_mem>>) attributes {dimension_semantics = [#tpu.dimension_semantics<core_parallel>, #tpu.dimension_semantics<subcore_parallel>], iteration_bounds = array<i64: 2, 16>, scalar_prefetch = 0 : i64, scratch_operands = 8 : i64, tpu.core_type = #tpu.core_type<sc_vector_subcore>, window_params = [{transform_indices = #map}, {transform_indices = #map}, {transform_indices = #map}]} {
    %eq3A = arith.constant 0 : i32
    %eq3A_0 = arith.cmpi eq, %arg0, %eq3A : i32
    %select_n3A = arith.constant 80 : i32
    %select_n3A_1 = arith.constant 80 : i32
    %select_n3A_2 = arith.select %eq3A_0, %select_n3A_1, %select_n3A : i32
    %eq3A_3 = arith.constant 0 : i32
    %eq3A_4 = arith.cmpi eq, %arg0, %eq3A_3 : i32
    %mul3A = arith.constant 80 : i32
    %mul3A_5 = arith.muli %arg1, %mul3A : i32
    %mul3A_6 = arith.constant 80 : i32
    %mul3A_7 = arith.muli %arg1, %mul3A_6 : i32
    %add3A = arith.constant 1280 : i32
    %add3A_8 = arith.addi %add3A, %mul3A_7 : i32
    %select_n3A_9 = arith.select %eq3A_4, %mul3A_5, %add3A_8 : i32
    %mul3A_10 = arith.constant 128 : i32
    %mul3A_11 = arith.muli %select_n3A_9, %mul3A_10 : i32
    %dma_start3A = arith.constant 0 : i32
    %dma_start3A_12 = arith.constant 0 : i32
    %dma_start3A_13 = arith.constant 0 : i32
    %dma_start3A_14 = tpu.memref_slice %arg5[%dma_start3A, %dma_start3A_12, %dma_start3A_13] : memref<2x2x128xi32, #tpu.memory_space<vmem>> -> memref<1x2x128xi32, #tpu.memory_space<vmem>>
    %dma_start3A_15 = tpu.memref_squeeze %dma_start3A_14 : memref<1x2x128xi32, #tpu.memory_space<vmem>> -> memref<2x128xi32, #tpu.memory_space<vmem>>
    %dma_start3A_16 = arith.constant 0 : i32
    %dma_start3A_17 = tpu.memref_slice %arg3[%dma_start3A_16, %mul3A_11] : memref<2x327680xi32, #tpu.memory_space<hbm>> -> memref<2x128xi32, #tpu.memory_space<hbm>>
    %dma_start3A_18 = arith.constant 0 : i32
    %dma_start3A_19 = arith.constant 0 : i32
    %dma_start3A_20 = tpu.memref_slice %arg5[%dma_start3A, %dma_start3A_18, %dma_start3A_19] : memref<2x2x128xi32, #tpu.memory_space<vmem>> -> memref<1x2x128xi32, #tpu.memory_space<vmem>>
    %dma_start3A_21 = tpu.memref_squeeze %dma_start3A_20 : memref<1x2x128xi32, #tpu.memory_space<vmem>> -> memref<2x128xi32, #tpu.memory_space<vmem>>
    %dma_start3A_22 = arith.constant 0 : i32
    %dma_start3A_23 = tpu.memref_slice %arg3[%dma_start3A_22, %mul3A_11] : memref<2x327680xi32, #tpu.memory_space<hbm>> -> memref<2x128xi32, #tpu.memory_space<hbm>>
    tpu.enqueue_dma source(%dma_start3A_23 : memref<2x128xi32, #tpu.memory_space<hbm>>) target(%dma_start3A_21 : memref<2x128xi32, #tpu.memory_space<vmem>>) target_semaphore(%arg11 : memref<!tpu.dma_semaphore, #tpu.memory_space<semaphore_mem>>)
    %add3A_24 = arith.constant 1 : i32
    %add3A_25 = arith.addi %select_n3A_9, %add3A_24 : i32
    %mul3A_26 = arith.constant 128 : i32
    %mul3A_27 = arith.muli %add3A_25, %mul3A_26 : i32
    %dma_start3A_28 = arith.constant 1 : i32
    %dma_start3A_29 = arith.constant 0 : i32
    %dma_start3A_30 = arith.constant 0 : i32
    %dma_start3A_31 = tpu.memref_slice %arg5[%dma_start3A_28, %dma_start3A_29, %dma_start3A_30] : memref<2x2x128xi32, #tpu.memory_space<vmem>> -> memref<1x2x128xi32, #tpu.memory_space<vmem>>
    %dma_start3A_32 = tpu.memref_squeeze %dma_start3A_31 : memref<1x2x128xi32, #tpu.memory_space<vmem>> -> memref<2x128xi32, #tpu.memory_space<vmem>>
    %dma_start3A_33 = arith.constant 0 : i32
    %dma_start3A_34 = tpu.memref_slice %arg3[%dma_start3A_33, %mul3A_27] : memref<2x327680xi32, #tpu.memory_space<hbm>> -> memref<2x128xi32, #tpu.memory_space<hbm>>
    %dma_start3A_35 = arith.constant 0 : i32
    %dma_start3A_36 = arith.constant 0 : i32
    %dma_start3A_37 = tpu.memref_slice %arg5[%dma_start3A_28, %dma_start3A_35, %dma_start3A_36] : memref<2x2x128xi32, #tpu.memory_space<vmem>> -> memref<1x2x128xi32, #tpu.memory_space<vmem>>
    %dma_start3A_38 = tpu.memref_squeeze %dma_start3A_37 : memref<1x2x128xi32, #tpu.memory_space<vmem>> -> memref<2x128xi32, #tpu.memory_space<vmem>>
    %dma_start3A_39 = arith.constant 0 : i32
    %dma_start3A_40 = tpu.memref_slice %arg3[%dma_start3A_39, %mul3A_27] : memref<2x327680xi32, #tpu.memory_space<hbm>> -> memref<2x128xi32, #tpu.memory_space<hbm>>
    tpu.enqueue_dma source(%dma_start3A_40 : memref<2x128xi32, #tpu.memory_space<hbm>>) target(%dma_start3A_38 : memref<2x128xi32, #tpu.memory_space<vmem>>) target_semaphore(%arg12 : memref<!tpu.dma_semaphore, #tpu.memory_space<semaphore_mem>>)
    %scan3A = arith.constant 0 : i32
    %scan3A_41 = arith.constant 0 : i32
    %scan3A_42 = arith.constant 512 : i32
    %scan3A_43 = arith.addi %scan3A_41, %scan3A_42 : i32
    %scan3A_44 = arith.constant 1 : i32
    scf.for %scan3A_206 = %scan3A_41 to %scan3A_43 step %scan3A_44  : i32 {
      %jit3A_207 = arith.constant 8 : i32
      %div3A_208 = arith.divsi %scan3A_206, %jit3A_207 : i32
      %sign3A_209 = arith.constant 0 : i32
      %sign3A_210 = arith.cmpi sgt, %scan3A_206, %sign3A_209 : i32
      %sign3A_211 = arith.extui %sign3A_210 : i1 to i32
      %sign3A_212 = arith.constant 0 : i32
      %sign3A_213 = arith.cmpi slt, %scan3A_206, %sign3A_212 : i32
      %sign3A_214 = arith.extui %sign3A_213 : i1 to i32
      %sign3A_215 = arith.subi %sign3A_211, %sign3A_214 : i32
      %sign3A_216 = arith.constant 0 : i32
      %sign3A_217 = arith.cmpi sgt, %jit3A_207, %sign3A_216 : i32
      %sign3A_218 = arith.extui %sign3A_217 : i1 to i32
      %sign3A_219 = arith.constant 0 : i32
      %sign3A_220 = arith.cmpi slt, %jit3A_207, %sign3A_219 : i32
      %sign3A_221 = arith.extui %sign3A_220 : i1 to i32
      %sign3A_222 = arith.subi %sign3A_218, %sign3A_221 : i32
      %ne3A_223 = arith.cmpi ne, %sign3A_215, %sign3A_222 : i32
      %rem3A_224 = arith.remsi %scan3A_206, %jit3A_207 : i32
      %ne3A_225 = arith.constant 0 : i32
      %ne3A_226 = arith.cmpi ne, %rem3A_224, %ne3A_225 : i32
      %and3A_227 = arith.andi %ne3A_223, %ne3A_226 : i1
      %sub3A_228 = arith.constant 1 : i32
      %sub3A_229 = arith.subi %div3A_208, %sub3A_228 : i32
      %select_n3A_230 = arith.select %and3A_227, %sub3A_229, %div3A_208 : i32
      %jit3A_231 = arith.constant 8 : i32
      %eq3A_232 = arith.constant 0 : i32
      %eq3A_233 = arith.cmpi eq, %jit3A_231, %eq3A_232 : i32
      %jit3A_234 = arith.constant 1 : i32
      %select_n3A_235 = arith.select %eq3A_233, %jit3A_234, %jit3A_231 : i32
      %rem3A_236 = arith.remsi %scan3A_206, %select_n3A_235 : i32
      %ne3A_237 = arith.constant 0 : i32
      %ne3A_238 = arith.cmpi ne, %rem3A_236, %ne3A_237 : i32
      %lt3A = arith.constant 0 : i32
      %lt3A_239 = arith.cmpi slt, %rem3A_236, %lt3A : i32
      %lt3A_240 = arith.constant 0 : i32
      %lt3A_241 = arith.cmpi slt, %select_n3A_235, %lt3A_240 : i32
      %ne3A_242 = arith.xori %lt3A_239, %lt3A_241 : i1
      %and3A_243 = arith.andi %ne3A_242, %ne3A_238 : i1
      %add3A_244 = arith.addi %rem3A_236, %select_n3A_235 : i32
      %select_n3A_245 = arith.select %and3A_243, %add3A_244, %rem3A_236 : i32
      %mul3A_246 = arith.constant 16 : i32
      %mul3A_247 = arith.muli %select_n3A_245, %mul3A_246 : i32
      %broadcast_in_dim3A = arith.constant 0.000000e+00 : f32
      %broadcast_in_dim3A_248 = vector.broadcast %broadcast_in_dim3A : f32 to vector<16xf32>
      %swap3A = arith.index_cast %select_n3A_230 : i32 to index
      %swap3A_249 = arith.index_cast %mul3A_247 : i32 to index
      %swap3A_250 = tpu.vector_load %arg7[%swap3A, %swap3A_249] {strides = array<i32>} : memref<64x128xf32, #tpu.memory_space<vmem>>, vector<1x16xf32>,
      %swap3A_251 = vector.shape_cast %swap3A_250 : vector<1x16xf32> to vector<16xf32>
      %swap3A_252 = vector.shape_cast %broadcast_in_dim3A_248 : vector<16xf32> to vector<1x16xf32>
      tpu.vector_store %arg7[%swap3A, %swap3A_249], %swap3A_252 {strides = array<i32>} : memref<64x128xf32, #tpu.memory_space<vmem>>, vector<1x16xf32>,
    }
    %scan3A_45 = arith.constant 512 : i32
    %mul3A_46 = arith.constant 640 : i32
    %mul3A_47 = arith.muli %arg1, %mul3A_46 : i32
    %multiple_of3A = tpu.assume_multiple %mul3A_47, 8 : i32
    %add3A_48 = arith.constant 0 : i32
    %add3A_49 = arith.addi %multiple_of3A, %add3A_48 : i32
    %dma_start3A_50 = arith.constant 0 : i32
    %dma_start3A_51 = tpu.memref_slice %arg8[%add3A_49, %dma_start3A_50] : memref<10240x128xf32, #tpu.memory_space<vmem_shared>> -> memref<64x128xf32, #tpu.memory_space<vmem_shared>>
    %dma_start3A_52 = arith.constant 0 : i32
    %dma_start3A_53 = tpu.memref_slice %arg8[%add3A_49, %dma_start3A_52] : memref<10240x128xf32, #tpu.memory_space<vmem_shared>> -> memref<64x128xf32, #tpu.memory_space<vmem_shared>>
    tpu.enqueue_dma source(%arg7 : memref<64x128xf32, #tpu.memory_space<vmem>>) target(%dma_start3A_53 : memref<64x128xf32, #tpu.memory_space<vmem_shared>>) target_semaphore(%arg10 : memref<!tpu.dma_semaphore, #tpu.memory_space<semaphore_mem>>)
    %add3A_54 = arith.constant 64 : i32
    %add3A_55 = arith.addi %multiple_of3A, %add3A_54 : i32
    %dma_start3A_56 = arith.constant 0 : i32
    %dma_start3A_57 = tpu.memref_slice %arg8[%add3A_55, %dma_start3A_56] : memref<10240x128xf32, #tpu.memory_space<vmem_shared>> -> memref<64x128xf32, #tpu.memory_space<vmem_shared>>
    %dma_start3A_58 = arith.constant 0 : i32
    %dma_start3A_59 = tpu.memref_slice %arg8[%add3A_55, %dma_start3A_58] : memref<10240x128xf32, #tpu.memory_space<vmem_shared>> -> memref<64x128xf32, #tpu.memory_space<vmem_shared>>
    tpu.enqueue_dma source(%arg7 : memref<64x128xf32, #tpu.memory_space<vmem>>) target(%dma_start3A_59 : memref<64x128xf32, #tpu.memory_space<vmem_shared>>) target_semaphore(%arg10 : memref<!tpu.dma_semaphore, #tpu.memory_space<semaphore_mem>>)
    %add3A_60 = arith.constant 128 : i32
    %add3A_61 = arith.addi %multiple_of3A, %add3A_60 : i32
    %dma_start3A_62 = arith.constant 0 : i32
    %dma_start3A_63 = tpu.memref_slice %arg8[%add3A_61, %dma_start3A_62] : memref<10240x128xf32, #tpu.memory_space<vmem_shared>> -> memref<64x128xf32, #tpu.memory_space<vmem_shared>>
    %dma_start3A_64 = arith.constant 0 : i32
    %dma_start3A_65 = tpu.memref_slice %arg8[%add3A_61, %dma_start3A_64] : memref<10240x128xf32, #tpu.memory_space<vmem_shared>> -> memref<64x128xf32, #tpu.memory_space<vmem_shared>>
    tpu.enqueue_dma source(%arg7 : memref<64x128xf32, #tpu.memory_space<vmem>>) target(%dma_start3A_65 : memref<64x128xf32, #tpu.memory_space<vmem_shared>>) target_semaphore(%arg10 : memref<!tpu.dma_semaphore, #tpu.memory_space<semaphore_mem>>)
    %add3A_66 = arith.constant 192 : i32
    %add3A_67 = arith.addi %multiple_of3A, %add3A_66 : i32
    %dma_start3A_68 = arith.constant 0 : i32
    %dma_start3A_69 = tpu.memref_slice %arg8[%add3A_67, %dma_start3A_68] : memref<10240x128xf32, #tpu.memory_space<vmem_shared>> -> memref<64x128xf32, #tpu.memory_space<vmem_shared>>
    %dma_start3A_70 = arith.constant 0 : i32
    %dma_start3A_71 = tpu.memref_slice %arg8[%add3A_67, %dma_start3A_70] : memref<10240x128xf32, #tpu.memory_space<vmem_shared>> -> memref<64x128xf32, #tpu.memory_space<vmem_shared>>
    tpu.enqueue_dma source(%arg7 : memref<64x128xf32, #tpu.memory_space<vmem>>) target(%dma_start3A_71 : memref<64x128xf32, #tpu.memory_space<vmem_shared>>) target_semaphore(%arg10 : memref<!tpu.dma_semaphore, #tpu.memory_space<semaphore_mem>>)
    %add3A_72 = arith.constant 256 : i32
    %add3A_73 = arith.addi %multiple_of3A, %add3A_72 : i32
    %dma_start3A_74 = arith.constant 0 : i32
    %dma_start3A_75 = tpu.memref_slice %arg8[%add3A_73, %dma_start3A_74] : memref<10240x128xf32, #tpu.memory_space<vmem_shared>> -> memref<64x128xf32, #tpu.memory_space<vmem_shared>>
    %dma_start3A_76 = arith.constant 0 : i32
    %dma_start3A_77 = tpu.memref_slice %arg8[%add3A_73, %dma_start3A_76] : memref<10240x128xf32, #tpu.memory_space<vmem_shared>> -> memref<64x128xf32, #tpu.memory_space<vmem_shared>>
    tpu.enqueue_dma source(%arg7 : memref<64x128xf32, #tpu.memory_space<vmem>>) target(%dma_start3A_77 : memref<64x128xf32, #tpu.memory_space<vmem_shared>>) target_semaphore(%arg10 : memref<!tpu.dma_semaphore, #tpu.memory_space<semaphore_mem>>)
    %add3A_78 = arith.constant 320 : i32
    %add3A_79 = arith.addi %multiple_of3A, %add3A_78 : i32
    %dma_start3A_80 = arith.constant 0 : i32
    %dma_start3A_81 = tpu.memref_slice %arg8[%add3A_79, %dma_start3A_80] : memref<10240x128xf32, #tpu.memory_space<vmem_shared>> -> memref<64x128xf32, #tpu.memory_space<vmem_shared>>
    %dma_start3A_82 = arith.constant 0 : i32
    %dma_start3A_83 = tpu.memref_slice %arg8[%add3A_79, %dma_start3A_82] : memref<10240x128xf32, #tpu.memory_space<vmem_shared>> -> memref<64x128xf32, #tpu.memory_space<vmem_shared>>
    tpu.enqueue_dma source(%arg7 : memref<64x128xf32, #tpu.memory_space<vmem>>) target(%dma_start3A_83 : memref<64x128xf32, #tpu.memory_space<vmem_shared>>) target_semaphore(%arg10 : memref<!tpu.dma_semaphore, #tpu.memory_space<semaphore_mem>>)
    %add3A_84 = arith.constant 384 : i32
    %add3A_85 = arith.addi %multiple_of3A, %add3A_84 : i32
    %dma_start3A_86 = arith.constant 0 : i32
    %dma_start3A_87 = tpu.memref_slice %arg8[%add3A_85, %dma_start3A_86] : memref<10240x128xf32, #tpu.memory_space<vmem_shared>> -> memref<64x128xf32, #tpu.memory_space<vmem_shared>>
    %dma_start3A_88 = arith.constant 0 : i32
    %dma_start3A_89 = tpu.memref_slice %arg8[%add3A_85, %dma_start3A_88] : memref<10240x128xf32, #tpu.memory_space<vmem_shared>> -> memref<64x128xf32, #tpu.memory_space<vmem_shared>>
    tpu.enqueue_dma source(%arg7 : memref<64x128xf32, #tpu.memory_space<vmem>>) target(%dma_start3A_89 : memref<64x128xf32, #tpu.memory_space<vmem_shared>>) target_semaphore(%arg10 : memref<!tpu.dma_semaphore, #tpu.memory_space<semaphore_mem>>)
    %add3A_90 = arith.constant 448 : i32
    %add3A_91 = arith.addi %multiple_of3A, %add3A_90 : i32
    %dma_start3A_92 = arith.constant 0 : i32
    %dma_start3A_93 = tpu.memref_slice %arg8[%add3A_91, %dma_start3A_92] : memref<10240x128xf32, #tpu.memory_space<vmem_shared>> -> memref<64x128xf32, #tpu.memory_space<vmem_shared>>
    %dma_start3A_94 = arith.constant 0 : i32
    %dma_start3A_95 = tpu.memref_slice %arg8[%add3A_91, %dma_start3A_94] : memref<10240x128xf32, #tpu.memory_space<vmem_shared>> -> memref<64x128xf32, #tpu.memory_space<vmem_shared>>
    tpu.enqueue_dma source(%arg7 : memref<64x128xf32, #tpu.memory_space<vmem>>) target(%dma_start3A_95 : memref<64x128xf32, #tpu.memory_space<vmem_shared>>) target_semaphore(%arg10 : memref<!tpu.dma_semaphore, #tpu.memory_space<semaphore_mem>>)
    %add3A_96 = arith.constant 512 : i32
    %add3A_97 = arith.addi %multiple_of3A, %add3A_96 : i32
    %dma_start3A_98 = arith.constant 0 : i32
    %dma_start3A_99 = tpu.memref_slice %arg8[%add3A_97, %dma_start3A_98] : memref<10240x128xf32, #tpu.memory_space<vmem_shared>> -> memref<64x128xf32, #tpu.memory_space<vmem_shared>>
    %dma_start3A_100 = arith.constant 0 : i32
    %dma_start3A_101 = tpu.memref_slice %arg8[%add3A_97, %dma_start3A_100] : memref<10240x128xf32, #tpu.memory_space<vmem_shared>> -> memref<64x128xf32, #tpu.memory_space<vmem_shared>>
    tpu.enqueue_dma source(%arg7 : memref<64x128xf32, #tpu.memory_space<vmem>>) target(%dma_start3A_101 : memref<64x128xf32, #tpu.memory_space<vmem_shared>>) target_semaphore(%arg10 : memref<!tpu.dma_semaphore, #tpu.memory_space<semaphore_mem>>)
    %add3A_102 = arith.constant 576 : i32
    %add3A_103 = arith.addi %multiple_of3A, %add3A_102 : i32
    %dma_start3A_104 = arith.constant 0 : i32
    %dma_start3A_105 = tpu.memref_slice %arg8[%add3A_103, %dma_start3A_104] : memref<10240x128xf32, #tpu.memory_space<vmem_shared>> -> memref<64x128xf32, #tpu.memory_space<vmem_shared>>
    %dma_start3A_106 = arith.constant 0 : i32
    %dma_start3A_107 = tpu.memref_slice %arg8[%add3A_103, %dma_start3A_106] : memref<10240x128xf32, #tpu.memory_space<vmem_shared>> -> memref<64x128xf32, #tpu.memory_space<vmem_shared>>
    tpu.enqueue_dma source(%arg7 : memref<64x128xf32, #tpu.memory_space<vmem>>) target(%dma_start3A_107 : memref<64x128xf32, #tpu.memory_space<vmem_shared>>) target_semaphore(%arg10 : memref<!tpu.dma_semaphore, #tpu.memory_space<semaphore_mem>>)
    %dma_wait3A = arith.constant 0 : i32
    %dma_wait3A_108 = tpu.memref_slice %arg8[%multiple_of3A, %dma_wait3A] : memref<10240x128xf32, #tpu.memory_space<vmem_shared>> -> memref<64x128xf32, #tpu.memory_space<vmem_shared>>
    %dma_wait3A_109 = arith.constant 0 : i32
    %dma_wait3A_110 = tpu.memref_slice %arg8[%multiple_of3A, %dma_wait3A_109] : memref<10240x128xf32, #tpu.memory_space<vmem_shared>> -> memref<64x128xf32, #tpu.memory_space<vmem_shared>>
    tpu.wait_dma2 semaphore(%arg10 : memref<!tpu.dma_semaphore, #tpu.memory_space<semaphore_mem>>) src(%arg7 : memref<64x128xf32, #tpu.memory_space<vmem>>) dst(%dma_wait3A_110 : memref<64x128xf32, #tpu.memory_space<vmem_shared>>)
    %dma_wait3A_111 = arith.constant 0 : i32
    %dma_wait3A_112 = tpu.memref_slice %arg8[%multiple_of3A, %dma_wait3A_111] : memref<10240x128xf32, #tpu.memory_space<vmem_shared>> -> memref<64x128xf32, #tpu.memory_space<vmem_shared>>
    %dma_wait3A_113 = arith.constant 0 : i32
    %dma_wait3A_114 = tpu.memref_slice %arg8[%multiple_of3A, %dma_wait3A_113] : memref<10240x128xf32, #tpu.memory_space<vmem_shared>> -> memref<64x128xf32, #tpu.memory_space<vmem_shared>>
    tpu.wait_dma2 semaphore(%arg10 : memref<!tpu.dma_semaphore, #tpu.memory_space<semaphore_mem>>) src(%arg7 : memref<64x128xf32, #tpu.memory_space<vmem>>) dst(%dma_wait3A_114 : memref<64x128xf32, #tpu.memory_space<vmem_shared>>)
    %dma_wait3A_115 = arith.constant 0 : i32
    %dma_wait3A_116 = tpu.memref_slice %arg8[%multiple_of3A, %dma_wait3A_115] : memref<10240x128xf32, #tpu.memory_space<vmem_shared>> -> memref<64x128xf32, #tpu.memory_space<vmem_shared>>
    %dma_wait3A_117 = arith.constant 0 : i32
    %dma_wait3A_118 = tpu.memref_slice %arg8[%multiple_of3A, %dma_wait3A_117] : memref<10240x128xf32, #tpu.memory_space<vmem_shared>> -> memref<64x128xf32, #tpu.memory_space<vmem_shared>>
    tpu.wait_dma2 semaphore(%arg10 : memref<!tpu.dma_semaphore, #tpu.memory_space<semaphore_mem>>) src(%arg7 : memref<64x128xf32, #tpu.memory_space<vmem>>) dst(%dma_wait3A_118 : memref<64x128xf32, #tpu.memory_space<vmem_shared>>)
    %dma_wait3A_119 = arith.constant 0 : i32
    %dma_wait3A_120 = tpu.memref_slice %arg8[%multiple_of3A, %dma_wait3A_119] : memref<10240x128xf32, #tpu.memory_space<vmem_shared>> -> memref<64x128xf32, #tpu.memory_space<vmem_shared>>
    %dma_wait3A_121 = arith.constant 0 : i32
    %dma_wait3A_122 = tpu.memref_slice %arg8[%multiple_of3A, %dma_wait3A_121] : memref<10240x128xf32, #tpu.memory_space<vmem_shared>> -> memref<64x128xf32, #tpu.memory_space<vmem_shared>>
    tpu.wait_dma2 semaphore(%arg10 : memref<!tpu.dma_semaphore, #tpu.memory_space<semaphore_mem>>) src(%arg7 : memref<64x128xf32, #tpu.memory_space<vmem>>) dst(%dma_wait3A_122 : memref<64x128xf32, #tpu.memory_space<vmem_shared>>)
    %dma_wait3A_123 = arith.constant 0 : i32
    %dma_wait3A_124 = tpu.memref_slice %arg8[%multiple_of3A, %dma_wait3A_123] : memref<10240x128xf32, #tpu.memory_space<vmem_shared>> -> memref<64x128xf32, #tpu.memory_space<vmem_shared>>
    %dma_wait3A_125 = arith.constant 0 : i32
    %dma_wait3A_126 = tpu.memref_slice %arg8[%multiple_of3A, %dma_wait3A_125] : memref<10240x128xf32, #tpu.memory_space<vmem_shared>> -> memref<64x128xf32, #tpu.memory_space<vmem_shared>>
    tpu.wait_dma2 semaphore(%arg10 : memref<!tpu.dma_semaphore, #tpu.memory_space<semaphore_mem>>) src(%arg7 : memref<64x128xf32, #tpu.memory_space<vmem>>) dst(%dma_wait3A_126 : memref<64x128xf32, #tpu.memory_space<vmem_shared>>)
    %dma_wait3A_127 = arith.constant 0 : i32
    %dma_wait3A_128 = tpu.memref_slice %arg8[%multiple_of3A, %dma_wait3A_127] : memref<10240x128xf32, #tpu.memory_space<vmem_shared>> -> memref<64x128xf32, #tpu.memory_space<vmem_shared>>
    %dma_wait3A_129 = arith.constant 0 : i32
    %dma_wait3A_130 = tpu.memref_slice %arg8[%multiple_of3A, %dma_wait3A_129] : memref<10240x128xf32, #tpu.memory_space<vmem_shared>> -> memref<64x128xf32, #tpu.memory_space<vmem_shared>>
    tpu.wait_dma2 semaphore(%arg10 : memref<!tpu.dma_semaphore, #tpu.memory_space<semaphore_mem>>) src(%arg7 : memref<64x128xf32, #tpu.memory_space<vmem>>) dst(%dma_wait3A_130 : memref<64x128xf32, #tpu.memory_space<vmem_shared>>)
    %dma_wait3A_131 = arith.constant 0 : i32
    %dma_wait3A_132 = tpu.memref_slice %arg8[%multiple_of3A, %dma_wait3A_131] : memref<10240x128xf32, #tpu.memory_space<vmem_shared>> -> memref<64x128xf32, #tpu.memory_space<vmem_shared>>
    %dma_wait3A_133 = arith.constant 0 : i32
    %dma_wait3A_134 = tpu.memref_slice %arg8[%multiple_of3A, %dma_wait3A_133] : memref<10240x128xf32, #tpu.memory_space<vmem_shared>> -> memref<64x128xf32, #tpu.memory_space<vmem_shared>>
    tpu.wait_dma2 semaphore(%arg10 : memref<!tpu.dma_semaphore, #tpu.memory_space<semaphore_mem>>) src(%arg7 : memref<64x128xf32, #tpu.memory_space<vmem>>) dst(%dma_wait3A_134 : memref<64x128xf32, #tpu.memory_space<vmem_shared>>)
    %dma_wait3A_135 = arith.constant 0 : i32
    %dma_wait3A_136 = tpu.memref_slice %arg8[%multiple_of3A, %dma_wait3A_135] : memref<10240x128xf32, #tpu.memory_space<vmem_shared>> -> memref<64x128xf32, #tpu.memory_space<vmem_shared>>
    %dma_wait3A_137 = arith.constant 0 : i32
    %dma_wait3A_138 = tpu.memref_slice %arg8[%multiple_of3A, %dma_wait3A_137] : memref<10240x128xf32, #tpu.memory_space<vmem_shared>> -> memref<64x128xf32, #tpu.memory_space<vmem_shared>>
    tpu.wait_dma2 semaphore(%arg10 : memref<!tpu.dma_semaphore, #tpu.memory_space<semaphore_mem>>) src(%arg7 : memref<64x128xf32, #tpu.memory_space<vmem>>) dst(%dma_wait3A_138 : memref<64x128xf32, #tpu.memory_space<vmem_shared>>)
    %dma_wait3A_139 = arith.constant 0 : i32
    %dma_wait3A_140 = tpu.memref_slice %arg8[%multiple_of3A, %dma_wait3A_139] : memref<10240x128xf32, #tpu.memory_space<vmem_shared>> -> memref<64x128xf32, #tpu.memory_space<vmem_shared>>
    %dma_wait3A_141 = arith.constant 0 : i32
    %dma_wait3A_142 = tpu.memref_slice %arg8[%multiple_of3A, %dma_wait3A_141] : memref<10240x128xf32, #tpu.memory_space<vmem_shared>> -> memref<64x128xf32, #tpu.memory_space<vmem_shared>>
    tpu.wait_dma2 semaphore(%arg10 : memref<!tpu.dma_semaphore, #tpu.memory_space<semaphore_mem>>) src(%arg7 : memref<64x128xf32, #tpu.memory_space<vmem>>) dst(%dma_wait3A_142 : memref<64x128xf32, #tpu.memory_space<vmem_shared>>)
    %dma_wait3A_143 = arith.constant 0 : i32
    %dma_wait3A_144 = tpu.memref_slice %arg8[%multiple_of3A, %dma_wait3A_143] : memref<10240x128xf32, #tpu.memory_space<vmem_shared>> -> memref<64x128xf32, #tpu.memory_space<vmem_shared>>
    %dma_wait3A_145 = arith.constant 0 : i32
    %dma_wait3A_146 = tpu.memref_slice %arg8[%multiple_of3A, %dma_wait3A_145] : memref<10240x128xf32, #tpu.memory_space<vmem_shared>> -> memref<64x128xf32, #tpu.memory_space<vmem_shared>>
    tpu.wait_dma2 semaphore(%arg10 : memref<!tpu.dma_semaphore, #tpu.memory_space<semaphore_mem>>) src(%arg7 : memref<64x128xf32, #tpu.memory_space<vmem>>) dst(%dma_wait3A_146 : memref<64x128xf32, #tpu.memory_space<vmem_shared>>)
    %mul3A_147 = arith.constant 128 : i32
    %mul3A_148 = arith.muli %select_n3A_9, %mul3A_147 : i32
    %dma_wait3A_149 = arith.constant 0 : i32
    %dma_wait3A_150 = arith.constant 0 : i32
    %dma_wait3A_151 = arith.constant 0 : i32
    %dma_wait3A_152 = tpu.memref_slice %arg5[%dma_wait3A_149, %dma_wait3A_150, %dma_wait3A_151] : memref<2x2x128xi32, #tpu.memory_space<vmem>> -> memref<1x2x128xi32, #tpu.memory_space<vmem>>
    %dma_wait3A_153 = tpu.memref_squeeze %dma_wait3A_152 : memref<1x2x128xi32, #tpu.memory_space<vmem>> -> memref<2x128xi32, #tpu.memory_space<vmem>>
    %dma_wait3A_154 = arith.constant 0 : i32
    %dma_wait3A_155 = tpu.memref_slice %arg3[%dma_wait3A_154, %mul3A_148] : memref<2x327680xi32, #tpu.memory_space<hbm>> -> memref<2x128xi32, #tpu.memory_space<hbm>>
    %dma_wait3A_156 = arith.constant 0 : i32
    %dma_wait3A_157 = arith.constant 0 : i32
    %dma_wait3A_158 = tpu.memref_slice %arg5[%dma_wait3A_149, %dma_wait3A_156, %dma_wait3A_157] : memref<2x2x128xi32, #tpu.memory_space<vmem>> -> memref<1x2x128xi32, #tpu.memory_space<vmem>>
    %dma_wait3A_159 = tpu.memref_squeeze %dma_wait3A_158 : memref<1x2x128xi32, #tpu.memory_space<vmem>> -> memref<2x128xi32, #tpu.memory_space<vmem>>
    %dma_wait3A_160 = arith.constant 0 : i32
    %dma_wait3A_161 = tpu.memref_slice %arg3[%dma_wait3A_160, %mul3A_148] : memref<2x327680xi32, #tpu.memory_space<hbm>> -> memref<2x128xi32, #tpu.memory_space<hbm>>
    tpu.wait_dma2 semaphore(%arg11 : memref<!tpu.dma_semaphore, #tpu.memory_space<semaphore_mem>>) src(%dma_wait3A_161 : memref<2x128xi32, #tpu.memory_space<hbm>>) dst(%dma_wait3A_159 : memref<2x128xi32, #tpu.memory_space<vmem>>)
    %dma_start3A_162 = arith.constant 0 : i32
    %dma_start3A_163 = arith.constant 0 : i32
    %dma_start3A_164 = arith.constant 0 : i32
    %dma_start3A_165 = arith.constant 0 : i32
    %dma_start3A_166 = arith.constant 0 : i32
    %dma_start3A_167 = tpu.memref_slice %arg6[%dma_start3A_164, %dma_start3A_165, %dma_start3A_166] : memref<2x128x128xf32, #tpu.memory_space<vmem>> -> memref<1x128x128xf32, #tpu.memory_space<vmem>>
    %dma_start3A_168 = tpu.memref_squeeze %dma_start3A_167 : memref<1x128x128xf32, #tpu.memory_space<vmem>> -> memref<128x128xf32, #tpu.memory_space<vmem>>
    %dma_start3A_169 = arith.constant 0 : i32
    %dma_start3A_170 = tpu.memref_slice %arg5[%dma_start3A_162, %dma_start3A_163, %dma_start3A_169] : memref<2x2x128xi32, #tpu.memory_space<vmem>> -> memref<1x1x128xi32, #tpu.memory_space<vmem>>
    %dma_start3A_171 = tpu.memref_squeeze %dma_start3A_170 : memref<1x1x128xi32, #tpu.memory_space<vmem>> -> memref<128xi32, #tpu.memory_space<vmem>>
    %dma_start3A_172 = arith.constant 0 : i32
    %dma_start3A_173 = arith.constant 0 : i32
    %dma_start3A_174 = tpu.memref_slice %arg2[%dma_start3A_172, %dma_start3A_173] : memref<10000x128xf32, #tpu.memory_space<hbm>> -> memref<10000x128xf32, #tpu.memory_space<hbm>>
    tpu.enqueue_indirect_dma source(%dma_start3A_174 : memref<10000x128xf32, #tpu.memory_space<hbm>>) target(%dma_start3A_168 : memref<128x128xf32, #tpu.memory_space<vmem>>) offsets(%dma_start3A_171 : memref<128xi32, #tpu.memory_space<vmem>>) semaphore(%arg9 : memref<!tpu.dma_semaphore, #tpu.memory_space<semaphore_mem>>)
    %barrier3A = arith.constant 0 : index
    tpu.barrier barrier_id(%barrier3A)
    %jit3A = arith.constant 2 : i32
    %div3A = arith.divsi %select_n3A_2, %jit3A : i32
    %sign3A = arith.constant 0 : i32
    %sign3A_175 = arith.cmpi sgt, %select_n3A_2, %sign3A : i32
    %sign3A_176 = arith.extui %sign3A_175 : i1 to i32
    %sign3A_177 = arith.constant 0 : i32
    %sign3A_178 = arith.cmpi slt, %select_n3A_2, %sign3A_177 : i32
    %sign3A_179 = arith.extui %sign3A_178 : i1 to i32
    %sign3A_180 = arith.subi %sign3A_176, %sign3A_179 : i32
    %sign3A_181 = arith.constant 0 : i32
    %sign3A_182 = arith.cmpi sgt, %jit3A, %sign3A_181 : i32
    %sign3A_183 = arith.extui %sign3A_182 : i1 to i32
    %sign3A_184 = arith.constant 0 : i32
    %sign3A_185 = arith.cmpi slt, %jit3A, %sign3A_184 : i32
    %sign3A_186 = arith.extui %sign3A_185 : i1 to i32
    %sign3A_187 = arith.subi %sign3A_183, %sign3A_186 : i32
    %ne3A = arith.cmpi ne, %sign3A_180, %sign3A_187 : i32
    %rem3A = arith.remsi %select_n3A_2, %jit3A : i32
    %ne3A_188 = arith.constant 0 : i32
    %ne3A_189 = arith.cmpi ne, %rem3A, %ne3A_188 : i32
    %and3A = arith.andi %ne3A, %ne3A_189 : i1
    %sub3A = arith.constant 1 : i32
    %sub3A_190 = arith.subi %div3A, %sub3A : i32
    %select_n3A_191 = arith.select %and3A, %sub3A_190, %div3A : i32
    %while3A = arith.constant 0 : i32
    %while3A_192 = arith.constant 0 : i32
    %while3A_193 = arith.subi %select_n3A_191, %while3A_192 : i32
    %while3A_194 = arith.addi %while3A_192, %while3A_193 : i32
    %while3A_195 = arith.constant 1 : i32
    %while3A_196 = arith.divsi %while3A_193, %while3A_195 : i32
    %while3A_197 = arith.muli %while3A_196, %while3A_195 : i32
    %while3A_198 = arith.addi %while3A_192, %while3A_197 : i32
    %while3A_199 = arith.constant 1 : i32
    scf.for %while3A_206 = %while3A_192 to %while3A_198 step %while3A_199  : i32 {
      %mul3A_207 = arith.constant 2 : i32
      %mul3A_208 = arith.muli %mul3A_207, %while3A_206 : i32
      %add3A_209 = arith.constant 1 : i32
      %add3A_210 = arith.addi %select_n3A_9, %add3A_209 : i32
      %mul3A_211 = arith.constant 128 : i32
      %mul3A_212 = arith.muli %add3A_210, %mul3A_211 : i32
      %dma_wait3A_213 = arith.constant 1 : i32
      %dma_wait3A_214 = arith.constant 0 : i32
      %dma_wait3A_215 = arith.constant 0 : i32
      %dma_wait3A_216 = tpu.memref_slice %arg5[%dma_wait3A_213, %dma_wait3A_214, %dma_wait3A_215] : memref<2x2x128xi32, #tpu.memory_space<vmem>> -> memref<1x2x128xi32, #tpu.memory_space<vmem>>
      %dma_wait3A_217 = tpu.memref_squeeze %dma_wait3A_216 : memref<1x2x128xi32, #tpu.memory_space<vmem>> -> memref<2x128xi32, #tpu.memory_space<vmem>>
      %dma_wait3A_218 = arith.constant 0 : i32
      %dma_wait3A_219 = tpu.memref_slice %arg3[%dma_wait3A_218, %mul3A_212] : memref<2x327680xi32, #tpu.memory_space<hbm>> -> memref<2x128xi32, #tpu.memory_space<hbm>>
      %dma_wait3A_220 = arith.constant 0 : i32
      %dma_wait3A_221 = arith.constant 0 : i32
      %dma_wait3A_222 = tpu.memref_slice %arg5[%dma_wait3A_213, %dma_wait3A_220, %dma_wait3A_221] : memref<2x2x128xi32, #tpu.memory_space<vmem>> -> memref<1x2x128xi32, #tpu.memory_space<vmem>>
      %dma_wait3A_223 = tpu.memref_squeeze %dma_wait3A_222 : memref<1x2x128xi32, #tpu.memory_space<vmem>> -> memref<2x128xi32, #tpu.memory_space<vmem>>
      %dma_wait3A_224 = arith.constant 0 : i32
      %dma_wait3A_225 = tpu.memref_slice %arg3[%dma_wait3A_224, %mul3A_212] : memref<2x327680xi32, #tpu.memory_space<hbm>> -> memref<2x128xi32, #tpu.memory_space<hbm>>
      tpu.wait_dma2 semaphore(%arg12 : memref<!tpu.dma_semaphore, #tpu.memory_space<semaphore_mem>>) src(%dma_wait3A_225 : memref<2x128xi32, #tpu.memory_space<hbm>>) dst(%dma_wait3A_223 : memref<2x128xi32, #tpu.memory_space<vmem>>)
      %dma_start3A_226 = arith.constant 1 : i32
      %dma_start3A_227 = arith.constant 0 : i32
      %dma_start3A_228 = arith.constant 1 : i32
      %dma_start3A_229 = arith.constant 0 : i32
      %dma_start3A_230 = arith.constant 0 : i32
      %dma_start3A_231 = tpu.memref_slice %arg6[%dma_start3A_228, %dma_start3A_229, %dma_start3A_230] : memref<2x128x128xf32, #tpu.memory_space<vmem>> -> memref<1x128x128xf32, #tpu.memory_space<vmem>>
      %dma_start3A_232 = tpu.memref_squeeze %dma_start3A_231 : memref<1x128x128xf32, #tpu.memory_space<vmem>> -> memref<128x128xf32, #tpu.memory_space<vmem>>
      %dma_start3A_233 = arith.constant 0 : i32
      %dma_start3A_234 = tpu.memref_slice %arg5[%dma_start3A_226, %dma_start3A_227, %dma_start3A_233] : memref<2x2x128xi32, #tpu.memory_space<vmem>> -> memref<1x1x128xi32, #tpu.memory_space<vmem>>
      %dma_start3A_235 = tpu.memref_squeeze %dma_start3A_234 : memref<1x1x128xi32, #tpu.memory_space<vmem>> -> memref<128xi32, #tpu.memory_space<vmem>>
      %dma_start3A_236 = arith.constant 0 : i32
      %dma_start3A_237 = arith.constant 0 : i32
      %dma_start3A_238 = tpu.memref_slice %arg2[%dma_start3A_236, %dma_start3A_237] : memref<10000x128xf32, #tpu.memory_space<hbm>> -> memref<10000x128xf32, #tpu.memory_space<hbm>>
      tpu.enqueue_indirect_dma source(%dma_start3A_238 : memref<10000x128xf32, #tpu.memory_space<hbm>>) target(%dma_start3A_232 : memref<128x128xf32, #tpu.memory_space<vmem>>) offsets(%dma_start3A_235 : memref<128xi32, #tpu.memory_space<vmem>>) semaphore(%arg10 : memref<!tpu.dma_semaphore, #tpu.memory_space<semaphore_mem>>)
      %dma_wait3A_239 = arith.constant 0 : i32
      %dma_wait3A_240 = arith.constant 0 : i32
      %dma_wait3A_241 = arith.constant 0 : i32
      %dma_wait3A_242 = arith.constant 0 : i32
      %dma_wait3A_243 = arith.constant 0 : i32
      %dma_wait3A_244 = tpu.memref_slice %arg6[%dma_wait3A_241, %dma_wait3A_242, %dma_wait3A_243] : memref<2x128x128xf32, #tpu.memory_space<vmem>> -> memref<1x128x128xf32, #tpu.memory_space<vmem>>
      %dma_wait3A_245 = tpu.memref_squeeze %dma_wait3A_244 : memref<1x128x128xf32, #tpu.memory_space<vmem>> -> memref<128x128xf32, #tpu.memory_space<vmem>>
      %dma_wait3A_246 = arith.constant 0 : i32
      %dma_wait3A_247 = tpu.memref_slice %arg5[%dma_wait3A_239, %dma_wait3A_240, %dma_wait3A_246] : memref<2x2x128xi32, #tpu.memory_space<vmem>> -> memref<1x1x128xi32, #tpu.memory_space<vmem>>
      %dma_wait3A_248 = tpu.memref_squeeze %dma_wait3A_247 : memref<1x1x128xi32, #tpu.memory_space<vmem>> -> memref<128xi32, #tpu.memory_space<vmem>>
      %dma_wait3A_249 = arith.constant 0 : i32
      %dma_wait3A_250 = arith.constant 0 : i32
      %dma_wait3A_251 = tpu.memref_slice %arg2[%dma_wait3A_249, %dma_wait3A_250] : memref<10000x128xf32, #tpu.memory_space<hbm>> -> memref<10000x128xf32, #tpu.memory_space<hbm>>
      tpu.wait_indirect_dma semaphore(%arg9 : memref<!tpu.dma_semaphore, #tpu.memory_space<semaphore_mem>>) src(%dma_wait3A_251 : memref<10000x128xf32, #tpu.memory_space<hbm>>) dst(%dma_wait3A_245 : memref<128x128xf32, #tpu.memory_space<vmem>>)
      %run_scoped3A = arith.constant 0 : i32
      %run_scoped3A_252 = arith.constant 0 : i32
      %run_scoped3A_253 = arith.constant 1 : i32
      "tpu.region"() ({
        %run_scoped3A_285 = tpu.sem_alloc : memref<!tpu.dma_semaphore, #tpu.memory_space<semaphore_mem>>
        %dma_start3A_286 = arith.constant 0 : i32
        %dma_start3A_287 = arith.constant 0 : i32
        %dma_start3A_288 = tpu.memref_slice %arg6[%run_scoped3A, %dma_start3A_286, %dma_start3A_287] : memref<2x128x128xf32, #tpu.memory_space<vmem>> -> memref<1x128x128xf32, #tpu.memory_space<vmem>>
        %dma_start3A_289 = tpu.memref_squeeze %dma_start3A_288 : memref<1x128x128xf32, #tpu.memory_space<vmem>> -> memref<128x128xf32, #tpu.memory_space<vmem>>
        %dma_start3A_290 = arith.constant 0 : i32
        %dma_start3A_291 = tpu.memref_slice %arg5[%run_scoped3A_252, %run_scoped3A_253, %dma_start3A_290] : memref<2x2x128xi32, #tpu.memory_space<vmem>> -> memref<1x1x128xi32, #tpu.memory_space<vmem>>
        %dma_start3A_292 = tpu.memref_squeeze %dma_start3A_291 : memref<1x1x128xi32, #tpu.memory_space<vmem>> -> memref<128xi32, #tpu.memory_space<vmem>>
        %dma_start3A_293 = arith.constant 0 : i32
        %dma_start3A_294 = arith.constant 0 : i32
        %dma_start3A_295 = tpu.memref_slice %arg8[%dma_start3A_293, %dma_start3A_294] : memref<10240x128xf32, #tpu.memory_space<vmem_shared>> -> memref<10240x128xf32, #tpu.memory_space<vmem_shared>>
        tpu.enqueue_indirect_dma source(%dma_start3A_289 : memref<128x128xf32, #tpu.memory_space<vmem>>) target(%dma_start3A_295 : memref<10240x128xf32, #tpu.memory_space<vmem_shared>>) offsets(%dma_start3A_292 : memref<128xi32, #tpu.memory_space<vmem>>) semaphore(%run_scoped3A_285 : memref<!tpu.dma_semaphore, #tpu.memory_space<semaphore_mem>>) {add = true}
        %dma_wait3A_296 = arith.constant 0 : i32
        %dma_wait3A_297 = arith.constant 0 : i32
        %dma_wait3A_298 = tpu.memref_slice %arg6[%run_scoped3A, %dma_wait3A_296, %dma_wait3A_297] : memref<2x128x128xf32, #tpu.memory_space<vmem>> -> memref<1x128x128xf32, #tpu.memory_space<vmem>>
        %dma_wait3A_299 = tpu.memref_squeeze %dma_wait3A_298 : memref<1x128x128xf32, #tpu.memory_space<vmem>> -> memref<128x128xf32, #tpu.memory_space<vmem>>
        %dma_wait3A_300 = arith.constant 0 : i32
        %dma_wait3A_301 = tpu.memref_slice %arg5[%run_scoped3A_252, %run_scoped3A_253, %dma_wait3A_300] : memref<2x2x128xi32, #tpu.memory_space<vmem>> -> memref<1x1x128xi32, #tpu.memory_space<vmem>>
        %dma_wait3A_302 = tpu.memref_squeeze %dma_wait3A_301 : memref<1x1x128xi32, #tpu.memory_space<vmem>> -> memref<128xi32, #tpu.memory_space<vmem>>
        %dma_wait3A_303 = arith.constant 0 : i32
        %dma_wait3A_304 = arith.constant 0 : i32
        %dma_wait3A_305 = tpu.memref_slice %arg8[%dma_wait3A_303, %dma_wait3A_304] : memref<10240x128xf32, #tpu.memory_space<vmem_shared>> -> memref<10240x128xf32, #tpu.memory_space<vmem_shared>>
        tpu.wait_indirect_dma semaphore(%run_scoped3A_285 : memref<!tpu.dma_semaphore, #tpu.memory_space<semaphore_mem>>) src(%dma_wait3A_299 : memref<128x128xf32, #tpu.memory_space<vmem>>) dst(%dma_wait3A_305 : memref<10240x128xf32, #tpu.memory_space<vmem_shared>>)
        tpu.yield
      }) : () -> ()
      %add3A_254 = arith.constant 2 : i32
      %add3A_255 = arith.addi %mul3A_208, %add3A_254 : i32
      %lt3A = arith.cmpi slt, %add3A_255, %select_n3A_2 : i32
      %convert_element_type3A = arith.extui %lt3A : i1 to i32
      %cond3A = arith.constant 0 : i32
      %cond3A_256 = arith.cmpi ne, %convert_element_type3A, %cond3A : i32
      scf.if %cond3A_256 {
        %add3A_285 = arith.addi %select_n3A_9, %mul3A_208 : i32
        %add3A_286 = arith.constant 2 : i32
        %add3A_287 = arith.addi %add3A_285, %add3A_286 : i32
        %mul3A_288 = arith.constant 128 : i32
        %mul3A_289 = arith.muli %add3A_287, %mul3A_288 : i32
        %dma_start3A_290 = arith.constant 0 : i32
        %dma_start3A_291 = arith.constant 0 : i32
        %dma_start3A_292 = arith.constant 0 : i32
        %dma_start3A_293 = tpu.memref_slice %arg5[%dma_start3A_290, %dma_start3A_291, %dma_start3A_292] : memref<2x2x128xi32, #tpu.memory_space<vmem>> -> memref<1x2x128xi32, #tpu.memory_space<vmem>>
        %dma_start3A_294 = tpu.memref_squeeze %dma_start3A_293 : memref<1x2x128xi32, #tpu.memory_space<vmem>> -> memref<2x128xi32, #tpu.memory_space<vmem>>
        %dma_start3A_295 = arith.constant 0 : i32
        %dma_start3A_296 = tpu.memref_slice %arg3[%dma_start3A_295, %mul3A_289] : memref<2x327680xi32, #tpu.memory_space<hbm>> -> memref<2x128xi32, #tpu.memory_space<hbm>>
        %dma_start3A_297 = arith.constant 0 : i32
        %dma_start3A_298 = arith.constant 0 : i32
        %dma_start3A_299 = tpu.memref_slice %arg5[%dma_start3A_290, %dma_start3A_297, %dma_start3A_298] : memref<2x2x128xi32, #tpu.memory_space<vmem>> -> memref<1x2x128xi32, #tpu.memory_space<vmem>>
        %dma_start3A_300 = tpu.memref_squeeze %dma_start3A_299 : memref<1x2x128xi32, #tpu.memory_space<vmem>> -> memref<2x128xi32, #tpu.memory_space<vmem>>
        %dma_start3A_301 = arith.constant 0 : i32
        %dma_start3A_302 = tpu.memref_slice %arg3[%dma_start3A_301, %mul3A_289] : memref<2x327680xi32, #tpu.memory_space<hbm>> -> memref<2x128xi32, #tpu.memory_space<hbm>>
        tpu.enqueue_dma source(%dma_start3A_302 : memref<2x128xi32, #tpu.memory_space<hbm>>) target(%dma_start3A_300 : memref<2x128xi32, #tpu.memory_space<vmem>>) target_semaphore(%arg11 : memref<!tpu.dma_semaphore, #tpu.memory_space<semaphore_mem>>)
      } else {
      }
      %dma_wait3A_257 = arith.constant 1 : i32
      %dma_wait3A_258 = arith.constant 0 : i32
      %dma_wait3A_259 = arith.constant 1 : i32
      %dma_wait3A_260 = arith.constant 0 : i32
      %dma_wait3A_261 = arith.constant 0 : i32
      %dma_wait3A_262 = tpu.memref_slice %arg6[%dma_wait3A_259, %dma_wait3A_260, %dma_wait3A_261] : memref<2x128x128xf32, #tpu.memory_space<vmem>> -> memref<1x128x128xf32, #tpu.memory_space<vmem>>
      %dma_wait3A_263 = tpu.memref_squeeze %dma_wait3A_262 : memref<1x128x128xf32, #tpu.memory_space<vmem>> -> memref<128x128xf32, #tpu.memory_space<vmem>>
      %dma_wait3A_264 = arith.constant 0 : i32
      %dma_wait3A_265 = tpu.memref_slice %arg5[%dma_wait3A_257, %dma_wait3A_258, %dma_wait3A_264] : memref<2x2x128xi32, #tpu.memory_space<vmem>> -> memref<1x1x128xi32, #tpu.memory_space<vmem>>
      %dma_wait3A_266 = tpu.memref_squeeze %dma_wait3A_265 : memref<1x1x128xi32, #tpu.memory_space<vmem>> -> memref<128xi32, #tpu.memory_space<vmem>>
      %dma_wait3A_267 = arith.constant 0 : i32
      %dma_wait3A_268 = arith.constant 0 : i32
      %dma_wait3A_269 = tpu.memref_slice %arg2[%dma_wait3A_267, %dma_wait3A_268] : memref<10000x128xf32, #tpu.memory_space<hbm>> -> memref<10000x128xf32, #tpu.memory_space<hbm>>
      tpu.wait_indirect_dma semaphore(%arg10 : memref<!tpu.dma_semaphore, #tpu.memory_space<semaphore_mem>>) src(%dma_wait3A_269 : memref<10000x128xf32, #tpu.memory_space<hbm>>) dst(%dma_wait3A_263 : memref<128x128xf32, #tpu.memory_space<vmem>>)
      %run_scoped3A_270 = arith.constant 1 : i32
      %run_scoped3A_271 = arith.constant 1 : i32
      %run_scoped3A_272 = arith.constant 1 : i32
      "tpu.region"() ({
        %run_scoped3A_285 = tpu.sem_alloc : memref<!tpu.dma_semaphore, #tpu.memory_space<semaphore_mem>>
        %dma_start3A_286 = arith.constant 0 : i32
        %dma_start3A_287 = arith.constant 0 : i32
        %dma_start3A_288 = tpu.memref_slice %arg6[%run_scoped3A_270, %dma_start3A_286, %dma_start3A_287] : memref<2x128x128xf32, #tpu.memory_space<vmem>> -> memref<1x128x128xf32, #tpu.memory_space<vmem>>
        %dma_start3A_289 = tpu.memref_squeeze %dma_start3A_288 : memref<1x128x128xf32, #tpu.memory_space<vmem>> -> memref<128x128xf32, #tpu.memory_space<vmem>>
        %dma_start3A_290 = arith.constant 0 : i32
        %dma_start3A_291 = tpu.memref_slice %arg5[%run_scoped3A_271, %run_scoped3A_272, %dma_start3A_290] : memref<2x2x128xi32, #tpu.memory_space<vmem>> -> memref<1x1x128xi32, #tpu.memory_space<vmem>>
        %dma_start3A_292 = tpu.memref_squeeze %dma_start3A_291 : memref<1x1x128xi32, #tpu.memory_space<vmem>> -> memref<128xi32, #tpu.memory_space<vmem>>
        %dma_start3A_293 = arith.constant 0 : i32
        %dma_start3A_294 = arith.constant 0 : i32
        %dma_start3A_295 = tpu.memref_slice %arg8[%dma_start3A_293, %dma_start3A_294] : memref<10240x128xf32, #tpu.memory_space<vmem_shared>> -> memref<10240x128xf32, #tpu.memory_space<vmem_shared>>
        tpu.enqueue_indirect_dma source(%dma_start3A_289 : memref<128x128xf32, #tpu.memory_space<vmem>>) target(%dma_start3A_295 : memref<10240x128xf32, #tpu.memory_space<vmem_shared>>) offsets(%dma_start3A_292 : memref<128xi32, #tpu.memory_space<vmem>>) semaphore(%run_scoped3A_285 : memref<!tpu.dma_semaphore, #tpu.memory_space<semaphore_mem>>) {add = true}
        %dma_wait3A_296 = arith.constant 0 : i32
        %dma_wait3A_297 = arith.constant 0 : i32
        %dma_wait3A_298 = tpu.memref_slice %arg6[%run_scoped3A_270, %dma_wait3A_296, %dma_wait3A_297] : memref<2x128x128xf32, #tpu.memory_space<vmem>> -> memref<1x128x128xf32, #tpu.memory_space<vmem>>
        %dma_wait3A_299 = tpu.memref_squeeze %dma_wait3A_298 : memref<1x128x128xf32, #tpu.memory_space<vmem>> -> memref<128x128xf32, #tpu.memory_space<vmem>>
        %dma_wait3A_300 = arith.constant 0 : i32
        %dma_wait3A_301 = tpu.memref_slice %arg5[%run_scoped3A_271, %run_scoped3A_272, %dma_wait3A_300] : memref<2x2x128xi32, #tpu.memory_space<vmem>> -> memref<1x1x128xi32, #tpu.memory_space<vmem>>
        %dma_wait3A_302 = tpu.memref_squeeze %dma_wait3A_301 : memref<1x1x128xi32, #tpu.memory_space<vmem>> -> memref<128xi32, #tpu.memory_space<vmem>>
        %dma_wait3A_303 = arith.constant 0 : i32
        %dma_wait3A_304 = arith.constant 0 : i32
        %dma_wait3A_305 = tpu.memref_slice %arg8[%dma_wait3A_303, %dma_wait3A_304] : memref<10240x128xf32, #tpu.memory_space<vmem_shared>> -> memref<10240x128xf32, #tpu.memory_space<vmem_shared>>
        tpu.wait_indirect_dma semaphore(%run_scoped3A_285 : memref<!tpu.dma_semaphore, #tpu.memory_space<semaphore_mem>>) src(%dma_wait3A_299 : memref<128x128xf32, #tpu.memory_space<vmem>>) dst(%dma_wait3A_305 : memref<10240x128xf32, #tpu.memory_space<vmem_shared>>)
        tpu.yield
      }) : () -> ()
      %add3A_273 = arith.constant 3 : i32
      %add3A_274 = arith.addi %mul3A_208, %add3A_273 : i32
      %lt3A_275 = arith.cmpi slt, %add3A_274, %select_n3A_2 : i32
      %convert_element_type3A_276 = arith.extui %lt3A_275 : i1 to i32
      %cond3A_277 = arith.constant 0 : i32
      %cond3A_278 = arith.cmpi ne, %convert_element_type3A_276, %cond3A_277 : i32
      scf.if %cond3A_278 {
        %add3A_285 = arith.addi %select_n3A_9, %mul3A_208 : i32
        %add3A_286 = arith.constant 3 : i32
        %add3A_287 = arith.addi %add3A_285, %add3A_286 : i32
        %mul3A_288 = arith.constant 128 : i32
        %mul3A_289 = arith.muli %add3A_287, %mul3A_288 : i32
        %dma_start3A_290 = arith.constant 1 : i32
        %dma_start3A_291 = arith.constant 0 : i32
        %dma_start3A_292 = arith.constant 0 : i32
        %dma_start3A_293 = tpu.memref_slice %arg5[%dma_start3A_290, %dma_start3A_291, %dma_start3A_292] : memref<2x2x128xi32, #tpu.memory_space<vmem>> -> memref<1x2x128xi32, #tpu.memory_space<vmem>>
        %dma_start3A_294 = tpu.memref_squeeze %dma_start3A_293 : memref<1x2x128xi32, #tpu.memory_space<vmem>> -> memref<2x128xi32, #tpu.memory_space<vmem>>
        %dma_start3A_295 = arith.constant 0 : i32
        %dma_start3A_296 = tpu.memref_slice %arg3[%dma_start3A_295, %mul3A_289] : memref<2x327680xi32, #tpu.memory_space<hbm>> -> memref<2x128xi32, #tpu.memory_space<hbm>>
        %dma_start3A_297 = arith.constant 0 : i32
        %dma_start3A_298 = arith.constant 0 : i32
        %dma_start3A_299 = tpu.memref_slice %arg5[%dma_start3A_290, %dma_start3A_297, %dma_start3A_298] : memref<2x2x128xi32, #tpu.memory_space<vmem>> -> memref<1x2x128xi32, #tpu.memory_space<vmem>>
        %dma_start3A_300 = tpu.memref_squeeze %dma_start3A_299 : memref<1x2x128xi32, #tpu.memory_space<vmem>> -> memref<2x128xi32, #tpu.memory_space<vmem>>
        %dma_start3A_301 = arith.constant 0 : i32
        %dma_start3A_302 = tpu.memref_slice %arg3[%dma_start3A_301, %mul3A_289] : memref<2x327680xi32, #tpu.memory_space<hbm>> -> memref<2x128xi32, #tpu.memory_space<hbm>>
        tpu.enqueue_dma source(%dma_start3A_302 : memref<2x128xi32, #tpu.memory_space<hbm>>) target(%dma_start3A_300 : memref<2x128xi32, #tpu.memory_space<vmem>>) target_semaphore(%arg12 : memref<!tpu.dma_semaphore, #tpu.memory_space<semaphore_mem>>)
      } else {
      }
      %add3A_279 = arith.constant 2 : i32
      %add3A_280 = arith.addi %mul3A_208, %add3A_279 : i32
      %lt3A_281 = arith.cmpi slt, %add3A_280, %select_n3A_2 : i32
      %convert_element_type3A_282 = arith.extui %lt3A_281 : i1 to i32
      %cond3A_283 = arith.constant 0 : i32
      %cond3A_284 = arith.cmpi ne, %convert_element_type3A_282, %cond3A_283 : i32
      scf.if %cond3A_284 {
        %add3A_285 = arith.addi %select_n3A_9, %mul3A_208 : i32
        %add3A_286 = arith.constant 2 : i32
        %add3A_287 = arith.addi %add3A_285, %add3A_286 : i32
        %mul3A_288 = arith.constant 128 : i32
        %mul3A_289 = arith.muli %add3A_287, %mul3A_288 : i32
        %dma_wait3A_290 = arith.constant 0 : i32
        %dma_wait3A_291 = arith.constant 0 : i32
        %dma_wait3A_292 = arith.constant 0 : i32
        %dma_wait3A_293 = tpu.memref_slice %arg5[%dma_wait3A_290, %dma_wait3A_291, %dma_wait3A_292] : memref<2x2x128xi32, #tpu.memory_space<vmem>> -> memref<1x2x128xi32, #tpu.memory_space<vmem>>
        %dma_wait3A_294 = tpu.memref_squeeze %dma_wait3A_293 : memref<1x2x128xi32, #tpu.memory_space<vmem>> -> memref<2x128xi32, #tpu.memory_space<vmem>>
        %dma_wait3A_295 = arith.constant 0 : i32
        %dma_wait3A_296 = tpu.memref_slice %arg3[%dma_wait3A_295, %mul3A_289] : memref<2x327680xi32, #tpu.memory_space<hbm>> -> memref<2x128xi32, #tpu.memory_space<hbm>>
        %dma_wait3A_297 = arith.constant 0 : i32
        %dma_wait3A_298 = arith.constant 0 : i32
        %dma_wait3A_299 = tpu.memref_slice %arg5[%dma_wait3A_290, %dma_wait3A_297, %dma_wait3A_298] : memref<2x2x128xi32, #tpu.memory_space<vmem>> -> memref<1x2x128xi32, #tpu.memory_space<vmem>>
        %dma_wait3A_300 = tpu.memref_squeeze %dma_wait3A_299 : memref<1x2x128xi32, #tpu.memory_space<vmem>> -> memref<2x128xi32, #tpu.memory_space<vmem>>
        %dma_wait3A_301 = arith.constant 0 : i32
        %dma_wait3A_302 = tpu.memref_slice %arg3[%dma_wait3A_301, %mul3A_289] : memref<2x327680xi32, #tpu.memory_space<hbm>> -> memref<2x128xi32, #tpu.memory_space<hbm>>
        tpu.wait_dma2 semaphore(%arg11 : memref<!tpu.dma_semaphore, #tpu.memory_space<semaphore_mem>>) src(%dma_wait3A_302 : memref<2x128xi32, #tpu.memory_space<hbm>>) dst(%dma_wait3A_300 : memref<2x128xi32, #tpu.memory_space<vmem>>)
        %dma_start3A_303 = arith.constant 0 : i32
        %dma_start3A_304 = arith.constant 0 : i32
        %dma_start3A_305 = arith.constant 0 : i32
        %dma_start3A_306 = arith.constant 0 : i32
        %dma_start3A_307 = arith.constant 0 : i32
        %dma_start3A_308 = tpu.memref_slice %arg6[%dma_start3A_305, %dma_start3A_306, %dma_start3A_307] : memref<2x128x128xf32, #tpu.memory_space<vmem>> -> memref<1x128x128xf32, #tpu.memory_space<vmem>>
        %dma_start3A_309 = tpu.memref_squeeze %dma_start3A_308 : memref<1x128x128xf32, #tpu.memory_space<vmem>> -> memref<128x128xf32, #tpu.memory_space<vmem>>
        %dma_start3A_310 = arith.constant 0 : i32
        %dma_start3A_311 = tpu.memref_slice %arg5[%dma_start3A_303, %dma_start3A_304, %dma_start3A_310] : memref<2x2x128xi32, #tpu.memory_space<vmem>> -> memref<1x1x128xi32, #tpu.memory_space<vmem>>
        %dma_start3A_312 = tpu.memref_squeeze %dma_start3A_311 : memref<1x1x128xi32, #tpu.memory_space<vmem>> -> memref<128xi32, #tpu.memory_space<vmem>>
        %dma_start3A_313 = arith.constant 0 : i32
        %dma_start3A_314 = arith.constant 0 : i32
        %dma_start3A_315 = tpu.memref_slice %arg2[%dma_start3A_313, %dma_start3A_314] : memref<10000x128xf32, #tpu.memory_space<hbm>> -> memref<10000x128xf32, #tpu.memory_space<hbm>>
        tpu.enqueue_indirect_dma source(%dma_start3A_315 : memref<10000x128xf32, #tpu.memory_space<hbm>>) target(%dma_start3A_309 : memref<128x128xf32, #tpu.memory_space<vmem>>) offsets(%dma_start3A_312 : memref<128xi32, #tpu.memory_space<vmem>>) semaphore(%arg9 : memref<!tpu.dma_semaphore, #tpu.memory_space<semaphore_mem>>)
      } else {
      }
    }
    %while3A_200 = arith.constant 1 : i32
    scf.for %while3A_206 = %while3A_198 to %while3A_194 step %while3A_200  : i32 {
      %mul3A_207 = arith.constant 2 : i32
      %mul3A_208 = arith.muli %mul3A_207, %while3A_206 : i32
      %add3A_209 = arith.constant 1 : i32
      %add3A_210 = arith.addi %select_n3A_9, %add3A_209 : i32
      %mul3A_211 = arith.constant 128 : i32
      %mul3A_212 = arith.muli %add3A_210, %mul3A_211 : i32
      %dma_wait3A_213 = arith.constant 1 : i32
      %dma_wait3A_214 = arith.constant 0 : i32
      %dma_wait3A_215 = arith.constant 0 : i32
      %dma_wait3A_216 = tpu.memref_slice %arg5[%dma_wait3A_213, %dma_wait3A_214, %dma_wait3A_215] : memref<2x2x128xi32, #tpu.memory_space<vmem>> -> memref<1x2x128xi32, #tpu.memory_space<vmem>>
      %dma_wait3A_217 = tpu.memref_squeeze %dma_wait3A_216 : memref<1x2x128xi32, #tpu.memory_space<vmem>> -> memref<2x128xi32, #tpu.memory_space<vmem>>
      %dma_wait3A_218 = arith.constant 0 : i32
      %dma_wait3A_219 = tpu.memref_slice %arg3[%dma_wait3A_218, %mul3A_212] : memref<2x327680xi32, #tpu.memory_space<hbm>> -> memref<2x128xi32, #tpu.memory_space<hbm>>
      %dma_wait3A_220 = arith.constant 0 : i32
      %dma_wait3A_221 = arith.constant 0 : i32
      %dma_wait3A_222 = tpu.memref_slice %arg5[%dma_wait3A_213, %dma_wait3A_220, %dma_wait3A_221] : memref<2x2x128xi32, #tpu.memory_space<vmem>> -> memref<1x2x128xi32, #tpu.memory_space<vmem>>
      %dma_wait3A_223 = tpu.memref_squeeze %dma_wait3A_222 : memref<1x2x128xi32, #tpu.memory_space<vmem>> -> memref<2x128xi32, #tpu.memory_space<vmem>>
      %dma_wait3A_224 = arith.constant 0 : i32
      %dma_wait3A_225 = tpu.memref_slice %arg3[%dma_wait3A_224, %mul3A_212] : memref<2x327680xi32, #tpu.memory_space<hbm>> -> memref<2x128xi32, #tpu.memory_space<hbm>>
      tpu.wait_dma2 semaphore(%arg12 : memref<!tpu.dma_semaphore, #tpu.memory_space<semaphore_mem>>) src(%dma_wait3A_225 : memref<2x128xi32, #tpu.memory_space<hbm>>) dst(%dma_wait3A_223 : memref<2x128xi32, #tpu.memory_space<vmem>>)
      %dma_start3A_226 = arith.constant 1 : i32
      %dma_start3A_227 = arith.constant 0 : i32
      %dma_start3A_228 = arith.constant 1 : i32
      %dma_start3A_229 = arith.constant 0 : i32
      %dma_start3A_230 = arith.constant 0 : i32
      %dma_start3A_231 = tpu.memref_slice %arg6[%dma_start3A_228, %dma_start3A_229, %dma_start3A_230] : memref<2x128x128xf32, #tpu.memory_space<vmem>> -> memref<1x128x128xf32, #tpu.memory_space<vmem>>
      %dma_start3A_232 = tpu.memref_squeeze %dma_start3A_231 : memref<1x128x128xf32, #tpu.memory_space<vmem>> -> memref<128x128xf32, #tpu.memory_space<vmem>>
      %dma_start3A_233 = arith.constant 0 : i32
      %dma_start3A_234 = tpu.memref_slice %arg5[%dma_start3A_226, %dma_start3A_227, %dma_start3A_233] : memref<2x2x128xi32, #tpu.memory_space<vmem>> -> memref<1x1x128xi32, #tpu.memory_space<vmem>>
      %dma_start3A_235 = tpu.memref_squeeze %dma_start3A_234 : memref<1x1x128xi32, #tpu.memory_space<vmem>> -> memref<128xi32, #tpu.memory_space<vmem>>
      %dma_start3A_236 = arith.constant 0 : i32
      %dma_start3A_237 = arith.constant 0 : i32
      %dma_start3A_238 = tpu.memref_slice %arg2[%dma_start3A_236, %dma_start3A_237] : memref<10000x128xf32, #tpu.memory_space<hbm>> -> memref<10000x128xf32, #tpu.memory_space<hbm>>
      tpu.enqueue_indirect_dma source(%dma_start3A_238 : memref<10000x128xf32, #tpu.memory_space<hbm>>) target(%dma_start3A_232 : memref<128x128xf32, #tpu.memory_space<vmem>>) offsets(%dma_start3A_235 : memref<128xi32, #tpu.memory_space<vmem>>) semaphore(%arg10 : memref<!tpu.dma_semaphore, #tpu.memory_space<semaphore_mem>>)
      %dma_wait3A_239 = arith.constant 0 : i32
      %dma_wait3A_240 = arith.constant 0 : i32
      %dma_wait3A_241 = arith.constant 0 : i32
      %dma_wait3A_242 = arith.constant 0 : i32
      %dma_wait3A_243 = arith.constant 0 : i32
      %dma_wait3A_244 = tpu.memref_slice %arg6[%dma_wait3A_241, %dma_wait3A_242, %dma_wait3A_243] : memref<2x128x128xf32, #tpu.memory_space<vmem>> -> memref<1x128x128xf32, #tpu.memory_space<vmem>>
      %dma_wait3A_245 = tpu.memref_squeeze %dma_wait3A_244 : memref<1x128x128xf32, #tpu.memory_space<vmem>> -> memref<128x128xf32, #tpu.memory_space<vmem>>
      %dma_wait3A_246 = arith.constant 0 : i32
      %dma_wait3A_247 = tpu.memref_slice %arg5[%dma_wait3A_239, %dma_wait3A_240, %dma_wait3A_246] : memref<2x2x128xi32, #tpu.memory_space<vmem>> -> memref<1x1x128xi32, #tpu.memory_space<vmem>>
      %dma_wait3A_248 = tpu.memref_squeeze %dma_wait3A_247 : memref<1x1x128xi32, #tpu.memory_space<vmem>> -> memref<128xi32, #tpu.memory_space<vmem>>
      %dma_wait3A_249 = arith.constant 0 : i32
      %dma_wait3A_250 = arith.constant 0 : i32
      %dma_wait3A_251 = tpu.memref_slice %arg2[%dma_wait3A_249, %dma_wait3A_250] : memref<10000x128xf32, #tpu.memory_space<hbm>> -> memref<10000x128xf32, #tpu.memory_space<hbm>>
      tpu.wait_indirect_dma semaphore(%arg9 : memref<!tpu.dma_semaphore, #tpu.memory_space<semaphore_mem>>) src(%dma_wait3A_251 : memref<10000x128xf32, #tpu.memory_space<hbm>>) dst(%dma_wait3A_245 : memref<128x128xf32, #tpu.memory_space<vmem>>)
      %run_scoped3A = arith.constant 0 : i32
      %run_scoped3A_252 = arith.constant 0 : i32
      %run_scoped3A_253 = arith.constant 1 : i32
      "tpu.region"() ({
        %run_scoped3A_285 = tpu.sem_alloc : memref<!tpu.dma_semaphore, #tpu.memory_space<semaphore_mem>>
        %dma_start3A_286 = arith.constant 0 : i32
        %dma_start3A_287 = arith.constant 0 : i32
        %dma_start3A_288 = tpu.memref_slice %arg6[%run_scoped3A, %dma_start3A_286, %dma_start3A_287] : memref<2x128x128xf32, #tpu.memory_space<vmem>> -> memref<1x128x128xf32, #tpu.memory_space<vmem>>
        %dma_start3A_289 = tpu.memref_squeeze %dma_start3A_288 : memref<1x128x128xf32, #tpu.memory_space<vmem>> -> memref<128x128xf32, #tpu.memory_space<vmem>>
        %dma_start3A_290 = arith.constant 0 : i32
        %dma_start3A_291 = tpu.memref_slice %arg5[%run_scoped3A_252, %run_scoped3A_253, %dma_start3A_290] : memref<2x2x128xi32, #tpu.memory_space<vmem>> -> memref<1x1x128xi32, #tpu.memory_space<vmem>>
        %dma_start3A_292 = tpu.memref_squeeze %dma_start3A_291 : memref<1x1x128xi32, #tpu.memory_space<vmem>> -> memref<128xi32, #tpu.memory_space<vmem>>
        %dma_start3A_293 = arith.constant 0 : i32
        %dma_start3A_294 = arith.constant 0 : i32
        %dma_start3A_295 = tpu.memref_slice %arg8[%dma_start3A_293, %dma_start3A_294] : memref<10240x128xf32, #tpu.memory_space<vmem_shared>> -> memref<10240x128xf32, #tpu.memory_space<vmem_shared>>
        tpu.enqueue_indirect_dma source(%dma_start3A_289 : memref<128x128xf32, #tpu.memory_space<vmem>>) target(%dma_start3A_295 : memref<10240x128xf32, #tpu.memory_space<vmem_shared>>) offsets(%dma_start3A_292 : memref<128xi32, #tpu.memory_space<vmem>>) semaphore(%run_scoped3A_285 : memref<!tpu.dma_semaphore, #tpu.memory_space<semaphore_mem>>) {add = true}
        %dma_wait3A_296 = arith.constant 0 : i32
        %dma_wait3A_297 = arith.constant 0 : i32
        %dma_wait3A_298 = tpu.memref_slice %arg6[%run_scoped3A, %dma_wait3A_296, %dma_wait3A_297] : memref<2x128x128xf32, #tpu.memory_space<vmem>> -> memref<1x128x128xf32, #tpu.memory_space<vmem>>
        %dma_wait3A_299 = tpu.memref_squeeze %dma_wait3A_298 : memref<1x128x128xf32, #tpu.memory_space<vmem>> -> memref<128x128xf32, #tpu.memory_space<vmem>>
        %dma_wait3A_300 = arith.constant 0 : i32
        %dma_wait3A_301 = tpu.memref_slice %arg5[%run_scoped3A_252, %run_scoped3A_253, %dma_wait3A_300] : memref<2x2x128xi32, #tpu.memory_space<vmem>> -> memref<1x1x128xi32, #tpu.memory_space<vmem>>
        %dma_wait3A_302 = tpu.memref_squeeze %dma_wait3A_301 : memref<1x1x128xi32, #tpu.memory_space<vmem>> -> memref<128xi32, #tpu.memory_space<vmem>>
        %dma_wait3A_303 = arith.constant 0 : i32
        %dma_wait3A_304 = arith.constant 0 : i32
        %dma_wait3A_305 = tpu.memref_slice %arg8[%dma_wait3A_303, %dma_wait3A_304] : memref<10240x128xf32, #tpu.memory_space<vmem_shared>> -> memref<10240x128xf32, #tpu.memory_space<vmem_shared>>
        tpu.wait_indirect_dma semaphore(%run_scoped3A_285 : memref<!tpu.dma_semaphore, #tpu.memory_space<semaphore_mem>>) src(%dma_wait3A_299 : memref<128x128xf32, #tpu.memory_space<vmem>>) dst(%dma_wait3A_305 : memref<10240x128xf32, #tpu.memory_space<vmem_shared>>)
        tpu.yield
      }) : () -> ()
      %add3A_254 = arith.constant 2 : i32
      %add3A_255 = arith.addi %mul3A_208, %add3A_254 : i32
      %lt3A = arith.cmpi slt, %add3A_255, %select_n3A_2 : i32
      %convert_element_type3A = arith.extui %lt3A : i1 to i32
      %cond3A = arith.constant 0 : i32
      %cond3A_256 = arith.cmpi ne, %convert_element_type3A, %cond3A : i32
      scf.if %cond3A_256 {
        %add3A_285 = arith.addi %select_n3A_9, %mul3A_208 : i32
        %add3A_286 = arith.constant 2 : i32
        %add3A_287 = arith.addi %add3A_285, %add3A_286 : i32
        %mul3A_288 = arith.constant 128 : i32
        %mul3A_289 = arith.muli %add3A_287, %mul3A_288 : i32
        %dma_start3A_290 = arith.constant 0 : i32
        %dma_start3A_291 = arith.constant 0 : i32
        %dma_start3A_292 = arith.constant 0 : i32
        %dma_start3A_293 = tpu.memref_slice %arg5[%dma_start3A_290, %dma_start3A_291, %dma_start3A_292] : memref<2x2x128xi32, #tpu.memory_space<vmem>> -> memref<1x2x128xi32, #tpu.memory_space<vmem>>
        %dma_start3A_294 = tpu.memref_squeeze %dma_start3A_293 : memref<1x2x128xi32, #tpu.memory_space<vmem>> -> memref<2x128xi32, #tpu.memory_space<vmem>>
        %dma_start3A_295 = arith.constant 0 : i32
        %dma_start3A_296 = tpu.memref_slice %arg3[%dma_start3A_295, %mul3A_289] : memref<2x327680xi32, #tpu.memory_space<hbm>> -> memref<2x128xi32, #tpu.memory_space<hbm>>
        %dma_start3A_297 = arith.constant 0 : i32
        %dma_start3A_298 = arith.constant 0 : i32
        %dma_start3A_299 = tpu.memref_slice %arg5[%dma_start3A_290, %dma_start3A_297, %dma_start3A_298] : memref<2x2x128xi32, #tpu.memory_space<vmem>> -> memref<1x2x128xi32, #tpu.memory_space<vmem>>
        %dma_start3A_300 = tpu.memref_squeeze %dma_start3A_299 : memref<1x2x128xi32, #tpu.memory_space<vmem>> -> memref<2x128xi32, #tpu.memory_space<vmem>>
        %dma_start3A_301 = arith.constant 0 : i32
        %dma_start3A_302 = tpu.memref_slice %arg3[%dma_start3A_301, %mul3A_289] : memref<2x327680xi32, #tpu.memory_space<hbm>> -> memref<2x128xi32, #tpu.memory_space<hbm>>
        tpu.enqueue_dma source(%dma_start3A_302 : memref<2x128xi32, #tpu.memory_space<hbm>>) target(%dma_start3A_300 : memref<2x128xi32, #tpu.memory_space<vmem>>) target_semaphore(%arg11 : memref<!tpu.dma_semaphore, #tpu.memory_space<semaphore_mem>>)
      } else {
      }
      %dma_wait3A_257 = arith.constant 1 : i32
      %dma_wait3A_258 = arith.constant 0 : i32
      %dma_wait3A_259 = arith.constant 1 : i32
      %dma_wait3A_260 = arith.constant 0 : i32
      %dma_wait3A_261 = arith.constant 0 : i32
      %dma_wait3A_262 = tpu.memref_slice %arg6[%dma_wait3A_259, %dma_wait3A_260, %dma_wait3A_261] : memref<2x128x128xf32, #tpu.memory_space<vmem>> -> memref<1x128x128xf32, #tpu.memory_space<vmem>>
      %dma_wait3A_263 = tpu.memref_squeeze %dma_wait3A_262 : memref<1x128x128xf32, #tpu.memory_space<vmem>> -> memref<128x128xf32, #tpu.memory_space<vmem>>
      %dma_wait3A_264 = arith.constant 0 : i32
      %dma_wait3A_265 = tpu.memref_slice %arg5[%dma_wait3A_257, %dma_wait3A_258, %dma_wait3A_264] : memref<2x2x128xi32, #tpu.memory_space<vmem>> -> memref<1x1x128xi32, #tpu.memory_space<vmem>>
      %dma_wait3A_266 = tpu.memref_squeeze %dma_wait3A_265 : memref<1x1x128xi32, #tpu.memory_space<vmem>> -> memref<128xi32, #tpu.memory_space<vmem>>
      %dma_wait3A_267 = arith.constant 0 : i32
      %dma_wait3A_268 = arith.constant 0 : i32
      %dma_wait3A_269 = tpu.memref_slice %arg2[%dma_wait3A_267, %dma_wait3A_268] : memref<10000x128xf32, #tpu.memory_space<hbm>> -> memref<10000x128xf32, #tpu.memory_space<hbm>>
      tpu.wait_indirect_dma semaphore(%arg10 : memref<!tpu.dma_semaphore, #tpu.memory_space<semaphore_mem>>) src(%dma_wait3A_269 : memref<10000x128xf32, #tpu.memory_space<hbm>>) dst(%dma_wait3A_263 : memref<128x128xf32, #tpu.memory_space<vmem>>)
      %run_scoped3A_270 = arith.constant 1 : i32
      %run_scoped3A_271 = arith.constant 1 : i32
      %run_scoped3A_272 = arith.constant 1 : i32
      "tpu.region"() ({
        %run_scoped3A_285 = tpu.sem_alloc : memref<!tpu.dma_semaphore, #tpu.memory_space<semaphore_mem>>
        %dma_start3A_286 = arith.constant 0 : i32
        %dma_start3A_287 = arith.constant 0 : i32
        %dma_start3A_288 = tpu.memref_slice %arg6[%run_scoped3A_270, %dma_start3A_286, %dma_start3A_287] : memref<2x128x128xf32, #tpu.memory_space<vmem>> -> memref<1x128x128xf32, #tpu.memory_space<vmem>>
        %dma_start3A_289 = tpu.memref_squeeze %dma_start3A_288 : memref<1x128x128xf32, #tpu.memory_space<vmem>> -> memref<128x128xf32, #tpu.memory_space<vmem>>
        %dma_start3A_290 = arith.constant 0 : i32
        %dma_start3A_291 = tpu.memref_slice %arg5[%run_scoped3A_271, %run_scoped3A_272, %dma_start3A_290] : memref<2x2x128xi32, #tpu.memory_space<vmem>> -> memref<1x1x128xi32, #tpu.memory_space<vmem>>
        %dma_start3A_292 = tpu.memref_squeeze %dma_start3A_291 : memref<1x1x128xi32, #tpu.memory_space<vmem>> -> memref<128xi32, #tpu.memory_space<vmem>>
        %dma_start3A_293 = arith.constant 0 : i32
        %dma_start3A_294 = arith.constant 0 : i32
        %dma_start3A_295 = tpu.memref_slice %arg8[%dma_start3A_293, %dma_start3A_294] : memref<10240x128xf32, #tpu.memory_space<vmem_shared>> -> memref<10240x128xf32, #tpu.memory_space<vmem_shared>>
        tpu.enqueue_indirect_dma source(%dma_start3A_289 : memref<128x128xf32, #tpu.memory_space<vmem>>) target(%dma_start3A_295 : memref<10240x128xf32, #tpu.memory_space<vmem_shared>>) offsets(%dma_start3A_292 : memref<128xi32, #tpu.memory_space<vmem>>) semaphore(%run_scoped3A_285 : memref<!tpu.dma_semaphore, #tpu.memory_space<semaphore_mem>>) {add = true}
        %dma_wait3A_296 = arith.constant 0 : i32
        %dma_wait3A_297 = arith.constant 0 : i32
        %dma_wait3A_298 = tpu.memref_slice %arg6[%run_scoped3A_270, %dma_wait3A_296, %dma_wait3A_297] : memref<2x128x128xf32, #tpu.memory_space<vmem>> -> memref<1x128x128xf32, #tpu.memory_space<vmem>>
        %dma_wait3A_299 = tpu.memref_squeeze %dma_wait3A_298 : memref<1x128x128xf32, #tpu.memory_space<vmem>> -> memref<128x128xf32, #tpu.memory_space<vmem>>
        %dma_wait3A_300 = arith.constant 0 : i32
        %dma_wait3A_301 = tpu.memref_slice %arg5[%run_scoped3A_271, %run_scoped3A_272, %dma_wait3A_300] : memref<2x2x128xi32, #tpu.memory_space<vmem>> -> memref<1x1x128xi32, #tpu.memory_space<vmem>>
        %dma_wait3A_302 = tpu.memref_squeeze %dma_wait3A_301 : memref<1x1x128xi32, #tpu.memory_space<vmem>> -> memref<128xi32, #tpu.memory_space<vmem>>
        %dma_wait3A_303 = arith.constant 0 : i32
        %dma_wait3A_304 = arith.constant 0 : i32
        %dma_wait3A_305 = tpu.memref_slice %arg8[%dma_wait3A_303, %dma_wait3A_304] : memref<10240x128xf32, #tpu.memory_space<vmem_shared>> -> memref<10240x128xf32, #tpu.memory_space<vmem_shared>>
        tpu.wait_indirect_dma semaphore(%run_scoped3A_285 : memref<!tpu.dma_semaphore, #tpu.memory_space<semaphore_mem>>) src(%dma_wait3A_299 : memref<128x128xf32, #tpu.memory_space<vmem>>) dst(%dma_wait3A_305 : memref<10240x128xf32, #tpu.memory_space<vmem_shared>>)
        tpu.yield
      }) : () -> ()
      %add3A_273 = arith.constant 3 : i32
      %add3A_274 = arith.addi %mul3A_208, %add3A_273 : i32
      %lt3A_275 = arith.cmpi slt, %add3A_274, %select_n3A_2 : i32
      %convert_element_type3A_276 = arith.extui %lt3A_275 : i1 to i32
      %cond3A_277 = arith.constant 0 : i32
      %cond3A_278 = arith.cmpi ne, %convert_element_type3A_276, %cond3A_277 : i32
      scf.if %cond3A_278 {
        %add3A_285 = arith.addi %select_n3A_9, %mul3A_208 : i32
        %add3A_286 = arith.constant 3 : i32
        %add3A_287 = arith.addi %add3A_285, %add3A_286 : i32
        %mul3A_288 = arith.constant 128 : i32
        %mul3A_289 = arith.muli %add3A_287, %mul3A_288 : i32
        %dma_start3A_290 = arith.constant 1 : i32
        %dma_start3A_291 = arith.constant 0 : i32
        %dma_start3A_292 = arith.constant 0 : i32
        %dma_start3A_293 = tpu.memref_slice %arg5[%dma_start3A_290, %dma_start3A_291, %dma_start3A_292] : memref<2x2x128xi32, #tpu.memory_space<vmem>> -> memref<1x2x128xi32, #tpu.memory_space<vmem>>
        %dma_start3A_294 = tpu.memref_squeeze %dma_start3A_293 : memref<1x2x128xi32, #tpu.memory_space<vmem>> -> memref<2x128xi32, #tpu.memory_space<vmem>>
        %dma_start3A_295 = arith.constant 0 : i32
        %dma_start3A_296 = tpu.memref_slice %arg3[%dma_start3A_295, %mul3A_289] : memref<2x327680xi32, #tpu.memory_space<hbm>> -> memref<2x128xi32, #tpu.memory_space<hbm>>
        %dma_start3A_297 = arith.constant 0 : i32
        %dma_start3A_298 = arith.constant 0 : i32
        %dma_start3A_299 = tpu.memref_slice %arg5[%dma_start3A_290, %dma_start3A_297, %dma_start3A_298] : memref<2x2x128xi32, #tpu.memory_space<vmem>> -> memref<1x2x128xi32, #tpu.memory_space<vmem>>
        %dma_start3A_300 = tpu.memref_squeeze %dma_start3A_299 : memref<1x2x128xi32, #tpu.memory_space<vmem>> -> memref<2x128xi32, #tpu.memory_space<vmem>>
        %dma_start3A_301 = arith.constant 0 : i32
        %dma_start3A_302 = tpu.memref_slice %arg3[%dma_start3A_301, %mul3A_289] : memref<2x327680xi32, #tpu.memory_space<hbm>> -> memref<2x128xi32, #tpu.memory_space<hbm>>
        tpu.enqueue_dma source(%dma_start3A_302 : memref<2x128xi32, #tpu.memory_space<hbm>>) target(%dma_start3A_300 : memref<2x128xi32, #tpu.memory_space<vmem>>) target_semaphore(%arg12 : memref<!tpu.dma_semaphore, #tpu.memory_space<semaphore_mem>>)
      } else {
      }
      %add3A_279 = arith.constant 2 : i32
      %add3A_280 = arith.addi %mul3A_208, %add3A_279 : i32
      %lt3A_281 = arith.cmpi slt, %add3A_280, %select_n3A_2 : i32
      %convert_element_type3A_282 = arith.extui %lt3A_281 : i1 to i32
      %cond3A_283 = arith.constant 0 : i32
      %cond3A_284 = arith.cmpi ne, %convert_element_type3A_282, %cond3A_283 : i32
      scf.if %cond3A_284 {
        %add3A_285 = arith.addi %select_n3A_9, %mul3A_208 : i32
        %add3A_286 = arith.constant 2 : i32
        %add3A_287 = arith.addi %add3A_285, %add3A_286 : i32
        %mul3A_288 = arith.constant 128 : i32
        %mul3A_289 = arith.muli %add3A_287, %mul3A_288 : i32
        %dma_wait3A_290 = arith.constant 0 : i32
        %dma_wait3A_291 = arith.constant 0 : i32
        %dma_wait3A_292 = arith.constant 0 : i32
        %dma_wait3A_293 = tpu.memref_slice %arg5[%dma_wait3A_290, %dma_wait3A_291, %dma_wait3A_292] : memref<2x2x128xi32, #tpu.memory_space<vmem>> -> memref<1x2x128xi32, #tpu.memory_space<vmem>>
        %dma_wait3A_294 = tpu.memref_squeeze %dma_wait3A_293 : memref<1x2x128xi32, #tpu.memory_space<vmem>> -> memref<2x128xi32, #tpu.memory_space<vmem>>
        %dma_wait3A_295 = arith.constant 0 : i32
        %dma_wait3A_296 = tpu.memref_slice %arg3[%dma_wait3A_295, %mul3A_289] : memref<2x327680xi32, #tpu.memory_space<hbm>> -> memref<2x128xi32, #tpu.memory_space<hbm>>
        %dma_wait3A_297 = arith.constant 0 : i32
        %dma_wait3A_298 = arith.constant 0 : i32
        %dma_wait3A_299 = tpu.memref_slice %arg5[%dma_wait3A_290, %dma_wait3A_297, %dma_wait3A_298] : memref<2x2x128xi32, #tpu.memory_space<vmem>> -> memref<1x2x128xi32, #tpu.memory_space<vmem>>
        %dma_wait3A_300 = tpu.memref_squeeze %dma_wait3A_299 : memref<1x2x128xi32, #tpu.memory_space<vmem>> -> memref<2x128xi32, #tpu.memory_space<vmem>>
        %dma_wait3A_301 = arith.constant 0 : i32
        %dma_wait3A_302 = tpu.memref_slice %arg3[%dma_wait3A_301, %mul3A_289] : memref<2x327680xi32, #tpu.memory_space<hbm>> -> memref<2x128xi32, #tpu.memory_space<hbm>>
        tpu.wait_dma2 semaphore(%arg11 : memref<!tpu.dma_semaphore, #tpu.memory_space<semaphore_mem>>) src(%dma_wait3A_302 : memref<2x128xi32, #tpu.memory_space<hbm>>) dst(%dma_wait3A_300 : memref<2x128xi32, #tpu.memory_space<vmem>>)
        %dma_start3A_303 = arith.constant 0 : i32
        %dma_start3A_304 = arith.constant 0 : i32
        %dma_start3A_305 = arith.constant 0 : i32
        %dma_start3A_306 = arith.constant 0 : i32
        %dma_start3A_307 = arith.constant 0 : i32
        %dma_start3A_308 = tpu.memref_slice %arg6[%dma_start3A_305, %dma_start3A_306, %dma_start3A_307] : memref<2x128x128xf32, #tpu.memory_space<vmem>> -> memref<1x128x128xf32, #tpu.memory_space<vmem>>
        %dma_start3A_309 = tpu.memref_squeeze %dma_start3A_308 : memref<1x128x128xf32, #tpu.memory_space<vmem>> -> memref<128x128xf32, #tpu.memory_space<vmem>>
        %dma_start3A_310 = arith.constant 0 : i32
        %dma_start3A_311 = tpu.memref_slice %arg5[%dma_start3A_303, %dma_start3A_304, %dma_start3A_310] : memref<2x2x128xi32, #tpu.memory_space<vmem>> -> memref<1x1x128xi32, #tpu.memory_space<vmem>>
        %dma_start3A_312 = tpu.memref_squeeze %dma_start3A_311 : memref<1x1x128xi32, #tpu.memory_space<vmem>> -> memref<128xi32, #tpu.memory_space<vmem>>
        %dma_start3A_313 = arith.constant 0 : i32
        %dma_start3A_314 = arith.constant 0 : i32
        %dma_start3A_315 = tpu.memref_slice %arg2[%dma_start3A_313, %dma_start3A_314] : memref<10000x128xf32, #tpu.memory_space<hbm>> -> memref<10000x128xf32, #tpu.memory_space<hbm>>
        tpu.enqueue_indirect_dma source(%dma_start3A_315 : memref<10000x128xf32, #tpu.memory_space<hbm>>) target(%dma_start3A_309 : memref<128x128xf32, #tpu.memory_space<vmem>>) offsets(%dma_start3A_312 : memref<128xi32, #tpu.memory_space<vmem>>) semaphore(%arg9 : memref<!tpu.dma_semaphore, #tpu.memory_space<semaphore_mem>>)
      } else {
      }
    }
    %barrier3A_201 = arith.constant 0 : index
    tpu.barrier barrier_id(%barrier3A_201)
    %mul3A_202 = arith.constant 10240 : i32
    %mul3A_203 = arith.muli %arg0, %mul3A_202 : i32
    %add3A_204 = arith.addi %mul3A_203, %multiple_of3A : i32
    %multiple_of3A_205 = tpu.assume_multiple %add3A_204, 8 : i32
    "tpu.region"() ({
      %run_scoped3A = tpu.sem_alloc : memref<!tpu.dma_semaphore, #tpu.memory_space<semaphore_mem>>
      %dma_start3A_206 = arith.constant 0 : i32
      %dma_start3A_207 = tpu.memref_slice %arg4[%multiple_of3A_205, %dma_start3A_206] : memref<20480x128xf32, #tpu.memory_space<hbm>> -> memref<640x128xf32, #tpu.memory_space<hbm>>
      %dma_start3A_208 = arith.constant 0 : i32
      %dma_start3A_209 = tpu.memref_slice %arg8[%multiple_of3A, %dma_start3A_208] : memref<10240x128xf32, #tpu.memory_space<vmem_shared>> -> memref<640x128xf32, #tpu.memory_space<vmem_shared>>
      tpu.enqueue_dma source(%dma_start3A_209 : memref<640x128xf32, #tpu.memory_space<vmem_shared>>) target(%dma_start3A_207 : memref<640x128xf32, #tpu.memory_space<hbm>>) target_semaphore(%run_scoped3A : memref<!tpu.dma_semaphore, #tpu.memory_space<semaphore_mem>>)
      %dma_wait3A_210 = arith.constant 0 : i32
      %dma_wait3A_211 = tpu.memref_slice %arg4[%multiple_of3A_205, %dma_wait3A_210] : memref<20480x128xf32, #tpu.memory_space<hbm>> -> memref<640x128xf32, #tpu.memory_space<hbm>>
      %dma_wait3A_212 = arith.constant 0 : i32
      %dma_wait3A_213 = tpu.memref_slice %arg8[%multiple_of3A, %dma_wait3A_212] : memref<10240x128xf32, #tpu.memory_space<vmem_shared>> -> memref<640x128xf32, #tpu.memory_space<vmem_shared>>
      tpu.wait_dma2 semaphore(%run_scoped3A : memref<!tpu.dma_semaphore, #tpu.memory_space<semaphore_mem>>) src(%dma_wait3A_213 : memref<640x128xf32, #tpu.memory_space<vmem_shared>>) dst(%dma_wait3A_211 : memref<640x128xf32, #tpu.memory_space<hbm>>)
      tpu.yield
    }) : () -> ()
    return
  }
}

#map = affine_map<(d0, d1) -> (0, 0)>
module attributes {stable_mosaic.version = 14 : i64} {
  func.func @segsum(%arg0: i32, %arg1: i32, %arg2: memref<10000x128xf32, #tpu.memory_space<hbm>>, %arg3: memref<2x327680xi32, #tpu.memory_space<hbm>>, %arg4: memref<20480x128xf32, #tpu.memory_space<hbm>>, %arg5: memref<2x2x128xi32, #tpu.memory_space<vmem>>, %arg6: memref<2x128x128xf32, #tpu.memory_space<vmem>>, %arg7: memref<64x128xf32, #tpu.memory_space<vmem>>, %arg8: memref<10240x128xf32, #tpu.memory_space<vmem_shared>>, %arg9: memref<!tpu.dma_semaphore, #tpu.memory_space<semaphore_mem>>, %arg10: memref<!tpu.dma_semaphore, #tpu.memory_space<semaphore_mem>>, %arg11: memref<!tpu.dma_semaphore, #tpu.memory_space<semaphore_mem>>, %arg12: memref<!tpu.dma_semaphore, #tpu.memory_space<semaphore_mem>>) attributes {dimension_semantics = [#tpu.dimension_semantics<core_parallel>, #tpu.dimension_semantics<subcore_parallel>], iteration_bounds = array<i64: 2, 16>, scalar_prefetch = 0 : i64, scratch_operands = 8 : i64, tpu.core_type = #tpu.core_type<sc_vector_subcore>, window_params = [{transform_indices = #map}, {transform_indices = #map}, {transform_indices = #map}]} {
    %eq3A = arith.constant 0 : i32
    %eq3A_0 = arith.cmpi eq, %arg0, %eq3A : i32
    %select_n3A = arith.constant 80 : i32
    %select_n3A_1 = arith.constant 80 : i32
    %select_n3A_2 = arith.select %eq3A_0, %select_n3A_1, %select_n3A : i32
    %eq3A_3 = arith.constant 0 : i32
    %eq3A_4 = arith.cmpi eq, %arg0, %eq3A_3 : i32
    %mul3A = arith.constant 80 : i32
    %mul3A_5 = arith.muli %arg1, %mul3A : i32
    %mul3A_6 = arith.constant 80 : i32
    %mul3A_7 = arith.muli %arg1, %mul3A_6 : i32
    %add3A = arith.constant 1280 : i32
    %add3A_8 = arith.addi %add3A, %mul3A_7 : i32
    %select_n3A_9 = arith.select %eq3A_4, %mul3A_5, %add3A_8 : i32
    %mul3A_10 = arith.constant 128 : i32
    %mul3A_11 = arith.muli %select_n3A_9, %mul3A_10 : i32
    %dma_start3A = arith.constant 0 : i32
    %dma_start3A_12 = arith.constant 0 : i32
    %dma_start3A_13 = arith.constant 0 : i32
    %dma_start3A_14 = tpu.memref_slice %arg5[%dma_start3A, %dma_start3A_12, %dma_start3A_13] : memref<2x2x128xi32, #tpu.memory_space<vmem>> -> memref<1x2x128xi32, #tpu.memory_space<vmem>>
    %dma_start3A_15 = tpu.memref_squeeze %dma_start3A_14 : memref<1x2x128xi32, #tpu.memory_space<vmem>> -> memref<2x128xi32, #tpu.memory_space<vmem>>
    %dma_start3A_16 = arith.constant 0 : i32
    %dma_start3A_17 = tpu.memref_slice %arg3[%dma_start3A_16, %mul3A_11] : memref<2x327680xi32, #tpu.memory_space<hbm>> -> memref<2x128xi32, #tpu.memory_space<hbm>>
    %dma_start3A_18 = arith.constant 0 : i32
    %dma_start3A_19 = arith.constant 0 : i32
    %dma_start3A_20 = tpu.memref_slice %arg5[%dma_start3A, %dma_start3A_18, %dma_start3A_19] : memref<2x2x128xi32, #tpu.memory_space<vmem>> -> memref<1x2x128xi32, #tpu.memory_space<vmem>>
    %dma_start3A_21 = tpu.memref_squeeze %dma_start3A_20 : memref<1x2x128xi32, #tpu.memory_space<vmem>> -> memref<2x128xi32, #tpu.memory_space<vmem>>
    %dma_start3A_22 = arith.constant 0 : i32
    %dma_start3A_23 = tpu.memref_slice %arg3[%dma_start3A_22, %mul3A_11] : memref<2x327680xi32, #tpu.memory_space<hbm>> -> memref<2x128xi32, #tpu.memory_space<hbm>>
    tpu.enqueue_dma source(%dma_start3A_23 : memref<2x128xi32, #tpu.memory_space<hbm>>) target(%dma_start3A_21 : memref<2x128xi32, #tpu.memory_space<vmem>>) target_semaphore(%arg11 : memref<!tpu.dma_semaphore, #tpu.memory_space<semaphore_mem>>)
    %add3A_24 = arith.constant 1 : i32
    %add3A_25 = arith.addi %select_n3A_9, %add3A_24 : i32
    %mul3A_26 = arith.constant 128 : i32
    %mul3A_27 = arith.muli %add3A_25, %mul3A_26 : i32
    %dma_start3A_28 = arith.constant 1 : i32
    %dma_start3A_29 = arith.constant 0 : i32
    %dma_start3A_30 = arith.constant 0 : i32
    %dma_start3A_31 = tpu.memref_slice %arg5[%dma_start3A_28, %dma_start3A_29, %dma_start3A_30] : memref<2x2x128xi32, #tpu.memory_space<vmem>> -> memref<1x2x128xi32, #tpu.memory_space<vmem>>
    %dma_start3A_32 = tpu.memref_squeeze %dma_start3A_31 : memref<1x2x128xi32, #tpu.memory_space<vmem>> -> memref<2x128xi32, #tpu.memory_space<vmem>>
    %dma_start3A_33 = arith.constant 0 : i32
    %dma_start3A_34 = tpu.memref_slice %arg3[%dma_start3A_33, %mul3A_27] : memref<2x327680xi32, #tpu.memory_space<hbm>> -> memref<2x128xi32, #tpu.memory_space<hbm>>
    %dma_start3A_35 = arith.constant 0 : i32
    %dma_start3A_36 = arith.constant 0 : i32
    %dma_start3A_37 = tpu.memref_slice %arg5[%dma_start3A_28, %dma_start3A_35, %dma_start3A_36] : memref<2x2x128xi32, #tpu.memory_space<vmem>> -> memref<1x2x128xi32, #tpu.memory_space<vmem>>
    %dma_start3A_38 = tpu.memref_squeeze %dma_start3A_37 : memref<1x2x128xi32, #tpu.memory_space<vmem>> -> memref<2x128xi32, #tpu.memory_space<vmem>>
    %dma_start3A_39 = arith.constant 0 : i32
    %dma_start3A_40 = tpu.memref_slice %arg3[%dma_start3A_39, %mul3A_27] : memref<2x327680xi32, #tpu.memory_space<hbm>> -> memref<2x128xi32, #tpu.memory_space<hbm>>
    tpu.enqueue_dma source(%dma_start3A_40 : memref<2x128xi32, #tpu.memory_space<hbm>>) target(%dma_start3A_38 : memref<2x128xi32, #tpu.memory_space<vmem>>) target_semaphore(%arg12 : memref<!tpu.dma_semaphore, #tpu.memory_space<semaphore_mem>>)
    %scan3A = arith.constant 0 : i32
    %scan3A_41 = arith.constant 0 : i32
    %scan3A_42 = arith.constant 512 : i32
    %scan3A_43 = arith.addi %scan3A_41, %scan3A_42 : i32
    %scan3A_44 = arith.constant 1 : i32
    scf.for %scan3A_206 = %scan3A_41 to %scan3A_43 step %scan3A_44  : i32 {
      %jit3A_207 = arith.constant 8 : i32
      %div3A_208 = arith.divsi %scan3A_206, %jit3A_207 : i32
      %sign3A_209 = arith.constant 0 : i32
      %sign3A_210 = arith.cmpi sgt, %scan3A_206, %sign3A_209 : i32
      %sign3A_211 = arith.extui %sign3A_210 : i1 to i32
      %sign3A_212 = arith.constant 0 : i32
      %sign3A_213 = arith.cmpi slt, %scan3A_206, %sign3A_212 : i32
      %sign3A_214 = arith.extui %sign3A_213 : i1 to i32
      %sign3A_215 = arith.subi %sign3A_211, %sign3A_214 : i32
      %sign3A_216 = arith.constant 0 : i32
      %sign3A_217 = arith.cmpi sgt, %jit3A_207, %sign3A_216 : i32
      %sign3A_218 = arith.extui %sign3A_217 : i1 to i32
      %sign3A_219 = arith.constant 0 : i32
      %sign3A_220 = arith.cmpi slt, %jit3A_207, %sign3A_219 : i32
      %sign3A_221 = arith.extui %sign3A_220 : i1 to i32
      %sign3A_222 = arith.subi %sign3A_218, %sign3A_221 : i32
      %ne3A_223 = arith.cmpi ne, %sign3A_215, %sign3A_222 : i32
      %rem3A_224 = arith.remsi %scan3A_206, %jit3A_207 : i32
      %ne3A_225 = arith.constant 0 : i32
      %ne3A_226 = arith.cmpi ne, %rem3A_224, %ne3A_225 : i32
      %and3A_227 = arith.andi %ne3A_223, %ne3A_226 : i1
      %sub3A_228 = arith.constant 1 : i32
      %sub3A_229 = arith.subi %div3A_208, %sub3A_228 : i32
      %select_n3A_230 = arith.select %and3A_227, %sub3A_229, %div3A_208 : i32
      %jit3A_231 = arith.constant 8 : i32
      %eq3A_232 = arith.constant 0 : i32
      %eq3A_233 = arith.cmpi eq, %jit3A_231, %eq3A_232 : i32
      %jit3A_234 = arith.constant 1 : i32
      %select_n3A_235 = arith.select %eq3A_233, %jit3A_234, %jit3A_231 : i32
      %rem3A_236 = arith.remsi %scan3A_206, %select_n3A_235 : i32
      %ne3A_237 = arith.constant 0 : i32
      %ne3A_238 = arith.cmpi ne, %rem3A_236, %ne3A_237 : i32
      %lt3A = arith.constant 0 : i32
      %lt3A_239 = arith.cmpi slt, %rem3A_236, %lt3A : i32
      %lt3A_240 = arith.constant 0 : i32
      %lt3A_241 = arith.cmpi slt, %select_n3A_235, %lt3A_240 : i32
      %ne3A_242 = arith.xori %lt3A_239, %lt3A_241 : i1
      %and3A_243 = arith.andi %ne3A_242, %ne3A_238 : i1
      %add3A_244 = arith.addi %rem3A_236, %select_n3A_235 : i32
      %select_n3A_245 = arith.select %and3A_243, %add3A_244, %rem3A_236 : i32
      %mul3A_246 = arith.constant 16 : i32
      %mul3A_247 = arith.muli %select_n3A_245, %mul3A_246 : i32
      %broadcast_in_dim3A = arith.constant 0.000000e+00 : f32
      %broadcast_in_dim3A_248 = vector.broadcast %broadcast_in_dim3A : f32 to vector<16xf32>
      %swap3A = arith.index_cast %select_n3A_230 : i32 to index
      %swap3A_249 = arith.index_cast %mul3A_247 : i32 to index
      %swap3A_250 = tpu.vector_load %arg7[%swap3A, %swap3A_249] {strides = array<i32>} : memref<64x128xf32, #tpu.memory_space<vmem>>, vector<1x16xf32>,
      %swap3A_251 = vector.shape_cast %swap3A_250 : vector<1x16xf32> to vector<16xf32>
      %swap3A_252 = vector.shape_cast %broadcast_in_dim3A_248 : vector<16xf32> to vector<1x16xf32>
      tpu.vector_store %arg7[%swap3A, %swap3A_249], %swap3A_252 {strides = array<i32>} : memref<64x128xf32, #tpu.memory_space<vmem>>, vector<1x16xf32>,
    }
    %scan3A_45 = arith.constant 512 : i32
    %mul3A_46 = arith.constant 640 : i32
    %mul3A_47 = arith.muli %arg1, %mul3A_46 : i32
    %multiple_of3A = tpu.assume_multiple %mul3A_47, 8 : i32
    %add3A_48 = arith.constant 0 : i32
    %add3A_49 = arith.addi %multiple_of3A, %add3A_48 : i32
    %dma_start3A_50 = arith.constant 0 : i32
    %dma_start3A_51 = tpu.memref_slice %arg8[%add3A_49, %dma_start3A_50] : memref<10240x128xf32, #tpu.memory_space<vmem_shared>> -> memref<64x128xf32, #tpu.memory_space<vmem_shared>>
    %dma_start3A_52 = arith.constant 0 : i32
    %dma_start3A_53 = tpu.memref_slice %arg8[%add3A_49, %dma_start3A_52] : memref<10240x128xf32, #tpu.memory_space<vmem_shared>> -> memref<64x128xf32, #tpu.memory_space<vmem_shared>>
    tpu.enqueue_dma source(%arg7 : memref<64x128xf32, #tpu.memory_space<vmem>>) target(%dma_start3A_53 : memref<64x128xf32, #tpu.memory_space<vmem_shared>>) target_semaphore(%arg10 : memref<!tpu.dma_semaphore, #tpu.memory_space<semaphore_mem>>)
    %add3A_54 = arith.constant 64 : i32
    %add3A_55 = arith.addi %multiple_of3A, %add3A_54 : i32
    %dma_start3A_56 = arith.constant 0 : i32
    %dma_start3A_57 = tpu.memref_slice %arg8[%add3A_55, %dma_start3A_56] : memref<10240x128xf32, #tpu.memory_space<vmem_shared>> -> memref<64x128xf32, #tpu.memory_space<vmem_shared>>
    %dma_start3A_58 = arith.constant 0 : i32
    %dma_start3A_59 = tpu.memref_slice %arg8[%add3A_55, %dma_start3A_58] : memref<10240x128xf32, #tpu.memory_space<vmem_shared>> -> memref<64x128xf32, #tpu.memory_space<vmem_shared>>
    tpu.enqueue_dma source(%arg7 : memref<64x128xf32, #tpu.memory_space<vmem>>) target(%dma_start3A_59 : memref<64x128xf32, #tpu.memory_space<vmem_shared>>) target_semaphore(%arg10 : memref<!tpu.dma_semaphore, #tpu.memory_space<semaphore_mem>>)
    %add3A_60 = arith.constant 128 : i32
    %add3A_61 = arith.addi %multiple_of3A, %add3A_60 : i32
    %dma_start3A_62 = arith.constant 0 : i32
    %dma_start3A_63 = tpu.memref_slice %arg8[%add3A_61, %dma_start3A_62] : memref<10240x128xf32, #tpu.memory_space<vmem_shared>> -> memref<64x128xf32, #tpu.memory_space<vmem_shared>>
    %dma_start3A_64 = arith.constant 0 : i32
    %dma_start3A_65 = tpu.memref_slice %arg8[%add3A_61, %dma_start3A_64] : memref<10240x128xf32, #tpu.memory_space<vmem_shared>> -> memref<64x128xf32, #tpu.memory_space<vmem_shared>>
    tpu.enqueue_dma source(%arg7 : memref<64x128xf32, #tpu.memory_space<vmem>>) target(%dma_start3A_65 : memref<64x128xf32, #tpu.memory_space<vmem_shared>>) target_semaphore(%arg10 : memref<!tpu.dma_semaphore, #tpu.memory_space<semaphore_mem>>)
    %add3A_66 = arith.constant 192 : i32
    %add3A_67 = arith.addi %multiple_of3A, %add3A_66 : i32
    %dma_start3A_68 = arith.constant 0 : i32
    %dma_start3A_69 = tpu.memref_slice %arg8[%add3A_67, %dma_start3A_68] : memref<10240x128xf32, #tpu.memory_space<vmem_shared>> -> memref<64x128xf32, #tpu.memory_space<vmem_shared>>
    %dma_start3A_70 = arith.constant 0 : i32
    %dma_start3A_71 = tpu.memref_slice %arg8[%add3A_67, %dma_start3A_70] : memref<10240x128xf32, #tpu.memory_space<vmem_shared>> -> memref<64x128xf32, #tpu.memory_space<vmem_shared>>
    tpu.enqueue_dma source(%arg7 : memref<64x128xf32, #tpu.memory_space<vmem>>) target(%dma_start3A_71 : memref<64x128xf32, #tpu.memory_space<vmem_shared>>) target_semaphore(%arg10 : memref<!tpu.dma_semaphore, #tpu.memory_space<semaphore_mem>>)
    %add3A_72 = arith.constant 256 : i32
    %add3A_73 = arith.addi %multiple_of3A, %add3A_72 : i32
    %dma_start3A_74 = arith.constant 0 : i32
    %dma_start3A_75 = tpu.memref_slice %arg8[%add3A_73, %dma_start3A_74] : memref<10240x128xf32, #tpu.memory_space<vmem_shared>> -> memref<64x128xf32, #tpu.memory_space<vmem_shared>>
    %dma_start3A_76 = arith.constant 0 : i32
    %dma_start3A_77 = tpu.memref_slice %arg8[%add3A_73, %dma_start3A_76] : memref<10240x128xf32, #tpu.memory_space<vmem_shared>> -> memref<64x128xf32, #tpu.memory_space<vmem_shared>>
    tpu.enqueue_dma source(%arg7 : memref<64x128xf32, #tpu.memory_space<vmem>>) target(%dma_start3A_77 : memref<64x128xf32, #tpu.memory_space<vmem_shared>>) target_semaphore(%arg10 : memref<!tpu.dma_semaphore, #tpu.memory_space<semaphore_mem>>)
    %add3A_78 = arith.constant 320 : i32
    %add3A_79 = arith.addi %multiple_of3A, %add3A_78 : i32
    %dma_start3A_80 = arith.constant 0 : i32
    %dma_start3A_81 = tpu.memref_slice %arg8[%add3A_79, %dma_start3A_80] : memref<10240x128xf32, #tpu.memory_space<vmem_shared>> -> memref<64x128xf32, #tpu.memory_space<vmem_shared>>
    %dma_start3A_82 = arith.constant 0 : i32
    %dma_start3A_83 = tpu.memref_slice %arg8[%add3A_79, %dma_start3A_82] : memref<10240x128xf32, #tpu.memory_space<vmem_shared>> -> memref<64x128xf32, #tpu.memory_space<vmem_shared>>
    tpu.enqueue_dma source(%arg7 : memref<64x128xf32, #tpu.memory_space<vmem>>) target(%dma_start3A_83 : memref<64x128xf32, #tpu.memory_space<vmem_shared>>) target_semaphore(%arg10 : memref<!tpu.dma_semaphore, #tpu.memory_space<semaphore_mem>>)
    %add3A_84 = arith.constant 384 : i32
    %add3A_85 = arith.addi %multiple_of3A, %add3A_84 : i32
    %dma_start3A_86 = arith.constant 0 : i32
    %dma_start3A_87 = tpu.memref_slice %arg8[%add3A_85, %dma_start3A_86] : memref<10240x128xf32, #tpu.memory_space<vmem_shared>> -> memref<64x128xf32, #tpu.memory_space<vmem_shared>>
    %dma_start3A_88 = arith.constant 0 : i32
    %dma_start3A_89 = tpu.memref_slice %arg8[%add3A_85, %dma_start3A_88] : memref<10240x128xf32, #tpu.memory_space<vmem_shared>> -> memref<64x128xf32, #tpu.memory_space<vmem_shared>>
    tpu.enqueue_dma source(%arg7 : memref<64x128xf32, #tpu.memory_space<vmem>>) target(%dma_start3A_89 : memref<64x128xf32, #tpu.memory_space<vmem_shared>>) target_semaphore(%arg10 : memref<!tpu.dma_semaphore, #tpu.memory_space<semaphore_mem>>)
    %add3A_90 = arith.constant 448 : i32
    %add3A_91 = arith.addi %multiple_of3A, %add3A_90 : i32
    %dma_start3A_92 = arith.constant 0 : i32
    %dma_start3A_93 = tpu.memref_slice %arg8[%add3A_91, %dma_start3A_92] : memref<10240x128xf32, #tpu.memory_space<vmem_shared>> -> memref<64x128xf32, #tpu.memory_space<vmem_shared>>
    %dma_start3A_94 = arith.constant 0 : i32
    %dma_start3A_95 = tpu.memref_slice %arg8[%add3A_91, %dma_start3A_94] : memref<10240x128xf32, #tpu.memory_space<vmem_shared>> -> memref<64x128xf32, #tpu.memory_space<vmem_shared>>
    tpu.enqueue_dma source(%arg7 : memref<64x128xf32, #tpu.memory_space<vmem>>) target(%dma_start3A_95 : memref<64x128xf32, #tpu.memory_space<vmem_shared>>) target_semaphore(%arg10 : memref<!tpu.dma_semaphore, #tpu.memory_space<semaphore_mem>>)
    %add3A_96 = arith.constant 512 : i32
    %add3A_97 = arith.addi %multiple_of3A, %add3A_96 : i32
    %dma_start3A_98 = arith.constant 0 : i32
    %dma_start3A_99 = tpu.memref_slice %arg8[%add3A_97, %dma_start3A_98] : memref<10240x128xf32, #tpu.memory_space<vmem_shared>> -> memref<64x128xf32, #tpu.memory_space<vmem_shared>>
    %dma_start3A_100 = arith.constant 0 : i32
    %dma_start3A_101 = tpu.memref_slice %arg8[%add3A_97, %dma_start3A_100] : memref<10240x128xf32, #tpu.memory_space<vmem_shared>> -> memref<64x128xf32, #tpu.memory_space<vmem_shared>>
    tpu.enqueue_dma source(%arg7 : memref<64x128xf32, #tpu.memory_space<vmem>>) target(%dma_start3A_101 : memref<64x128xf32, #tpu.memory_space<vmem_shared>>) target_semaphore(%arg10 : memref<!tpu.dma_semaphore, #tpu.memory_space<semaphore_mem>>)
    %add3A_102 = arith.constant 576 : i32
    %add3A_103 = arith.addi %multiple_of3A, %add3A_102 : i32
    %dma_start3A_104 = arith.constant 0 : i32
    %dma_start3A_105 = tpu.memref_slice %arg8[%add3A_103, %dma_start3A_104] : memref<10240x128xf32, #tpu.memory_space<vmem_shared>> -> memref<64x128xf32, #tpu.memory_space<vmem_shared>>
    %dma_start3A_106 = arith.constant 0 : i32
    %dma_start3A_107 = tpu.memref_slice %arg8[%add3A_103, %dma_start3A_106] : memref<10240x128xf32, #tpu.memory_space<vmem_shared>> -> memref<64x128xf32, #tpu.memory_space<vmem_shared>>
    tpu.enqueue_dma source(%arg7 : memref<64x128xf32, #tpu.memory_space<vmem>>) target(%dma_start3A_107 : memref<64x128xf32, #tpu.memory_space<vmem_shared>>) target_semaphore(%arg10 : memref<!tpu.dma_semaphore, #tpu.memory_space<semaphore_mem>>)
    %dma_wait3A = arith.constant 0 : i32
    %dma_wait3A_108 = tpu.memref_slice %arg8[%multiple_of3A, %dma_wait3A] : memref<10240x128xf32, #tpu.memory_space<vmem_shared>> -> memref<64x128xf32, #tpu.memory_space<vmem_shared>>
    %dma_wait3A_109 = arith.constant 0 : i32
    %dma_wait3A_110 = tpu.memref_slice %arg8[%multiple_of3A, %dma_wait3A_109] : memref<10240x128xf32, #tpu.memory_space<vmem_shared>> -> memref<64x128xf32, #tpu.memory_space<vmem_shared>>
    tpu.wait_dma2 semaphore(%arg10 : memref<!tpu.dma_semaphore, #tpu.memory_space<semaphore_mem>>) src(%arg7 : memref<64x128xf32, #tpu.memory_space<vmem>>) dst(%dma_wait3A_110 : memref<64x128xf32, #tpu.memory_space<vmem_shared>>)
    %dma_wait3A_111 = arith.constant 0 : i32
    %dma_wait3A_112 = tpu.memref_slice %arg8[%multiple_of3A, %dma_wait3A_111] : memref<10240x128xf32, #tpu.memory_space<vmem_shared>> -> memref<64x128xf32, #tpu.memory_space<vmem_shared>>
    %dma_wait3A_113 = arith.constant 0 : i32
    %dma_wait3A_114 = tpu.memref_slice %arg8[%multiple_of3A, %dma_wait3A_113] : memref<10240x128xf32, #tpu.memory_space<vmem_shared>> -> memref<64x128xf32, #tpu.memory_space<vmem_shared>>
    tpu.wait_dma2 semaphore(%arg10 : memref<!tpu.dma_semaphore, #tpu.memory_space<semaphore_mem>>) src(%arg7 : memref<64x128xf32, #tpu.memory_space<vmem>>) dst(%dma_wait3A_114 : memref<64x128xf32, #tpu.memory_space<vmem_shared>>)
    %dma_wait3A_115 = arith.constant 0 : i32
    %dma_wait3A_116 = tpu.memref_slice %arg8[%multiple_of3A, %dma_wait3A_115] : memref<10240x128xf32, #tpu.memory_space<vmem_shared>> -> memref<64x128xf32, #tpu.memory_space<vmem_shared>>
    %dma_wait3A_117 = arith.constant 0 : i32
    %dma_wait3A_118 = tpu.memref_slice %arg8[%multiple_of3A, %dma_wait3A_117] : memref<10240x128xf32, #tpu.memory_space<vmem_shared>> -> memref<64x128xf32, #tpu.memory_space<vmem_shared>>
    tpu.wait_dma2 semaphore(%arg10 : memref<!tpu.dma_semaphore, #tpu.memory_space<semaphore_mem>>) src(%arg7 : memref<64x128xf32, #tpu.memory_space<vmem>>) dst(%dma_wait3A_118 : memref<64x128xf32, #tpu.memory_space<vmem_shared>>)
    %dma_wait3A_119 = arith.constant 0 : i32
    %dma_wait3A_120 = tpu.memref_slice %arg8[%multiple_of3A, %dma_wait3A_119] : memref<10240x128xf32, #tpu.memory_space<vmem_shared>> -> memref<64x128xf32, #tpu.memory_space<vmem_shared>>
    %dma_wait3A_121 = arith.constant 0 : i32
    %dma_wait3A_122 = tpu.memref_slice %arg8[%multiple_of3A, %dma_wait3A_121] : memref<10240x128xf32, #tpu.memory_space<vmem_shared>> -> memref<64x128xf32, #tpu.memory_space<vmem_shared>>
    tpu.wait_dma2 semaphore(%arg10 : memref<!tpu.dma_semaphore, #tpu.memory_space<semaphore_mem>>) src(%arg7 : memref<64x128xf32, #tpu.memory_space<vmem>>) dst(%dma_wait3A_122 : memref<64x128xf32, #tpu.memory_space<vmem_shared>>)
    %dma_wait3A_123 = arith.constant 0 : i32
    %dma_wait3A_124 = tpu.memref_slice %arg8[%multiple_of3A, %dma_wait3A_123] : memref<10240x128xf32, #tpu.memory_space<vmem_shared>> -> memref<64x128xf32, #tpu.memory_space<vmem_shared>>
    %dma_wait3A_125 = arith.constant 0 : i32
    %dma_wait3A_126 = tpu.memref_slice %arg8[%multiple_of3A, %dma_wait3A_125] : memref<10240x128xf32, #tpu.memory_space<vmem_shared>> -> memref<64x128xf32, #tpu.memory_space<vmem_shared>>
    tpu.wait_dma2 semaphore(%arg10 : memref<!tpu.dma_semaphore, #tpu.memory_space<semaphore_mem>>) src(%arg7 : memref<64x128xf32, #tpu.memory_space<vmem>>) dst(%dma_wait3A_126 : memref<64x128xf32, #tpu.memory_space<vmem_shared>>)
    %dma_wait3A_127 = arith.constant 0 : i32
    %dma_wait3A_128 = tpu.memref_slice %arg8[%multiple_of3A, %dma_wait3A_127] : memref<10240x128xf32, #tpu.memory_space<vmem_shared>> -> memref<64x128xf32, #tpu.memory_space<vmem_shared>>
    %dma_wait3A_129 = arith.constant 0 : i32
    %dma_wait3A_130 = tpu.memref_slice %arg8[%multiple_of3A, %dma_wait3A_129] : memref<10240x128xf32, #tpu.memory_space<vmem_shared>> -> memref<64x128xf32, #tpu.memory_space<vmem_shared>>
    tpu.wait_dma2 semaphore(%arg10 : memref<!tpu.dma_semaphore, #tpu.memory_space<semaphore_mem>>) src(%arg7 : memref<64x128xf32, #tpu.memory_space<vmem>>) dst(%dma_wait3A_130 : memref<64x128xf32, #tpu.memory_space<vmem_shared>>)
    %dma_wait3A_131 = arith.constant 0 : i32
    %dma_wait3A_132 = tpu.memref_slice %arg8[%multiple_of3A, %dma_wait3A_131] : memref<10240x128xf32, #tpu.memory_space<vmem_shared>> -> memref<64x128xf32, #tpu.memory_space<vmem_shared>>
    %dma_wait3A_133 = arith.constant 0 : i32
    %dma_wait3A_134 = tpu.memref_slice %arg8[%multiple_of3A, %dma_wait3A_133] : memref<10240x128xf32, #tpu.memory_space<vmem_shared>> -> memref<64x128xf32, #tpu.memory_space<vmem_shared>>
    tpu.wait_dma2 semaphore(%arg10 : memref<!tpu.dma_semaphore, #tpu.memory_space<semaphore_mem>>) src(%arg7 : memref<64x128xf32, #tpu.memory_space<vmem>>) dst(%dma_wait3A_134 : memref<64x128xf32, #tpu.memory_space<vmem_shared>>)
    %dma_wait3A_135 = arith.constant 0 : i32
    %dma_wait3A_136 = tpu.memref_slice %arg8[%multiple_of3A, %dma_wait3A_135] : memref<10240x128xf32, #tpu.memory_space<vmem_shared>> -> memref<64x128xf32, #tpu.memory_space<vmem_shared>>
    %dma_wait3A_137 = arith.constant 0 : i32
    %dma_wait3A_138 = tpu.memref_slice %arg8[%multiple_of3A, %dma_wait3A_137] : memref<10240x128xf32, #tpu.memory_space<vmem_shared>> -> memref<64x128xf32, #tpu.memory_space<vmem_shared>>
    tpu.wait_dma2 semaphore(%arg10 : memref<!tpu.dma_semaphore, #tpu.memory_space<semaphore_mem>>) src(%arg7 : memref<64x128xf32, #tpu.memory_space<vmem>>) dst(%dma_wait3A_138 : memref<64x128xf32, #tpu.memory_space<vmem_shared>>)
    %dma_wait3A_139 = arith.constant 0 : i32
    %dma_wait3A_140 = tpu.memref_slice %arg8[%multiple_of3A, %dma_wait3A_139] : memref<10240x128xf32, #tpu.memory_space<vmem_shared>> -> memref<64x128xf32, #tpu.memory_space<vmem_shared>>
    %dma_wait3A_141 = arith.constant 0 : i32
    %dma_wait3A_142 = tpu.memref_slice %arg8[%multiple_of3A, %dma_wait3A_141] : memref<10240x128xf32, #tpu.memory_space<vmem_shared>> -> memref<64x128xf32, #tpu.memory_space<vmem_shared>>
    tpu.wait_dma2 semaphore(%arg10 : memref<!tpu.dma_semaphore, #tpu.memory_space<semaphore_mem>>) src(%arg7 : memref<64x128xf32, #tpu.memory_space<vmem>>) dst(%dma_wait3A_142 : memref<64x128xf32, #tpu.memory_space<vmem_shared>>)
    %dma_wait3A_143 = arith.constant 0 : i32
    %dma_wait3A_144 = tpu.memref_slice %arg8[%multiple_of3A, %dma_wait3A_143] : memref<10240x128xf32, #tpu.memory_space<vmem_shared>> -> memref<64x128xf32, #tpu.memory_space<vmem_shared>>
    %dma_wait3A_145 = arith.constant 0 : i32
    %dma_wait3A_146 = tpu.memref_slice %arg8[%multiple_of3A, %dma_wait3A_145] : memref<10240x128xf32, #tpu.memory_space<vmem_shared>> -> memref<64x128xf32, #tpu.memory_space<vmem_shared>>
    tpu.wait_dma2 semaphore(%arg10 : memref<!tpu.dma_semaphore, #tpu.memory_space<semaphore_mem>>) src(%arg7 : memref<64x128xf32, #tpu.memory_space<vmem>>) dst(%dma_wait3A_146 : memref<64x128xf32, #tpu.memory_space<vmem_shared>>)
    %mul3A_147 = arith.constant 128 : i32
    %mul3A_148 = arith.muli %select_n3A_9, %mul3A_147 : i32
    %dma_wait3A_149 = arith.constant 0 : i32
    %dma_wait3A_150 = arith.constant 0 : i32
    %dma_wait3A_151 = arith.constant 0 : i32
    %dma_wait3A_152 = tpu.memref_slice %arg5[%dma_wait3A_149, %dma_wait3A_150, %dma_wait3A_151] : memref<2x2x128xi32, #tpu.memory_space<vmem>> -> memref<1x2x128xi32, #tpu.memory_space<vmem>>
    %dma_wait3A_153 = tpu.memref_squeeze %dma_wait3A_152 : memref<1x2x128xi32, #tpu.memory_space<vmem>> -> memref<2x128xi32, #tpu.memory_space<vmem>>
    %dma_wait3A_154 = arith.constant 0 : i32
    %dma_wait3A_155 = tpu.memref_slice %arg3[%dma_wait3A_154, %mul3A_148] : memref<2x327680xi32, #tpu.memory_space<hbm>> -> memref<2x128xi32, #tpu.memory_space<hbm>>
    %dma_wait3A_156 = arith.constant 0 : i32
    %dma_wait3A_157 = arith.constant 0 : i32
    %dma_wait3A_158 = tpu.memref_slice %arg5[%dma_wait3A_149, %dma_wait3A_156, %dma_wait3A_157] : memref<2x2x128xi32, #tpu.memory_space<vmem>> -> memref<1x2x128xi32, #tpu.memory_space<vmem>>
    %dma_wait3A_159 = tpu.memref_squeeze %dma_wait3A_158 : memref<1x2x128xi32, #tpu.memory_space<vmem>> -> memref<2x128xi32, #tpu.memory_space<vmem>>
    %dma_wait3A_160 = arith.constant 0 : i32
    %dma_wait3A_161 = tpu.memref_slice %arg3[%dma_wait3A_160, %mul3A_148] : memref<2x327680xi32, #tpu.memory_space<hbm>> -> memref<2x128xi32, #tpu.memory_space<hbm>>
    tpu.wait_dma2 semaphore(%arg11 : memref<!tpu.dma_semaphore, #tpu.memory_space<semaphore_mem>>) src(%dma_wait3A_161 : memref<2x128xi32, #tpu.memory_space<hbm>>) dst(%dma_wait3A_159 : memref<2x128xi32, #tpu.memory_space<vmem>>)
    %dma_start3A_162 = arith.constant 0 : i32
    %dma_start3A_163 = arith.constant 0 : i32
    %dma_start3A_164 = arith.constant 0 : i32
    %dma_start3A_165 = arith.constant 0 : i32
    %dma_start3A_166 = arith.constant 0 : i32
    %dma_start3A_167 = tpu.memref_slice %arg6[%dma_start3A_164, %dma_start3A_165, %dma_start3A_166] : memref<2x128x128xf32, #tpu.memory_space<vmem>> -> memref<1x128x128xf32, #tpu.memory_space<vmem>>
    %dma_start3A_168 = tpu.memref_squeeze %dma_start3A_167 : memref<1x128x128xf32, #tpu.memory_space<vmem>> -> memref<128x128xf32, #tpu.memory_space<vmem>>
    %dma_start3A_169 = arith.constant 0 : i32
    %dma_start3A_170 = tpu.memref_slice %arg5[%dma_start3A_162, %dma_start3A_163, %dma_start3A_169] : memref<2x2x128xi32, #tpu.memory_space<vmem>> -> memref<1x1x128xi32, #tpu.memory_space<vmem>>
    %dma_start3A_171 = tpu.memref_squeeze %dma_start3A_170 : memref<1x1x128xi32, #tpu.memory_space<vmem>> -> memref<128xi32, #tpu.memory_space<vmem>>
    %dma_start3A_172 = arith.constant 0 : i32
    %dma_start3A_173 = arith.constant 0 : i32
    %dma_start3A_174 = tpu.memref_slice %arg2[%dma_start3A_172, %dma_start3A_173] : memref<10000x128xf32, #tpu.memory_space<hbm>> -> memref<10000x128xf32, #tpu.memory_space<hbm>>
    tpu.enqueue_indirect_dma source(%dma_start3A_174 : memref<10000x128xf32, #tpu.memory_space<hbm>>) target(%dma_start3A_168 : memref<128x128xf32, #tpu.memory_space<vmem>>) offsets(%dma_start3A_171 : memref<128xi32, #tpu.memory_space<vmem>>) semaphore(%arg9 : memref<!tpu.dma_semaphore, #tpu.memory_space<semaphore_mem>>)
    %barrier3A = arith.constant 0 : index
    tpu.barrier barrier_id(%barrier3A)
    %jit3A = arith.constant 2 : i32
    %div3A = arith.divsi %select_n3A_2, %jit3A : i32
    %sign3A = arith.constant 0 : i32
    %sign3A_175 = arith.cmpi sgt, %select_n3A_2, %sign3A : i32
    %sign3A_176 = arith.extui %sign3A_175 : i1 to i32
    %sign3A_177 = arith.constant 0 : i32
    %sign3A_178 = arith.cmpi slt, %select_n3A_2, %sign3A_177 : i32
    %sign3A_179 = arith.extui %sign3A_178 : i1 to i32
    %sign3A_180 = arith.subi %sign3A_176, %sign3A_179 : i32
    %sign3A_181 = arith.constant 0 : i32
    %sign3A_182 = arith.cmpi sgt, %jit3A, %sign3A_181 : i32
    %sign3A_183 = arith.extui %sign3A_182 : i1 to i32
    %sign3A_184 = arith.constant 0 : i32
    %sign3A_185 = arith.cmpi slt, %jit3A, %sign3A_184 : i32
    %sign3A_186 = arith.extui %sign3A_185 : i1 to i32
    %sign3A_187 = arith.subi %sign3A_183, %sign3A_186 : i32
    %ne3A = arith.cmpi ne, %sign3A_180, %sign3A_187 : i32
    %rem3A = arith.remsi %select_n3A_2, %jit3A : i32
    %ne3A_188 = arith.constant 0 : i32
    %ne3A_189 = arith.cmpi ne, %rem3A, %ne3A_188 : i32
    %and3A = arith.andi %ne3A, %ne3A_189 : i1
    %sub3A = arith.constant 1 : i32
    %sub3A_190 = arith.subi %div3A, %sub3A : i32
    %select_n3A_191 = arith.select %and3A, %sub3A_190, %div3A : i32
    %while3A = arith.constant 0 : i32
    %while3A_192 = arith.constant 0 : i32
    %while3A_193 = arith.subi %select_n3A_191, %while3A_192 : i32
    %while3A_194 = arith.addi %while3A_192, %while3A_193 : i32
    %while3A_195 = arith.constant 1 : i32
    %while3A_196 = arith.divsi %while3A_193, %while3A_195 : i32
    %while3A_197 = arith.muli %while3A_196, %while3A_195 : i32
    %while3A_198 = arith.addi %while3A_192, %while3A_197 : i32
    %while3A_199 = arith.constant 1 : i32
    scf.for %while3A_206 = %while3A_192 to %while3A_198 step %while3A_199  : i32 {
      %mul3A_207 = arith.constant 2 : i32
      %mul3A_208 = arith.muli %mul3A_207, %while3A_206 : i32
      %add3A_209 = arith.constant 1 : i32
      %add3A_210 = arith.addi %select_n3A_9, %add3A_209 : i32
      %mul3A_211 = arith.constant 128 : i32
      %mul3A_212 = arith.muli %add3A_210, %mul3A_211 : i32
      %dma_wait3A_213 = arith.constant 1 : i32
      %dma_wait3A_214 = arith.constant 0 : i32
      %dma_wait3A_215 = arith.constant 0 : i32
      %dma_wait3A_216 = tpu.memref_slice %arg5[%dma_wait3A_213, %dma_wait3A_214, %dma_wait3A_215] : memref<2x2x128xi32, #tpu.memory_space<vmem>> -> memref<1x2x128xi32, #tpu.memory_space<vmem>>
      %dma_wait3A_217 = tpu.memref_squeeze %dma_wait3A_216 : memref<1x2x128xi32, #tpu.memory_space<vmem>> -> memref<2x128xi32, #tpu.memory_space<vmem>>
      %dma_wait3A_218 = arith.constant 0 : i32
      %dma_wait3A_219 = tpu.memref_slice %arg3[%dma_wait3A_218, %mul3A_212] : memref<2x327680xi32, #tpu.memory_space<hbm>> -> memref<2x128xi32, #tpu.memory_space<hbm>>
      %dma_wait3A_220 = arith.constant 0 : i32
      %dma_wait3A_221 = arith.constant 0 : i32
      %dma_wait3A_222 = tpu.memref_slice %arg5[%dma_wait3A_213, %dma_wait3A_220, %dma_wait3A_221] : memref<2x2x128xi32, #tpu.memory_space<vmem>> -> memref<1x2x128xi32, #tpu.memory_space<vmem>>
      %dma_wait3A_223 = tpu.memref_squeeze %dma_wait3A_222 : memref<1x2x128xi32, #tpu.memory_space<vmem>> -> memref<2x128xi32, #tpu.memory_space<vmem>>
      %dma_wait3A_224 = arith.constant 0 : i32
      %dma_wait3A_225 = tpu.memref_slice %arg3[%dma_wait3A_224, %mul3A_212] : memref<2x327680xi32, #tpu.memory_space<hbm>> -> memref<2x128xi32, #tpu.memory_space<hbm>>
      tpu.wait_dma2 semaphore(%arg12 : memref<!tpu.dma_semaphore, #tpu.memory_space<semaphore_mem>>) src(%dma_wait3A_225 : memref<2x128xi32, #tpu.memory_space<hbm>>) dst(%dma_wait3A_223 : memref<2x128xi32, #tpu.memory_space<vmem>>)
      %dma_start3A_226 = arith.constant 1 : i32
      %dma_start3A_227 = arith.constant 0 : i32
      %dma_start3A_228 = arith.constant 1 : i32
      %dma_start3A_229 = arith.constant 0 : i32
      %dma_start3A_230 = arith.constant 0 : i32
      %dma_start3A_231 = tpu.memref_slice %arg6[%dma_start3A_228, %dma_start3A_229, %dma_start3A_230] : memref<2x128x128xf32, #tpu.memory_space<vmem>> -> memref<1x128x128xf32, #tpu.memory_space<vmem>>
      %dma_start3A_232 = tpu.memref_squeeze %dma_start3A_231 : memref<1x128x128xf32, #tpu.memory_space<vmem>> -> memref<128x128xf32, #tpu.memory_space<vmem>>
      %dma_start3A_233 = arith.constant 0 : i32
      %dma_start3A_234 = tpu.memref_slice %arg5[%dma_start3A_226, %dma_start3A_227, %dma_start3A_233] : memref<2x2x128xi32, #tpu.memory_space<vmem>> -> memref<1x1x128xi32, #tpu.memory_space<vmem>>
      %dma_start3A_235 = tpu.memref_squeeze %dma_start3A_234 : memref<1x1x128xi32, #tpu.memory_space<vmem>> -> memref<128xi32, #tpu.memory_space<vmem>>
      %dma_start3A_236 = arith.constant 0 : i32
      %dma_start3A_237 = arith.constant 0 : i32
      %dma_start3A_238 = tpu.memref_slice %arg2[%dma_start3A_236, %dma_start3A_237] : memref<10000x128xf32, #tpu.memory_space<hbm>> -> memref<10000x128xf32, #tpu.memory_space<hbm>>
      tpu.enqueue_indirect_dma source(%dma_start3A_238 : memref<10000x128xf32, #tpu.memory_space<hbm>>) target(%dma_start3A_232 : memref<128x128xf32, #tpu.memory_space<vmem>>) offsets(%dma_start3A_235 : memref<128xi32, #tpu.memory_space<vmem>>) semaphore(%arg10 : memref<!tpu.dma_semaphore, #tpu.memory_space<semaphore_mem>>)
      %dma_wait3A_239 = arith.constant 0 : i32
      %dma_wait3A_240 = arith.constant 0 : i32
      %dma_wait3A_241 = arith.constant 0 : i32
      %dma_wait3A_242 = arith.constant 0 : i32
      %dma_wait3A_243 = arith.constant 0 : i32
      %dma_wait3A_244 = tpu.memref_slice %arg6[%dma_wait3A_241, %dma_wait3A_242, %dma_wait3A_243] : memref<2x128x128xf32, #tpu.memory_space<vmem>> -> memref<1x128x128xf32, #tpu.memory_space<vmem>>
      %dma_wait3A_245 = tpu.memref_squeeze %dma_wait3A_244 : memref<1x128x128xf32, #tpu.memory_space<vmem>> -> memref<128x128xf32, #tpu.memory_space<vmem>>
      %dma_wait3A_246 = arith.constant 0 : i32
      %dma_wait3A_247 = tpu.memref_slice %arg5[%dma_wait3A_239, %dma_wait3A_240, %dma_wait3A_246] : memref<2x2x128xi32, #tpu.memory_space<vmem>> -> memref<1x1x128xi32, #tpu.memory_space<vmem>>
      %dma_wait3A_248 = tpu.memref_squeeze %dma_wait3A_247 : memref<1x1x128xi32, #tpu.memory_space<vmem>> -> memref<128xi32, #tpu.memory_space<vmem>>
      %dma_wait3A_249 = arith.constant 0 : i32
      %dma_wait3A_250 = arith.constant 0 : i32
      %dma_wait3A_251 = tpu.memref_slice %arg2[%dma_wait3A_249, %dma_wait3A_250] : memref<10000x128xf32, #tpu.memory_space<hbm>> -> memref<10000x128xf32, #tpu.memory_space<hbm>>
      tpu.wait_indirect_dma semaphore(%arg9 : memref<!tpu.dma_semaphore, #tpu.memory_space<semaphore_mem>>) src(%dma_wait3A_251 : memref<10000x128xf32, #tpu.memory_space<hbm>>) dst(%dma_wait3A_245 : memref<128x128xf32, #tpu.memory_space<vmem>>)
      %run_scoped3A = arith.constant 0 : i32
      %run_scoped3A_252 = arith.constant 0 : i32
      %run_scoped3A_253 = arith.constant 1 : i32
      "tpu.region"() ({
        %run_scoped3A_285 = tpu.sem_alloc : memref<!tpu.dma_semaphore, #tpu.memory_space<semaphore_mem>>
        %dma_start3A_286 = arith.constant 0 : i32
        %dma_start3A_287 = arith.constant 0 : i32
        %dma_start3A_288 = tpu.memref_slice %arg6[%run_scoped3A, %dma_start3A_286, %dma_start3A_287] : memref<2x128x128xf32, #tpu.memory_space<vmem>> -> memref<1x128x128xf32, #tpu.memory_space<vmem>>
        %dma_start3A_289 = tpu.memref_squeeze %dma_start3A_288 : memref<1x128x128xf32, #tpu.memory_space<vmem>> -> memref<128x128xf32, #tpu.memory_space<vmem>>
        %dma_start3A_290 = arith.constant 0 : i32
        %dma_start3A_291 = tpu.memref_slice %arg5[%run_scoped3A_252, %run_scoped3A_253, %dma_start3A_290] : memref<2x2x128xi32, #tpu.memory_space<vmem>> -> memref<1x1x128xi32, #tpu.memory_space<vmem>>
        %dma_start3A_292 = tpu.memref_squeeze %dma_start3A_291 : memref<1x1x128xi32, #tpu.memory_space<vmem>> -> memref<128xi32, #tpu.memory_space<vmem>>
        %dma_start3A_293 = arith.constant 0 : i32
        %dma_start3A_294 = arith.constant 0 : i32
        %dma_start3A_295 = tpu.memref_slice %arg8[%dma_start3A_293, %dma_start3A_294] : memref<10240x128xf32, #tpu.memory_space<vmem_shared>> -> memref<10240x128xf32, #tpu.memory_space<vmem_shared>>
        tpu.enqueue_indirect_dma source(%dma_start3A_289 : memref<128x128xf32, #tpu.memory_space<vmem>>) target(%dma_start3A_295 : memref<10240x128xf32, #tpu.memory_space<vmem_shared>>) offsets(%dma_start3A_292 : memref<128xi32, #tpu.memory_space<vmem>>) semaphore(%run_scoped3A_285 : memref<!tpu.dma_semaphore, #tpu.memory_space<semaphore_mem>>) {add = true}
        %dma_wait3A_296 = arith.constant 0 : i32
        %dma_wait3A_297 = arith.constant 0 : i32
        %dma_wait3A_298 = tpu.memref_slice %arg6[%run_scoped3A, %dma_wait3A_296, %dma_wait3A_297] : memref<2x128x128xf32, #tpu.memory_space<vmem>> -> memref<1x128x128xf32, #tpu.memory_space<vmem>>
        %dma_wait3A_299 = tpu.memref_squeeze %dma_wait3A_298 : memref<1x128x128xf32, #tpu.memory_space<vmem>> -> memref<128x128xf32, #tpu.memory_space<vmem>>
        %dma_wait3A_300 = arith.constant 0 : i32
        %dma_wait3A_301 = tpu.memref_slice %arg5[%run_scoped3A_252, %run_scoped3A_253, %dma_wait3A_300] : memref<2x2x128xi32, #tpu.memory_space<vmem>> -> memref<1x1x128xi32, #tpu.memory_space<vmem>>
        %dma_wait3A_302 = tpu.memref_squeeze %dma_wait3A_301 : memref<1x1x128xi32, #tpu.memory_space<vmem>> -> memref<128xi32, #tpu.memory_space<vmem>>
        %dma_wait3A_303 = arith.constant 0 : i32
        %dma_wait3A_304 = arith.constant 0 : i32
        %dma_wait3A_305 = tpu.memref_slice %arg8[%dma_wait3A_303, %dma_wait3A_304] : memref<10240x128xf32, #tpu.memory_space<vmem_shared>> -> memref<10240x128xf32, #tpu.memory_space<vmem_shared>>
        tpu.wait_indirect_dma semaphore(%run_scoped3A_285 : memref<!tpu.dma_semaphore, #tpu.memory_space<semaphore_mem>>) src(%dma_wait3A_299 : memref<128x128xf32, #tpu.memory_space<vmem>>) dst(%dma_wait3A_305 : memref<10240x128xf32, #tpu.memory_space<vmem_shared>>)
        tpu.yield
      }) : () -> ()
      %add3A_254 = arith.constant 2 : i32
      %add3A_255 = arith.addi %mul3A_208, %add3A_254 : i32
      %lt3A = arith.cmpi slt, %add3A_255, %select_n3A_2 : i32
      %convert_element_type3A = arith.extui %lt3A : i1 to i32
      %cond3A = arith.constant 0 : i32
      %cond3A_256 = arith.cmpi ne, %convert_element_type3A, %cond3A : i32
      scf.if %cond3A_256 {
        %add3A_285 = arith.addi %select_n3A_9, %mul3A_208 : i32
        %add3A_286 = arith.constant 2 : i32
        %add3A_287 = arith.addi %add3A_285, %add3A_286 : i32
        %mul3A_288 = arith.constant 128 : i32
        %mul3A_289 = arith.muli %add3A_287, %mul3A_288 : i32
        %dma_start3A_290 = arith.constant 0 : i32
        %dma_start3A_291 = arith.constant 0 : i32
        %dma_start3A_292 = arith.constant 0 : i32
        %dma_start3A_293 = tpu.memref_slice %arg5[%dma_start3A_290, %dma_start3A_291, %dma_start3A_292] : memref<2x2x128xi32, #tpu.memory_space<vmem>> -> memref<1x2x128xi32, #tpu.memory_space<vmem>>
        %dma_start3A_294 = tpu.memref_squeeze %dma_start3A_293 : memref<1x2x128xi32, #tpu.memory_space<vmem>> -> memref<2x128xi32, #tpu.memory_space<vmem>>
        %dma_start3A_295 = arith.constant 0 : i32
        %dma_start3A_296 = tpu.memref_slice %arg3[%dma_start3A_295, %mul3A_289] : memref<2x327680xi32, #tpu.memory_space<hbm>> -> memref<2x128xi32, #tpu.memory_space<hbm>>
        %dma_start3A_297 = arith.constant 0 : i32
        %dma_start3A_298 = arith.constant 0 : i32
        %dma_start3A_299 = tpu.memref_slice %arg5[%dma_start3A_290, %dma_start3A_297, %dma_start3A_298] : memref<2x2x128xi32, #tpu.memory_space<vmem>> -> memref<1x2x128xi32, #tpu.memory_space<vmem>>
        %dma_start3A_300 = tpu.memref_squeeze %dma_start3A_299 : memref<1x2x128xi32, #tpu.memory_space<vmem>> -> memref<2x128xi32, #tpu.memory_space<vmem>>
        %dma_start3A_301 = arith.constant 0 : i32
        %dma_start3A_302 = tpu.memref_slice %arg3[%dma_start3A_301, %mul3A_289] : memref<2x327680xi32, #tpu.memory_space<hbm>> -> memref<2x128xi32, #tpu.memory_space<hbm>>
        tpu.enqueue_dma source(%dma_start3A_302 : memref<2x128xi32, #tpu.memory_space<hbm>>) target(%dma_start3A_300 : memref<2x128xi32, #tpu.memory_space<vmem>>) target_semaphore(%arg11 : memref<!tpu.dma_semaphore, #tpu.memory_space<semaphore_mem>>)
      } else {
      }
      %dma_wait3A_257 = arith.constant 1 : i32
      %dma_wait3A_258 = arith.constant 0 : i32
      %dma_wait3A_259 = arith.constant 1 : i32
      %dma_wait3A_260 = arith.constant 0 : i32
      %dma_wait3A_261 = arith.constant 0 : i32
      %dma_wait3A_262 = tpu.memref_slice %arg6[%dma_wait3A_259, %dma_wait3A_260, %dma_wait3A_261] : memref<2x128x128xf32, #tpu.memory_space<vmem>> -> memref<1x128x128xf32, #tpu.memory_space<vmem>>
      %dma_wait3A_263 = tpu.memref_squeeze %dma_wait3A_262 : memref<1x128x128xf32, #tpu.memory_space<vmem>> -> memref<128x128xf32, #tpu.memory_space<vmem>>
      %dma_wait3A_264 = arith.constant 0 : i32
      %dma_wait3A_265 = tpu.memref_slice %arg5[%dma_wait3A_257, %dma_wait3A_258, %dma_wait3A_264] : memref<2x2x128xi32, #tpu.memory_space<vmem>> -> memref<1x1x128xi32, #tpu.memory_space<vmem>>
      %dma_wait3A_266 = tpu.memref_squeeze %dma_wait3A_265 : memref<1x1x128xi32, #tpu.memory_space<vmem>> -> memref<128xi32, #tpu.memory_space<vmem>>
      %dma_wait3A_267 = arith.constant 0 : i32
      %dma_wait3A_268 = arith.constant 0 : i32
      %dma_wait3A_269 = tpu.memref_slice %arg2[%dma_wait3A_267, %dma_wait3A_268] : memref<10000x128xf32, #tpu.memory_space<hbm>> -> memref<10000x128xf32, #tpu.memory_space<hbm>>
      tpu.wait_indirect_dma semaphore(%arg10 : memref<!tpu.dma_semaphore, #tpu.memory_space<semaphore_mem>>) src(%dma_wait3A_269 : memref<10000x128xf32, #tpu.memory_space<hbm>>) dst(%dma_wait3A_263 : memref<128x128xf32, #tpu.memory_space<vmem>>)
      %run_scoped3A_270 = arith.constant 1 : i32
      %run_scoped3A_271 = arith.constant 1 : i32
      %run_scoped3A_272 = arith.constant 1 : i32
      "tpu.region"() ({
        %run_scoped3A_285 = tpu.sem_alloc : memref<!tpu.dma_semaphore, #tpu.memory_space<semaphore_mem>>
        %dma_start3A_286 = arith.constant 0 : i32
        %dma_start3A_287 = arith.constant 0 : i32
        %dma_start3A_288 = tpu.memref_slice %arg6[%run_scoped3A_270, %dma_start3A_286, %dma_start3A_287] : memref<2x128x128xf32, #tpu.memory_space<vmem>> -> memref<1x128x128xf32, #tpu.memory_space<vmem>>
        %dma_start3A_289 = tpu.memref_squeeze %dma_start3A_288 : memref<1x128x128xf32, #tpu.memory_space<vmem>> -> memref<128x128xf32, #tpu.memory_space<vmem>>
        %dma_start3A_290 = arith.constant 0 : i32
        %dma_start3A_291 = tpu.memref_slice %arg5[%run_scoped3A_271, %run_scoped3A_272, %dma_start3A_290] : memref<2x2x128xi32, #tpu.memory_space<vmem>> -> memref<1x1x128xi32, #tpu.memory_space<vmem>>
        %dma_start3A_292 = tpu.memref_squeeze %dma_start3A_291 : memref<1x1x128xi32, #tpu.memory_space<vmem>> -> memref<128xi32, #tpu.memory_space<vmem>>
        %dma_start3A_293 = arith.constant 0 : i32
        %dma_start3A_294 = arith.constant 0 : i32
        %dma_start3A_295 = tpu.memref_slice %arg8[%dma_start3A_293, %dma_start3A_294] : memref<10240x128xf32, #tpu.memory_space<vmem_shared>> -> memref<10240x128xf32, #tpu.memory_space<vmem_shared>>
        tpu.enqueue_indirect_dma source(%dma_start3A_289 : memref<128x128xf32, #tpu.memory_space<vmem>>) target(%dma_start3A_295 : memref<10240x128xf32, #tpu.memory_space<vmem_shared>>) offsets(%dma_start3A_292 : memref<128xi32, #tpu.memory_space<vmem>>) semaphore(%run_scoped3A_285 : memref<!tpu.dma_semaphore, #tpu.memory_space<semaphore_mem>>) {add = true}
        %dma_wait3A_296 = arith.constant 0 : i32
        %dma_wait3A_297 = arith.constant 0 : i32
        %dma_wait3A_298 = tpu.memref_slice %arg6[%run_scoped3A_270, %dma_wait3A_296, %dma_wait3A_297] : memref<2x128x128xf32, #tpu.memory_space<vmem>> -> memref<1x128x128xf32, #tpu.memory_space<vmem>>
        %dma_wait3A_299 = tpu.memref_squeeze %dma_wait3A_298 : memref<1x128x128xf32, #tpu.memory_space<vmem>> -> memref<128x128xf32, #tpu.memory_space<vmem>>
        %dma_wait3A_300 = arith.constant 0 : i32
        %dma_wait3A_301 = tpu.memref_slice %arg5[%run_scoped3A_271, %run_scoped3A_272, %dma_wait3A_300] : memref<2x2x128xi32, #tpu.memory_space<vmem>> -> memref<1x1x128xi32, #tpu.memory_space<vmem>>
        %dma_wait3A_302 = tpu.memref_squeeze %dma_wait3A_301 : memref<1x1x128xi32, #tpu.memory_space<vmem>> -> memref<128xi32, #tpu.memory_space<vmem>>
        %dma_wait3A_303 = arith.constant 0 : i32
        %dma_wait3A_304 = arith.constant 0 : i32
        %dma_wait3A_305 = tpu.memref_slice %arg8[%dma_wait3A_303, %dma_wait3A_304] : memref<10240x128xf32, #tpu.memory_space<vmem_shared>> -> memref<10240x128xf32, #tpu.memory_space<vmem_shared>>
        tpu.wait_indirect_dma semaphore(%run_scoped3A_285 : memref<!tpu.dma_semaphore, #tpu.memory_space<semaphore_mem>>) src(%dma_wait3A_299 : memref<128x128xf32, #tpu.memory_space<vmem>>) dst(%dma_wait3A_305 : memref<10240x128xf32, #tpu.memory_space<vmem_shared>>)
        tpu.yield
      }) : () -> ()
      %add3A_273 = arith.constant 3 : i32
      %add3A_274 = arith.addi %mul3A_208, %add3A_273 : i32
      %lt3A_275 = arith.cmpi slt, %add3A_274, %select_n3A_2 : i32
      %convert_element_type3A_276 = arith.extui %lt3A_275 : i1 to i32
      %cond3A_277 = arith.constant 0 : i32
      %cond3A_278 = arith.cmpi ne, %convert_element_type3A_276, %cond3A_277 : i32
      scf.if %cond3A_278 {
        %add3A_285 = arith.addi %select_n3A_9, %mul3A_208 : i32
        %add3A_286 = arith.constant 3 : i32
        %add3A_287 = arith.addi %add3A_285, %add3A_286 : i32
        %mul3A_288 = arith.constant 128 : i32
        %mul3A_289 = arith.muli %add3A_287, %mul3A_288 : i32
        %dma_start3A_290 = arith.constant 1 : i32
        %dma_start3A_291 = arith.constant 0 : i32
        %dma_start3A_292 = arith.constant 0 : i32
        %dma_start3A_293 = tpu.memref_slice %arg5[%dma_start3A_290, %dma_start3A_291, %dma_start3A_292] : memref<2x2x128xi32, #tpu.memory_space<vmem>> -> memref<1x2x128xi32, #tpu.memory_space<vmem>>
        %dma_start3A_294 = tpu.memref_squeeze %dma_start3A_293 : memref<1x2x128xi32, #tpu.memory_space<vmem>> -> memref<2x128xi32, #tpu.memory_space<vmem>>
        %dma_start3A_295 = arith.constant 0 : i32
        %dma_start3A_296 = tpu.memref_slice %arg3[%dma_start3A_295, %mul3A_289] : memref<2x327680xi32, #tpu.memory_space<hbm>> -> memref<2x128xi32, #tpu.memory_space<hbm>>
        %dma_start3A_297 = arith.constant 0 : i32
        %dma_start3A_298 = arith.constant 0 : i32
        %dma_start3A_299 = tpu.memref_slice %arg5[%dma_start3A_290, %dma_start3A_297, %dma_start3A_298] : memref<2x2x128xi32, #tpu.memory_space<vmem>> -> memref<1x2x128xi32, #tpu.memory_space<vmem>>
        %dma_start3A_300 = tpu.memref_squeeze %dma_start3A_299 : memref<1x2x128xi32, #tpu.memory_space<vmem>> -> memref<2x128xi32, #tpu.memory_space<vmem>>
        %dma_start3A_301 = arith.constant 0 : i32
        %dma_start3A_302 = tpu.memref_slice %arg3[%dma_start3A_301, %mul3A_289] : memref<2x327680xi32, #tpu.memory_space<hbm>> -> memref<2x128xi32, #tpu.memory_space<hbm>>
        tpu.enqueue_dma source(%dma_start3A_302 : memref<2x128xi32, #tpu.memory_space<hbm>>) target(%dma_start3A_300 : memref<2x128xi32, #tpu.memory_space<vmem>>) target_semaphore(%arg12 : memref<!tpu.dma_semaphore, #tpu.memory_space<semaphore_mem>>)
      } else {
      }
      %add3A_279 = arith.constant 2 : i32
      %add3A_280 = arith.addi %mul3A_208, %add3A_279 : i32
      %lt3A_281 = arith.cmpi slt, %add3A_280, %select_n3A_2 : i32
      %convert_element_type3A_282 = arith.extui %lt3A_281 : i1 to i32
      %cond3A_283 = arith.constant 0 : i32
      %cond3A_284 = arith.cmpi ne, %convert_element_type3A_282, %cond3A_283 : i32
      scf.if %cond3A_284 {
        %add3A_285 = arith.addi %select_n3A_9, %mul3A_208 : i32
        %add3A_286 = arith.constant 2 : i32
        %add3A_287 = arith.addi %add3A_285, %add3A_286 : i32
        %mul3A_288 = arith.constant 128 : i32
        %mul3A_289 = arith.muli %add3A_287, %mul3A_288 : i32
        %dma_wait3A_290 = arith.constant 0 : i32
        %dma_wait3A_291 = arith.constant 0 : i32
        %dma_wait3A_292 = arith.constant 0 : i32
        %dma_wait3A_293 = tpu.memref_slice %arg5[%dma_wait3A_290, %dma_wait3A_291, %dma_wait3A_292] : memref<2x2x128xi32, #tpu.memory_space<vmem>> -> memref<1x2x128xi32, #tpu.memory_space<vmem>>
        %dma_wait3A_294 = tpu.memref_squeeze %dma_wait3A_293 : memref<1x2x128xi32, #tpu.memory_space<vmem>> -> memref<2x128xi32, #tpu.memory_space<vmem>>
        %dma_wait3A_295 = arith.constant 0 : i32
        %dma_wait3A_296 = tpu.memref_slice %arg3[%dma_wait3A_295, %mul3A_289] : memref<2x327680xi32, #tpu.memory_space<hbm>> -> memref<2x128xi32, #tpu.memory_space<hbm>>
        %dma_wait3A_297 = arith.constant 0 : i32
        %dma_wait3A_298 = arith.constant 0 : i32
        %dma_wait3A_299 = tpu.memref_slice %arg5[%dma_wait3A_290, %dma_wait3A_297, %dma_wait3A_298] : memref<2x2x128xi32, #tpu.memory_space<vmem>> -> memref<1x2x128xi32, #tpu.memory_space<vmem>>
        %dma_wait3A_300 = tpu.memref_squeeze %dma_wait3A_299 : memref<1x2x128xi32, #tpu.memory_space<vmem>> -> memref<2x128xi32, #tpu.memory_space<vmem>>
        %dma_wait3A_301 = arith.constant 0 : i32
        %dma_wait3A_302 = tpu.memref_slice %arg3[%dma_wait3A_301, %mul3A_289] : memref<2x327680xi32, #tpu.memory_space<hbm>> -> memref<2x128xi32, #tpu.memory_space<hbm>>
        tpu.wait_dma2 semaphore(%arg11 : memref<!tpu.dma_semaphore, #tpu.memory_space<semaphore_mem>>) src(%dma_wait3A_302 : memref<2x128xi32, #tpu.memory_space<hbm>>) dst(%dma_wait3A_300 : memref<2x128xi32, #tpu.memory_space<vmem>>)
        %dma_start3A_303 = arith.constant 0 : i32
        %dma_start3A_304 = arith.constant 0 : i32
        %dma_start3A_305 = arith.constant 0 : i32
        %dma_start3A_306 = arith.constant 0 : i32
        %dma_start3A_307 = arith.constant 0 : i32
        %dma_start3A_308 = tpu.memref_slice %arg6[%dma_start3A_305, %dma_start3A_306, %dma_start3A_307] : memref<2x128x128xf32, #tpu.memory_space<vmem>> -> memref<1x128x128xf32, #tpu.memory_space<vmem>>
        %dma_start3A_309 = tpu.memref_squeeze %dma_start3A_308 : memref<1x128x128xf32, #tpu.memory_space<vmem>> -> memref<128x128xf32, #tpu.memory_space<vmem>>
        %dma_start3A_310 = arith.constant 0 : i32
        %dma_start3A_311 = tpu.memref_slice %arg5[%dma_start3A_303, %dma_start3A_304, %dma_start3A_310] : memref<2x2x128xi32, #tpu.memory_space<vmem>> -> memref<1x1x128xi32, #tpu.memory_space<vmem>>
        %dma_start3A_312 = tpu.memref_squeeze %dma_start3A_311 : memref<1x1x128xi32, #tpu.memory_space<vmem>> -> memref<128xi32, #tpu.memory_space<vmem>>
        %dma_start3A_313 = arith.constant 0 : i32
        %dma_start3A_314 = arith.constant 0 : i32
        %dma_start3A_315 = tpu.memref_slice %arg2[%dma_start3A_313, %dma_start3A_314] : memref<10000x128xf32, #tpu.memory_space<hbm>> -> memref<10000x128xf32, #tpu.memory_space<hbm>>
        tpu.enqueue_indirect_dma source(%dma_start3A_315 : memref<10000x128xf32, #tpu.memory_space<hbm>>) target(%dma_start3A_309 : memref<128x128xf32, #tpu.memory_space<vmem>>) offsets(%dma_start3A_312 : memref<128xi32, #tpu.memory_space<vmem>>) semaphore(%arg9 : memref<!tpu.dma_semaphore, #tpu.memory_space<semaphore_mem>>)
      } else {
      }
    }
    %while3A_200 = arith.constant 1 : i32
    scf.for %while3A_206 = %while3A_198 to %while3A_194 step %while3A_200  : i32 {
      %mul3A_207 = arith.constant 2 : i32
      %mul3A_208 = arith.muli %mul3A_207, %while3A_206 : i32
      %add3A_209 = arith.constant 1 : i32
      %add3A_210 = arith.addi %select_n3A_9, %add3A_209 : i32
      %mul3A_211 = arith.constant 128 : i32
      %mul3A_212 = arith.muli %add3A_210, %mul3A_211 : i32
      %dma_wait3A_213 = arith.constant 1 : i32
      %dma_wait3A_214 = arith.constant 0 : i32
      %dma_wait3A_215 = arith.constant 0 : i32
      %dma_wait3A_216 = tpu.memref_slice %arg5[%dma_wait3A_213, %dma_wait3A_214, %dma_wait3A_215] : memref<2x2x128xi32, #tpu.memory_space<vmem>> -> memref<1x2x128xi32, #tpu.memory_space<vmem>>
      %dma_wait3A_217 = tpu.memref_squeeze %dma_wait3A_216 : memref<1x2x128xi32, #tpu.memory_space<vmem>> -> memref<2x128xi32, #tpu.memory_space<vmem>>
      %dma_wait3A_218 = arith.constant 0 : i32
      %dma_wait3A_219 = tpu.memref_slice %arg3[%dma_wait3A_218, %mul3A_212] : memref<2x327680xi32, #tpu.memory_space<hbm>> -> memref<2x128xi32, #tpu.memory_space<hbm>>
      %dma_wait3A_220 = arith.constant 0 : i32
      %dma_wait3A_221 = arith.constant 0 : i32
      %dma_wait3A_222 = tpu.memref_slice %arg5[%dma_wait3A_213, %dma_wait3A_220, %dma_wait3A_221] : memref<2x2x128xi32, #tpu.memory_space<vmem>> -> memref<1x2x128xi32, #tpu.memory_space<vmem>>
      %dma_wait3A_223 = tpu.memref_squeeze %dma_wait3A_222 : memref<1x2x128xi32, #tpu.memory_space<vmem>> -> memref<2x128xi32, #tpu.memory_space<vmem>>
      %dma_wait3A_224 = arith.constant 0 : i32
      %dma_wait3A_225 = tpu.memref_slice %arg3[%dma_wait3A_224, %mul3A_212] : memref<2x327680xi32, #tpu.memory_space<hbm>> -> memref<2x128xi32, #tpu.memory_space<hbm>>
      tpu.wait_dma2 semaphore(%arg12 : memref<!tpu.dma_semaphore, #tpu.memory_space<semaphore_mem>>) src(%dma_wait3A_225 : memref<2x128xi32, #tpu.memory_space<hbm>>) dst(%dma_wait3A_223 : memref<2x128xi32, #tpu.memory_space<vmem>>)
      %dma_start3A_226 = arith.constant 1 : i32
      %dma_start3A_227 = arith.constant 0 : i32
      %dma_start3A_228 = arith.constant 1 : i32
      %dma_start3A_229 = arith.constant 0 : i32
      %dma_start3A_230 = arith.constant 0 : i32
      %dma_start3A_231 = tpu.memref_slice %arg6[%dma_start3A_228, %dma_start3A_229, %dma_start3A_230] : memref<2x128x128xf32, #tpu.memory_space<vmem>> -> memref<1x128x128xf32, #tpu.memory_space<vmem>>
      %dma_start3A_232 = tpu.memref_squeeze %dma_start3A_231 : memref<1x128x128xf32, #tpu.memory_space<vmem>> -> memref<128x128xf32, #tpu.memory_space<vmem>>
      %dma_start3A_233 = arith.constant 0 : i32
      %dma_start3A_234 = tpu.memref_slice %arg5[%dma_start3A_226, %dma_start3A_227, %dma_start3A_233] : memref<2x2x128xi32, #tpu.memory_space<vmem>> -> memref<1x1x128xi32, #tpu.memory_space<vmem>>
      %dma_start3A_235 = tpu.memref_squeeze %dma_start3A_234 : memref<1x1x128xi32, #tpu.memory_space<vmem>> -> memref<128xi32, #tpu.memory_space<vmem>>
      %dma_start3A_236 = arith.constant 0 : i32
      %dma_start3A_237 = arith.constant 0 : i32
      %dma_start3A_238 = tpu.memref_slice %arg2[%dma_start3A_236, %dma_start3A_237] : memref<10000x128xf32, #tpu.memory_space<hbm>> -> memref<10000x128xf32, #tpu.memory_space<hbm>>
      tpu.enqueue_indirect_dma source(%dma_start3A_238 : memref<10000x128xf32, #tpu.memory_space<hbm>>) target(%dma_start3A_232 : memref<128x128xf32, #tpu.memory_space<vmem>>) offsets(%dma_start3A_235 : memref<128xi32, #tpu.memory_space<vmem>>) semaphore(%arg10 : memref<!tpu.dma_semaphore, #tpu.memory_space<semaphore_mem>>)
      %dma_wait3A_239 = arith.constant 0 : i32
      %dma_wait3A_240 = arith.constant 0 : i32
      %dma_wait3A_241 = arith.constant 0 : i32
      %dma_wait3A_242 = arith.constant 0 : i32
      %dma_wait3A_243 = arith.constant 0 : i32
      %dma_wait3A_244 = tpu.memref_slice %arg6[%dma_wait3A_241, %dma_wait3A_242, %dma_wait3A_243] : memref<2x128x128xf32, #tpu.memory_space<vmem>> -> memref<1x128x128xf32, #tpu.memory_space<vmem>>
      %dma_wait3A_245 = tpu.memref_squeeze %dma_wait3A_244 : memref<1x128x128xf32, #tpu.memory_space<vmem>> -> memref<128x128xf32, #tpu.memory_space<vmem>>
      %dma_wait3A_246 = arith.constant 0 : i32
      %dma_wait3A_247 = tpu.memref_slice %arg5[%dma_wait3A_239, %dma_wait3A_240, %dma_wait3A_246] : memref<2x2x128xi32, #tpu.memory_space<vmem>> -> memref<1x1x128xi32, #tpu.memory_space<vmem>>
      %dma_wait3A_248 = tpu.memref_squeeze %dma_wait3A_247 : memref<1x1x128xi32, #tpu.memory_space<vmem>> -> memref<128xi32, #tpu.memory_space<vmem>>
      %dma_wait3A_249 = arith.constant 0 : i32
      %dma_wait3A_250 = arith.constant 0 : i32
      %dma_wait3A_251 = tpu.memref_slice %arg2[%dma_wait3A_249, %dma_wait3A_250] : memref<10000x128xf32, #tpu.memory_space<hbm>> -> memref<10000x128xf32, #tpu.memory_space<hbm>>
      tpu.wait_indirect_dma semaphore(%arg9 : memref<!tpu.dma_semaphore, #tpu.memory_space<semaphore_mem>>) src(%dma_wait3A_251 : memref<10000x128xf32, #tpu.memory_space<hbm>>) dst(%dma_wait3A_245 : memref<128x128xf32, #tpu.memory_space<vmem>>)
      %run_scoped3A = arith.constant 0 : i32
      %run_scoped3A_252 = arith.constant 0 : i32
      %run_scoped3A_253 = arith.constant 1 : i32
      "tpu.region"() ({
        %run_scoped3A_285 = tpu.sem_alloc : memref<!tpu.dma_semaphore, #tpu.memory_space<semaphore_mem>>
        %dma_start3A_286 = arith.constant 0 : i32
        %dma_start3A_287 = arith.constant 0 : i32
        %dma_start3A_288 = tpu.memref_slice %arg6[%run_scoped3A, %dma_start3A_286, %dma_start3A_287] : memref<2x128x128xf32, #tpu.memory_space<vmem>> -> memref<1x128x128xf32, #tpu.memory_space<vmem>>
        %dma_start3A_289 = tpu.memref_squeeze %dma_start3A_288 : memref<1x128x128xf32, #tpu.memory_space<vmem>> -> memref<128x128xf32, #tpu.memory_space<vmem>>
        %dma_start3A_290 = arith.constant 0 : i32
        %dma_start3A_291 = tpu.memref_slice %arg5[%run_scoped3A_252, %run_scoped3A_253, %dma_start3A_290] : memref<2x2x128xi32, #tpu.memory_space<vmem>> -> memref<1x1x128xi32, #tpu.memory_space<vmem>>
        %dma_start3A_292 = tpu.memref_squeeze %dma_start3A_291 : memref<1x1x128xi32, #tpu.memory_space<vmem>> -> memref<128xi32, #tpu.memory_space<vmem>>
        %dma_start3A_293 = arith.constant 0 : i32
        %dma_start3A_294 = arith.constant 0 : i32
        %dma_start3A_295 = tpu.memref_slice %arg8[%dma_start3A_293, %dma_start3A_294] : memref<10240x128xf32, #tpu.memory_space<vmem_shared>> -> memref<10240x128xf32, #tpu.memory_space<vmem_shared>>
        tpu.enqueue_indirect_dma source(%dma_start3A_289 : memref<128x128xf32, #tpu.memory_space<vmem>>) target(%dma_start3A_295 : memref<10240x128xf32, #tpu.memory_space<vmem_shared>>) offsets(%dma_start3A_292 : memref<128xi32, #tpu.memory_space<vmem>>) semaphore(%run_scoped3A_285 : memref<!tpu.dma_semaphore, #tpu.memory_space<semaphore_mem>>) {add = true}
        %dma_wait3A_296 = arith.constant 0 : i32
        %dma_wait3A_297 = arith.constant 0 : i32
        %dma_wait3A_298 = tpu.memref_slice %arg6[%run_scoped3A, %dma_wait3A_296, %dma_wait3A_297] : memref<2x128x128xf32, #tpu.memory_space<vmem>> -> memref<1x128x128xf32, #tpu.memory_space<vmem>>
        %dma_wait3A_299 = tpu.memref_squeeze %dma_wait3A_298 : memref<1x128x128xf32, #tpu.memory_space<vmem>> -> memref<128x128xf32, #tpu.memory_space<vmem>>
        %dma_wait3A_300 = arith.constant 0 : i32
        %dma_wait3A_301 = tpu.memref_slice %arg5[%run_scoped3A_252, %run_scoped3A_253, %dma_wait3A_300] : memref<2x2x128xi32, #tpu.memory_space<vmem>> -> memref<1x1x128xi32, #tpu.memory_space<vmem>>
        %dma_wait3A_302 = tpu.memref_squeeze %dma_wait3A_301 : memref<1x1x128xi32, #tpu.memory_space<vmem>> -> memref<128xi32, #tpu.memory_space<vmem>>
        %dma_wait3A_303 = arith.constant 0 : i32
        %dma_wait3A_304 = arith.constant 0 : i32
        %dma_wait3A_305 = tpu.memref_slice %arg8[%dma_wait3A_303, %dma_wait3A_304] : memref<10240x128xf32, #tpu.memory_space<vmem_shared>> -> memref<10240x128xf32, #tpu.memory_space<vmem_shared>>
        tpu.wait_indirect_dma semaphore(%run_scoped3A_285 : memref<!tpu.dma_semaphore, #tpu.memory_space<semaphore_mem>>) src(%dma_wait3A_299 : memref<128x128xf32, #tpu.memory_space<vmem>>) dst(%dma_wait3A_305 : memref<10240x128xf32, #tpu.memory_space<vmem_shared>>)
        tpu.yield
      }) : () -> ()
      %add3A_254 = arith.constant 2 : i32
      %add3A_255 = arith.addi %mul3A_208, %add3A_254 : i32
      %lt3A = arith.cmpi slt, %add3A_255, %select_n3A_2 : i32
      %convert_element_type3A = arith.extui %lt3A : i1 to i32
      %cond3A = arith.constant 0 : i32
      %cond3A_256 = arith.cmpi ne, %convert_element_type3A, %cond3A : i32
      scf.if %cond3A_256 {
        %add3A_285 = arith.addi %select_n3A_9, %mul3A_208 : i32
        %add3A_286 = arith.constant 2 : i32
        %add3A_287 = arith.addi %add3A_285, %add3A_286 : i32
        %mul3A_288 = arith.constant 128 : i32
        %mul3A_289 = arith.muli %add3A_287, %mul3A_288 : i32
        %dma_start3A_290 = arith.constant 0 : i32
        %dma_start3A_291 = arith.constant 0 : i32
        %dma_start3A_292 = arith.constant 0 : i32
        %dma_start3A_293 = tpu.memref_slice %arg5[%dma_start3A_290, %dma_start3A_291, %dma_start3A_292] : memref<2x2x128xi32, #tpu.memory_space<vmem>> -> memref<1x2x128xi32, #tpu.memory_space<vmem>>
        %dma_start3A_294 = tpu.memref_squeeze %dma_start3A_293 : memref<1x2x128xi32, #tpu.memory_space<vmem>> -> memref<2x128xi32, #tpu.memory_space<vmem>>
        %dma_start3A_295 = arith.constant 0 : i32
        %dma_start3A_296 = tpu.memref_slice %arg3[%dma_start3A_295, %mul3A_289] : memref<2x327680xi32, #tpu.memory_space<hbm>> -> memref<2x128xi32, #tpu.memory_space<hbm>>
        %dma_start3A_297 = arith.constant 0 : i32
        %dma_start3A_298 = arith.constant 0 : i32
        %dma_start3A_299 = tpu.memref_slice %arg5[%dma_start3A_290, %dma_start3A_297, %dma_start3A_298] : memref<2x2x128xi32, #tpu.memory_space<vmem>> -> memref<1x2x128xi32, #tpu.memory_space<vmem>>
        %dma_start3A_300 = tpu.memref_squeeze %dma_start3A_299 : memref<1x2x128xi32, #tpu.memory_space<vmem>> -> memref<2x128xi32, #tpu.memory_space<vmem>>
        %dma_start3A_301 = arith.constant 0 : i32
        %dma_start3A_302 = tpu.memref_slice %arg3[%dma_start3A_301, %mul3A_289] : memref<2x327680xi32, #tpu.memory_space<hbm>> -> memref<2x128xi32, #tpu.memory_space<hbm>>
        tpu.enqueue_dma source(%dma_start3A_302 : memref<2x128xi32, #tpu.memory_space<hbm>>) target(%dma_start3A_300 : memref<2x128xi32, #tpu.memory_space<vmem>>) target_semaphore(%arg11 : memref<!tpu.dma_semaphore, #tpu.memory_space<semaphore_mem>>)
      } else {
      }
      %dma_wait3A_257 = arith.constant 1 : i32
      %dma_wait3A_258 = arith.constant 0 : i32
      %dma_wait3A_259 = arith.constant 1 : i32
      %dma_wait3A_260 = arith.constant 0 : i32
      %dma_wait3A_261 = arith.constant 0 : i32
      %dma_wait3A_262 = tpu.memref_slice %arg6[%dma_wait3A_259, %dma_wait3A_260, %dma_wait3A_261] : memref<2x128x128xf32, #tpu.memory_space<vmem>> -> memref<1x128x128xf32, #tpu.memory_space<vmem>>
      %dma_wait3A_263 = tpu.memref_squeeze %dma_wait3A_262 : memref<1x128x128xf32, #tpu.memory_space<vmem>> -> memref<128x128xf32, #tpu.memory_space<vmem>>
      %dma_wait3A_264 = arith.constant 0 : i32
      %dma_wait3A_265 = tpu.memref_slice %arg5[%dma_wait3A_257, %dma_wait3A_258, %dma_wait3A_264] : memref<2x2x128xi32, #tpu.memory_space<vmem>> -> memref<1x1x128xi32, #tpu.memory_space<vmem>>
      %dma_wait3A_266 = tpu.memref_squeeze %dma_wait3A_265 : memref<1x1x128xi32, #tpu.memory_space<vmem>> -> memref<128xi32, #tpu.memory_space<vmem>>
      %dma_wait3A_267 = arith.constant 0 : i32
      %dma_wait3A_268 = arith.constant 0 : i32
      %dma_wait3A_269 = tpu.memref_slice %arg2[%dma_wait3A_267, %dma_wait3A_268] : memref<10000x128xf32, #tpu.memory_space<hbm>> -> memref<10000x128xf32, #tpu.memory_space<hbm>>
      tpu.wait_indirect_dma semaphore(%arg10 : memref<!tpu.dma_semaphore, #tpu.memory_space<semaphore_mem>>) src(%dma_wait3A_269 : memref<10000x128xf32, #tpu.memory_space<hbm>>) dst(%dma_wait3A_263 : memref<128x128xf32, #tpu.memory_space<vmem>>)
      %run_scoped3A_270 = arith.constant 1 : i32
      %run_scoped3A_271 = arith.constant 1 : i32
      %run_scoped3A_272 = arith.constant 1 : i32
      "tpu.region"() ({
        %run_scoped3A_285 = tpu.sem_alloc : memref<!tpu.dma_semaphore, #tpu.memory_space<semaphore_mem>>
        %dma_start3A_286 = arith.constant 0 : i32
        %dma_start3A_287 = arith.constant 0 : i32
        %dma_start3A_288 = tpu.memref_slice %arg6[%run_scoped3A_270, %dma_start3A_286, %dma_start3A_287] : memref<2x128x128xf32, #tpu.memory_space<vmem>> -> memref<1x128x128xf32, #tpu.memory_space<vmem>>
        %dma_start3A_289 = tpu.memref_squeeze %dma_start3A_288 : memref<1x128x128xf32, #tpu.memory_space<vmem>> -> memref<128x128xf32, #tpu.memory_space<vmem>>
        %dma_start3A_290 = arith.constant 0 : i32
        %dma_start3A_291 = tpu.memref_slice %arg5[%run_scoped3A_271, %run_scoped3A_272, %dma_start3A_290] : memref<2x2x128xi32, #tpu.memory_space<vmem>> -> memref<1x1x128xi32, #tpu.memory_space<vmem>>
        %dma_start3A_292 = tpu.memref_squeeze %dma_start3A_291 : memref<1x1x128xi32, #tpu.memory_space<vmem>> -> memref<128xi32, #tpu.memory_space<vmem>>
        %dma_start3A_293 = arith.constant 0 : i32
        %dma_start3A_294 = arith.constant 0 : i32
        %dma_start3A_295 = tpu.memref_slice %arg8[%dma_start3A_293, %dma_start3A_294] : memref<10240x128xf32, #tpu.memory_space<vmem_shared>> -> memref<10240x128xf32, #tpu.memory_space<vmem_shared>>
        tpu.enqueue_indirect_dma source(%dma_start3A_289 : memref<128x128xf32, #tpu.memory_space<vmem>>) target(%dma_start3A_295 : memref<10240x128xf32, #tpu.memory_space<vmem_shared>>) offsets(%dma_start3A_292 : memref<128xi32, #tpu.memory_space<vmem>>) semaphore(%run_scoped3A_285 : memref<!tpu.dma_semaphore, #tpu.memory_space<semaphore_mem>>) {add = true}
        %dma_wait3A_296 = arith.constant 0 : i32
        %dma_wait3A_297 = arith.constant 0 : i32
        %dma_wait3A_298 = tpu.memref_slice %arg6[%run_scoped3A_270, %dma_wait3A_296, %dma_wait3A_297] : memref<2x128x128xf32, #tpu.memory_space<vmem>> -> memref<1x128x128xf32, #tpu.memory_space<vmem>>
        %dma_wait3A_299 = tpu.memref_squeeze %dma_wait3A_298 : memref<1x128x128xf32, #tpu.memory_space<vmem>> -> memref<128x128xf32, #tpu.memory_space<vmem>>
        %dma_wait3A_300 = arith.constant 0 : i32
        %dma_wait3A_301 = tpu.memref_slice %arg5[%run_scoped3A_271, %run_scoped3A_272, %dma_wait3A_300] : memref<2x2x128xi32, #tpu.memory_space<vmem>> -> memref<1x1x128xi32, #tpu.memory_space<vmem>>
        %dma_wait3A_302 = tpu.memref_squeeze %dma_wait3A_301 : memref<1x1x128xi32, #tpu.memory_space<vmem>> -> memref<128xi32, #tpu.memory_space<vmem>>
        %dma_wait3A_303 = arith.constant 0 : i32
        %dma_wait3A_304 = arith.constant 0 : i32
        %dma_wait3A_305 = tpu.memref_slice %arg8[%dma_wait3A_303, %dma_wait3A_304] : memref<10240x128xf32, #tpu.memory_space<vmem_shared>> -> memref<10240x128xf32, #tpu.memory_space<vmem_shared>>
        tpu.wait_indirect_dma semaphore(%run_scoped3A_285 : memref<!tpu.dma_semaphore, #tpu.memory_space<semaphore_mem>>) src(%dma_wait3A_299 : memref<128x128xf32, #tpu.memory_space<vmem>>) dst(%dma_wait3A_305 : memref<10240x128xf32, #tpu.memory_space<vmem_shared>>)
        tpu.yield
      }) : () -> ()
      %add3A_273 = arith.constant 3 : i32
      %add3A_274 = arith.addi %mul3A_208, %add3A_273 : i32
      %lt3A_275 = arith.cmpi slt, %add3A_274, %select_n3A_2 : i32
      %convert_element_type3A_276 = arith.extui %lt3A_275 : i1 to i32
      %cond3A_277 = arith.constant 0 : i32
      %cond3A_278 = arith.cmpi ne, %convert_element_type3A_276, %cond3A_277 : i32
      scf.if %cond3A_278 {
        %add3A_285 = arith.addi %select_n3A_9, %mul3A_208 : i32
        %add3A_286 = arith.constant 3 : i32
        %add3A_287 = arith.addi %add3A_285, %add3A_286 : i32
        %mul3A_288 = arith.constant 128 : i32
        %mul3A_289 = arith.muli %add3A_287, %mul3A_288 : i32
        %dma_start3A_290 = arith.constant 1 : i32
        %dma_start3A_291 = arith.constant 0 : i32
        %dma_start3A_292 = arith.constant 0 : i32
        %dma_start3A_293 = tpu.memref_slice %arg5[%dma_start3A_290, %dma_start3A_291, %dma_start3A_292] : memref<2x2x128xi32, #tpu.memory_space<vmem>> -> memref<1x2x128xi32, #tpu.memory_space<vmem>>
        %dma_start3A_294 = tpu.memref_squeeze %dma_start3A_293 : memref<1x2x128xi32, #tpu.memory_space<vmem>> -> memref<2x128xi32, #tpu.memory_space<vmem>>
        %dma_start3A_295 = arith.constant 0 : i32
        %dma_start3A_296 = tpu.memref_slice %arg3[%dma_start3A_295, %mul3A_289] : memref<2x327680xi32, #tpu.memory_space<hbm>> -> memref<2x128xi32, #tpu.memory_space<hbm>>
        %dma_start3A_297 = arith.constant 0 : i32
        %dma_start3A_298 = arith.constant 0 : i32
        %dma_start3A_299 = tpu.memref_slice %arg5[%dma_start3A_290, %dma_start3A_297, %dma_start3A_298] : memref<2x2x128xi32, #tpu.memory_space<vmem>> -> memref<1x2x128xi32, #tpu.memory_space<vmem>>
        %dma_start3A_300 = tpu.memref_squeeze %dma_start3A_299 : memref<1x2x128xi32, #tpu.memory_space<vmem>> -> memref<2x128xi32, #tpu.memory_space<vmem>>
        %dma_start3A_301 = arith.constant 0 : i32
        %dma_start3A_302 = tpu.memref_slice %arg3[%dma_start3A_301, %mul3A_289] : memref<2x327680xi32, #tpu.memory_space<hbm>> -> memref<2x128xi32, #tpu.memory_space<hbm>>
        tpu.enqueue_dma source(%dma_start3A_302 : memref<2x128xi32, #tpu.memory_space<hbm>>) target(%dma_start3A_300 : memref<2x128xi32, #tpu.memory_space<vmem>>) target_semaphore(%arg12 : memref<!tpu.dma_semaphore, #tpu.memory_space<semaphore_mem>>)
      } else {
      }
      %add3A_279 = arith.constant 2 : i32
      %add3A_280 = arith.addi %mul3A_208, %add3A_279 : i32
      %lt3A_281 = arith.cmpi slt, %add3A_280, %select_n3A_2 : i32
      %convert_element_type3A_282 = arith.extui %lt3A_281 : i1 to i32
      %cond3A_283 = arith.constant 0 : i32
      %cond3A_284 = arith.cmpi ne, %convert_element_type3A_282, %cond3A_283 : i32
      scf.if %cond3A_284 {
        %add3A_285 = arith.addi %select_n3A_9, %mul3A_208 : i32
        %add3A_286 = arith.constant 2 : i32
        %add3A_287 = arith.addi %add3A_285, %add3A_286 : i32
        %mul3A_288 = arith.constant 128 : i32
        %mul3A_289 = arith.muli %add3A_287, %mul3A_288 : i32
        %dma_wait3A_290 = arith.constant 0 : i32
        %dma_wait3A_291 = arith.constant 0 : i32
        %dma_wait3A_292 = arith.constant 0 : i32
        %dma_wait3A_293 = tpu.memref_slice %arg5[%dma_wait3A_290, %dma_wait3A_291, %dma_wait3A_292] : memref<2x2x128xi32, #tpu.memory_space<vmem>> -> memref<1x2x128xi32, #tpu.memory_space<vmem>>
        %dma_wait3A_294 = tpu.memref_squeeze %dma_wait3A_293 : memref<1x2x128xi32, #tpu.memory_space<vmem>> -> memref<2x128xi32, #tpu.memory_space<vmem>>
        %dma_wait3A_295 = arith.constant 0 : i32
        %dma_wait3A_296 = tpu.memref_slice %arg3[%dma_wait3A_295, %mul3A_289] : memref<2x327680xi32, #tpu.memory_space<hbm>> -> memref<2x128xi32, #tpu.memory_space<hbm>>
        %dma_wait3A_297 = arith.constant 0 : i32
        %dma_wait3A_298 = arith.constant 0 : i32
        %dma_wait3A_299 = tpu.memref_slice %arg5[%dma_wait3A_290, %dma_wait3A_297, %dma_wait3A_298] : memref<2x2x128xi32, #tpu.memory_space<vmem>> -> memref<1x2x128xi32, #tpu.memory_space<vmem>>
        %dma_wait3A_300 = tpu.memref_squeeze %dma_wait3A_299 : memref<1x2x128xi32, #tpu.memory_space<vmem>> -> memref<2x128xi32, #tpu.memory_space<vmem>>
        %dma_wait3A_301 = arith.constant 0 : i32
        %dma_wait3A_302 = tpu.memref_slice %arg3[%dma_wait3A_301, %mul3A_289] : memref<2x327680xi32, #tpu.memory_space<hbm>> -> memref<2x128xi32, #tpu.memory_space<hbm>>
        tpu.wait_dma2 semaphore(%arg11 : memref<!tpu.dma_semaphore, #tpu.memory_space<semaphore_mem>>) src(%dma_wait3A_302 : memref<2x128xi32, #tpu.memory_space<hbm>>) dst(%dma_wait3A_300 : memref<2x128xi32, #tpu.memory_space<vmem>>)
        %dma_start3A_303 = arith.constant 0 : i32
        %dma_start3A_304 = arith.constant 0 : i32
        %dma_start3A_305 = arith.constant 0 : i32
        %dma_start3A_306 = arith.constant 0 : i32
        %dma_start3A_307 = arith.constant 0 : i32
        %dma_start3A_308 = tpu.memref_slice %arg6[%dma_start3A_305, %dma_start3A_306, %dma_start3A_307] : memref<2x128x128xf32, #tpu.memory_space<vmem>> -> memref<1x128x128xf32, #tpu.memory_space<vmem>>
        %dma_start3A_309 = tpu.memref_squeeze %dma_start3A_308 : memref<1x128x128xf32, #tpu.memory_space<vmem>> -> memref<128x128xf32, #tpu.memory_space<vmem>>
        %dma_start3A_310 = arith.constant 0 : i32
        %dma_start3A_311 = tpu.memref_slice %arg5[%dma_start3A_303, %dma_start3A_304, %dma_start3A_310] : memref<2x2x128xi32, #tpu.memory_space<vmem>> -> memref<1x1x128xi32, #tpu.memory_space<vmem>>
        %dma_start3A_312 = tpu.memref_squeeze %dma_start3A_311 : memref<1x1x128xi32, #tpu.memory_space<vmem>> -> memref<128xi32, #tpu.memory_space<vmem>>
        %dma_start3A_313 = arith.constant 0 : i32
        %dma_start3A_314 = arith.constant 0 : i32
        %dma_start3A_315 = tpu.memref_slice %arg2[%dma_start3A_313, %dma_start3A_314] : memref<10000x128xf32, #tpu.memory_space<hbm>> -> memref<10000x128xf32, #tpu.memory_space<hbm>>
        tpu.enqueue_indirect_dma source(%dma_start3A_315 : memref<10000x128xf32, #tpu.memory_space<hbm>>) target(%dma_start3A_309 : memref<128x128xf32, #tpu.memory_space<vmem>>) offsets(%dma_start3A_312 : memref<128xi32, #tpu.memory_space<vmem>>) semaphore(%arg9 : memref<!tpu.dma_semaphore, #tpu.memory_space<semaphore_mem>>)
      } else {
      }
    }
    %barrier3A_201 = arith.constant 0 : index
    tpu.barrier barrier_id(%barrier3A_201)
    %mul3A_202 = arith.constant 10240 : i32
    %mul3A_203 = arith.muli %arg0, %mul3A_202 : i32
    %add3A_204 = arith.addi %mul3A_203, %multiple_of3A : i32
    %multiple_of3A_205 = tpu.assume_multiple %add3A_204, 8 : i32
    "tpu.region"() ({
      %run_scoped3A = tpu.sem_alloc : memref<!tpu.dma_semaphore, #tpu.memory_space<semaphore_mem>>
      %dma_start3A_206 = arith.constant 0 : i32
      %dma_start3A_207 = tpu.memref_slice %arg4[%multiple_of3A_205, %dma_start3A_206] : memref<20480x128xf32, #tpu.memory_space<hbm>> -> memref<640x128xf32, #tpu.memory_space<hbm>>
      %dma_start3A_208 = arith.constant 0 : i32
      %dma_start3A_209 = tpu.memref_slice %arg8[%multiple_of3A, %dma_start3A_208] : memref<10240x128xf32, #tpu.memory_space<vmem_shared>> -> memref<640x128xf32, #tpu.memory_space<vmem_shared>>
      tpu.enqueue_dma source(%dma_start3A_209 : memref<640x128xf32, #tpu.memory_space<vmem_shared>>) target(%dma_start3A_207 : memref<640x128xf32, #tpu.memory_space<hbm>>) target_semaphore(%run_scoped3A : memref<!tpu.dma_semaphore, #tpu.memory_space<semaphore_mem>>)
      %dma_wait3A_210 = arith.constant 0 : i32
      %dma_wait3A_211 = tpu.memref_slice %arg4[%multiple_of3A_205, %dma_wait3A_210] : memref<20480x128xf32, #tpu.memory_space<hbm>> -> memref<640x128xf32, #tpu.memory_space<hbm>>
      %dma_wait3A_212 = arith.constant 0 : i32
      %dma_wait3A_213 = tpu.memref_slice %arg8[%multiple_of3A, %dma_wait3A_212] : memref<10240x128xf32, #tpu.memory_space<vmem_shared>> -> memref<640x128xf32, #tpu.memory_space<vmem_shared>>
      tpu.wait_dma2 semaphore(%run_scoped3A : memref<!tpu.dma_semaphore, #tpu.memory_space<semaphore_mem>>) src(%dma_wait3A_213 : memref<640x128xf32, #tpu.memory_space<vmem_shared>>) dst(%dma_wait3A_211 : memref<640x128xf32, #tpu.memory_space<hbm>>)
      tpu.yield
    }) : () -> ()
    return
  }
}

#map = affine_map<(d0, d1) -> (0, 0)>
module attributes {stable_mosaic.version = 14 : i64} {
  func.func @segsum(%arg0: i32, %arg1: i32, %arg2: memref<10000x128xf32, #tpu.memory_space<hbm>>, %arg3: memref<2x8192xi32, #tpu.memory_space<hbm>>, %arg4: memref<512x128xf32, #tpu.memory_space<hbm>>, %arg5: memref<2x2x128xi32, #tpu.memory_space<vmem>>, %arg6: memref<2x128x128xf32, #tpu.memory_space<vmem>>, %arg7: memref<16x128xf32, #tpu.memory_space<vmem>>, %arg8: memref<256x128xf32, #tpu.memory_space<vmem_shared>>, %arg9: memref<!tpu.dma_semaphore, #tpu.memory_space<semaphore_mem>>, %arg10: memref<!tpu.dma_semaphore, #tpu.memory_space<semaphore_mem>>, %arg11: memref<!tpu.dma_semaphore, #tpu.memory_space<semaphore_mem>>, %arg12: memref<!tpu.dma_semaphore, #tpu.memory_space<semaphore_mem>>) attributes {dimension_semantics = [#tpu.dimension_semantics<core_parallel>, #tpu.dimension_semantics<subcore_parallel>], iteration_bounds = array<i64: 2, 16>, scalar_prefetch = 0 : i64, scratch_operands = 8 : i64, tpu.core_type = #tpu.core_type<sc_vector_subcore>, window_params = [{transform_indices = #map}, {transform_indices = #map}, {transform_indices = #map}]} {
    %eq3A = arith.constant 0 : i32
    %eq3A_0 = arith.cmpi eq, %arg0, %eq3A : i32
    %select_n3A = arith.constant 2 : i32
    %select_n3A_1 = arith.constant 2 : i32
    %select_n3A_2 = arith.select %eq3A_0, %select_n3A_1, %select_n3A : i32
    %eq3A_3 = arith.constant 0 : i32
    %eq3A_4 = arith.cmpi eq, %arg0, %eq3A_3 : i32
    %mul3A = arith.constant 2 : i32
    %mul3A_5 = arith.muli %arg1, %mul3A : i32
    %mul3A_6 = arith.constant 2 : i32
    %mul3A_7 = arith.muli %arg1, %mul3A_6 : i32
    %add3A = arith.constant 32 : i32
    %add3A_8 = arith.addi %add3A, %mul3A_7 : i32
    %select_n3A_9 = arith.select %eq3A_4, %mul3A_5, %add3A_8 : i32
    %mul3A_10 = arith.constant 128 : i32
    %mul3A_11 = arith.muli %select_n3A_9, %mul3A_10 : i32
    %dma_start3A = arith.constant 0 : i32
    %dma_start3A_12 = arith.constant 0 : i32
    %dma_start3A_13 = arith.constant 0 : i32
    %dma_start3A_14 = tpu.memref_slice %arg5[%dma_start3A, %dma_start3A_12, %dma_start3A_13] : memref<2x2x128xi32, #tpu.memory_space<vmem>> -> memref<1x2x128xi32, #tpu.memory_space<vmem>>
    %dma_start3A_15 = tpu.memref_squeeze %dma_start3A_14 : memref<1x2x128xi32, #tpu.memory_space<vmem>> -> memref<2x128xi32, #tpu.memory_space<vmem>>
    %dma_start3A_16 = arith.constant 0 : i32
    %dma_start3A_17 = tpu.memref_slice %arg3[%dma_start3A_16, %mul3A_11] : memref<2x8192xi32, #tpu.memory_space<hbm>> -> memref<2x128xi32, #tpu.memory_space<hbm>>
    %dma_start3A_18 = arith.constant 0 : i32
    %dma_start3A_19 = arith.constant 0 : i32
    %dma_start3A_20 = tpu.memref_slice %arg5[%dma_start3A, %dma_start3A_18, %dma_start3A_19] : memref<2x2x128xi32, #tpu.memory_space<vmem>> -> memref<1x2x128xi32, #tpu.memory_space<vmem>>
    %dma_start3A_21 = tpu.memref_squeeze %dma_start3A_20 : memref<1x2x128xi32, #tpu.memory_space<vmem>> -> memref<2x128xi32, #tpu.memory_space<vmem>>
    %dma_start3A_22 = arith.constant 0 : i32
    %dma_start3A_23 = tpu.memref_slice %arg3[%dma_start3A_22, %mul3A_11] : memref<2x8192xi32, #tpu.memory_space<hbm>> -> memref<2x128xi32, #tpu.memory_space<hbm>>
    tpu.enqueue_dma source(%dma_start3A_23 : memref<2x128xi32, #tpu.memory_space<hbm>>) target(%dma_start3A_21 : memref<2x128xi32, #tpu.memory_space<vmem>>) target_semaphore(%arg11 : memref<!tpu.dma_semaphore, #tpu.memory_space<semaphore_mem>>)
    %add3A_24 = arith.constant 1 : i32
    %add3A_25 = arith.addi %select_n3A_9, %add3A_24 : i32
    %mul3A_26 = arith.constant 128 : i32
    %mul3A_27 = arith.muli %add3A_25, %mul3A_26 : i32
    %dma_start3A_28 = arith.constant 1 : i32
    %dma_start3A_29 = arith.constant 0 : i32
    %dma_start3A_30 = arith.constant 0 : i32
    %dma_start3A_31 = tpu.memref_slice %arg5[%dma_start3A_28, %dma_start3A_29, %dma_start3A_30] : memref<2x2x128xi32, #tpu.memory_space<vmem>> -> memref<1x2x128xi32, #tpu.memory_space<vmem>>
    %dma_start3A_32 = tpu.memref_squeeze %dma_start3A_31 : memref<1x2x128xi32, #tpu.memory_space<vmem>> -> memref<2x128xi32, #tpu.memory_space<vmem>>
    %dma_start3A_33 = arith.constant 0 : i32
    %dma_start3A_34 = tpu.memref_slice %arg3[%dma_start3A_33, %mul3A_27] : memref<2x8192xi32, #tpu.memory_space<hbm>> -> memref<2x128xi32, #tpu.memory_space<hbm>>
    %dma_start3A_35 = arith.constant 0 : i32
    %dma_start3A_36 = arith.constant 0 : i32
    %dma_start3A_37 = tpu.memref_slice %arg5[%dma_start3A_28, %dma_start3A_35, %dma_start3A_36] : memref<2x2x128xi32, #tpu.memory_space<vmem>> -> memref<1x2x128xi32, #tpu.memory_space<vmem>>
    %dma_start3A_38 = tpu.memref_squeeze %dma_start3A_37 : memref<1x2x128xi32, #tpu.memory_space<vmem>> -> memref<2x128xi32, #tpu.memory_space<vmem>>
    %dma_start3A_39 = arith.constant 0 : i32
    %dma_start3A_40 = tpu.memref_slice %arg3[%dma_start3A_39, %mul3A_27] : memref<2x8192xi32, #tpu.memory_space<hbm>> -> memref<2x128xi32, #tpu.memory_space<hbm>>
    tpu.enqueue_dma source(%dma_start3A_40 : memref<2x128xi32, #tpu.memory_space<hbm>>) target(%dma_start3A_38 : memref<2x128xi32, #tpu.memory_space<vmem>>) target_semaphore(%arg12 : memref<!tpu.dma_semaphore, #tpu.memory_space<semaphore_mem>>)
    %scan3A = arith.constant 0 : i32
    %scan3A_41 = arith.constant 0 : i32
    %scan3A_42 = arith.constant 128 : i32
    %scan3A_43 = arith.addi %scan3A_41, %scan3A_42 : i32
    %scan3A_44 = arith.constant 1 : i32
    scf.for %scan3A_116 = %scan3A_41 to %scan3A_43 step %scan3A_44  : i32 {
      %jit3A_117 = arith.constant 8 : i32
      %div3A_118 = arith.divsi %scan3A_116, %jit3A_117 : i32
      %sign3A_119 = arith.constant 0 : i32
      %sign3A_120 = arith.cmpi sgt, %scan3A_116, %sign3A_119 : i32
      %sign3A_121 = arith.extui %sign3A_120 : i1 to i32
      %sign3A_122 = arith.constant 0 : i32
      %sign3A_123 = arith.cmpi slt, %scan3A_116, %sign3A_122 : i32
      %sign3A_124 = arith.extui %sign3A_123 : i1 to i32
      %sign3A_125 = arith.subi %sign3A_121, %sign3A_124 : i32
      %sign3A_126 = arith.constant 0 : i32
      %sign3A_127 = arith.cmpi sgt, %jit3A_117, %sign3A_126 : i32
      %sign3A_128 = arith.extui %sign3A_127 : i1 to i32
      %sign3A_129 = arith.constant 0 : i32
      %sign3A_130 = arith.cmpi slt, %jit3A_117, %sign3A_129 : i32
      %sign3A_131 = arith.extui %sign3A_130 : i1 to i32
      %sign3A_132 = arith.subi %sign3A_128, %sign3A_131 : i32
      %ne3A_133 = arith.cmpi ne, %sign3A_125, %sign3A_132 : i32
      %rem3A_134 = arith.remsi %scan3A_116, %jit3A_117 : i32
      %ne3A_135 = arith.constant 0 : i32
      %ne3A_136 = arith.cmpi ne, %rem3A_134, %ne3A_135 : i32
      %and3A_137 = arith.andi %ne3A_133, %ne3A_136 : i1
      %sub3A_138 = arith.constant 1 : i32
      %sub3A_139 = arith.subi %div3A_118, %sub3A_138 : i32
      %select_n3A_140 = arith.select %and3A_137, %sub3A_139, %div3A_118 : i32
      %jit3A_141 = arith.constant 8 : i32
      %eq3A_142 = arith.constant 0 : i32
      %eq3A_143 = arith.cmpi eq, %jit3A_141, %eq3A_142 : i32
      %jit3A_144 = arith.constant 1 : i32
      %select_n3A_145 = arith.select %eq3A_143, %jit3A_144, %jit3A_141 : i32
      %rem3A_146 = arith.remsi %scan3A_116, %select_n3A_145 : i32
      %ne3A_147 = arith.constant 0 : i32
      %ne3A_148 = arith.cmpi ne, %rem3A_146, %ne3A_147 : i32
      %lt3A = arith.constant 0 : i32
      %lt3A_149 = arith.cmpi slt, %rem3A_146, %lt3A : i32
      %lt3A_150 = arith.constant 0 : i32
      %lt3A_151 = arith.cmpi slt, %select_n3A_145, %lt3A_150 : i32
      %ne3A_152 = arith.xori %lt3A_149, %lt3A_151 : i1
      %and3A_153 = arith.andi %ne3A_152, %ne3A_148 : i1
      %add3A_154 = arith.addi %rem3A_146, %select_n3A_145 : i32
      %select_n3A_155 = arith.select %and3A_153, %add3A_154, %rem3A_146 : i32
      %mul3A_156 = arith.constant 16 : i32
      %mul3A_157 = arith.muli %select_n3A_155, %mul3A_156 : i32
      %broadcast_in_dim3A = arith.constant 0.000000e+00 : f32
      %broadcast_in_dim3A_158 = vector.broadcast %broadcast_in_dim3A : f32 to vector<16xf32>
      %swap3A = arith.index_cast %select_n3A_140 : i32 to index
      %swap3A_159 = arith.index_cast %mul3A_157 : i32 to index
      %swap3A_160 = tpu.vector_load %arg7[%swap3A, %swap3A_159] {strides = array<i32>} : memref<16x128xf32, #tpu.memory_space<vmem>>, vector<1x16xf32>,
      %swap3A_161 = vector.shape_cast %swap3A_160 : vector<1x16xf32> to vector<16xf32>
      %swap3A_162 = vector.shape_cast %broadcast_in_dim3A_158 : vector<16xf32> to vector<1x16xf32>
      tpu.vector_store %arg7[%swap3A, %swap3A_159], %swap3A_162 {strides = array<i32>} : memref<16x128xf32, #tpu.memory_space<vmem>>, vector<1x16xf32>,
    }
    %scan3A_45 = arith.constant 128 : i32
    %mul3A_46 = arith.constant 16 : i32
    %mul3A_47 = arith.muli %arg1, %mul3A_46 : i32
    %multiple_of3A = tpu.assume_multiple %mul3A_47, 8 : i32
    %add3A_48 = arith.constant 0 : i32
    %add3A_49 = arith.addi %multiple_of3A, %add3A_48 : i32
    %dma_start3A_50 = arith.constant 0 : i32
    %dma_start3A_51 = tpu.memref_slice %arg8[%add3A_49, %dma_start3A_50] : memref<256x128xf32, #tpu.memory_space<vmem_shared>> -> memref<16x128xf32, #tpu.memory_space<vmem_shared>>
    %dma_start3A_52 = arith.constant 0 : i32
    %dma_start3A_53 = tpu.memref_slice %arg8[%add3A_49, %dma_start3A_52] : memref<256x128xf32, #tpu.memory_space<vmem_shared>> -> memref<16x128xf32, #tpu.memory_space<vmem_shared>>
    tpu.enqueue_dma source(%arg7 : memref<16x128xf32, #tpu.memory_space<vmem>>) target(%dma_start3A_53 : memref<16x128xf32, #tpu.memory_space<vmem_shared>>) target_semaphore(%arg10 : memref<!tpu.dma_semaphore, #tpu.memory_space<semaphore_mem>>)
    %dma_wait3A = arith.constant 0 : i32
    %dma_wait3A_54 = tpu.memref_slice %arg8[%multiple_of3A, %dma_wait3A] : memref<256x128xf32, #tpu.memory_space<vmem_shared>> -> memref<16x128xf32, #tpu.memory_space<vmem_shared>>
    %dma_wait3A_55 = arith.constant 0 : i32
    %dma_wait3A_56 = tpu.memref_slice %arg8[%multiple_of3A, %dma_wait3A_55] : memref<256x128xf32, #tpu.memory_space<vmem_shared>> -> memref<16x128xf32, #tpu.memory_space<vmem_shared>>
    tpu.wait_dma2 semaphore(%arg10 : memref<!tpu.dma_semaphore, #tpu.memory_space<semaphore_mem>>) src(%arg7 : memref<16x128xf32, #tpu.memory_space<vmem>>) dst(%dma_wait3A_56 : memref<16x128xf32, #tpu.memory_space<vmem_shared>>)
    %mul3A_57 = arith.constant 128 : i32
    %mul3A_58 = arith.muli %select_n3A_9, %mul3A_57 : i32
    %dma_wait3A_59 = arith.constant 0 : i32
    %dma_wait3A_60 = arith.constant 0 : i32
    %dma_wait3A_61 = arith.constant 0 : i32
    %dma_wait3A_62 = tpu.memref_slice %arg5[%dma_wait3A_59, %dma_wait3A_60, %dma_wait3A_61] : memref<2x2x128xi32, #tpu.memory_space<vmem>> -> memref<1x2x128xi32, #tpu.memory_space<vmem>>
    %dma_wait3A_63 = tpu.memref_squeeze %dma_wait3A_62 : memref<1x2x128xi32, #tpu.memory_space<vmem>> -> memref<2x128xi32, #tpu.memory_space<vmem>>
    %dma_wait3A_64 = arith.constant 0 : i32
    %dma_wait3A_65 = tpu.memref_slice %arg3[%dma_wait3A_64, %mul3A_58] : memref<2x8192xi32, #tpu.memory_space<hbm>> -> memref<2x128xi32, #tpu.memory_space<hbm>>
    %dma_wait3A_66 = arith.constant 0 : i32
    %dma_wait3A_67 = arith.constant 0 : i32
    %dma_wait3A_68 = tpu.memref_slice %arg5[%dma_wait3A_59, %dma_wait3A_66, %dma_wait3A_67] : memref<2x2x128xi32, #tpu.memory_space<vmem>> -> memref<1x2x128xi32, #tpu.memory_space<vmem>>
    %dma_wait3A_69 = tpu.memref_squeeze %dma_wait3A_68 : memref<1x2x128xi32, #tpu.memory_space<vmem>> -> memref<2x128xi32, #tpu.memory_space<vmem>>
    %dma_wait3A_70 = arith.constant 0 : i32
    %dma_wait3A_71 = tpu.memref_slice %arg3[%dma_wait3A_70, %mul3A_58] : memref<2x8192xi32, #tpu.memory_space<hbm>> -> memref<2x128xi32, #tpu.memory_space<hbm>>
    tpu.wait_dma2 semaphore(%arg11 : memref<!tpu.dma_semaphore, #tpu.memory_space<semaphore_mem>>) src(%dma_wait3A_71 : memref<2x128xi32, #tpu.memory_space<hbm>>) dst(%dma_wait3A_69 : memref<2x128xi32, #tpu.memory_space<vmem>>)
    %dma_start3A_72 = arith.constant 0 : i32
    %dma_start3A_73 = arith.constant 0 : i32
    %dma_start3A_74 = arith.constant 0 : i32
    %dma_start3A_75 = arith.constant 0 : i32
    %dma_start3A_76 = arith.constant 0 : i32
    %dma_start3A_77 = tpu.memref_slice %arg6[%dma_start3A_74, %dma_start3A_75, %dma_start3A_76] : memref<2x128x128xf32, #tpu.memory_space<vmem>> -> memref<1x128x128xf32, #tpu.memory_space<vmem>>
    %dma_start3A_78 = tpu.memref_squeeze %dma_start3A_77 : memref<1x128x128xf32, #tpu.memory_space<vmem>> -> memref<128x128xf32, #tpu.memory_space<vmem>>
    %dma_start3A_79 = arith.constant 0 : i32
    %dma_start3A_80 = tpu.memref_slice %arg5[%dma_start3A_72, %dma_start3A_73, %dma_start3A_79] : memref<2x2x128xi32, #tpu.memory_space<vmem>> -> memref<1x1x128xi32, #tpu.memory_space<vmem>>
    %dma_start3A_81 = tpu.memref_squeeze %dma_start3A_80 : memref<1x1x128xi32, #tpu.memory_space<vmem>> -> memref<128xi32, #tpu.memory_space<vmem>>
    %dma_start3A_82 = arith.constant 0 : i32
    %dma_start3A_83 = arith.constant 0 : i32
    %dma_start3A_84 = tpu.memref_slice %arg2[%dma_start3A_82, %dma_start3A_83] : memref<10000x128xf32, #tpu.memory_space<hbm>> -> memref<10000x128xf32, #tpu.memory_space<hbm>>
    tpu.enqueue_indirect_dma source(%dma_start3A_84 : memref<10000x128xf32, #tpu.memory_space<hbm>>) target(%dma_start3A_78 : memref<128x128xf32, #tpu.memory_space<vmem>>) offsets(%dma_start3A_81 : memref<128xi32, #tpu.memory_space<vmem>>) semaphore(%arg9 : memref<!tpu.dma_semaphore, #tpu.memory_space<semaphore_mem>>)
    %barrier3A = arith.constant 0 : index
    tpu.barrier barrier_id(%barrier3A)
    %jit3A = arith.constant 2 : i32
    %div3A = arith.divsi %select_n3A_2, %jit3A : i32
    %sign3A = arith.constant 0 : i32
    %sign3A_85 = arith.cmpi sgt, %select_n3A_2, %sign3A : i32
    %sign3A_86 = arith.extui %sign3A_85 : i1 to i32
    %sign3A_87 = arith.constant 0 : i32
    %sign3A_88 = arith.cmpi slt, %select_n3A_2, %sign3A_87 : i32
    %sign3A_89 = arith.extui %sign3A_88 : i1 to i32
    %sign3A_90 = arith.subi %sign3A_86, %sign3A_89 : i32
    %sign3A_91 = arith.constant 0 : i32
    %sign3A_92 = arith.cmpi sgt, %jit3A, %sign3A_91 : i32
    %sign3A_93 = arith.extui %sign3A_92 : i1 to i32
    %sign3A_94 = arith.constant 0 : i32
    %sign3A_95 = arith.cmpi slt, %jit3A, %sign3A_94 : i32
    %sign3A_96 = arith.extui %sign3A_95 : i1 to i32
    %sign3A_97 = arith.subi %sign3A_93, %sign3A_96 : i32
    %ne3A = arith.cmpi ne, %sign3A_90, %sign3A_97 : i32
    %rem3A = arith.remsi %select_n3A_2, %jit3A : i32
    %ne3A_98 = arith.constant 0 : i32
    %ne3A_99 = arith.cmpi ne, %rem3A, %ne3A_98 : i32
    %and3A = arith.andi %ne3A, %ne3A_99 : i1
    %sub3A = arith.constant 1 : i32
    %sub3A_100 = arith.subi %div3A, %sub3A : i32
    %select_n3A_101 = arith.select %and3A, %sub3A_100, %div3A : i32
    %while3A = arith.constant 0 : i32
    %while3A_102 = arith.constant 0 : i32
    %while3A_103 = arith.subi %select_n3A_101, %while3A_102 : i32
    %while3A_104 = arith.addi %while3A_102, %while3A_103 : i32
    %while3A_105 = arith.constant 1 : i32
    %while3A_106 = arith.divsi %while3A_103, %while3A_105 : i32
    %while3A_107 = arith.muli %while3A_106, %while3A_105 : i32
    %while3A_108 = arith.addi %while3A_102, %while3A_107 : i32
    %while3A_109 = arith.constant 1 : i32
    scf.for %while3A_116 = %while3A_102 to %while3A_108 step %while3A_109  : i32 {
      %mul3A_117 = arith.constant 2 : i32
      %mul3A_118 = arith.muli %mul3A_117, %while3A_116 : i32
      %add3A_119 = arith.constant 1 : i32
      %add3A_120 = arith.addi %select_n3A_9, %add3A_119 : i32
      %mul3A_121 = arith.constant 128 : i32
      %mul3A_122 = arith.muli %add3A_120, %mul3A_121 : i32
      %dma_wait3A_123 = arith.constant 1 : i32
      %dma_wait3A_124 = arith.constant 0 : i32
      %dma_wait3A_125 = arith.constant 0 : i32
      %dma_wait3A_126 = tpu.memref_slice %arg5[%dma_wait3A_123, %dma_wait3A_124, %dma_wait3A_125] : memref<2x2x128xi32, #tpu.memory_space<vmem>> -> memref<1x2x128xi32, #tpu.memory_space<vmem>>
      %dma_wait3A_127 = tpu.memref_squeeze %dma_wait3A_126 : memref<1x2x128xi32, #tpu.memory_space<vmem>> -> memref<2x128xi32, #tpu.memory_space<vmem>>
      %dma_wait3A_128 = arith.constant 0 : i32
      %dma_wait3A_129 = tpu.memref_slice %arg3[%dma_wait3A_128, %mul3A_122] : memref<2x8192xi32, #tpu.memory_space<hbm>> -> memref<2x128xi32, #tpu.memory_space<hbm>>
      %dma_wait3A_130 = arith.constant 0 : i32
      %dma_wait3A_131 = arith.constant 0 : i32
      %dma_wait3A_132 = tpu.memref_slice %arg5[%dma_wait3A_123, %dma_wait3A_130, %dma_wait3A_131] : memref<2x2x128xi32, #tpu.memory_space<vmem>> -> memref<1x2x128xi32, #tpu.memory_space<vmem>>
      %dma_wait3A_133 = tpu.memref_squeeze %dma_wait3A_132 : memref<1x2x128xi32, #tpu.memory_space<vmem>> -> memref<2x128xi32, #tpu.memory_space<vmem>>
      %dma_wait3A_134 = arith.constant 0 : i32
      %dma_wait3A_135 = tpu.memref_slice %arg3[%dma_wait3A_134, %mul3A_122] : memref<2x8192xi32, #tpu.memory_space<hbm>> -> memref<2x128xi32, #tpu.memory_space<hbm>>
      tpu.wait_dma2 semaphore(%arg12 : memref<!tpu.dma_semaphore, #tpu.memory_space<semaphore_mem>>) src(%dma_wait3A_135 : memref<2x128xi32, #tpu.memory_space<hbm>>) dst(%dma_wait3A_133 : memref<2x128xi32, #tpu.memory_space<vmem>>)
      %dma_start3A_136 = arith.constant 1 : i32
      %dma_start3A_137 = arith.constant 0 : i32
      %dma_start3A_138 = arith.constant 1 : i32
      %dma_start3A_139 = arith.constant 0 : i32
      %dma_start3A_140 = arith.constant 0 : i32
      %dma_start3A_141 = tpu.memref_slice %arg6[%dma_start3A_138, %dma_start3A_139, %dma_start3A_140] : memref<2x128x128xf32, #tpu.memory_space<vmem>> -> memref<1x128x128xf32, #tpu.memory_space<vmem>>
      %dma_start3A_142 = tpu.memref_squeeze %dma_start3A_141 : memref<1x128x128xf32, #tpu.memory_space<vmem>> -> memref<128x128xf32, #tpu.memory_space<vmem>>
      %dma_start3A_143 = arith.constant 0 : i32
      %dma_start3A_144 = tpu.memref_slice %arg5[%dma_start3A_136, %dma_start3A_137, %dma_start3A_143] : memref<2x2x128xi32, #tpu.memory_space<vmem>> -> memref<1x1x128xi32, #tpu.memory_space<vmem>>
      %dma_start3A_145 = tpu.memref_squeeze %dma_start3A_144 : memref<1x1x128xi32, #tpu.memory_space<vmem>> -> memref<128xi32, #tpu.memory_space<vmem>>
      %dma_start3A_146 = arith.constant 0 : i32
      %dma_start3A_147 = arith.constant 0 : i32
      %dma_start3A_148 = tpu.memref_slice %arg2[%dma_start3A_146, %dma_start3A_147] : memref<10000x128xf32, #tpu.memory_space<hbm>> -> memref<10000x128xf32, #tpu.memory_space<hbm>>
      tpu.enqueue_indirect_dma source(%dma_start3A_148 : memref<10000x128xf32, #tpu.memory_space<hbm>>) target(%dma_start3A_142 : memref<128x128xf32, #tpu.memory_space<vmem>>) offsets(%dma_start3A_145 : memref<128xi32, #tpu.memory_space<vmem>>) semaphore(%arg10 : memref<!tpu.dma_semaphore, #tpu.memory_space<semaphore_mem>>)
      %dma_wait3A_149 = arith.constant 0 : i32
      %dma_wait3A_150 = arith.constant 0 : i32
      %dma_wait3A_151 = arith.constant 0 : i32
      %dma_wait3A_152 = arith.constant 0 : i32
      %dma_wait3A_153 = arith.constant 0 : i32
      %dma_wait3A_154 = tpu.memref_slice %arg6[%dma_wait3A_151, %dma_wait3A_152, %dma_wait3A_153] : memref<2x128x128xf32, #tpu.memory_space<vmem>> -> memref<1x128x128xf32, #tpu.memory_space<vmem>>
      %dma_wait3A_155 = tpu.memref_squeeze %dma_wait3A_154 : memref<1x128x128xf32, #tpu.memory_space<vmem>> -> memref<128x128xf32, #tpu.memory_space<vmem>>
      %dma_wait3A_156 = arith.constant 0 : i32
      %dma_wait3A_157 = tpu.memref_slice %arg5[%dma_wait3A_149, %dma_wait3A_150, %dma_wait3A_156] : memref<2x2x128xi32, #tpu.memory_space<vmem>> -> memref<1x1x128xi32, #tpu.memory_space<vmem>>
      %dma_wait3A_158 = tpu.memref_squeeze %dma_wait3A_157 : memref<1x1x128xi32, #tpu.memory_space<vmem>> -> memref<128xi32, #tpu.memory_space<vmem>>
      %dma_wait3A_159 = arith.constant 0 : i32
      %dma_wait3A_160 = arith.constant 0 : i32
      %dma_wait3A_161 = tpu.memref_slice %arg2[%dma_wait3A_159, %dma_wait3A_160] : memref<10000x128xf32, #tpu.memory_space<hbm>> -> memref<10000x128xf32, #tpu.memory_space<hbm>>
      tpu.wait_indirect_dma semaphore(%arg9 : memref<!tpu.dma_semaphore, #tpu.memory_space<semaphore_mem>>) src(%dma_wait3A_161 : memref<10000x128xf32, #tpu.memory_space<hbm>>) dst(%dma_wait3A_155 : memref<128x128xf32, #tpu.memory_space<vmem>>)
      %run_scoped3A = arith.constant 0 : i32
      %run_scoped3A_162 = arith.constant 0 : i32
      %run_scoped3A_163 = arith.constant 1 : i32
      "tpu.region"() ({
        %run_scoped3A_195 = tpu.sem_alloc : memref<!tpu.dma_semaphore, #tpu.memory_space<semaphore_mem>>
        %dma_start3A_196 = arith.constant 0 : i32
        %dma_start3A_197 = arith.constant 0 : i32
        %dma_start3A_198 = tpu.memref_slice %arg6[%run_scoped3A, %dma_start3A_196, %dma_start3A_197] : memref<2x128x128xf32, #tpu.memory_space<vmem>> -> memref<1x128x128xf32, #tpu.memory_space<vmem>>
        %dma_start3A_199 = tpu.memref_squeeze %dma_start3A_198 : memref<1x128x128xf32, #tpu.memory_space<vmem>> -> memref<128x128xf32, #tpu.memory_space<vmem>>
        %dma_start3A_200 = arith.constant 0 : i32
        %dma_start3A_201 = tpu.memref_slice %arg5[%run_scoped3A_162, %run_scoped3A_163, %dma_start3A_200] : memref<2x2x128xi32, #tpu.memory_space<vmem>> -> memref<1x1x128xi32, #tpu.memory_space<vmem>>
        %dma_start3A_202 = tpu.memref_squeeze %dma_start3A_201 : memref<1x1x128xi32, #tpu.memory_space<vmem>> -> memref<128xi32, #tpu.memory_space<vmem>>
        %dma_start3A_203 = arith.constant 0 : i32
        %dma_start3A_204 = arith.constant 0 : i32
        %dma_start3A_205 = tpu.memref_slice %arg8[%dma_start3A_203, %dma_start3A_204] : memref<256x128xf32, #tpu.memory_space<vmem_shared>> -> memref<256x128xf32, #tpu.memory_space<vmem_shared>>
        tpu.enqueue_indirect_dma source(%dma_start3A_199 : memref<128x128xf32, #tpu.memory_space<vmem>>) target(%dma_start3A_205 : memref<256x128xf32, #tpu.memory_space<vmem_shared>>) offsets(%dma_start3A_202 : memref<128xi32, #tpu.memory_space<vmem>>) semaphore(%run_scoped3A_195 : memref<!tpu.dma_semaphore, #tpu.memory_space<semaphore_mem>>) {add = true}
        %dma_wait3A_206 = arith.constant 0 : i32
        %dma_wait3A_207 = arith.constant 0 : i32
        %dma_wait3A_208 = tpu.memref_slice %arg6[%run_scoped3A, %dma_wait3A_206, %dma_wait3A_207] : memref<2x128x128xf32, #tpu.memory_space<vmem>> -> memref<1x128x128xf32, #tpu.memory_space<vmem>>
        %dma_wait3A_209 = tpu.memref_squeeze %dma_wait3A_208 : memref<1x128x128xf32, #tpu.memory_space<vmem>> -> memref<128x128xf32, #tpu.memory_space<vmem>>
        %dma_wait3A_210 = arith.constant 0 : i32
        %dma_wait3A_211 = tpu.memref_slice %arg5[%run_scoped3A_162, %run_scoped3A_163, %dma_wait3A_210] : memref<2x2x128xi32, #tpu.memory_space<vmem>> -> memref<1x1x128xi32, #tpu.memory_space<vmem>>
        %dma_wait3A_212 = tpu.memref_squeeze %dma_wait3A_211 : memref<1x1x128xi32, #tpu.memory_space<vmem>> -> memref<128xi32, #tpu.memory_space<vmem>>
        %dma_wait3A_213 = arith.constant 0 : i32
        %dma_wait3A_214 = arith.constant 0 : i32
        %dma_wait3A_215 = tpu.memref_slice %arg8[%dma_wait3A_213, %dma_wait3A_214] : memref<256x128xf32, #tpu.memory_space<vmem_shared>> -> memref<256x128xf32, #tpu.memory_space<vmem_shared>>
        tpu.wait_indirect_dma semaphore(%run_scoped3A_195 : memref<!tpu.dma_semaphore, #tpu.memory_space<semaphore_mem>>) src(%dma_wait3A_209 : memref<128x128xf32, #tpu.memory_space<vmem>>) dst(%dma_wait3A_215 : memref<256x128xf32, #tpu.memory_space<vmem_shared>>)
        tpu.yield
      }) : () -> ()
      %add3A_164 = arith.constant 2 : i32
      %add3A_165 = arith.addi %mul3A_118, %add3A_164 : i32
      %lt3A = arith.cmpi slt, %add3A_165, %select_n3A_2 : i32
      %convert_element_type3A = arith.extui %lt3A : i1 to i32
      %cond3A = arith.constant 0 : i32
      %cond3A_166 = arith.cmpi ne, %convert_element_type3A, %cond3A : i32
      scf.if %cond3A_166 {
        %add3A_195 = arith.addi %select_n3A_9, %mul3A_118 : i32
        %add3A_196 = arith.constant 2 : i32
        %add3A_197 = arith.addi %add3A_195, %add3A_196 : i32
        %mul3A_198 = arith.constant 128 : i32
        %mul3A_199 = arith.muli %add3A_197, %mul3A_198 : i32
        %dma_start3A_200 = arith.constant 0 : i32
        %dma_start3A_201 = arith.constant 0 : i32
        %dma_start3A_202 = arith.constant 0 : i32
        %dma_start3A_203 = tpu.memref_slice %arg5[%dma_start3A_200, %dma_start3A_201, %dma_start3A_202] : memref<2x2x128xi32, #tpu.memory_space<vmem>> -> memref<1x2x128xi32, #tpu.memory_space<vmem>>
        %dma_start3A_204 = tpu.memref_squeeze %dma_start3A_203 : memref<1x2x128xi32, #tpu.memory_space<vmem>> -> memref<2x128xi32, #tpu.memory_space<vmem>>
        %dma_start3A_205 = arith.constant 0 : i32
        %dma_start3A_206 = tpu.memref_slice %arg3[%dma_start3A_205, %mul3A_199] : memref<2x8192xi32, #tpu.memory_space<hbm>> -> memref<2x128xi32, #tpu.memory_space<hbm>>
        %dma_start3A_207 = arith.constant 0 : i32
        %dma_start3A_208 = arith.constant 0 : i32
        %dma_start3A_209 = tpu.memref_slice %arg5[%dma_start3A_200, %dma_start3A_207, %dma_start3A_208] : memref<2x2x128xi32, #tpu.memory_space<vmem>> -> memref<1x2x128xi32, #tpu.memory_space<vmem>>
        %dma_start3A_210 = tpu.memref_squeeze %dma_start3A_209 : memref<1x2x128xi32, #tpu.memory_space<vmem>> -> memref<2x128xi32, #tpu.memory_space<vmem>>
        %dma_start3A_211 = arith.constant 0 : i32
        %dma_start3A_212 = tpu.memref_slice %arg3[%dma_start3A_211, %mul3A_199] : memref<2x8192xi32, #tpu.memory_space<hbm>> -> memref<2x128xi32, #tpu.memory_space<hbm>>
        tpu.enqueue_dma source(%dma_start3A_212 : memref<2x128xi32, #tpu.memory_space<hbm>>) target(%dma_start3A_210 : memref<2x128xi32, #tpu.memory_space<vmem>>) target_semaphore(%arg11 : memref<!tpu.dma_semaphore, #tpu.memory_space<semaphore_mem>>)
      } else {
      }
      %dma_wait3A_167 = arith.constant 1 : i32
      %dma_wait3A_168 = arith.constant 0 : i32
      %dma_wait3A_169 = arith.constant 1 : i32
      %dma_wait3A_170 = arith.constant 0 : i32
      %dma_wait3A_171 = arith.constant 0 : i32
      %dma_wait3A_172 = tpu.memref_slice %arg6[%dma_wait3A_169, %dma_wait3A_170, %dma_wait3A_171] : memref<2x128x128xf32, #tpu.memory_space<vmem>> -> memref<1x128x128xf32, #tpu.memory_space<vmem>>
      %dma_wait3A_173 = tpu.memref_squeeze %dma_wait3A_172 : memref<1x128x128xf32, #tpu.memory_space<vmem>> -> memref<128x128xf32, #tpu.memory_space<vmem>>
      %dma_wait3A_174 = arith.constant 0 : i32
      %dma_wait3A_175 = tpu.memref_slice %arg5[%dma_wait3A_167, %dma_wait3A_168, %dma_wait3A_174] : memref<2x2x128xi32, #tpu.memory_space<vmem>> -> memref<1x1x128xi32, #tpu.memory_space<vmem>>
      %dma_wait3A_176 = tpu.memref_squeeze %dma_wait3A_175 : memref<1x1x128xi32, #tpu.memory_space<vmem>> -> memref<128xi32, #tpu.memory_space<vmem>>
      %dma_wait3A_177 = arith.constant 0 : i32
      %dma_wait3A_178 = arith.constant 0 : i32
      %dma_wait3A_179 = tpu.memref_slice %arg2[%dma_wait3A_177, %dma_wait3A_178] : memref<10000x128xf32, #tpu.memory_space<hbm>> -> memref<10000x128xf32, #tpu.memory_space<hbm>>
      tpu.wait_indirect_dma semaphore(%arg10 : memref<!tpu.dma_semaphore, #tpu.memory_space<semaphore_mem>>) src(%dma_wait3A_179 : memref<10000x128xf32, #tpu.memory_space<hbm>>) dst(%dma_wait3A_173 : memref<128x128xf32, #tpu.memory_space<vmem>>)
      %run_scoped3A_180 = arith.constant 1 : i32
      %run_scoped3A_181 = arith.constant 1 : i32
      %run_scoped3A_182 = arith.constant 1 : i32
      "tpu.region"() ({
        %run_scoped3A_195 = tpu.sem_alloc : memref<!tpu.dma_semaphore, #tpu.memory_space<semaphore_mem>>
        %dma_start3A_196 = arith.constant 0 : i32
        %dma_start3A_197 = arith.constant 0 : i32
        %dma_start3A_198 = tpu.memref_slice %arg6[%run_scoped3A_180, %dma_start3A_196, %dma_start3A_197] : memref<2x128x128xf32, #tpu.memory_space<vmem>> -> memref<1x128x128xf32, #tpu.memory_space<vmem>>
        %dma_start3A_199 = tpu.memref_squeeze %dma_start3A_198 : memref<1x128x128xf32, #tpu.memory_space<vmem>> -> memref<128x128xf32, #tpu.memory_space<vmem>>
        %dma_start3A_200 = arith.constant 0 : i32
        %dma_start3A_201 = tpu.memref_slice %arg5[%run_scoped3A_181, %run_scoped3A_182, %dma_start3A_200] : memref<2x2x128xi32, #tpu.memory_space<vmem>> -> memref<1x1x128xi32, #tpu.memory_space<vmem>>
        %dma_start3A_202 = tpu.memref_squeeze %dma_start3A_201 : memref<1x1x128xi32, #tpu.memory_space<vmem>> -> memref<128xi32, #tpu.memory_space<vmem>>
        %dma_start3A_203 = arith.constant 0 : i32
        %dma_start3A_204 = arith.constant 0 : i32
        %dma_start3A_205 = tpu.memref_slice %arg8[%dma_start3A_203, %dma_start3A_204] : memref<256x128xf32, #tpu.memory_space<vmem_shared>> -> memref<256x128xf32, #tpu.memory_space<vmem_shared>>
        tpu.enqueue_indirect_dma source(%dma_start3A_199 : memref<128x128xf32, #tpu.memory_space<vmem>>) target(%dma_start3A_205 : memref<256x128xf32, #tpu.memory_space<vmem_shared>>) offsets(%dma_start3A_202 : memref<128xi32, #tpu.memory_space<vmem>>) semaphore(%run_scoped3A_195 : memref<!tpu.dma_semaphore, #tpu.memory_space<semaphore_mem>>) {add = true}
        %dma_wait3A_206 = arith.constant 0 : i32
        %dma_wait3A_207 = arith.constant 0 : i32
        %dma_wait3A_208 = tpu.memref_slice %arg6[%run_scoped3A_180, %dma_wait3A_206, %dma_wait3A_207] : memref<2x128x128xf32, #tpu.memory_space<vmem>> -> memref<1x128x128xf32, #tpu.memory_space<vmem>>
        %dma_wait3A_209 = tpu.memref_squeeze %dma_wait3A_208 : memref<1x128x128xf32, #tpu.memory_space<vmem>> -> memref<128x128xf32, #tpu.memory_space<vmem>>
        %dma_wait3A_210 = arith.constant 0 : i32
        %dma_wait3A_211 = tpu.memref_slice %arg5[%run_scoped3A_181, %run_scoped3A_182, %dma_wait3A_210] : memref<2x2x128xi32, #tpu.memory_space<vmem>> -> memref<1x1x128xi32, #tpu.memory_space<vmem>>
        %dma_wait3A_212 = tpu.memref_squeeze %dma_wait3A_211 : memref<1x1x128xi32, #tpu.memory_space<vmem>> -> memref<128xi32, #tpu.memory_space<vmem>>
        %dma_wait3A_213 = arith.constant 0 : i32
        %dma_wait3A_214 = arith.constant 0 : i32
        %dma_wait3A_215 = tpu.memref_slice %arg8[%dma_wait3A_213, %dma_wait3A_214] : memref<256x128xf32, #tpu.memory_space<vmem_shared>> -> memref<256x128xf32, #tpu.memory_space<vmem_shared>>
        tpu.wait_indirect_dma semaphore(%run_scoped3A_195 : memref<!tpu.dma_semaphore, #tpu.memory_space<semaphore_mem>>) src(%dma_wait3A_209 : memref<128x128xf32, #tpu.memory_space<vmem>>) dst(%dma_wait3A_215 : memref<256x128xf32, #tpu.memory_space<vmem_shared>>)
        tpu.yield
      }) : () -> ()
      %add3A_183 = arith.constant 3 : i32
      %add3A_184 = arith.addi %mul3A_118, %add3A_183 : i32
      %lt3A_185 = arith.cmpi slt, %add3A_184, %select_n3A_2 : i32
      %convert_element_type3A_186 = arith.extui %lt3A_185 : i1 to i32
      %cond3A_187 = arith.constant 0 : i32
      %cond3A_188 = arith.cmpi ne, %convert_element_type3A_186, %cond3A_187 : i32
      scf.if %cond3A_188 {
        %add3A_195 = arith.addi %select_n3A_9, %mul3A_118 : i32
        %add3A_196 = arith.constant 3 : i32
        %add3A_197 = arith.addi %add3A_195, %add3A_196 : i32
        %mul3A_198 = arith.constant 128 : i32
        %mul3A_199 = arith.muli %add3A_197, %mul3A_198 : i32
        %dma_start3A_200 = arith.constant 1 : i32
        %dma_start3A_201 = arith.constant 0 : i32
        %dma_start3A_202 = arith.constant 0 : i32
        %dma_start3A_203 = tpu.memref_slice %arg5[%dma_start3A_200, %dma_start3A_201, %dma_start3A_202] : memref<2x2x128xi32, #tpu.memory_space<vmem>> -> memref<1x2x128xi32, #tpu.memory_space<vmem>>
        %dma_start3A_204 = tpu.memref_squeeze %dma_start3A_203 : memref<1x2x128xi32, #tpu.memory_space<vmem>> -> memref<2x128xi32, #tpu.memory_space<vmem>>
        %dma_start3A_205 = arith.constant 0 : i32
        %dma_start3A_206 = tpu.memref_slice %arg3[%dma_start3A_205, %mul3A_199] : memref<2x8192xi32, #tpu.memory_space<hbm>> -> memref<2x128xi32, #tpu.memory_space<hbm>>
        %dma_start3A_207 = arith.constant 0 : i32
        %dma_start3A_208 = arith.constant 0 : i32
        %dma_start3A_209 = tpu.memref_slice %arg5[%dma_start3A_200, %dma_start3A_207, %dma_start3A_208] : memref<2x2x128xi32, #tpu.memory_space<vmem>> -> memref<1x2x128xi32, #tpu.memory_space<vmem>>
        %dma_start3A_210 = tpu.memref_squeeze %dma_start3A_209 : memref<1x2x128xi32, #tpu.memory_space<vmem>> -> memref<2x128xi32, #tpu.memory_space<vmem>>
        %dma_start3A_211 = arith.constant 0 : i32
        %dma_start3A_212 = tpu.memref_slice %arg3[%dma_start3A_211, %mul3A_199] : memref<2x8192xi32, #tpu.memory_space<hbm>> -> memref<2x128xi32, #tpu.memory_space<hbm>>
        tpu.enqueue_dma source(%dma_start3A_212 : memref<2x128xi32, #tpu.memory_space<hbm>>) target(%dma_start3A_210 : memref<2x128xi32, #tpu.memory_space<vmem>>) target_semaphore(%arg12 : memref<!tpu.dma_semaphore, #tpu.memory_space<semaphore_mem>>)
      } else {
      }
      %add3A_189 = arith.constant 2 : i32
      %add3A_190 = arith.addi %mul3A_118, %add3A_189 : i32
      %lt3A_191 = arith.cmpi slt, %add3A_190, %select_n3A_2 : i32
      %convert_element_type3A_192 = arith.extui %lt3A_191 : i1 to i32
      %cond3A_193 = arith.constant 0 : i32
      %cond3A_194 = arith.cmpi ne, %convert_element_type3A_192, %cond3A_193 : i32
      scf.if %cond3A_194 {
        %add3A_195 = arith.addi %select_n3A_9, %mul3A_118 : i32
        %add3A_196 = arith.constant 2 : i32
        %add3A_197 = arith.addi %add3A_195, %add3A_196 : i32
        %mul3A_198 = arith.constant 128 : i32
        %mul3A_199 = arith.muli %add3A_197, %mul3A_198 : i32
        %dma_wait3A_200 = arith.constant 0 : i32
        %dma_wait3A_201 = arith.constant 0 : i32
        %dma_wait3A_202 = arith.constant 0 : i32
        %dma_wait3A_203 = tpu.memref_slice %arg5[%dma_wait3A_200, %dma_wait3A_201, %dma_wait3A_202] : memref<2x2x128xi32, #tpu.memory_space<vmem>> -> memref<1x2x128xi32, #tpu.memory_space<vmem>>
        %dma_wait3A_204 = tpu.memref_squeeze %dma_wait3A_203 : memref<1x2x128xi32, #tpu.memory_space<vmem>> -> memref<2x128xi32, #tpu.memory_space<vmem>>
        %dma_wait3A_205 = arith.constant 0 : i32
        %dma_wait3A_206 = tpu.memref_slice %arg3[%dma_wait3A_205, %mul3A_199] : memref<2x8192xi32, #tpu.memory_space<hbm>> -> memref<2x128xi32, #tpu.memory_space<hbm>>
        %dma_wait3A_207 = arith.constant 0 : i32
        %dma_wait3A_208 = arith.constant 0 : i32
        %dma_wait3A_209 = tpu.memref_slice %arg5[%dma_wait3A_200, %dma_wait3A_207, %dma_wait3A_208] : memref<2x2x128xi32, #tpu.memory_space<vmem>> -> memref<1x2x128xi32, #tpu.memory_space<vmem>>
        %dma_wait3A_210 = tpu.memref_squeeze %dma_wait3A_209 : memref<1x2x128xi32, #tpu.memory_space<vmem>> -> memref<2x128xi32, #tpu.memory_space<vmem>>
        %dma_wait3A_211 = arith.constant 0 : i32
        %dma_wait3A_212 = tpu.memref_slice %arg3[%dma_wait3A_211, %mul3A_199] : memref<2x8192xi32, #tpu.memory_space<hbm>> -> memref<2x128xi32, #tpu.memory_space<hbm>>
        tpu.wait_dma2 semaphore(%arg11 : memref<!tpu.dma_semaphore, #tpu.memory_space<semaphore_mem>>) src(%dma_wait3A_212 : memref<2x128xi32, #tpu.memory_space<hbm>>) dst(%dma_wait3A_210 : memref<2x128xi32, #tpu.memory_space<vmem>>)
        %dma_start3A_213 = arith.constant 0 : i32
        %dma_start3A_214 = arith.constant 0 : i32
        %dma_start3A_215 = arith.constant 0 : i32
        %dma_start3A_216 = arith.constant 0 : i32
        %dma_start3A_217 = arith.constant 0 : i32
        %dma_start3A_218 = tpu.memref_slice %arg6[%dma_start3A_215, %dma_start3A_216, %dma_start3A_217] : memref<2x128x128xf32, #tpu.memory_space<vmem>> -> memref<1x128x128xf32, #tpu.memory_space<vmem>>
        %dma_start3A_219 = tpu.memref_squeeze %dma_start3A_218 : memref<1x128x128xf32, #tpu.memory_space<vmem>> -> memref<128x128xf32, #tpu.memory_space<vmem>>
        %dma_start3A_220 = arith.constant 0 : i32
        %dma_start3A_221 = tpu.memref_slice %arg5[%dma_start3A_213, %dma_start3A_214, %dma_start3A_220] : memref<2x2x128xi32, #tpu.memory_space<vmem>> -> memref<1x1x128xi32, #tpu.memory_space<vmem>>
        %dma_start3A_222 = tpu.memref_squeeze %dma_start3A_221 : memref<1x1x128xi32, #tpu.memory_space<vmem>> -> memref<128xi32, #tpu.memory_space<vmem>>
        %dma_start3A_223 = arith.constant 0 : i32
        %dma_start3A_224 = arith.constant 0 : i32
        %dma_start3A_225 = tpu.memref_slice %arg2[%dma_start3A_223, %dma_start3A_224] : memref<10000x128xf32, #tpu.memory_space<hbm>> -> memref<10000x128xf32, #tpu.memory_space<hbm>>
        tpu.enqueue_indirect_dma source(%dma_start3A_225 : memref<10000x128xf32, #tpu.memory_space<hbm>>) target(%dma_start3A_219 : memref<128x128xf32, #tpu.memory_space<vmem>>) offsets(%dma_start3A_222 : memref<128xi32, #tpu.memory_space<vmem>>) semaphore(%arg9 : memref<!tpu.dma_semaphore, #tpu.memory_space<semaphore_mem>>)
      } else {
      }
    }
    %while3A_110 = arith.constant 1 : i32
    scf.for %while3A_116 = %while3A_108 to %while3A_104 step %while3A_110  : i32 {
      %mul3A_117 = arith.constant 2 : i32
      %mul3A_118 = arith.muli %mul3A_117, %while3A_116 : i32
      %add3A_119 = arith.constant 1 : i32
      %add3A_120 = arith.addi %select_n3A_9, %add3A_119 : i32
      %mul3A_121 = arith.constant 128 : i32
      %mul3A_122 = arith.muli %add3A_120, %mul3A_121 : i32
      %dma_wait3A_123 = arith.constant 1 : i32
      %dma_wait3A_124 = arith.constant 0 : i32
      %dma_wait3A_125 = arith.constant 0 : i32
      %dma_wait3A_126 = tpu.memref_slice %arg5[%dma_wait3A_123, %dma_wait3A_124, %dma_wait3A_125] : memref<2x2x128xi32, #tpu.memory_space<vmem>> -> memref<1x2x128xi32, #tpu.memory_space<vmem>>
      %dma_wait3A_127 = tpu.memref_squeeze %dma_wait3A_126 : memref<1x2x128xi32, #tpu.memory_space<vmem>> -> memref<2x128xi32, #tpu.memory_space<vmem>>
      %dma_wait3A_128 = arith.constant 0 : i32
      %dma_wait3A_129 = tpu.memref_slice %arg3[%dma_wait3A_128, %mul3A_122] : memref<2x8192xi32, #tpu.memory_space<hbm>> -> memref<2x128xi32, #tpu.memory_space<hbm>>
      %dma_wait3A_130 = arith.constant 0 : i32
      %dma_wait3A_131 = arith.constant 0 : i32
      %dma_wait3A_132 = tpu.memref_slice %arg5[%dma_wait3A_123, %dma_wait3A_130, %dma_wait3A_131] : memref<2x2x128xi32, #tpu.memory_space<vmem>> -> memref<1x2x128xi32, #tpu.memory_space<vmem>>
      %dma_wait3A_133 = tpu.memref_squeeze %dma_wait3A_132 : memref<1x2x128xi32, #tpu.memory_space<vmem>> -> memref<2x128xi32, #tpu.memory_space<vmem>>
      %dma_wait3A_134 = arith.constant 0 : i32
      %dma_wait3A_135 = tpu.memref_slice %arg3[%dma_wait3A_134, %mul3A_122] : memref<2x8192xi32, #tpu.memory_space<hbm>> -> memref<2x128xi32, #tpu.memory_space<hbm>>
      tpu.wait_dma2 semaphore(%arg12 : memref<!tpu.dma_semaphore, #tpu.memory_space<semaphore_mem>>) src(%dma_wait3A_135 : memref<2x128xi32, #tpu.memory_space<hbm>>) dst(%dma_wait3A_133 : memref<2x128xi32, #tpu.memory_space<vmem>>)
      %dma_start3A_136 = arith.constant 1 : i32
      %dma_start3A_137 = arith.constant 0 : i32
      %dma_start3A_138 = arith.constant 1 : i32
      %dma_start3A_139 = arith.constant 0 : i32
      %dma_start3A_140 = arith.constant 0 : i32
      %dma_start3A_141 = tpu.memref_slice %arg6[%dma_start3A_138, %dma_start3A_139, %dma_start3A_140] : memref<2x128x128xf32, #tpu.memory_space<vmem>> -> memref<1x128x128xf32, #tpu.memory_space<vmem>>
      %dma_start3A_142 = tpu.memref_squeeze %dma_start3A_141 : memref<1x128x128xf32, #tpu.memory_space<vmem>> -> memref<128x128xf32, #tpu.memory_space<vmem>>
      %dma_start3A_143 = arith.constant 0 : i32
      %dma_start3A_144 = tpu.memref_slice %arg5[%dma_start3A_136, %dma_start3A_137, %dma_start3A_143] : memref<2x2x128xi32, #tpu.memory_space<vmem>> -> memref<1x1x128xi32, #tpu.memory_space<vmem>>
      %dma_start3A_145 = tpu.memref_squeeze %dma_start3A_144 : memref<1x1x128xi32, #tpu.memory_space<vmem>> -> memref<128xi32, #tpu.memory_space<vmem>>
      %dma_start3A_146 = arith.constant 0 : i32
      %dma_start3A_147 = arith.constant 0 : i32
      %dma_start3A_148 = tpu.memref_slice %arg2[%dma_start3A_146, %dma_start3A_147] : memref<10000x128xf32, #tpu.memory_space<hbm>> -> memref<10000x128xf32, #tpu.memory_space<hbm>>
      tpu.enqueue_indirect_dma source(%dma_start3A_148 : memref<10000x128xf32, #tpu.memory_space<hbm>>) target(%dma_start3A_142 : memref<128x128xf32, #tpu.memory_space<vmem>>) offsets(%dma_start3A_145 : memref<128xi32, #tpu.memory_space<vmem>>) semaphore(%arg10 : memref<!tpu.dma_semaphore, #tpu.memory_space<semaphore_mem>>)
      %dma_wait3A_149 = arith.constant 0 : i32
      %dma_wait3A_150 = arith.constant 0 : i32
      %dma_wait3A_151 = arith.constant 0 : i32
      %dma_wait3A_152 = arith.constant 0 : i32
      %dma_wait3A_153 = arith.constant 0 : i32
      %dma_wait3A_154 = tpu.memref_slice %arg6[%dma_wait3A_151, %dma_wait3A_152, %dma_wait3A_153] : memref<2x128x128xf32, #tpu.memory_space<vmem>> -> memref<1x128x128xf32, #tpu.memory_space<vmem>>
      %dma_wait3A_155 = tpu.memref_squeeze %dma_wait3A_154 : memref<1x128x128xf32, #tpu.memory_space<vmem>> -> memref<128x128xf32, #tpu.memory_space<vmem>>
      %dma_wait3A_156 = arith.constant 0 : i32
      %dma_wait3A_157 = tpu.memref_slice %arg5[%dma_wait3A_149, %dma_wait3A_150, %dma_wait3A_156] : memref<2x2x128xi32, #tpu.memory_space<vmem>> -> memref<1x1x128xi32, #tpu.memory_space<vmem>>
      %dma_wait3A_158 = tpu.memref_squeeze %dma_wait3A_157 : memref<1x1x128xi32, #tpu.memory_space<vmem>> -> memref<128xi32, #tpu.memory_space<vmem>>
      %dma_wait3A_159 = arith.constant 0 : i32
      %dma_wait3A_160 = arith.constant 0 : i32
      %dma_wait3A_161 = tpu.memref_slice %arg2[%dma_wait3A_159, %dma_wait3A_160] : memref<10000x128xf32, #tpu.memory_space<hbm>> -> memref<10000x128xf32, #tpu.memory_space<hbm>>
      tpu.wait_indirect_dma semaphore(%arg9 : memref<!tpu.dma_semaphore, #tpu.memory_space<semaphore_mem>>) src(%dma_wait3A_161 : memref<10000x128xf32, #tpu.memory_space<hbm>>) dst(%dma_wait3A_155 : memref<128x128xf32, #tpu.memory_space<vmem>>)
      %run_scoped3A = arith.constant 0 : i32
      %run_scoped3A_162 = arith.constant 0 : i32
      %run_scoped3A_163 = arith.constant 1 : i32
      "tpu.region"() ({
        %run_scoped3A_195 = tpu.sem_alloc : memref<!tpu.dma_semaphore, #tpu.memory_space<semaphore_mem>>
        %dma_start3A_196 = arith.constant 0 : i32
        %dma_start3A_197 = arith.constant 0 : i32
        %dma_start3A_198 = tpu.memref_slice %arg6[%run_scoped3A, %dma_start3A_196, %dma_start3A_197] : memref<2x128x128xf32, #tpu.memory_space<vmem>> -> memref<1x128x128xf32, #tpu.memory_space<vmem>>
        %dma_start3A_199 = tpu.memref_squeeze %dma_start3A_198 : memref<1x128x128xf32, #tpu.memory_space<vmem>> -> memref<128x128xf32, #tpu.memory_space<vmem>>
        %dma_start3A_200 = arith.constant 0 : i32
        %dma_start3A_201 = tpu.memref_slice %arg5[%run_scoped3A_162, %run_scoped3A_163, %dma_start3A_200] : memref<2x2x128xi32, #tpu.memory_space<vmem>> -> memref<1x1x128xi32, #tpu.memory_space<vmem>>
        %dma_start3A_202 = tpu.memref_squeeze %dma_start3A_201 : memref<1x1x128xi32, #tpu.memory_space<vmem>> -> memref<128xi32, #tpu.memory_space<vmem>>
        %dma_start3A_203 = arith.constant 0 : i32
        %dma_start3A_204 = arith.constant 0 : i32
        %dma_start3A_205 = tpu.memref_slice %arg8[%dma_start3A_203, %dma_start3A_204] : memref<256x128xf32, #tpu.memory_space<vmem_shared>> -> memref<256x128xf32, #tpu.memory_space<vmem_shared>>
        tpu.enqueue_indirect_dma source(%dma_start3A_199 : memref<128x128xf32, #tpu.memory_space<vmem>>) target(%dma_start3A_205 : memref<256x128xf32, #tpu.memory_space<vmem_shared>>) offsets(%dma_start3A_202 : memref<128xi32, #tpu.memory_space<vmem>>) semaphore(%run_scoped3A_195 : memref<!tpu.dma_semaphore, #tpu.memory_space<semaphore_mem>>) {add = true}
        %dma_wait3A_206 = arith.constant 0 : i32
        %dma_wait3A_207 = arith.constant 0 : i32
        %dma_wait3A_208 = tpu.memref_slice %arg6[%run_scoped3A, %dma_wait3A_206, %dma_wait3A_207] : memref<2x128x128xf32, #tpu.memory_space<vmem>> -> memref<1x128x128xf32, #tpu.memory_space<vmem>>
        %dma_wait3A_209 = tpu.memref_squeeze %dma_wait3A_208 : memref<1x128x128xf32, #tpu.memory_space<vmem>> -> memref<128x128xf32, #tpu.memory_space<vmem>>
        %dma_wait3A_210 = arith.constant 0 : i32
        %dma_wait3A_211 = tpu.memref_slice %arg5[%run_scoped3A_162, %run_scoped3A_163, %dma_wait3A_210] : memref<2x2x128xi32, #tpu.memory_space<vmem>> -> memref<1x1x128xi32, #tpu.memory_space<vmem>>
        %dma_wait3A_212 = tpu.memref_squeeze %dma_wait3A_211 : memref<1x1x128xi32, #tpu.memory_space<vmem>> -> memref<128xi32, #tpu.memory_space<vmem>>
        %dma_wait3A_213 = arith.constant 0 : i32
        %dma_wait3A_214 = arith.constant 0 : i32
        %dma_wait3A_215 = tpu.memref_slice %arg8[%dma_wait3A_213, %dma_wait3A_214] : memref<256x128xf32, #tpu.memory_space<vmem_shared>> -> memref<256x128xf32, #tpu.memory_space<vmem_shared>>
        tpu.wait_indirect_dma semaphore(%run_scoped3A_195 : memref<!tpu.dma_semaphore, #tpu.memory_space<semaphore_mem>>) src(%dma_wait3A_209 : memref<128x128xf32, #tpu.memory_space<vmem>>) dst(%dma_wait3A_215 : memref<256x128xf32, #tpu.memory_space<vmem_shared>>)
        tpu.yield
      }) : () -> ()
      %add3A_164 = arith.constant 2 : i32
      %add3A_165 = arith.addi %mul3A_118, %add3A_164 : i32
      %lt3A = arith.cmpi slt, %add3A_165, %select_n3A_2 : i32
      %convert_element_type3A = arith.extui %lt3A : i1 to i32
      %cond3A = arith.constant 0 : i32
      %cond3A_166 = arith.cmpi ne, %convert_element_type3A, %cond3A : i32
      scf.if %cond3A_166 {
        %add3A_195 = arith.addi %select_n3A_9, %mul3A_118 : i32
        %add3A_196 = arith.constant 2 : i32
        %add3A_197 = arith.addi %add3A_195, %add3A_196 : i32
        %mul3A_198 = arith.constant 128 : i32
        %mul3A_199 = arith.muli %add3A_197, %mul3A_198 : i32
        %dma_start3A_200 = arith.constant 0 : i32
        %dma_start3A_201 = arith.constant 0 : i32
        %dma_start3A_202 = arith.constant 0 : i32
        %dma_start3A_203 = tpu.memref_slice %arg5[%dma_start3A_200, %dma_start3A_201, %dma_start3A_202] : memref<2x2x128xi32, #tpu.memory_space<vmem>> -> memref<1x2x128xi32, #tpu.memory_space<vmem>>
        %dma_start3A_204 = tpu.memref_squeeze %dma_start3A_203 : memref<1x2x128xi32, #tpu.memory_space<vmem>> -> memref<2x128xi32, #tpu.memory_space<vmem>>
        %dma_start3A_205 = arith.constant 0 : i32
        %dma_start3A_206 = tpu.memref_slice %arg3[%dma_start3A_205, %mul3A_199] : memref<2x8192xi32, #tpu.memory_space<hbm>> -> memref<2x128xi32, #tpu.memory_space<hbm>>
        %dma_start3A_207 = arith.constant 0 : i32
        %dma_start3A_208 = arith.constant 0 : i32
        %dma_start3A_209 = tpu.memref_slice %arg5[%dma_start3A_200, %dma_start3A_207, %dma_start3A_208] : memref<2x2x128xi32, #tpu.memory_space<vmem>> -> memref<1x2x128xi32, #tpu.memory_space<vmem>>
        %dma_start3A_210 = tpu.memref_squeeze %dma_start3A_209 : memref<1x2x128xi32, #tpu.memory_space<vmem>> -> memref<2x128xi32, #tpu.memory_space<vmem>>
        %dma_start3A_211 = arith.constant 0 : i32
        %dma_start3A_212 = tpu.memref_slice %arg3[%dma_start3A_211, %mul3A_199] : memref<2x8192xi32, #tpu.memory_space<hbm>> -> memref<2x128xi32, #tpu.memory_space<hbm>>
        tpu.enqueue_dma source(%dma_start3A_212 : memref<2x128xi32, #tpu.memory_space<hbm>>) target(%dma_start3A_210 : memref<2x128xi32, #tpu.memory_space<vmem>>) target_semaphore(%arg11 : memref<!tpu.dma_semaphore, #tpu.memory_space<semaphore_mem>>)
      } else {
      }
      %dma_wait3A_167 = arith.constant 1 : i32
      %dma_wait3A_168 = arith.constant 0 : i32
      %dma_wait3A_169 = arith.constant 1 : i32
      %dma_wait3A_170 = arith.constant 0 : i32
      %dma_wait3A_171 = arith.constant 0 : i32
      %dma_wait3A_172 = tpu.memref_slice %arg6[%dma_wait3A_169, %dma_wait3A_170, %dma_wait3A_171] : memref<2x128x128xf32, #tpu.memory_space<vmem>> -> memref<1x128x128xf32, #tpu.memory_space<vmem>>
      %dma_wait3A_173 = tpu.memref_squeeze %dma_wait3A_172 : memref<1x128x128xf32, #tpu.memory_space<vmem>> -> memref<128x128xf32, #tpu.memory_space<vmem>>
      %dma_wait3A_174 = arith.constant 0 : i32
      %dma_wait3A_175 = tpu.memref_slice %arg5[%dma_wait3A_167, %dma_wait3A_168, %dma_wait3A_174] : memref<2x2x128xi32, #tpu.memory_space<vmem>> -> memref<1x1x128xi32, #tpu.memory_space<vmem>>
      %dma_wait3A_176 = tpu.memref_squeeze %dma_wait3A_175 : memref<1x1x128xi32, #tpu.memory_space<vmem>> -> memref<128xi32, #tpu.memory_space<vmem>>
      %dma_wait3A_177 = arith.constant 0 : i32
      %dma_wait3A_178 = arith.constant 0 : i32
      %dma_wait3A_179 = tpu.memref_slice %arg2[%dma_wait3A_177, %dma_wait3A_178] : memref<10000x128xf32, #tpu.memory_space<hbm>> -> memref<10000x128xf32, #tpu.memory_space<hbm>>
      tpu.wait_indirect_dma semaphore(%arg10 : memref<!tpu.dma_semaphore, #tpu.memory_space<semaphore_mem>>) src(%dma_wait3A_179 : memref<10000x128xf32, #tpu.memory_space<hbm>>) dst(%dma_wait3A_173 : memref<128x128xf32, #tpu.memory_space<vmem>>)
      %run_scoped3A_180 = arith.constant 1 : i32
      %run_scoped3A_181 = arith.constant 1 : i32
      %run_scoped3A_182 = arith.constant 1 : i32
      "tpu.region"() ({
        %run_scoped3A_195 = tpu.sem_alloc : memref<!tpu.dma_semaphore, #tpu.memory_space<semaphore_mem>>
        %dma_start3A_196 = arith.constant 0 : i32
        %dma_start3A_197 = arith.constant 0 : i32
        %dma_start3A_198 = tpu.memref_slice %arg6[%run_scoped3A_180, %dma_start3A_196, %dma_start3A_197] : memref<2x128x128xf32, #tpu.memory_space<vmem>> -> memref<1x128x128xf32, #tpu.memory_space<vmem>>
        %dma_start3A_199 = tpu.memref_squeeze %dma_start3A_198 : memref<1x128x128xf32, #tpu.memory_space<vmem>> -> memref<128x128xf32, #tpu.memory_space<vmem>>
        %dma_start3A_200 = arith.constant 0 : i32
        %dma_start3A_201 = tpu.memref_slice %arg5[%run_scoped3A_181, %run_scoped3A_182, %dma_start3A_200] : memref<2x2x128xi32, #tpu.memory_space<vmem>> -> memref<1x1x128xi32, #tpu.memory_space<vmem>>
        %dma_start3A_202 = tpu.memref_squeeze %dma_start3A_201 : memref<1x1x128xi32, #tpu.memory_space<vmem>> -> memref<128xi32, #tpu.memory_space<vmem>>
        %dma_start3A_203 = arith.constant 0 : i32
        %dma_start3A_204 = arith.constant 0 : i32
        %dma_start3A_205 = tpu.memref_slice %arg8[%dma_start3A_203, %dma_start3A_204] : memref<256x128xf32, #tpu.memory_space<vmem_shared>> -> memref<256x128xf32, #tpu.memory_space<vmem_shared>>
        tpu.enqueue_indirect_dma source(%dma_start3A_199 : memref<128x128xf32, #tpu.memory_space<vmem>>) target(%dma_start3A_205 : memref<256x128xf32, #tpu.memory_space<vmem_shared>>) offsets(%dma_start3A_202 : memref<128xi32, #tpu.memory_space<vmem>>) semaphore(%run_scoped3A_195 : memref<!tpu.dma_semaphore, #tpu.memory_space<semaphore_mem>>) {add = true}
        %dma_wait3A_206 = arith.constant 0 : i32
        %dma_wait3A_207 = arith.constant 0 : i32
        %dma_wait3A_208 = tpu.memref_slice %arg6[%run_scoped3A_180, %dma_wait3A_206, %dma_wait3A_207] : memref<2x128x128xf32, #tpu.memory_space<vmem>> -> memref<1x128x128xf32, #tpu.memory_space<vmem>>
        %dma_wait3A_209 = tpu.memref_squeeze %dma_wait3A_208 : memref<1x128x128xf32, #tpu.memory_space<vmem>> -> memref<128x128xf32, #tpu.memory_space<vmem>>
        %dma_wait3A_210 = arith.constant 0 : i32
        %dma_wait3A_211 = tpu.memref_slice %arg5[%run_scoped3A_181, %run_scoped3A_182, %dma_wait3A_210] : memref<2x2x128xi32, #tpu.memory_space<vmem>> -> memref<1x1x128xi32, #tpu.memory_space<vmem>>
        %dma_wait3A_212 = tpu.memref_squeeze %dma_wait3A_211 : memref<1x1x128xi32, #tpu.memory_space<vmem>> -> memref<128xi32, #tpu.memory_space<vmem>>
        %dma_wait3A_213 = arith.constant 0 : i32
        %dma_wait3A_214 = arith.constant 0 : i32
        %dma_wait3A_215 = tpu.memref_slice %arg8[%dma_wait3A_213, %dma_wait3A_214] : memref<256x128xf32, #tpu.memory_space<vmem_shared>> -> memref<256x128xf32, #tpu.memory_space<vmem_shared>>
        tpu.wait_indirect_dma semaphore(%run_scoped3A_195 : memref<!tpu.dma_semaphore, #tpu.memory_space<semaphore_mem>>) src(%dma_wait3A_209 : memref<128x128xf32, #tpu.memory_space<vmem>>) dst(%dma_wait3A_215 : memref<256x128xf32, #tpu.memory_space<vmem_shared>>)
        tpu.yield
      }) : () -> ()
      %add3A_183 = arith.constant 3 : i32
      %add3A_184 = arith.addi %mul3A_118, %add3A_183 : i32
      %lt3A_185 = arith.cmpi slt, %add3A_184, %select_n3A_2 : i32
      %convert_element_type3A_186 = arith.extui %lt3A_185 : i1 to i32
      %cond3A_187 = arith.constant 0 : i32
      %cond3A_188 = arith.cmpi ne, %convert_element_type3A_186, %cond3A_187 : i32
      scf.if %cond3A_188 {
        %add3A_195 = arith.addi %select_n3A_9, %mul3A_118 : i32
        %add3A_196 = arith.constant 3 : i32
        %add3A_197 = arith.addi %add3A_195, %add3A_196 : i32
        %mul3A_198 = arith.constant 128 : i32
        %mul3A_199 = arith.muli %add3A_197, %mul3A_198 : i32
        %dma_start3A_200 = arith.constant 1 : i32
        %dma_start3A_201 = arith.constant 0 : i32
        %dma_start3A_202 = arith.constant 0 : i32
        %dma_start3A_203 = tpu.memref_slice %arg5[%dma_start3A_200, %dma_start3A_201, %dma_start3A_202] : memref<2x2x128xi32, #tpu.memory_space<vmem>> -> memref<1x2x128xi32, #tpu.memory_space<vmem>>
        %dma_start3A_204 = tpu.memref_squeeze %dma_start3A_203 : memref<1x2x128xi32, #tpu.memory_space<vmem>> -> memref<2x128xi32, #tpu.memory_space<vmem>>
        %dma_start3A_205 = arith.constant 0 : i32
        %dma_start3A_206 = tpu.memref_slice %arg3[%dma_start3A_205, %mul3A_199] : memref<2x8192xi32, #tpu.memory_space<hbm>> -> memref<2x128xi32, #tpu.memory_space<hbm>>
        %dma_start3A_207 = arith.constant 0 : i32
        %dma_start3A_208 = arith.constant 0 : i32
        %dma_start3A_209 = tpu.memref_slice %arg5[%dma_start3A_200, %dma_start3A_207, %dma_start3A_208] : memref<2x2x128xi32, #tpu.memory_space<vmem>> -> memref<1x2x128xi32, #tpu.memory_space<vmem>>
        %dma_start3A_210 = tpu.memref_squeeze %dma_start3A_209 : memref<1x2x128xi32, #tpu.memory_space<vmem>> -> memref<2x128xi32, #tpu.memory_space<vmem>>
        %dma_start3A_211 = arith.constant 0 : i32
        %dma_start3A_212 = tpu.memref_slice %arg3[%dma_start3A_211, %mul3A_199] : memref<2x8192xi32, #tpu.memory_space<hbm>> -> memref<2x128xi32, #tpu.memory_space<hbm>>
        tpu.enqueue_dma source(%dma_start3A_212 : memref<2x128xi32, #tpu.memory_space<hbm>>) target(%dma_start3A_210 : memref<2x128xi32, #tpu.memory_space<vmem>>) target_semaphore(%arg12 : memref<!tpu.dma_semaphore, #tpu.memory_space<semaphore_mem>>)
      } else {
      }
      %add3A_189 = arith.constant 2 : i32
      %add3A_190 = arith.addi %mul3A_118, %add3A_189 : i32
      %lt3A_191 = arith.cmpi slt, %add3A_190, %select_n3A_2 : i32
      %convert_element_type3A_192 = arith.extui %lt3A_191 : i1 to i32
      %cond3A_193 = arith.constant 0 : i32
      %cond3A_194 = arith.cmpi ne, %convert_element_type3A_192, %cond3A_193 : i32
      scf.if %cond3A_194 {
        %add3A_195 = arith.addi %select_n3A_9, %mul3A_118 : i32
        %add3A_196 = arith.constant 2 : i32
        %add3A_197 = arith.addi %add3A_195, %add3A_196 : i32
        %mul3A_198 = arith.constant 128 : i32
        %mul3A_199 = arith.muli %add3A_197, %mul3A_198 : i32
        %dma_wait3A_200 = arith.constant 0 : i32
        %dma_wait3A_201 = arith.constant 0 : i32
        %dma_wait3A_202 = arith.constant 0 : i32
        %dma_wait3A_203 = tpu.memref_slice %arg5[%dma_wait3A_200, %dma_wait3A_201, %dma_wait3A_202] : memref<2x2x128xi32, #tpu.memory_space<vmem>> -> memref<1x2x128xi32, #tpu.memory_space<vmem>>
        %dma_wait3A_204 = tpu.memref_squeeze %dma_wait3A_203 : memref<1x2x128xi32, #tpu.memory_space<vmem>> -> memref<2x128xi32, #tpu.memory_space<vmem>>
        %dma_wait3A_205 = arith.constant 0 : i32
        %dma_wait3A_206 = tpu.memref_slice %arg3[%dma_wait3A_205, %mul3A_199] : memref<2x8192xi32, #tpu.memory_space<hbm>> -> memref<2x128xi32, #tpu.memory_space<hbm>>
        %dma_wait3A_207 = arith.constant 0 : i32
        %dma_wait3A_208 = arith.constant 0 : i32
        %dma_wait3A_209 = tpu.memref_slice %arg5[%dma_wait3A_200, %dma_wait3A_207, %dma_wait3A_208] : memref<2x2x128xi32, #tpu.memory_space<vmem>> -> memref<1x2x128xi32, #tpu.memory_space<vmem>>
        %dma_wait3A_210 = tpu.memref_squeeze %dma_wait3A_209 : memref<1x2x128xi32, #tpu.memory_space<vmem>> -> memref<2x128xi32, #tpu.memory_space<vmem>>
        %dma_wait3A_211 = arith.constant 0 : i32
        %dma_wait3A_212 = tpu.memref_slice %arg3[%dma_wait3A_211, %mul3A_199] : memref<2x8192xi32, #tpu.memory_space<hbm>> -> memref<2x128xi32, #tpu.memory_space<hbm>>
        tpu.wait_dma2 semaphore(%arg11 : memref<!tpu.dma_semaphore, #tpu.memory_space<semaphore_mem>>) src(%dma_wait3A_212 : memref<2x128xi32, #tpu.memory_space<hbm>>) dst(%dma_wait3A_210 : memref<2x128xi32, #tpu.memory_space<vmem>>)
        %dma_start3A_213 = arith.constant 0 : i32
        %dma_start3A_214 = arith.constant 0 : i32
        %dma_start3A_215 = arith.constant 0 : i32
        %dma_start3A_216 = arith.constant 0 : i32
        %dma_start3A_217 = arith.constant 0 : i32
        %dma_start3A_218 = tpu.memref_slice %arg6[%dma_start3A_215, %dma_start3A_216, %dma_start3A_217] : memref<2x128x128xf32, #tpu.memory_space<vmem>> -> memref<1x128x128xf32, #tpu.memory_space<vmem>>
        %dma_start3A_219 = tpu.memref_squeeze %dma_start3A_218 : memref<1x128x128xf32, #tpu.memory_space<vmem>> -> memref<128x128xf32, #tpu.memory_space<vmem>>
        %dma_start3A_220 = arith.constant 0 : i32
        %dma_start3A_221 = tpu.memref_slice %arg5[%dma_start3A_213, %dma_start3A_214, %dma_start3A_220] : memref<2x2x128xi32, #tpu.memory_space<vmem>> -> memref<1x1x128xi32, #tpu.memory_space<vmem>>
        %dma_start3A_222 = tpu.memref_squeeze %dma_start3A_221 : memref<1x1x128xi32, #tpu.memory_space<vmem>> -> memref<128xi32, #tpu.memory_space<vmem>>
        %dma_start3A_223 = arith.constant 0 : i32
        %dma_start3A_224 = arith.constant 0 : i32
        %dma_start3A_225 = tpu.memref_slice %arg2[%dma_start3A_223, %dma_start3A_224] : memref<10000x128xf32, #tpu.memory_space<hbm>> -> memref<10000x128xf32, #tpu.memory_space<hbm>>
        tpu.enqueue_indirect_dma source(%dma_start3A_225 : memref<10000x128xf32, #tpu.memory_space<hbm>>) target(%dma_start3A_219 : memref<128x128xf32, #tpu.memory_space<vmem>>) offsets(%dma_start3A_222 : memref<128xi32, #tpu.memory_space<vmem>>) semaphore(%arg9 : memref<!tpu.dma_semaphore, #tpu.memory_space<semaphore_mem>>)
      } else {
      }
    }
    %barrier3A_111 = arith.constant 0 : index
    tpu.barrier barrier_id(%barrier3A_111)
    %mul3A_112 = arith.constant 256 : i32
    %mul3A_113 = arith.muli %arg0, %mul3A_112 : i32
    %add3A_114 = arith.addi %mul3A_113, %multiple_of3A : i32
    %multiple_of3A_115 = tpu.assume_multiple %add3A_114, 8 : i32
    "tpu.region"() ({
      %run_scoped3A = tpu.sem_alloc : memref<!tpu.dma_semaphore, #tpu.memory_space<semaphore_mem>>
      %dma_start3A_116 = arith.constant 0 : i32
      %dma_start3A_117 = tpu.memref_slice %arg4[%multiple_of3A_115, %dma_start3A_116] : memref<512x128xf32, #tpu.memory_space<hbm>> -> memref<16x128xf32, #tpu.memory_space<hbm>>
      %dma_start3A_118 = arith.constant 0 : i32
      %dma_start3A_119 = tpu.memref_slice %arg8[%multiple_of3A, %dma_start3A_118] : memref<256x128xf32, #tpu.memory_space<vmem_shared>> -> memref<16x128xf32, #tpu.memory_space<vmem_shared>>
      tpu.enqueue_dma source(%dma_start3A_119 : memref<16x128xf32, #tpu.memory_space<vmem_shared>>) target(%dma_start3A_117 : memref<16x128xf32, #tpu.memory_space<hbm>>) target_semaphore(%run_scoped3A : memref<!tpu.dma_semaphore, #tpu.memory_space<semaphore_mem>>)
      %dma_wait3A_120 = arith.constant 0 : i32
      %dma_wait3A_121 = tpu.memref_slice %arg4[%multiple_of3A_115, %dma_wait3A_120] : memref<512x128xf32, #tpu.memory_space<hbm>> -> memref<16x128xf32, #tpu.memory_space<hbm>>
      %dma_wait3A_122 = arith.constant 0 : i32
      %dma_wait3A_123 = tpu.memref_slice %arg8[%multiple_of3A, %dma_wait3A_122] : memref<256x128xf32, #tpu.memory_space<vmem_shared>> -> memref<16x128xf32, #tpu.memory_space<vmem_shared>>
      tpu.wait_dma2 semaphore(%run_scoped3A : memref<!tpu.dma_semaphore, #tpu.memory_space<semaphore_mem>>) src(%dma_wait3A_123 : memref<16x128xf32, #tpu.memory_space<vmem_shared>>) dst(%dma_wait3A_121 : memref<16x128xf32, #tpu.memory_space<hbm>>)
      tpu.yield
    }) : () -> ()
    return
  }
}

module attributes {stable_mosaic.version = 14 : i64} {
  func.func @_mlp_body(%arg0: i32, %arg1: memref<2x1000x128xf32, #tpu.memory_space<vmem>>, %arg2: memref<128x128xf32, #tpu.memory_space<vmem>>, %arg3: memref<1x128xf32, #tpu.memory_space<vmem>>, %arg4: memref<128x128xf32, #tpu.memory_space<vmem>>, %arg5: memref<1x128xf32, #tpu.memory_space<vmem>>, %arg6: memref<1000x128xf32, #tpu.memory_space<vmem>>) attributes {dimension_semantics = [#tpu.dimension_semantics<arbitrary>], iteration_bounds = array<i64: 10>, scalar_prefetch = 0 : i64, scratch_operands = 0 : i64, tpu.core_type = #tpu.core_type<tc>, window_params = [{transform_indices = @transform_0, window_bounds = array<i64: 2, 1000, 128>}, {pipeline_mode = #tpu.pipeline_mode<synchronous>, transform_indices = @transform_1, window_bounds = array<i64: 128, 128>}, {pipeline_mode = #tpu.pipeline_mode<synchronous>, transform_indices = @transform_2, window_bounds = array<i64: 1, 128>}, {pipeline_mode = #tpu.pipeline_mode<synchronous>, transform_indices = @transform_3, window_bounds = array<i64: 128, 128>}, {pipeline_mode = #tpu.pipeline_mode<synchronous>, transform_indices = @transform_4, window_bounds = array<i64: 1, 128>}, {transform_indices = @transform_5, window_bounds = array<i64: 1000, 128>}]} {
    %get3A = arith.constant 0 : index
    %get3A_0 = arith.constant 0 : index
    %get3A_1 = arith.constant 0 : index
    %get3A_2 = vector.load %arg1[%get3A, %get3A_0, %get3A_1] : memref<2x1000x128xf32, #tpu.memory_space<vmem>>, vector<1x1000x128xf32>
    %get3A_3 = vector.shape_cast %get3A_2 : vector<1x1000x128xf32> to vector<1000x128xf32>
    %get3A_4 = arith.constant 1 : index
    %get3A_5 = arith.constant 0 : index
    %get3A_6 = arith.constant 0 : index
    %get3A_7 = vector.load %arg1[%get3A_4, %get3A_5, %get3A_6] : memref<2x1000x128xf32, #tpu.memory_space<vmem>>, vector<1x1000x128xf32>
    %get3A_8 = vector.shape_cast %get3A_7 : vector<1x1000x128xf32> to vector<1000x128xf32>
    %add3A = arith.addf %get3A_3, %get3A_8 : vector<1000x128xf32>
    %get3A_9 = arith.constant 0 : index
    %get3A_10 = arith.constant 0 : index
    %get3A_11 = vector.load %arg2[%get3A_9, %get3A_10] : memref<128x128xf32, #tpu.memory_space<vmem>>, vector<128x128xf32>
    %dot_general3A = arith.constant dense<0.000000e+00> : vector<1000x128xf32>
    %dot_general3A_12 = tpu.matmul %add3A, %get3A_11, %dot_general3A {dimension_numbers = #tpu.dot_dimension_numbers<[1], [0], [0], [1], [0, 0, 1, 1], [], []>, transpose_lhs_hint = false} : vector<1000x128xf32>, vector<128x128xf32>, vector<1000x128xf32> -> vector<1000x128xf32>
    %get3A_13 = arith.constant 0 : index
    %get3A_14 = arith.constant 0 : index
    %get3A_15 = vector.load %arg3[%get3A_13, %get3A_14] : memref<1x128xf32, #tpu.memory_space<vmem>>, vector<1x128xf32>
    %add3A_16 = vector.broadcast %get3A_15 : vector<1x128xf32> to vector<1000x128xf32>
    %add3A_17 = arith.addf %dot_general3A_12, %add3A_16 : vector<1000x128xf32>
    %max3A = arith.constant 0.000000e+00 : f32
    %max3A_18 = vector.broadcast %max3A : f32 to vector<1000x128xf32>
    %max3A_19 = arith.maximumf %add3A_17, %max3A_18 : vector<1000x128xf32>
    %get3A_20 = arith.constant 0 : index
    %get3A_21 = arith.constant 0 : index
    %get3A_22 = vector.load %arg4[%get3A_20, %get3A_21] : memref<128x128xf32, #tpu.memory_space<vmem>>, vector<128x128xf32>
    %dot_general3A_23 = arith.constant dense<0.000000e+00> : vector<1000x128xf32>
    %dot_general3A_24 = tpu.matmul %max3A_19, %get3A_22, %dot_general3A_23 {dimension_numbers = #tpu.dot_dimension_numbers<[1], [0], [0], [1], [0, 0, 1, 1], [], []>, transpose_lhs_hint = false} : vector<1000x128xf32>, vector<128x128xf32>, vector<1000x128xf32> -> vector<1000x128xf32>
    %get3A_25 = arith.constant 0 : index
    %get3A_26 = arith.constant 0 : index
    %get3A_27 = vector.load %arg5[%get3A_25, %get3A_26] : memref<1x128xf32, #tpu.memory_space<vmem>>, vector<1x128xf32>
    %add3A_28 = vector.broadcast %get3A_27 : vector<1x128xf32> to vector<1000x128xf32>
    %add3A_29 = arith.addf %dot_general3A_24, %add3A_28 : vector<1000x128xf32>
    %max3A_30 = arith.constant 0.000000e+00 : f32
    %max3A_31 = vector.broadcast %max3A_30 : f32 to vector<1000x128xf32>
    %max3A_32 = arith.maximumf %add3A_29, %max3A_31 : vector<1000x128xf32>
    %swap3A = arith.constant 0 : index
    %swap3A_33 = arith.constant 0 : index
    %swap3A_34 = vector.load %arg6[%swap3A, %swap3A_33] : memref<1000x128xf32, #tpu.memory_space<vmem>>, vector<1000x128xf32>
    tpu.vector_store %arg6[%swap3A, %swap3A_33], %max3A_32 {strides = array<i32>} : memref<1000x128xf32, #tpu.memory_space<vmem>>, vector<1000x128xf32>,
    return
  }
  func.func @transform_0(%arg0: i32) -> (i32, i32, i32) {
    %c0_i32 = arith.constant 0 : i32
    %c0_i32_0 = arith.constant 0 : i32
    %c0_i32_1 = arith.constant 0 : i32
    return %c0_i32, %arg0, %c0_i32_0 : i32, i32, i32
  }
  func.func @transform_1(%arg0: i32) -> (i32, i32) {
    %c0_i32 = arith.constant 0 : i32
    %c0_i32_0 = arith.constant 0 : i32
    %c0_i32_1 = arith.constant 0 : i32
    return %c0_i32, %c0_i32_0 : i32, i32
  }
  func.func @transform_2(%arg0: i32) -> (i32, i32) {
    %c0_i32 = arith.constant 0 : i32
    %c0_i32_0 = arith.constant 0 : i32
    %c0_i32_1 = arith.constant 0 : i32
    return %c0_i32, %c0_i32_0 : i32, i32
  }
  func.func @transform_3(%arg0: i32) -> (i32, i32) {
    %c0_i32 = arith.constant 0 : i32
    %c0_i32_0 = arith.constant 0 : i32
    %c0_i32_1 = arith.constant 0 : i32
    return %c0_i32, %c0_i32_0 : i32, i32
  }
  func.func @transform_4(%arg0: i32) -> (i32, i32) {
    %c0_i32 = arith.constant 0 : i32
    %c0_i32_0 = arith.constant 0 : i32
    %c0_i32_1 = arith.constant 0 : i32
    return %c0_i32, %c0_i32_0 : i32, i32
  }
  func.func @transform_5(%arg0: i32) -> (i32, i32) {
    %c0_i32 = arith.constant 0 : i32
    %c0_i32_0 = arith.constant 0 : i32
    return %arg0, %c0_i32 : i32, i32
  }
}

module attributes {stable_mosaic.version = 14 : i64} {
  func.func @_mlp_body(%arg0: i32, %arg1: memref<2x1000x128xf32, #tpu.memory_space<vmem>>, %arg2: memref<128x128xf32, #tpu.memory_space<vmem>>, %arg3: memref<1x128xf32, #tpu.memory_space<vmem>>, %arg4: memref<128x128xf32, #tpu.memory_space<vmem>>, %arg5: memref<1x128xf32, #tpu.memory_space<vmem>>, %arg6: memref<1000x128xf32, #tpu.memory_space<vmem>>) attributes {dimension_semantics = [#tpu.dimension_semantics<arbitrary>], iteration_bounds = array<i64: 10>, scalar_prefetch = 0 : i64, scratch_operands = 0 : i64, tpu.core_type = #tpu.core_type<tc>, window_params = [{transform_indices = @transform_0, window_bounds = array<i64: 2, 1000, 128>}, {pipeline_mode = #tpu.pipeline_mode<synchronous>, transform_indices = @transform_1, window_bounds = array<i64: 128, 128>}, {pipeline_mode = #tpu.pipeline_mode<synchronous>, transform_indices = @transform_2, window_bounds = array<i64: 1, 128>}, {pipeline_mode = #tpu.pipeline_mode<synchronous>, transform_indices = @transform_3, window_bounds = array<i64: 128, 128>}, {pipeline_mode = #tpu.pipeline_mode<synchronous>, transform_indices = @transform_4, window_bounds = array<i64: 1, 128>}, {transform_indices = @transform_5, window_bounds = array<i64: 1000, 128>}]} {
    %get3A = arith.constant 0 : index
    %get3A_0 = arith.constant 0 : index
    %get3A_1 = arith.constant 0 : index
    %get3A_2 = vector.load %arg1[%get3A, %get3A_0, %get3A_1] : memref<2x1000x128xf32, #tpu.memory_space<vmem>>, vector<1x1000x128xf32>
    %get3A_3 = vector.shape_cast %get3A_2 : vector<1x1000x128xf32> to vector<1000x128xf32>
    %get3A_4 = arith.constant 1 : index
    %get3A_5 = arith.constant 0 : index
    %get3A_6 = arith.constant 0 : index
    %get3A_7 = vector.load %arg1[%get3A_4, %get3A_5, %get3A_6] : memref<2x1000x128xf32, #tpu.memory_space<vmem>>, vector<1x1000x128xf32>
    %get3A_8 = vector.shape_cast %get3A_7 : vector<1x1000x128xf32> to vector<1000x128xf32>
    %add3A = arith.addf %get3A_3, %get3A_8 : vector<1000x128xf32>
    %get3A_9 = arith.constant 0 : index
    %get3A_10 = arith.constant 0 : index
    %get3A_11 = vector.load %arg2[%get3A_9, %get3A_10] : memref<128x128xf32, #tpu.memory_space<vmem>>, vector<128x128xf32>
    %dot_general3A = arith.constant dense<0.000000e+00> : vector<1000x128xf32>
    %dot_general3A_12 = tpu.matmul %add3A, %get3A_11, %dot_general3A {dimension_numbers = #tpu.dot_dimension_numbers<[1], [0], [0], [1], [0, 0, 1, 1], [], []>, transpose_lhs_hint = false} : vector<1000x128xf32>, vector<128x128xf32>, vector<1000x128xf32> -> vector<1000x128xf32>
    %get3A_13 = arith.constant 0 : index
    %get3A_14 = arith.constant 0 : index
    %get3A_15 = vector.load %arg3[%get3A_13, %get3A_14] : memref<1x128xf32, #tpu.memory_space<vmem>>, vector<1x128xf32>
    %add3A_16 = vector.broadcast %get3A_15 : vector<1x128xf32> to vector<1000x128xf32>
    %add3A_17 = arith.addf %dot_general3A_12, %add3A_16 : vector<1000x128xf32>
    %max3A = arith.constant 0.000000e+00 : f32
    %max3A_18 = vector.broadcast %max3A : f32 to vector<1000x128xf32>
    %max3A_19 = arith.maximumf %add3A_17, %max3A_18 : vector<1000x128xf32>
    %get3A_20 = arith.constant 0 : index
    %get3A_21 = arith.constant 0 : index
    %get3A_22 = vector.load %arg4[%get3A_20, %get3A_21] : memref<128x128xf32, #tpu.memory_space<vmem>>, vector<128x128xf32>
    %dot_general3A_23 = arith.constant dense<0.000000e+00> : vector<1000x128xf32>
    %dot_general3A_24 = tpu.matmul %max3A_19, %get3A_22, %dot_general3A_23 {dimension_numbers = #tpu.dot_dimension_numbers<[1], [0], [0], [1], [0, 0, 1, 1], [], []>, transpose_lhs_hint = false} : vector<1000x128xf32>, vector<128x128xf32>, vector<1000x128xf32> -> vector<1000x128xf32>
    %get3A_25 = arith.constant 0 : index
    %get3A_26 = arith.constant 0 : index
    %get3A_27 = vector.load %arg5[%get3A_25, %get3A_26] : memref<1x128xf32, #tpu.memory_space<vmem>>, vector<1x128xf32>
    %add3A_28 = vector.broadcast %get3A_27 : vector<1x128xf32> to vector<1000x128xf32>
    %add3A_29 = arith.addf %dot_general3A_24, %add3A_28 : vector<1000x128xf32>
    %max3A_30 = arith.constant 0.000000e+00 : f32
    %max3A_31 = vector.broadcast %max3A_30 : f32 to vector<1000x128xf32>
    %max3A_32 = arith.maximumf %add3A_29, %max3A_31 : vector<1000x128xf32>
    %mul3A = arith.mulf %max3A_32, %max3A_32 : vector<1000x128xf32>
    %reduce_sum3A = arith.constant dense<0.000000e+00> : vector<1000xf32>
    %reduce_sum3A_33 = vector.multi_reduction <add>, %mul3A, %reduce_sum3A [1] : vector<1000x128xf32> to vector<1000xf32>
    %broadcast_in_dim3A = vector.shape_cast %reduce_sum3A_33 : vector<1000xf32> to vector<1000x1xf32>
    %sqrt3A = math.sqrt %broadcast_in_dim3A : vector<1000x1xf32>
    %max3A_34 = arith.constant 9.99999996E-13 : f32
    %max3A_35 = vector.broadcast %max3A_34 : f32 to vector<1000x1xf32>
    %max3A_36 = arith.maximumf %sqrt3A, %max3A_35 : vector<1000x1xf32>
    %div3A = vector.broadcast %max3A_36 : vector<1000x1xf32> to vector<1000x128xf32>
    %div3A_37 = arith.divf %max3A_32, %div3A : vector<1000x128xf32>
    %swap3A = arith.constant 0 : index
    %swap3A_38 = arith.constant 0 : index
    %swap3A_39 = vector.load %arg6[%swap3A, %swap3A_38] : memref<1000x128xf32, #tpu.memory_space<vmem>>, vector<1000x128xf32>
    tpu.vector_store %arg6[%swap3A, %swap3A_38], %div3A_37 {strides = array<i32>} : memref<1000x128xf32, #tpu.memory_space<vmem>>, vector<1000x128xf32>,
    return
  }
  func.func @transform_0(%arg0: i32) -> (i32, i32, i32) {
    %c0_i32 = arith.constant 0 : i32
    %c0_i32_0 = arith.constant 0 : i32
    %c0_i32_1 = arith.constant 0 : i32
    return %c0_i32, %arg0, %c0_i32_0 : i32, i32, i32
  }
  func.func @transform_1(%arg0: i32) -> (i32, i32) {
    %c0_i32 = arith.constant 0 : i32
    %c0_i32_0 = arith.constant 0 : i32
    %c0_i32_1 = arith.constant 0 : i32
    return %c0_i32, %c0_i32_0 : i32, i32
  }
  func.func @transform_2(%arg0: i32) -> (i32, i32) {
    %c0_i32 = arith.constant 0 : i32
    %c0_i32_0 = arith.constant 0 : i32
    %c0_i32_1 = arith.constant 0 : i32
    return %c0_i32, %c0_i32_0 : i32, i32
  }
  func.func @transform_3(%arg0: i32) -> (i32, i32) {
    %c0_i32 = arith.constant 0 : i32
    %c0_i32_0 = arith.constant 0 : i32
    %c0_i32_1 = arith.constant 0 : i32
    return %c0_i32, %c0_i32_0 : i32, i32
  }
  func.func @transform_4(%arg0: i32) -> (i32, i32) {
    %c0_i32 = arith.constant 0 : i32
    %c0_i32_0 = arith.constant 0 : i32
    %c0_i32_1 = arith.constant 0 : i32
    return %c0_i32, %c0_i32_0 : i32, i32
  }
  func.func @transform_5(%arg0: i32) -> (i32, i32) {
    %c0_i32 = arith.constant 0 : i32
    %c0_i32_0 = arith.constant 0 : i32
    return %arg0, %c0_i32 : i32, i32
  }
}

module attributes {stable_mosaic.version = 14 : i64} {
  func.func @_loss_body(%arg0: i32, %arg1: memref<512x128xf32, #tpu.memory_space<vmem>>, %arg2: memref<1x1x256xi32, #tpu.memory_space<vmem>>, %arg3: memref<1x1xf32, #tpu.memory_space<vmem>>) attributes {dimension_semantics = [#tpu.dimension_semantics<arbitrary>], iteration_bounds = array<i64: 4>, scalar_prefetch = 0 : i64, scratch_operands = 0 : i64, tpu.core_type = #tpu.core_type<tc>, window_params = [{pipeline_mode = #tpu.pipeline_mode<synchronous>, transform_indices = @transform_0, window_bounds = array<i64: 512, 128>}, {transform_indices = @transform_1, window_bounds = array<i64: 1, 1, 256>}, {pipeline_mode = #tpu.pipeline_mode<synchronous>, transform_indices = @transform_2, window_bounds = array<i64: 1, 1>}]} {
    %get3A = arith.constant 0 : index
    %get3A_0 = arith.constant 0 : index
    %get3A_1 = vector.load %arg1[%get3A, %get3A_0] : memref<512x128xf32, #tpu.memory_space<vmem>>, vector<256x128xf32>
    %get3A_2 = arith.constant 256 : index
    %get3A_3 = arith.constant 0 : index
    %get3A_4 = vector.load %arg1[%get3A_2, %get3A_3] : memref<512x128xf32, #tpu.memory_space<vmem>>, vector<256x128xf32>
    %add3A = arith.addf %get3A_1, %get3A_4 : vector<256x128xf32>
    %mul3A = arith.constant 3.125000e-02 : f32
    %mul3A_5 = vector.broadcast %mul3A : f32 to vector<256x128xf32>
    %mul3A_6 = arith.mulf %add3A, %mul3A_5 : vector<256x128xf32>
    %get3A_7 = arith.constant 0 : index
    %get3A_8 = arith.constant 0 : index
    %get3A_9 = arith.constant 0 : index
    %get3A_10 = vector.load %arg2[%get3A_7, %get3A_8, %get3A_9] : memref<1x1x256xi32, #tpu.memory_space<vmem>>, vector<1x1x256xi32>
    %get3A_11 = vector.shape_cast %get3A_10 : vector<1x1x256xi32> to vector<1x256xi32>
    %iota3A = tpu.iota {dimensions = array<i32: 0>} : vector<256x256xi32>
    %broadcast_in_dim3A = vector.shape_cast %get3A_11 : vector<1x256xi32> to vector<1x256xi32>
    %broadcast_in_dim3A_12 = vector.broadcast %broadcast_in_dim3A : vector<1x256xi32> to vector<256x256xi32>
    %eq3A = arith.cmpi eq, %iota3A, %broadcast_in_dim3A_12 : vector<256x256xi32>
    %jit3A = arith.constant 1.000000e+00 : f32
    %jit3A_13 = arith.constant 0.000000e+00 : f32
    %broadcast_in_dim3A_14 = vector.broadcast %jit3A : f32 to vector<256x256xf32>
    %broadcast_in_dim3A_15 = vector.broadcast %jit3A_13 : f32 to vector<256x256xf32>
    %select_n3A = arith.select %eq3A, %broadcast_in_dim3A_14, %broadcast_in_dim3A_15 : vector<256x256xi1>, vector<256x256xf32>
    %dot_general3A = arith.constant dense<0.000000e+00> : vector<256x128xf32>
    %dot_general3A_16 = tpu.matmul %select_n3A, %mul3A_6, %dot_general3A {dimension_numbers = #tpu.dot_dimension_numbers<[0], [0], [1], [1], [0, 1, 1, 1], [], []>, transpose_lhs_hint = false} : vector<256x256xf32>, vector<256x128xf32>, vector<256x128xf32> -> vector<256x128xf32>
    %mul3A_17 = arith.mulf %dot_general3A_16, %dot_general3A_16 : vector<256x128xf32>
    %reduce_sum3A = arith.constant dense<0.000000e+00> : vector<256xf32>
    %reduce_sum3A_18 = vector.multi_reduction <add>, %mul3A_17, %reduce_sum3A [1] : vector<256x128xf32> to vector<256xf32>
    %broadcast_in_dim3A_19 = vector.shape_cast %reduce_sum3A_18 : vector<256xf32> to vector<256x1xf32>
    %sqrt3A = math.sqrt %broadcast_in_dim3A_19 : vector<256x1xf32>
    %max3A = arith.constant 9.99999996E-13 : f32
    %max3A_20 = vector.broadcast %max3A : f32 to vector<256x1xf32>
    %max3A_21 = arith.maximumf %sqrt3A, %max3A_20 : vector<256x1xf32>
    %div3A = vector.broadcast %max3A_21 : vector<256x1xf32> to vector<256x128xf32>
    %div3A_22 = arith.divf %dot_general3A_16, %div3A : vector<256x128xf32>
    %dot_general3A_23 = arith.constant dense<0.000000e+00> : vector<256x256xf32>
    %dot_general3A_24 = tpu.matmul %div3A_22, %div3A_22, %dot_general3A_23 {dimension_numbers = #tpu.dot_dimension_numbers<[1], [1], [0], [0], [0, 0, 1, 0], [], []>, transpose_lhs_hint = false} : vector<256x128xf32>, vector<256x128xf32>, vector<256x256xf32> -> vector<256x256xf32>
    %mul3A_25 = arith.constant 2.000000e+00 : f32
    %mul3A_26 = vector.broadcast %mul3A_25 : f32 to vector<256x256xf32>
    %mul3A_27 = arith.mulf %dot_general3A_24, %mul3A_26 : vector<256x256xf32>
    %reduce_max3A = arith.constant dense<0xFF800000> : vector<256xf32>
    %reduce_max3A_28 = vector.multi_reduction <maximumf>, %mul3A_27, %reduce_max3A [1] : vector<256x256xf32> to vector<256xf32>
    %broadcast_in_dim3A_29 = vector.shape_cast %reduce_max3A_28 : vector<256xf32> to vector<256x1xf32>
    %sub3A = vector.broadcast %broadcast_in_dim3A_29 : vector<256x1xf32> to vector<256x256xf32>
    %sub3A_30 = arith.subf %mul3A_27, %sub3A : vector<256x256xf32>
    %iota3A_31 = tpu.iota {dimensions = array<i32: 0>} : vector<256x256xi32>
    %iota3A_32 = tpu.iota {dimensions = array<i32: 1>} : vector<256x256xi32>
    %eq3A_33 = arith.cmpi eq, %iota3A_31, %iota3A_32 : vector<256x256xi32>
    %jit3A_34 = arith.constant 0.000000e+00 : f32
    %jit3A_35 = arith.constant 1.000000e+00 : f32
    %broadcast_in_dim3A_36 = vector.broadcast %jit3A_34 : f32 to vector<256x256xf32>
    %broadcast_in_dim3A_37 = vector.broadcast %jit3A_35 : f32 to vector<256x256xf32>
    %select_n3A_38 = arith.select %eq3A_33, %broadcast_in_dim3A_36, %broadcast_in_dim3A_37 : vector<256x256xi1>, vector<256x256xf32>
    %rem3A = arith.constant 64 : i32
    %rem3A_39 = vector.broadcast %rem3A : i32 to vector<256x256xi32>
    %rem3A_40 = arith.remsi %iota3A_31, %rem3A_39 : vector<256x256xi32>
    %rem3A_41 = arith.constant 64 : i32
    %rem3A_42 = vector.broadcast %rem3A_41 : i32 to vector<256x256xi32>
    %rem3A_43 = arith.remsi %iota3A_32, %rem3A_42 : vector<256x256xi32>
    %eq3A_44 = arith.cmpi eq, %rem3A_40, %rem3A_43 : vector<256x256xi32>
    %jit3A_45 = arith.constant 1.000000e+00 : f32
    %jit3A_46 = arith.constant 0.000000e+00 : f32
    %broadcast_in_dim3A_47 = vector.broadcast %jit3A_45 : f32 to vector<256x256xf32>
    %broadcast_in_dim3A_48 = vector.broadcast %jit3A_46 : f32 to vector<256x256xf32>
    %select_n3A_49 = arith.select %eq3A_44, %broadcast_in_dim3A_47, %broadcast_in_dim3A_48 : vector<256x256xi1>, vector<256x256xf32>
    %mul3A_50 = arith.mulf %select_n3A_49, %select_n3A_38 : vector<256x256xf32>
    %exp3A = math.exp %sub3A_30 : vector<256x256xf32>
    %mul3A_51 = arith.mulf %exp3A, %select_n3A_38 : vector<256x256xf32>
    %reduce_sum3A_52 = arith.constant dense<0.000000e+00> : vector<256xf32>
    %reduce_sum3A_53 = vector.multi_reduction <add>, %mul3A_51, %reduce_sum3A_52 [1] : vector<256x256xf32> to vector<256xf32>
    %broadcast_in_dim3A_54 = vector.shape_cast %reduce_sum3A_53 : vector<256xf32> to vector<256x1xf32>
    %add3A_55 = arith.constant 9.99999996E-13 : f32
    %add3A_56 = vector.broadcast %add3A_55 : f32 to vector<256x1xf32>
    %add3A_57 = arith.addf %broadcast_in_dim3A_54, %add3A_56 : vector<256x1xf32>
    %log3A = math.log %add3A_57 : vector<256x1xf32>
    %sub3A_58 = vector.broadcast %log3A : vector<256x1xf32> to vector<256x256xf32>
    %sub3A_59 = arith.subf %sub3A_30, %sub3A_58 : vector<256x256xf32>
    %mul3A_60 = arith.mulf %mul3A_50, %sub3A_59 : vector<256x256xf32>
    %reduce_sum3A_61 = arith.constant dense<0.000000e+00> : vector<256xf32>
    %reduce_sum3A_62 = vector.multi_reduction <add>, %mul3A_60, %reduce_sum3A_61 [1] : vector<256x256xf32> to vector<256xf32>
    %reduce_sum3A_63 = arith.constant dense<0.000000e+00> : vector<256xf32>
    %reduce_sum3A_64 = vector.multi_reduction <add>, %mul3A_50, %reduce_sum3A_63 [1] : vector<256x256xf32> to vector<256xf32>
    %div3A_65 = arith.divf %reduce_sum3A_62, %reduce_sum3A_64 : vector<256xf32>
    %reduce_sum3A_66 = vector.shape_cast %div3A_65 : vector<256xf32> to vector<1x256xf32>
    %reduce_sum3A_67 = arith.constant dense<0.000000e+00> : vector<1xf32>
    %reduce_sum3A_68 = vector.multi_reduction <add>, %reduce_sum3A_66, %reduce_sum3A_67 [1] : vector<1x256xf32> to vector<1xf32>
    %reduce_sum3A_69 = vector.shape_cast %reduce_sum3A_68 : vector<1xf32> to vector<1x1xf32>
    %reduce_sum3A_70 = vector.extract %reduce_sum3A_69[0, 0] : f32 from vector<1x1xf32>
    %neg3A = arith.constant 0.000000e+00 : f32
    %neg3A_71 = arith.subf %neg3A, %reduce_sum3A_70 : f32
    %div3A_72 = arith.constant 2.560000e+02 : f32
    %div3A_73 = arith.divf %neg3A_71, %div3A_72 : f32
    %eq3A_74 = arith.constant 0 : i32
    %eq3A_75 = arith.cmpi eq, %arg0, %eq3A_74 : i32
    %convert_element_type3A = arith.extui %eq3A_75 : i1 to i32
    %cond3A = arith.constant 0 : i32
    %cond3A_76 = arith.cmpi ne, %convert_element_type3A, %cond3A : i32
    scf.if %cond3A_76 {
      %broadcast_in_dim3A_83 = arith.constant 0.000000e+00 : f32
      %broadcast_in_dim3A_84 = vector.broadcast %broadcast_in_dim3A_83 : f32 to vector<1x1xf32>
      %swap3A_85 = arith.constant 0 : index
      %swap3A_86 = arith.constant 0 : index
      %swap3A_87 = vector.load %arg3[%swap3A_85, %swap3A_86] : memref<1x1xf32, #tpu.memory_space<vmem>>, vector<1x1xf32>
      tpu.vector_store %arg3[%swap3A_85, %swap3A_86], %broadcast_in_dim3A_84 {strides = array<i32>} : memref<1x1xf32, #tpu.memory_space<vmem>>, vector<1x1xf32>,
    } else {
    }
    %get3A_77 = arith.constant 0 : index
    %get3A_78 = arith.constant 0 : index
    %get3A_79 = vector.load %arg3[%get3A_77, %get3A_78] : memref<1x1xf32, #tpu.memory_space<vmem>>, vector<1x1xf32>
    %reshape3A = vector.broadcast %div3A_73 : f32 to vector<1x1xf32>
    %add3A_80 = arith.addf %get3A_79, %reshape3A : vector<1x1xf32>
    %swap3A = arith.constant 0 : index
    %swap3A_81 = arith.constant 0 : index
    %swap3A_82 = vector.load %arg3[%swap3A, %swap3A_81] : memref<1x1xf32, #tpu.memory_space<vmem>>, vector<1x1xf32>
    tpu.vector_store %arg3[%swap3A, %swap3A_81], %add3A_80 {strides = array<i32>} : memref<1x1xf32, #tpu.memory_space<vmem>>, vector<1x1xf32>,
    return
  }
  func.func @transform_0(%arg0: i32) -> (i32, i32) {
    %c0_i32 = arith.constant 0 : i32
    %c0_i32_0 = arith.constant 0 : i32
    %c0_i32_1 = arith.constant 0 : i32
    return %c0_i32, %c0_i32_0 : i32, i32
  }
  func.func @transform_1(%arg0: i32) -> (i32, i32, i32) {
    %c0_i32 = arith.constant 0 : i32
    %c0_i32_0 = arith.constant 0 : i32
    %c0_i32_1 = arith.constant 0 : i32
    return %arg0, %c0_i32, %c0_i32_0 : i32, i32, i32
  }
  func.func @transform_2(%arg0: i32) -> (i32, i32) {
    %c0_i32 = arith.constant 0 : i32
    %c0_i32_0 = arith.constant 0 : i32
    %c0_i32_1 = arith.constant 0 : i32
    return %c0_i32, %c0_i32_0 : i32, i32
  }
}

</mosaic_0001>

<sc_bundles>
// kernel: kernel.10.cloned.1.call-start
scs
__scs_entry_jumppad:
0x0: {  	(pc) =	sbr.rel $0x88, $3  }
0x1: {  	(tag) =	ssettag $0x0;
	lr =	simm.s32 $0x1  }
0x2: {  	[smem:$0x3F90] =	sst lr;
	_ =	strace $0xD0000000  }
0x3: {  	_ = 	snop  }
0x4: {  	_ = 	snop  }
0x5: {  	_ = 	snop  }
0x6: {  	_ = 	snop  }
0x7: {  	_ = 	snop  }
__scs_overlays_trampoline_lowered:
0x8: {  	[smem:$0x3F9F] =	sst s0  }
0x9: {  	[smem:$0x3FA0] =	sst s1  }
0xa: {  	[smem:$0x3FA1] =	sst s2  }
0xb: {  	[smem:$0x3FA2] =	sst s3  }
0xc: {  	[smem:$0x3FA3] =	sst s4  }
0xd: {  	[smem:$0x3FA4] =	sst s5  }
0xe: {  	[smem:$0x3FA5] =	sst s6  }
0xf: {  	[smem:$0x3FA6] =	sst s7  }
0x10: {  	[smem:$0x3FA7] =	sst s8  }
0x11: {  	[smem:$0x3FA8] =	sst s9;
	s0 =	simm.s32 @!p0 $0x0  }
0x12: {  	s1 =	sld [smem:$0x3F8E];
	s0 =	simm.s32 @p0 $0x1  }
0x13: {  	[smem:$0x3FA9] =	sst s0;
	s0 =	simm.s32 @!p1 $0x0  }
0x14: {  	s2 =	sld [smem:$0x3F8D];
	s0 =	simm.s32 @p1 $0x1  }
0x15: {  	[smem:$0x3FAA] =	sst s0;
	s0 =	simm.s32 @!p2 $0x0  }
0x16: {  	s3 =	sld [smem:$0x3FDB];
	s0 =	simm.s32 @p2 $0x1  }
0x17: {  	s4 =	simm.s32 $0x1BF5;
	[smem:$0x3FAC] =	sst s0  }
0x18: {  	s0 =	sld [smem:$0x3F8F];
	_ =	swait.ge [sflag:s4], $0x0  }
0x19: {  	s7 =	sld [smem:$0x3F90]  }
0x1a: {  	s8 =	sadd.s32 $0xFFFFE003, lr  }
0x1b: {  	s9 =	sadd.s32 $0xFFFFFEF7, lr;
	s5 =	simm.s32 $0xFFFFFFFF;
	p2 =	slt.u32 s8, $0xFFFFF086  }
0x1c: {  	p1 =	slt.u32 s9, $0xF7A;
	s5 =	simm.s32 @!p2 $0x0  }
0x1d: {  	s5 =	simm.s32 @p1 $0x1;
	p0 =	seq.s32 s7, s2  }
0x1e: {  	s7 =	smul.u32 @!p0 $0xF7A, s2;
	p2 =	seq.s32 @!p0 s5, $0x0  }
0x1f: {  	s9 =	smul.u32 $0xF7A, s1;
	s8 =	simm.s32 @!p0 $0x1BF5;
	p2 =	por !p2, p0  }
0x20: {  	[sflag:s8] =	ssyncset.s32 @!p0 $0xFFFFF086;
	s6 =	sadd.s32 @!p0 s3, s7;
	s7 =	simm.s32 @!p0 $0x108  }
0x21: {  	s3 =	sadd.s32 s3, s9;
	s6 =	sadd.s32 @!p0 $0x88, s6;
	s7 =	simm.s32 @p2 $0x1082  }
0x22: {  	[simem:s7], [sflag:s8] =	dma.local @!p0 [hbm:s6], $0xF7A  }
0x23: {  	s9 =	sor.u32 $0xD0000000, s2;
	s6 =	simm.s32 $0x108;
	_ =	swait.ge @!p0 [sflag:s8], $0x0  }
0x24: {  	s3 =	sadd.s32 $0x88, s3;
	s6 =	simm.s32 @!p1 $0x1082;
	[sflag:s4] =	ssyncset.s32 $0xFFFFF086  }
0x25: {  	[simem:s6], [sflag:s4] =	dma.local [hbm:s3], $0xF7A  }
0x26: {  	[smem:$0x3F90] =	sst s1;
	(tag) =	ssettag s2;
	_ =	strace s9  }
0x27: {  	s1 =	sld [smem:$0x3FA0]  }
0x28: {  	s2 =	sld [smem:$0x3FA1]  }
0x29: {  	s4 =	sld [smem:$0x3FA3]  }
0x2a: {  	p0 =	seq.s32 s5, $0x0;
	s5 =	sld [smem:$0x3FA4]  }
0x2b: {  	s6 =	sld [smem:$0x3FA5]  }
0x2c: {  	s7 =	sld [smem:$0x3FA6]  }
0x2d: {  	s3 =	simm.s32 $0x108;
	s8 =	sld [smem:$0x3FA7]  }
0x2e: {  	s3 =	simm.s32 @!p0 $0x1082;
	s9 =	sld [smem:$0x3FA8]  }
0x2f: {  	lr =	sadd.s32 s0, s3;
	s0 =	sld [smem:$0x3F9F]  }
0x30: {  	s3 =	sld [smem:$0x3FA2]  }
0x31: {  	[smem:$0x3FAB] =	sst s10  }
0x32: {  	s10 =	sld [smem:$0x3FA9];
	_ =	sdelay $0x3  }
0x33: {  	p0 =	seq.s32 s10, $0x1;
	s10 =	sld [smem:$0x3FAB];
	_ =	sdelay $0x3  }
0x34: {  	[smem:$0x3FAB] =	sst s10  }
0x35: {  	s10 =	sld [smem:$0x3FAA];
	_ =	sdelay $0x3  }
0x36: {  	p1 =	seq.s32 s10, $0x1;
	s10 =	sld [smem:$0x3FAB];
	_ =	sdelay $0x3  }
0x37: {  	[smem:$0x3FAB] =	sst s10  }
0x38: {  	s10 =	sld [smem:$0x3FAC]  }
0x39: {  	_ = 	snop;
	(pc) =	sbr.ind lr, $3  }
0x3a: {  	_ = 	snop  }
0x3b: {  	_ = 	snop  }
0x3c: {  	p2 =	seq.s32 s10, $0x1;
	s10 =	sld [smem:$0x3FAB]  }
0x3d: {  	_ =	shalt  }
0x3e: {  	_ =	shalt  }
0x3f: {  	_ =	shalt  }
0x40: {  	_ =	shalt  }
0x41: {  	_ =	shalt  }
0x42: {  	_ =	shalt  }
0x43: {  	_ =	shalt  }
0x44: {  	_ =	shalt  }
0x45: {  	_ =	shalt  }
0x46: {  	_ =	shalt  }
0x47: {  	_ =	shalt  }
0x48: {  	_ =	shalt  }
0x49: {  	_ =	shalt  }
0x4a: {  	_ =	shalt  }
0x4b: {  	_ =	shalt  }
0x4c: {  	_ =	shalt  }
0x4d: {  	_ =	shalt  }
0x4e: {  	_ =	shalt  }
0x4f: {  	_ =	shalt  }
0x50: {  	_ =	shalt  }
0x51: {  	_ =	shalt  }
0x52: {  	_ =	shalt  }
0x53: {  	_ =	shalt  }
0x54: {  	_ =	shalt  }
0x55: {  	_ =	shalt  }
0x56: {  	_ =	shalt  }
0x57: {  	_ =	shalt  }
0x58: {  	_ =	shalt  }
0x59: {  	_ =	shalt  }
0x5a: {  	_ =	shalt  }
0x5b: {  	_ =	shalt  }
0x5c: {  	_ =	shalt  }
0x5d: {  	_ =	shalt  }
0x5e: {  	_ =	shalt  }
0x5f: {  	_ =	shalt  }
0x60: {  	_ =	shalt  }
0x61: {  	_ =	shalt  }
0x62: {  	_ =	shalt  }
0x63: {  	_ =	shalt  }
0x64: {  	_ =	shalt  }
0x65: {  	_ =	shalt  }
0x66: {  	_ =	shalt  }
0x67: {  	_ =	shalt  }
0x68: {  	_ =	shalt  }
0x69: {  	_ =	shalt  }
0x6a: {  	_ =	shalt  }
0x6b: {  	_ =	shalt  }
0x6c: {  	_ =	shalt  }
0x6d: {  	_ =	shalt  }
0x6e: {  	_ =	shalt  }
0x6f: {  	_ =	shalt  }
0x70: {  	_ =	shalt  }
0x71: {  	_ =	shalt  }
0x72: {  	_ =	shalt  }
0x73: {  	_ =	shalt  }
0x74: {  	_ =	shalt  }
0x75: {  	_ =	shalt  }
0x76: {  	_ =	shalt  }
0x77: {  	_ =	shalt  }
0x78: {  	_ =	shalt  }
0x79: {  	_ =	shalt  }
0x7a: {  	_ =	shalt  }
0x7b: {  	_ =	shalt  }
0x7c: {  	_ =	shalt  }
0x7d: {  	_ =	shalt  }
0x7e: {  	_ =	shalt  }
0x7f: {  	_ =	shalt  }
0x80: {  	_ =	shalt  }
0x81: {  	_ =	shalt  }
0x82: {  	_ =	shalt  }
0x83: {  	_ =	shalt  }
0x84: {  	_ =	shalt  }
0x85: {  	_ =	shalt  }
0x86: {  	_ =	shalt  }
0x87: {  	_ =	shalt  }
.Lfunc_end0:
.L_simem_size_0:
called_computation_lowered:
.L_overlay_start_0:
0x88: {  	s2 =	sld [smem:$0x3FD9]  }
0x89: {  	s3 =	sld [smem:$0x3FFE];
	_ =	sdelay $0x1  }
0x8a: {  	s1 =	srdreg.scid  }
0x8b: {  	s0 =	sand.u32 $0x1, s1  }
0x8c: {  	s17 =	sshll.u32 s0, $0xA;
	s2 =	sadd.s32 s3, s2  }
0x8d: {  	s2 =	sadd.s32 s2, s17  }
0x8e: {  	[smem:$0x3FB7] =	sst s2  }
0x8f: {  	_ = 	snop  }
0x90: {  	s2 =	sld [smem:$0x3FC9];
	(tm) =	ssettm $0x1  }
0x91: {  	s18 =	sld [smem:$0x3FFB];
	_ =	sdelay $0x3  }
0x92: {  	_ =	strace s18  }
0x93: {  	s3 =	sld [smem:$0x3FFC];
	_ =	sdelay $0x3  }
0x94: {  	_ =	strace s3  }
0x95: {  	s3 =	sld [smem:$0x3FFD];
	_ =	sdelay $0x3  }
0x96: {  	_ =	strace s3  }
0x97: {  	_ =	strace $0x8FFFFFFF  }
0x98: {  	s19 =	sld [smem:$0x3FDB];
	_ =	sdelay $0x1  }
0x99: {  	s4 =	simm.s32 $_scs_section_size  }
0x9a: {  	s5 =	simm.s32 $_size__tile_overlayer_lowered;
	s6 =	simm.s32 $_tile_overlayer_lowered  }
0x9b: {  	s22 =	simm.s32 $0x1BFF;
	s21 =	sshll.u32 s6, $0x1;
	s3 =	sadd.s32 s4, s19  }
0x9c: {  	s7 =	simm.s32 $0x0;
	s20 =	sshll.u32 s5, $0x1;
	s5 =	sadd.s32 s21, s3  }
0x9d: {  	[timem:s7], [sflag:s22] =	dma.local [hbm:s5], s20  }
0x9e: {  	_ =	swait.ge [sflag:s22], s20  }
0x9f: {  	s4 =	ssub.s32 $0x0, s20;
	[sflag:s22] =	ssyncset.done $0x0  }
0xa0: {  	[sflag:s22] =	ssyncadd.s32 s4;
	_ =	sdelay $0x1  }
0xa1: {  	s23 =	simm.s32 $0x1B8B  }
0xa2: {  	_ =	swait.ge [sflag:s23], $0x1  }
0xa3: {  	[sflag:s23] =	ssyncset.done $0x0  }
0xa4: {  	s25 =	simm.s32 $0x1B8E;
	s24 =	sld [smem:$0x3FFE];
	[sflag:s23] =	ssyncadd.s32 $0xFFFFFFFF  }
0xa5: {  	s26 =	simm.s32 $execute0_lowered;
	[smem:$0x3FD2] =	sst s25  }
0xa6: {  	s5 =	sshll.u32 s26, $0x1;
	_ =	strace $0x80000046;
	[dreg:$0x1] =	wrdreg $0xFFFFFFFF  }
0xa7: {  	s28 =	simm.s32 $_size_execute0_lowered;
	s3 =	sadd.s32 s3, s5;
	[dreg:$0x0] =	wrdreg $0x0  }
0xa8: {  	s5 =	sshll.u32 s28, $0x1;
	[dreg:$0x2] =	wrdreg s3  }
0xa9: {  	[dreg:$0x3] =	wrdreg s5  }
0xaa: {  	[dreg:$0x4] =	wrdreg $0xC0  }
0xab: {  	_ =	task [dreg:s7], $0x5FFFF  }
0xac: {  	[dreg:$0x1] =	wrdreg $0xFFFFFFFF  }
0xad: {  	[dreg:$0x0] =	wrdreg $0x60  }
0xae: {  	[dreg:$0x2] =	wrdreg s2  }
0xaf: {  	[dreg:$0x3] =	wrdreg s24  }
0xb0: {  	[dreg:$0x4] =	wrdreg $0xA2000  }
0xb1: {  	[dreg:$0x5] =	wrdreg $0x9  }
0xb2: {  	_ =	task.clear_ibuf [dreg:s7], $0x6FFFF;
	_ =	strace $0x90000046  }
0xb3: {  	s29 =	simm.s32 $0x9;
	_ =	strace $0x80000048  }
0xb4: {  	_ =	swait.ge [sflag:s29], $0x1  }
0xb5: {  	[sflag:s29] =	ssyncadd.s32 $0xFFFFFFFF  }
0xb6: {  	_ =	strace $0x90000048  }
0xb7: {  	_ =	sfence  }
0xb8: {  	s30 =	sld [smem:$0x0];
	_ =	sdelay $0x2  }
0xb9: {  	s31 =	sshll.u32 s1, $0xD;
	s1 =	sshrl.u32 s1, $0x2  }
0xba: {  	s3 =	sand.u32 $0x4000, s31;
	s1 =	sadd.s32 s1, s30  }
0xbb: {  	s0 =	sor.u32 s3, s0;
	s1 =	sshll.u32 s1, $0x11  }
0xbc: {  	s0 =	sor.u32 s1, s0  }
0xbd: {  	s0 =	sadd.s32 $0x8F2B, s0  }
0xbe: {  	[sflag:s0] =	ssyncadd.remote.s32 $0x1  }
0xbf: {  	_ =	sfence.sel $0xFFFF  }
0xc0: {  	[dreg:$0x0] =	wrdreg $0xFFFFFFFF;
	(pc) =	sbr.abs _section_cstart, $3  }
0xc1: {  	[dreg:$0x1] =	wrdreg $0xFFFFFFFF  }
0xc2: {  	_ =	task.clear_ibuf [dreg:s7], $0x2FFFF;
	_ =	strace $0x9FFFFFFF  }
0xc3: {  	(tm) =	ssettm $0x7FFFFFFF  }
tec
execute0_lowered:
.L_overlay_start_1:
0x0: {  	(tag) =	ssettag $0x1  }
0x1: {  	s2 =	rddreg [dreg:$0x0]  }
0x2: {  	s0 =	rddreg [dreg:$0x1]  }
0x3: {  	s3 =	rddreg [dreg:$0x2]  }
0x4: {  	s9 =	stileid.u32;
	s4 =	simm.s32 $0x0;
	s1 =	srdreg.scid  }
0x5: {  	s19 =	simm.s32 $0x100;
	s20 =	simm.s32 $0x8200;
	s21 =	simm.s32 $0x2  }
0x6: {  	s22 =	simm.s32 $0x3;
	s28 =	simm.s32 $0x1;
	s5 =	smul.u32 $0xA00, s9  }
0x7: {  	s29 =	simm.s32 $0x5;
	s30 =	simm.s32 $0x180;
	s6 =	smul.u32 $0x2800, s9  }
0x8: {  	s31 =	simm.s32 $0x0;
	s1 =	sand.u32 $0x1, s1;
	s23 =	smul.u32 $0x50000, s9  }
0x9: {  	[smem:$0x7FF] =	sst s4;
	p0 =	seq.s32 s1, $0x0;
	s8 =	smul.u32 $0x28000, s1  }
0xa: {  	_ =	strace $0x80000047;
	s1 =	ssub.s32 $0x2, s1;
	s7 =	sadd.s32 $0xA000, s5  }
0xb: {  	s24 =	sshrl.u32 s1, $0x1;
	s25 =	sshrl.u32 s23, $0x2;
	s23 =	simm.s32 $0x80  }
0xc: {  	s7 =	smov.u32 @p0 s5;
	s6 =	sadd.s32 s6, s8;
	s1 =	ssub.s32 s1, s24  }
0xd: {  	s24 =	simm.s32 $0x200;
	s7 =	sadd.s32 s7, s0;
	s0 =	sadd.s32 s6, s0  }
0xe: {  	s6 =	sadd.s32 s25, s3;
	s18 =	smax.u32 s1, $0x1;
	s25 =	simm.s32 $0x4  }
0xf: {  	s5 =	sadd.s32 $0x3A00, s7;
	s7 =	sadd.s32 $0x3A20, s7;
	s26 =	sadd.s32 $0x2000, s6  }
0x10: {  	s9 =	sadd.s32 $0x4000, s6;
	s10 =	sadd.s32 $0x6000, s6;
	s11 =	sadd.s32 $0x8000, s6  }
0x11: {  	s12 =	sadd.s32 $0xA000, s6;
	s13 =	sadd.s32 $0xC000, s6;
	s14 =	sadd.s32 $0xE000, s6  }
0x12: {  	s15 =	sadd.s32 $0x10000, s6;
	s16 =	sadd.s32 $0x12000, s6;
	[dreg:$0x4] =	wrdreg s7  }
0x13: {  	v0 =	vimm.f32 $0.0e+00;
	s17 =	sadd.s32 $0x17A00, s0;
	[dreg:$0x5] =	wrdreg s26;
	s26 =	simm.s32 $0x4200  }
.LBB2_1:
0x14: {  	[tilespmem:s4], [sflag:$0x3] =	stream.linear.gather [hbm4b:s5+s4], $0x100, $0x38;
	[tilespmem:$0x1E200] =	vst v63  }
0x15: {  	s8 =	sand.u32 $0x7E00, s4  }
0x16: {  	s0 =	rddreg [dreg:$0x4];
	s1 =	sand.u32 $0x70, s4;
	s7 =	sshrl.u32 s8, $0x2  }
0x17: {  	[tilespmem:s19], [sflag:$0x4] =	stream.linear.gather [hbm4b:s0+s4], $0x100, $0x38;
	[tilespmem:$0x1E200] =	vst v63  }
0x18: {  	s0 =	simm.s32 $0x40;
	s7 =	sor.u32 s1, s7;
	s1 =	simm.s32 $0x0  }
.LBB2_2:
0x19: {  	p0 =	sne.s32 s0, $0x7FC0  }
0x1a: {  	[tilespmem:s7+$0x8200] =	vst v0;
	s1 =	sadd.s32 $0x10, s1;
	s7 =	smov.u32 s0;
	s0 =	sadd.s32 $0x40, s0  }
.Ltmp0:
0x1b: {  	(pc) =	sbr.rel @p0 .LBB2_2-.Ltmp0, $4  }
0x1c: {  	_ = 	snop  }
0x1d: {  	s7 =	sand.u32 $0x7E00, s7  }
0x1e: {  	s8 =	sand.u32 $0x70, s1;
	s7 =	sshrl.u32 s7, $0x2  }
0x1f: {  	s7 =	sor.u32 s8, s7  }
0x20: {  	[tilespmem:s7+$0x8200] =	vst v0  }
0x21: {  	[spmem:s6] =	stream.linear.scatter [tilespmem:s20], [sflag:$0x2], $0x2000, $0x38;
	[tilespmem:$0x1E200] =	vst v63  }
0x22: {  	s0 =	rddreg [dreg:$0x5]  }
0x23: {  	[spmem:s0] =	stream.linear.scatter [tilespmem:s20], [sflag:$0x2], $0x2000, $0x38;
	[tilespmem:$0x1E200] =	vst v63  }
0x24: {  	_ = 	snop  }
0x25: {  	[spmem:s9] =	stream.linear.scatter [tilespmem:s20], [sflag:$0x2], $0x2000, $0x38;
	[tilespmem:$0x1E200] =	vst v63  }
0x26: {  	_ = 	snop  }
0x27: {  	[spmem:s10] =	stream.linear.scatter [tilespmem:s20], [sflag:$0x2], $0x2000, $0x38;
	[tilespmem:$0x1E200] =	vst v63  }
0x28: {  	_ = 	snop  }
0x29: {  	[spmem:s11] =	stream.linear.scatter [tilespmem:s20], [sflag:$0x2], $0x2000, $0x38;
	[tilespmem:$0x1E200] =	vst v63  }
0x2a: {  	_ = 	snop  }
0x2b: {  	[spmem:s12] =	stream.linear.scatter [tilespmem:s20], [sflag:$0x2], $0x2000, $0x38;
	[tilespmem:$0x1E200] =	vst v63  }
0x2c: {  	_ = 	snop  }
0x2d: {  	[spmem:s13] =	stream.linear.scatter [tilespmem:s20], [sflag:$0x2], $0x2000, $0x38;
	[tilespmem:$0x1E200] =	vst v63  }
0x2e: {  	_ = 	snop  }
0x2f: {  	[spmem:s14] =	stream.linear.scatter [tilespmem:s20], [sflag:$0x2], $0x2000, $0x38;
	[tilespmem:$0x1E200] =	vst v63  }
0x30: {  	_ = 	snop  }
0x31: {  	[spmem:s15] =	stream.linear.scatter [tilespmem:s20], [sflag:$0x2], $0x2000, $0x38;
	[tilespmem:$0x1E200] =	vst v63  }
0x32: {  	_ = 	snop  }
0x33: {  	[spmem:s16] =	stream.linear.scatter [tilespmem:s20], [sflag:$0x2], $0x2000, $0x38;
	[tilespmem:$0x1E200] =	vst v63  }
0x34: {  	_ =	swait.ge [sflag:s21], $0x2000  }
0x35: {  	[sflag:s21] =	ssyncset.done $0x0  }
0x36: {  	[sflag:s21] =	ssyncadd.s32 $0xFFFFE000  }
0x37: {  	_ =	swait.ge [sflag:s21], $0x2000  }
0x38: {  	[sflag:s21] =	ssyncset.done $0x0  }
0x39: {  	[sflag:s21] =	ssyncadd.s32 $0xFFFFE000  }
0x3a: {  	_ =	swait.ge [sflag:s21], $0x2000  }
0x3b: {  	[sflag:s21] =	ssyncset.done $0x0  }
0x3c: {  	[sflag:s21] =	ssyncadd.s32 $0xFFFFE000  }
0x3d: {  	_ =	swait.ge [sflag:s21], $0x2000  }
0x3e: {  	[sflag:s21] =	ssyncset.done $0x0  }
0x3f: {  	[sflag:s21] =	ssyncadd.s32 $0xFFFFE000  }
0x40: {  	_ =	swait.ge [sflag:s21], $0x2000  }
0x41: {  	[sflag:s21] =	ssyncset.done $0x0  }
0x42: {  	[sflag:s21] =	ssyncadd.s32 $0xFFFFE000  }
0x43: {  	_ =	swait.ge [sflag:s21], $0x2000  }
0x44: {  	[sflag:s21] =	ssyncset.done $0x0  }
0x45: {  	[sflag:s21] =	ssyncadd.s32 $0xFFFFE000  }
0x46: {  	_ =	swait.ge [sflag:s21], $0x2000  }
0x47: {  	[sflag:s21] =	ssyncset.done $0x0  }
0x48: {  	[sflag:s21] =	ssyncadd.s32 $0xFFFFE000  }
0x49: {  	_ =	swait.ge [sflag:s21], $0x2000  }
0x4a: {  	[sflag:s21] =	ssyncset.done $0x0  }
0x4b: {  	[sflag:s21] =	ssyncadd.s32 $0xFFFFE000  }
0x4c: {  	_ =	swait.ge [sflag:s21], $0x2000  }
0x4d: {  	[sflag:s21] =	ssyncset.done $0x0  }
0x4e: {  	[sflag:s21] =	ssyncadd.s32 $0xFFFFE000  }
0x4f: {  	_ =	swait.ge [sflag:s21], $0x2000  }
0x50: {  	[sflag:s21] =	ssyncset.done $0x0  }
0x51: {  	[sflag:s21] =	ssyncadd.s32 $0xFFFFE000  }
0x52: {  	_ =	swait.ge [sflag:s22], $0x100  }
0x53: {  	[sflag:s22] =	ssyncset.done $0x0  }
0x54: {  	[sflag:s22] =	ssyncadd.s32 $0xFFFFFF00  }
0x55: {  	[tilespmem:s24], [sflag:$0x1] =	stream.indirect.gather [hbm4b:s2+s23], $0x80, s4, s23, $0xb8;
	[tilespmem:$0x1E200] =	vst v63  }
0x56: {  	[bflag:$0x0] =	sbarrier.arrive $0xFFFF  }
0x57: {  	_ =	swait.ge [sflag:s25], $0x100  }
0x58: {  	[sflag:s25] =	ssyncset.done $0x0  }
0x59: {  	[sflag:s25] =	ssyncadd.s32 $0xFFFFFF00  }
0x5a: {  	[tilespmem:s26], [sflag:$0x2] =	stream.indirect.gather [hbm4b:s2+s23], $0x80, s19, s23, $0xb8;
	[tilespmem:$0x1E200] =	vst v63  }
0x5b: {  	_ =	swait.ge [sflag:s28], $0x4000  }
0x5c: {  	[sflag:s28] =	ssyncset.done $0x0  }
0x5d: {  	[sflag:s28] =	ssyncadd.s32 $0xFFFFC000  }
0x5e: {  	[spmem:s3] =	stream.indirect.scatter.add.f32 [tilespmem:s24], [sflag:$0x5], $0x80, s23, s23, $0xb8;
	[tilespmem:$0x1E200] =	vst v63  }
0x5f: {  	_ =	swait.ge [sflag:s29], $0x4000  }
0x60: {  	s8 =	sadd.s32 $0xFFFFF640, s5;
	[sflag:s29] =	ssyncset.done $0x0  }
0x61: {  	s1 =	sadd.s32 $0xA00, s8;
	[sflag:s29] =	ssyncadd.s32 $0xFFFFC000  }
0x62: {  	[tilespmem:s4], [sflag:$0x3] =	stream.linear.gather [hbm4b:s1+s4], $0x100, $0x38;
	[tilespmem:$0x1E200] =	vst v63  }
0x63: {  	_ =	swait.ge [sflag:s21], $0x4000  }
0x64: {  	[sflag:s21] =	ssyncset.done $0x0  }
0x65: {  	[sflag:s21] =	ssyncadd.s32 $0xFFFFC000  }
0x66: {  	[spmem:s3] =	stream.indirect.scatter.add.f32 [tilespmem:s26], [sflag:$0x5], $0x80, s30, s23, $0xb8;
	[tilespmem:$0x1E200] =	vst v63  }
0x67: {  	_ =	swait.ge [sflag:s29], $0x4000  }
0x68: {  	[sflag:s29] =	ssyncset.done $0x0  }
0x69: {  	s0 =	sadd.s32 $0xA20, s8;
	[sflag:s29] =	ssyncadd.s32 $0xFFFFC000  }
0x6a: {  	[tilespmem:s19], [sflag:$0x4] =	stream.linear.gather [hbm4b:s0+s4], $0x100, $0x38;
	[tilespmem:$0x1E200] =	vst v63  }
0x6b: {  	_ =	swait.ge [sflag:s22], $0x100  }
0x6c: {  	[sflag:s22] =	ssyncset.done $0x0  }
0x6d: {  	s0 =	simm.s32 $0xFFFFF680;
	[sflag:s22] =	ssyncadd.s32 $0xFFFFFF00  }
.LBB2_4:
0x6e: {  	[tilespmem:s24], [sflag:$0x1] =	stream.indirect.gather [hbm4b:s2+s23], $0x80, s4, s23, $0xb8;
	[tilespmem:$0x1E200] =	vst v63  }
0x6f: {  	s1 =	smov.u32 s0  }
0x70: {  	p0 =	sne.s32 s0, $0xFFFFFFC0;
	s0 =	sadd.s32 $0x40, s0;
	_ =	swait.ge [sflag:s25], $0x100  }
0x71: {  	[sflag:s25] =	ssyncset.done $0x0  }
0x72: {  	[sflag:s25] =	ssyncadd.s32 $0xFFFFFF00  }
0x73: {  	[tilespmem:s26], [sflag:$0x2] =	stream.indirect.gather [hbm4b:s2+s23], $0x80, s19, s23, $0xb8;
	[tilespmem:$0x1E200] =	vst v63  }
0x74: {  	_ =	swait.ge [sflag:s28], $0x4000  }
0x75: {  	[sflag:s28] =	ssyncset.done $0x0  }
0x76: {  	[sflag:s28] =	ssyncadd.s32 $0xFFFFC000  }
0x77: {  	[spmem:s3] =	stream.indirect.scatter.add.f32 [tilespmem:s24], [sflag:$0x5], $0x80, s23, s23, $0xb8;
	[tilespmem:$0x1E200] =	vst v63  }
0x78: {  	_ =	swait.ge [sflag:s29], $0x4000  }
0x79: {  	s1 =	sadd.s32 s1, s5;
	[sflag:s29] =	ssyncset.done $0x0  }
0x7a: {  	s7 =	sadd.s32 $0xA00, s1;
	[sflag:s29] =	ssyncadd.s32 $0xFFFFC000  }
0x7b: {  	[tilespmem:s4], [sflag:$0x3] =	stream.linear.gather [hbm4b:s7+s4], $0x100, $0x38;
	[tilespmem:$0x1E200] =	vst v63  }
0x7c: {  	_ =	swait.ge [sflag:s21], $0x4000  }
0x7d: {  	[sflag:s21] =	ssyncset.done $0x0  }
0x7e: {  	[sflag:s21] =	ssyncadd.s32 $0xFFFFC000  }
0x7f: {  	[spmem:s3] =	stream.indirect.scatter.add.f32 [tilespmem:s26], [sflag:$0x5], $0x80, s30, s23, $0xb8;
	[tilespmem:$0x1E200] =	vst v63  }
0x80: {  	_ =	swait.ge [sflag:s29], $0x4000  }
0x81: {  	[sflag:s29] =	ssyncset.done $0x0  }
.Ltmp1:
0x82: {  	s1 =	sadd.s32 $0xA20, s1;
	[sflag:s29] =	ssyncadd.s32 $0xFFFFC000;
	(pc) =	sbr.rel @p0 .LBB2_4-.Ltmp1, $4  }
0x83: {  	[tilespmem:s19], [sflag:$0x4] =	stream.linear.gather [hbm4b:s1+s4], $0x100, $0x38;
	[tilespmem:$0x1E200] =	vst v63  }
0x84: {  	_ =	swait.ge [sflag:s22], $0x100  }
0x85: {  	[sflag:s22] =	ssyncset.done $0x0  }
0x86: {  	[sflag:s22] =	ssyncadd.s32 $0xFFFFFF00  }
0x87: {  	[tilespmem:s24], [sflag:$0x1] =	stream.indirect.gather [hbm4b:s2+s23], $0x80, s4, s23, $0xb8;
	[tilespmem:$0x1E200] =	vst v63  }
0x88: {  	_ =	swait.ge [sflag:s25], $0x100  }
0x89: {  	[sflag:s25] =	ssyncset.done $0x0  }
0x8a: {  	[sflag:s25] =	ssyncadd.s32 $0xFFFFFF00  }
0x8b: {  	[tilespmem:s26], [sflag:$0x2] =	stream.indirect.gather [hbm4b:s2+s23], $0x80, s19, s23, $0xb8;
	[tilespmem:$0x1E200] =	vst v63  }
0x8c: {  	_ =	swait.ge [sflag:s28], $0x4000  }
0x8d: {  	[sflag:s28] =	ssyncset.done $0x0  }
0x8e: {  	[sflag:s28] =	ssyncadd.s32 $0xFFFFC000  }
0x8f: {  	[spmem:s3] =	stream.indirect.scatter.add.f32 [tilespmem:s24], [sflag:$0x5], $0x80, s23, s23, $0xb8;
	[tilespmem:$0x1E200] =	vst v63  }
0x90: {  	_ =	swait.ge [sflag:s29], $0x4000  }
0x91: {  	[sflag:s29] =	ssyncset.done $0x0  }
0x92: {  	[sflag:s29] =	ssyncadd.s32 $0xFFFFC000  }
0x93: {  	_ =	swait.ge [sflag:s21], $0x4000  }
0x94: {  	[sflag:s21] =	ssyncset.done $0x0  }
0x95: {  	[sflag:s21] =	ssyncadd.s32 $0xFFFFC000  }
0x96: {  	[spmem:s3] =	stream.indirect.scatter.add.f32 [tilespmem:s26], [sflag:$0x5], $0x80, s30, s23, $0xb8;
	[tilespmem:$0x1E200] =	vst v63  }
0x97: {  	s0 =	stileid.u32;
	_ =	swait.ge [sflag:s29], $0x4000  }
0x98: {  	s1 =	sshrl.u32 s6, $0x3;
	s31 =	sadd.s32 $0x1, s31;
	[sflag:s29] =	ssyncset.done $0x0  }
0x99: {  	s0 =	sshll.u32 s0, $0x6;
	p0 =	sne.s32 s31, s18;
	[sflag:s29] =	ssyncadd.s32 $0xFFFFC000  }
.Ltmp2:
0x9a: {  	s0 =	sor.u32 $0x1C05, s0;
	[bflag:$0x0] =	sbarrier.arrive $0xFFFF;
	(pc) =	sbr.rel @p0 .LBB2_1-.Ltmp2, $4  }
0x9b: {  	[hbm:s17], [sflag:s0] =	dma.local [spmem:s1], $0x2800  }
0x9c: {  	_ =	swait.ge [sflag:s29], $0x2800  }
0x9d: {  	[sflag:s29] =	ssyncset.done $0x0  }
0x9e: {  	[sflag:s29] =	ssyncadd.s32 $0xFFFFD800  }
0x9f: {  	_ =	sfence.sel $0x180000  }
0xa0: {  	[bflag:$0x0] =	sbarrier.arrive $0xFFFF  }
0xa1: {  	_ =	strace $0x90000047  }
0xa2: {  	s0 =	stileid.u32;
	[bflag:$0x2] =	sbarrier.arrive $0xFFFF  }
0xa3: {  	p0 =	sne.s32 s0, $0x0;
	s0 =	rddreg [dreg:$0x3]  }
0xa4: {  	s0 =	sadd.s32 @!p0 $0x100000, s0  }
0xa5: {  	[sflag:s0] =	ssyncadd.tile.s32 @!p0 $0x1;
	_ =	shalt  }
.Lfunc_end2:
_tile_overlayer_lowered:
.L_overlay_start_2:
0xa6: {  	(tag) =	ssettag $0x2  }
0xa7: {  	s0 =	rddreg [dreg:$0x0];
	s2 =	stileid.u32  }
0xa8: {  	s1 =	rddreg [dreg:$0x1];
	p0 =	sne.s32 s2, $0x0  }
0xa9: {  	s3 =	rddreg [dreg:$0x2];
	[bflag:$0x3] =	sbarrier.arrive $0xFFFF;
	s2 =	simm.s32 @!p0 $0x1C05  }
0xaa: {  	[timem:s3], [sflag:s2] =	dma.local @!p0 [hbm:s0], s1  }
0xab: {  	s0 =	simm.s32 @!p0 $0x5  }
0xac: {  	_ =	swait.ge @!p0 [sflag:s0], s1  }
0xad: {  	s1 =	ssub.s32 @!p0 $0x0, s1;
	[sflag:s0] =	ssyncset.done @!p0 $0x0  }
0xae: {  	[sflag:s0] =	ssyncadd.s32 @!p0 s1  }
0xaf: {  	[bflag:$0x3] =	sbarrier.arrive $0xFFFF  }
0xb0: {  	_ =	shalt  }

// kernel: kernel.13.cloned.1.call-start
scs
__scs_entry_jumppad:
0x0: {  	(pc) =	sbr.rel $0x88, $3  }
0x1: {  	(tag) =	ssettag $0x0;
	lr =	simm.s32 $0x1  }
0x2: {  	[smem:$0x3F90] =	sst lr;
	_ =	strace $0xD0000000  }
0x3: {  	_ = 	snop  }
0x4: {  	_ = 	snop  }
0x5: {  	_ = 	snop  }
0x6: {  	_ = 	snop  }
0x7: {  	_ = 	snop  }
__scs_overlays_trampoline_lowered:
0x8: {  	[smem:$0x3F9F] =	sst s0  }
0x9: {  	[smem:$0x3FA0] =	sst s1  }
0xa: {  	[smem:$0x3FA1] =	sst s2  }
0xb: {  	[smem:$0x3FA2] =	sst s3  }
0xc: {  	[smem:$0x3FA3] =	sst s4  }
0xd: {  	[smem:$0x3FA4] =	sst s5  }
0xe: {  	[smem:$0x3FA5] =	sst s6  }
0xf: {  	[smem:$0x3FA6] =	sst s7  }
0x10: {  	[smem:$0x3FA7] =	sst s8  }
0x11: {  	[smem:$0x3FA8] =	sst s9;
	s0 =	simm.s32 @!p0 $0x0  }
0x12: {  	s1 =	sld [smem:$0x3F8E];
	s0 =	simm.s32 @p0 $0x1  }
0x13: {  	[smem:$0x3FA9] =	sst s0;
	s0 =	simm.s32 @!p1 $0x0  }
0x14: {  	s2 =	sld [smem:$0x3F8D];
	s0 =	simm.s32 @p1 $0x1  }
0x15: {  	[smem:$0x3FAA] =	sst s0;
	s0 =	simm.s32 @!p2 $0x0  }
0x16: {  	s3 =	sld [smem:$0x3FDB];
	s0 =	simm.s32 @p2 $0x1  }
0x17: {  	s4 =	simm.s32 $0x1BF5;
	[smem:$0x3FAC] =	sst s0  }
0x18: {  	s0 =	sld [smem:$0x3F8F];
	_ =	swait.ge [sflag:s4], $0x0  }
0x19: {  	s7 =	sld [smem:$0x3F90]  }
0x1a: {  	s8 =	sadd.s32 $0xFFFFE003, lr  }
0x1b: {  	s9 =	sadd.s32 $0xFFFFFEF7, lr;
	s5 =	simm.s32 $0xFFFFFFFF;
	p2 =	slt.u32 s8, $0xFFFFF086  }
0x1c: {  	p1 =	slt.u32 s9, $0xF7A;
	s5 =	simm.s32 @!p2 $0x0  }
0x1d: {  	s5 =	simm.s32 @p1 $0x1;
	p0 =	seq.s32 s7, s2  }
0x1e: {  	s7 =	smul.u32 @!p0 $0xF7A, s2;
	p2 =	seq.s32 @!p0 s5, $0x0  }
0x1f: {  	s9 =	smul.u32 $0xF7A, s1;
	s8 =	simm.s32 @!p0 $0x1BF5;
	p2 =	por !p2, p0  }
0x20: {  	[sflag:s8] =	ssyncset.s32 @!p0 $0xFFFFF086;
	s6 =	sadd.s32 @!p0 s3, s7;
	s7 =	simm.s32 @!p0 $0x108  }
0x21: {  	s3 =	sadd.s32 s3, s9;
	s6 =	sadd.s32 @!p0 $0x88, s6;
	s7 =	simm.s32 @p2 $0x1082  }
0x22: {  	[simem:s7], [sflag:s8] =	dma.local @!p0 [hbm:s6], $0xF7A  }
0x23: {  	s9 =	sor.u32 $0xD0000000, s2;
	s6 =	simm.s32 $0x108;
	_ =	swait.ge @!p0 [sflag:s8], $0x0  }
0x24: {  	s3 =	sadd.s32 $0x88, s3;
	s6 =	simm.s32 @!p1 $0x1082;
	[sflag:s4] =	ssyncset.s32 $0xFFFFF086  }
0x25: {  	[simem:s6], [sflag:s4] =	dma.local [hbm:s3], $0xF7A  }
0x26: {  	[smem:$0x3F90] =	sst s1;
	(tag) =	ssettag s2;
	_ =	strace s9  }
0x27: {  	s1 =	sld [smem:$0x3FA0]  }
0x28: {  	s2 =	sld [smem:$0x3FA1]  }
0x29: {  	s4 =	sld [smem:$0x3FA3]  }
0x2a: {  	p0 =	seq.s32 s5, $0x0;
	s5 =	sld [smem:$0x3FA4]  }
0x2b: {  	s6 =	sld [smem:$0x3FA5]  }
0x2c: {  	s7 =	sld [smem:$0x3FA6]  }
0x2d: {  	s3 =	simm.s32 $0x108;
	s8 =	sld [smem:$0x3FA7]  }
0x2e: {  	s3 =	simm.s32 @!p0 $0x1082;
	s9 =	sld [smem:$0x3FA8]  }
0x2f: {  	lr =	sadd.s32 s0, s3;
	s0 =	sld [smem:$0x3F9F]  }
0x30: {  	s3 =	sld [smem:$0x3FA2]  }
0x31: {  	[smem:$0x3FAB] =	sst s10  }
0x32: {  	s10 =	sld [smem:$0x3FA9];
	_ =	sdelay $0x3  }
0x33: {  	p0 =	seq.s32 s10, $0x1;
	s10 =	sld [smem:$0x3FAB];
	_ =	sdelay $0x3  }
0x34: {  	[smem:$0x3FAB] =	sst s10  }
0x35: {  	s10 =	sld [smem:$0x3FAA];
	_ =	sdelay $0x3  }
0x36: {  	p1 =	seq.s32 s10, $0x1;
	s10 =	sld [smem:$0x3FAB];
	_ =	sdelay $0x3  }
0x37: {  	[smem:$0x3FAB] =	sst s10  }
0x38: {  	s10 =	sld [smem:$0x3FAC]  }
0x39: {  	_ = 	snop;
	(pc) =	sbr.ind lr, $3  }
0x3a: {  	_ = 	snop  }
0x3b: {  	_ = 	snop  }
0x3c: {  	p2 =	seq.s32 s10, $0x1;
	s10 =	sld [smem:$0x3FAB]  }
0x3d: {  	_ =	shalt  }
0x3e: {  	_ =	shalt  }
0x3f: {  	_ =	shalt  }
0x40: {  	_ =	shalt  }
0x41: {  	_ =	shalt  }
0x42: {  	_ =	shalt  }
0x43: {  	_ =	shalt  }
0x44: {  	_ =	shalt  }
0x45: {  	_ =	shalt  }
0x46: {  	_ =	shalt  }
0x47: {  	_ =	shalt  }
0x48: {  	_ =	shalt  }
0x49: {  	_ =	shalt  }
0x4a: {  	_ =	shalt  }
0x4b: {  	_ =	shalt  }
0x4c: {  	_ =	shalt  }
0x4d: {  	_ =	shalt  }
0x4e: {  	_ =	shalt  }
0x4f: {  	_ =	shalt  }
0x50: {  	_ =	shalt  }
0x51: {  	_ =	shalt  }
0x52: {  	_ =	shalt  }
0x53: {  	_ =	shalt  }
0x54: {  	_ =	shalt  }
0x55: {  	_ =	shalt  }
0x56: {  	_ =	shalt  }
0x57: {  	_ =	shalt  }
0x58: {  	_ =	shalt  }
0x59: {  	_ =	shalt  }
0x5a: {  	_ =	shalt  }
0x5b: {  	_ =	shalt  }
0x5c: {  	_ =	shalt  }
0x5d: {  	_ =	shalt  }
0x5e: {  	_ =	shalt  }
0x5f: {  	_ =	shalt  }
0x60: {  	_ =	shalt  }
0x61: {  	_ =	shalt  }
0x62: {  	_ =	shalt  }
0x63: {  	_ =	shalt  }
0x64: {  	_ =	shalt  }
0x65: {  	_ =	shalt  }
0x66: {  	_ =	shalt  }
0x67: {  	_ =	shalt  }
0x68: {  	_ =	shalt  }
0x69: {  	_ =	shalt  }
0x6a: {  	_ =	shalt  }
0x6b: {  	_ =	shalt  }
0x6c: {  	_ =	shalt  }
0x6d: {  	_ =	shalt  }
0x6e: {  	_ =	shalt  }
0x6f: {  	_ =	shalt  }
0x70: {  	_ =	shalt  }
0x71: {  	_ =	shalt  }
0x72: {  	_ =	shalt  }
0x73: {  	_ =	shalt  }
0x74: {  	_ =	shalt  }
0x75: {  	_ =	shalt  }
0x76: {  	_ =	shalt  }
0x77: {  	_ =	shalt  }
0x78: {  	_ =	shalt  }
0x79: {  	_ =	shalt  }
0x7a: {  	_ =	shalt  }
0x7b: {  	_ =	shalt  }
0x7c: {  	_ =	shalt  }
0x7d: {  	_ =	shalt  }
0x7e: {  	_ =	shalt  }
0x7f: {  	_ =	shalt  }
0x80: {  	_ =	shalt  }
0x81: {  	_ =	shalt  }
0x82: {  	_ =	shalt  }
0x83: {  	_ =	shalt  }
0x84: {  	_ =	shalt  }
0x85: {  	_ =	shalt  }
0x86: {  	_ =	shalt  }
0x87: {  	_ =	shalt  }
.Lfunc_end0:
.L_simem_size_0:
called_computation.1_lowered:
.L_overlay_start_0:
0x88: {  	s2 =	sld [smem:$0x3FD9]  }
0x89: {  	s3 =	sld [smem:$0x3FFE];
	_ =	sdelay $0x1  }
0x8a: {  	s1 =	srdreg.scid  }
0x8b: {  	s0 =	sand.u32 $0x1, s1  }
0x8c: {  	s16 =	sshll.u32 s0, $0xA;
	s2 =	sadd.s32 s3, s2  }
0x8d: {  	s2 =	sadd.s32 s2, s16  }
0x8e: {  	[smem:$0x3FB7] =	sst s2  }
0x8f: {  	_ = 	snop  }
0x90: {  	(tm) =	ssettm $0x1  }
0x91: {  	s17 =	sld [smem:$0x3FFB];
	_ =	sdelay $0x3  }
0x92: {  	_ =	strace s17  }
0x93: {  	s2 =	sld [smem:$0x3FFC];
	_ =	sdelay $0x3  }
0x94: {  	_ =	strace s2  }
0x95: {  	s2 =	sld [smem:$0x3FFD];
	_ =	sdelay $0x3  }
0x96: {  	_ =	strace s2  }
0x97: {  	_ =	strace $0x8FFFFFFF  }
0x98: {  	s18 =	sld [smem:$0x3FDB];
	_ =	sdelay $0x1  }
0x99: {  	s19 =	simm.s32 $_scs_section_size  }
0x9a: {  	s4 =	simm.s32 $_size__tile_overlayer_lowered;
	s5 =	simm.s32 $_tile_overlayer_lowered  }
0x9b: {  	s22 =	simm.s32 $0x1BFF;
	s21 =	sshll.u32 s5, $0x1;
	s2 =	sadd.s32 s19, s18  }
0x9c: {  	s6 =	simm.s32 $0x0;
	s20 =	sshll.u32 s4, $0x1;
	s4 =	sadd.s32 s21, s2  }
0x9d: {  	[timem:s6], [sflag:s22] =	dma.local [hbm:s4], s20  }
0x9e: {  	_ =	swait.ge [sflag:s22], s20  }
0x9f: {  	s3 =	ssub.s32 $0x0, s20;
	[sflag:s22] =	ssyncset.done $0x0  }
0xa0: {  	[sflag:s22] =	ssyncadd.s32 s3;
	_ =	sdelay $0x1  }
0xa1: {  	s23 =	simm.s32 $0x1B8B  }
0xa2: {  	_ =	swait.ge [sflag:s23], $0x1  }
0xa3: {  	[sflag:s23] =	ssyncset.done $0x0  }
0xa4: {  	s25 =	simm.s32 $0x1B8E;
	s24 =	sld [smem:$0x3FFE];
	[sflag:s23] =	ssyncadd.s32 $0xFFFFFFFF  }
0xa5: {  	s26 =	simm.s32 $execute0_lowered;
	[smem:$0x3FD2] =	sst s25  }
0xa6: {  	s4 =	sshll.u32 s26, $0x1;
	_ =	strace $0x80000049;
	[dreg:$0x1] =	wrdreg $0xFFFFFFFF  }
0xa7: {  	s28 =	simm.s32 $_size_execute0_lowered;
	s2 =	sadd.s32 s2, s4;
	[dreg:$0x0] =	wrdreg $0x0  }
0xa8: {  	s4 =	sshll.u32 s28, $0x1;
	[dreg:$0x2] =	wrdreg s2  }
0xa9: {  	[dreg:$0x3] =	wrdreg s4  }
0xaa: {  	[dreg:$0x4] =	wrdreg $0xC0  }
0xab: {  	_ =	task [dreg:s6], $0x5FFFF  }
0xac: {  	[dreg:$0x1] =	wrdreg $0xFFFFFFFF  }
0xad: {  	[dreg:$0x0] =	wrdreg $0x60  }
0xae: {  	[dreg:$0x2] =	wrdreg s24  }
0xaf: {  	[dreg:$0x3] =	wrdreg $0xA2000  }
0xb0: {  	[dreg:$0x4] =	wrdreg $0x9  }
0xb1: {  	_ =	task.clear_ibuf [dreg:s6], $0x5FFFF;
	_ =	strace $0x90000049  }
0xb2: {  	s29 =	simm.s32 $0x9;
	_ =	strace $0x8000004B  }
0xb3: {  	_ =	swait.ge [sflag:s29], $0x1  }
0xb4: {  	[sflag:s29] =	ssyncadd.s32 $0xFFFFFFFF  }
0xb5: {  	_ =	strace $0x9000004B  }
0xb6: {  	_ =	sfence  }
0xb7: {  	s30 =	sld [smem:$0x0];
	_ =	sdelay $0x2  }
0xb8: {  	s31 =	sshll.u32 s1, $0xD;
	s1 =	sshrl.u32 s1, $0x2  }
0xb9: {  	s3 =	sand.u32 $0x4000, s31;
	s1 =	sadd.s32 s1, s30  }
0xba: {  	s0 =	sor.u32 s3, s0;
	s1 =	sshll.u32 s1, $0x11  }
0xbb: {  	s0 =	sor.u32 s1, s0  }
0xbc: {  	s0 =	sadd.s32 $0x8F2B, s0  }
0xbd: {  	[sflag:s0] =	ssyncadd.remote.s32 $0x1  }
0xbe: {  	_ =	sfence.sel $0xFFFF  }
0xbf: {  	[dreg:$0x0] =	wrdreg $0xFFFFFFFF;
	(pc) =	sbr.abs _section_cstart, $3  }
0xc0: {  	[dreg:$0x1] =	wrdreg $0xFFFFFFFF  }
0xc1: {  	_ =	task.clear_ibuf [dreg:s6], $0x2FFFF;
	_ =	strace $0x9FFFFFFF  }
0xc2: {  	(tm) =	ssettm $0x7FFFFFFF  }
0xc3: {  	_ =	shalt  }
tec
execute0_lowered:
.L_overlay_start_1:
0x0: {  	(tag) =	ssettag $0x1  }
0x1: {  	s0 =	rddreg [dreg:$0x0]  }
0x2: {  	s2 =	rddreg [dreg:$0x1];
	s3 =	simm.s32 $0x0  }
0x3: {  	s9 =	stileid.u32;
	s1 =	srdreg.scid;
	s19 =	simm.s32 $0x100  }
0x4: {  	s20 =	simm.s32 $0x8200;
	s21 =	simm.s32 $0x2;
	s22 =	simm.s32 $0x3  }
0x5: {  	s28 =	simm.s32 $0x1;
	s29 =	simm.s32 $0x5;
	s30 =	simm.s32 $0x180  }
0x6: {  	s31 =	simm.s32 $0x0;
	[smem:$0x7FF] =	sst s3;
	s5 =	smul.u32 $0xA00, s9  }
0x7: {  	s1 =	sand.u32 $0x1, s1;
	s6 =	smul.u32 $0x2800, s9;
	s4 =	sadd.s32 $0x17A00, s0  }
0x8: {  	s23 =	smul.u32 $0x50000, s9;
	_ =	strace $0x8000004A;
	p0 =	seq.s32 s1, $0x0  }
0x9: {  	s8 =	smul.u32 $0x28000, s1;
	s1 =	ssub.s32 $0x2, s1;
	s7 =	sadd.s32 $0xA000, s5  }
0xa: {  	s24 =	sshrl.u32 s1, $0x1;
	s25 =	sshrl.u32 s23, $0x2;
	s23 =	simm.s32 $0x80  }
0xb: {  	s7 =	smov.u32 @p0 s5;
	s6 =	sadd.s32 s6, s8;
	s1 =	ssub.s32 s1, s24  }
0xc: {  	s24 =	simm.s32 $0x200;
	s7 =	sadd.s32 s7, s0;
	s0 =	sadd.s32 s6, s0  }
0xd: {  	s6 =	sadd.s32 s25, s2;
	s18 =	smax.u32 s1, $0x1;
	s25 =	simm.s32 $0x4  }
0xe: {  	s5 =	sadd.s32 $0x3A00, s7;
	s7 =	sadd.s32 $0x3A20, s7;
	s26 =	sadd.s32 $0x2000, s6  }
0xf: {  	s9 =	sadd.s32 $0x4000, s6;
	s10 =	sadd.s32 $0x6000, s6;
	s11 =	sadd.s32 $0x8000, s6  }
0x10: {  	s12 =	sadd.s32 $0xA000, s6;
	s13 =	sadd.s32 $0xC000, s6;
	s14 =	sadd.s32 $0xE000, s6  }
0x11: {  	s15 =	sadd.s32 $0x10000, s6;
	s16 =	sadd.s32 $0x12000, s6;
	[dreg:$0x3] =	wrdreg s7  }
0x12: {  	v0 =	vimm.f32 $0.0e+00;
	s17 =	sadd.s32 $0x3EC00, s0;
	[dreg:$0x4] =	wrdreg s26;
	s26 =	simm.s32 $0x4200  }
.LBB2_1:
0x13: {  	[tilespmem:s3], [sflag:$0x3] =	stream.linear.gather [hbm4b:s5+s3], $0x100, $0x38;
	[tilespmem:$0x1E200] =	vst v63  }
0x14: {  	s8 =	sand.u32 $0x7E00, s3  }
0x15: {  	s0 =	rddreg [dreg:$0x3];
	s1 =	sand.u32 $0x70, s3;
	s7 =	sshrl.u32 s8, $0x2  }
0x16: {  	[tilespmem:s19], [sflag:$0x4] =	stream.linear.gather [hbm4b:s0+s3], $0x100, $0x38;
	[tilespmem:$0x1E200] =	vst v63  }
0x17: {  	s0 =	simm.s32 $0x40;
	s7 =	sor.u32 s1, s7;
	s1 =	simm.s32 $0x0  }
.LBB2_2:
0x18: {  	p0 =	sne.s32 s0, $0x7FC0  }
0x19: {  	[tilespmem:s7+$0x8200] =	vst v0;
	s1 =	sadd.s32 $0x10, s1;
	s7 =	smov.u32 s0;
	s0 =	sadd.s32 $0x40, s0  }
.Ltmp0:
0x1a: {  	(pc) =	sbr.rel @p0 .LBB2_2-.Ltmp0, $4  }
0x1b: {  	_ = 	snop  }
0x1c: {  	s7 =	sand.u32 $0x7E00, s7  }
0x1d: {  	s8 =	sand.u32 $0x70, s1;
	s7 =	sshrl.u32 s7, $0x2  }
0x1e: {  	s7 =	sor.u32 s8, s7  }
0x1f: {  	[tilespmem:s7+$0x8200] =	vst v0  }
0x20: {  	[spmem:s6] =	stream.linear.scatter [tilespmem:s20], [sflag:$0x2], $0x2000, $0x38;
	[tilespmem:$0x1E200] =	vst v63  }
0x21: {  	s0 =	rddreg [dreg:$0x4]  }
0x22: {  	[spmem:s0] =	stream.linear.scatter [tilespmem:s20], [sflag:$0x2], $0x2000, $0x38;
	[tilespmem:$0x1E200] =	vst v63  }
0x23: {  	_ = 	snop  }
0x24: {  	[spmem:s9] =	stream.linear.scatter [tilespmem:s20], [sflag:$0x2], $0x2000, $0x38;
	[tilespmem:$0x1E200] =	vst v63  }
0x25: {  	_ = 	snop  }
0x26: {  	[spmem:s10] =	stream.linear.scatter [tilespmem:s20], [sflag:$0x2], $0x2000, $0x38;
	[tilespmem:$0x1E200] =	vst v63  }
0x27: {  	_ = 	snop  }
0x28: {  	[spmem:s11] =	stream.linear.scatter [tilespmem:s20], [sflag:$0x2], $0x2000, $0x38;
	[tilespmem:$0x1E200] =	vst v63  }
0x29: {  	_ = 	snop  }
0x2a: {  	[spmem:s12] =	stream.linear.scatter [tilespmem:s20], [sflag:$0x2], $0x2000, $0x38;
	[tilespmem:$0x1E200] =	vst v63  }
0x2b: {  	_ = 	snop  }
0x2c: {  	[spmem:s13] =	stream.linear.scatter [tilespmem:s20], [sflag:$0x2], $0x2000, $0x38;
	[tilespmem:$0x1E200] =	vst v63  }
0x2d: {  	_ = 	snop  }
0x2e: {  	[spmem:s14] =	stream.linear.scatter [tilespmem:s20], [sflag:$0x2], $0x2000, $0x38;
	[tilespmem:$0x1E200] =	vst v63  }
0x2f: {  	_ = 	snop  }
0x30: {  	[spmem:s15] =	stream.linear.scatter [tilespmem:s20], [sflag:$0x2], $0x2000, $0x38;
	[tilespmem:$0x1E200] =	vst v63  }
0x31: {  	_ = 	snop  }
0x32: {  	[spmem:s16] =	stream.linear.scatter [tilespmem:s20], [sflag:$0x2], $0x2000, $0x38;
	[tilespmem:$0x1E200] =	vst v63  }
0x33: {  	_ =	swait.ge [sflag:s21], $0x2000  }
0x34: {  	[sflag:s21] =	ssyncset.done $0x0  }
0x35: {  	[sflag:s21] =	ssyncadd.s32 $0xFFFFE000  }
0x36: {  	_ =	swait.ge [sflag:s21], $0x2000  }
0x37: {  	[sflag:s21] =	ssyncset.done $0x0  }
0x38: {  	[sflag:s21] =	ssyncadd.s32 $0xFFFFE000  }
0x39: {  	_ =	swait.ge [sflag:s21], $0x2000  }
0x3a: {  	[sflag:s21] =	ssyncset.done $0x0  }
0x3b: {  	[sflag:s21] =	ssyncadd.s32 $0xFFFFE000  }
0x3c: {  	_ =	swait.ge [sflag:s21], $0x2000  }
0x3d: {  	[sflag:s21] =	ssyncset.done $0x0  }
0x3e: {  	[sflag:s21] =	ssyncadd.s32 $0xFFFFE000  }
0x3f: {  	_ =	swait.ge [sflag:s21], $0x2000  }
0x40: {  	[sflag:s21] =	ssyncset.done $0x0  }
0x41: {  	[sflag:s21] =	ssyncadd.s32 $0xFFFFE000  }
0x42: {  	_ =	swait.ge [sflag:s21], $0x2000  }
0x43: {  	[sflag:s21] =	ssyncset.done $0x0  }
0x44: {  	[sflag:s21] =	ssyncadd.s32 $0xFFFFE000  }
0x45: {  	_ =	swait.ge [sflag:s21], $0x2000  }
0x46: {  	[sflag:s21] =	ssyncset.done $0x0  }
0x47: {  	[sflag:s21] =	ssyncadd.s32 $0xFFFFE000  }
0x48: {  	_ =	swait.ge [sflag:s21], $0x2000  }
0x49: {  	[sflag:s21] =	ssyncset.done $0x0  }
0x4a: {  	[sflag:s21] =	ssyncadd.s32 $0xFFFFE000  }
0x4b: {  	_ =	swait.ge [sflag:s21], $0x2000  }
0x4c: {  	[sflag:s21] =	ssyncset.done $0x0  }
0x4d: {  	[sflag:s21] =	ssyncadd.s32 $0xFFFFE000  }
0x4e: {  	_ =	swait.ge [sflag:s21], $0x2000  }
0x4f: {  	[sflag:s21] =	ssyncset.done $0x0  }
0x50: {  	[sflag:s21] =	ssyncadd.s32 $0xFFFFE000  }
0x51: {  	_ =	swait.ge [sflag:s22], $0x100  }
0x52: {  	[sflag:s22] =	ssyncset.done $0x0  }
0x53: {  	[sflag:s22] =	ssyncadd.s32 $0xFFFFFF00  }
0x54: {  	[tilespmem:s24], [sflag:$0x1] =	stream.indirect.gather [hbm4b:s4+s23], $0x80, s3, s23, $0xb8;
	[tilespmem:$0x1E200] =	vst v63  }
0x55: {  	[bflag:$0x0] =	sbarrier.arrive $0xFFFF  }
0x56: {  	_ =	swait.ge [sflag:s25], $0x100  }
0x57: {  	[sflag:s25] =	ssyncset.done $0x0  }
0x58: {  	[sflag:s25] =	ssyncadd.s32 $0xFFFFFF00  }
0x59: {  	[tilespmem:s26], [sflag:$0x2] =	stream.indirect.gather [hbm4b:s4+s23], $0x80, s19, s23, $0xb8;
	[tilespmem:$0x1E200] =	vst v63  }
0x5a: {  	_ =	swait.ge [sflag:s28], $0x4000  }
0x5b: {  	[sflag:s28] =	ssyncset.done $0x0  }
0x5c: {  	[sflag:s28] =	ssyncadd.s32 $0xFFFFC000  }
0x5d: {  	[spmem:s2] =	stream.indirect.scatter.add.f32 [tilespmem:s24], [sflag:$0x5], $0x80, s23, s23, $0xb8;
	[tilespmem:$0x1E200] =	vst v63  }
0x5e: {  	_ =	swait.ge [sflag:s29], $0x4000  }
0x5f: {  	s8 =	sadd.s32 $0xFFFFF640, s5;
	[sflag:s29] =	ssyncset.done $0x0  }
0x60: {  	s1 =	sadd.s32 $0xA00, s8;
	[sflag:s29] =	ssyncadd.s32 $0xFFFFC000  }
0x61: {  	[tilespmem:s3], [sflag:$0x3] =	stream.linear.gather [hbm4b:s1+s3], $0x100, $0x38;
	[tilespmem:$0x1E200] =	vst v63  }
0x62: {  	_ =	swait.ge [sflag:s21], $0x4000  }
0x63: {  	[sflag:s21] =	ssyncset.done $0x0  }
0x64: {  	[sflag:s21] =	ssyncadd.s32 $0xFFFFC000  }
0x65: {  	[spmem:s2] =	stream.indirect.scatter.add.f32 [tilespmem:s26], [sflag:$0x5], $0x80, s30, s23, $0xb8;
	[tilespmem:$0x1E200] =	vst v63  }
0x66: {  	_ =	swait.ge [sflag:s29], $0x4000  }
0x67: {  	[sflag:s29] =	ssyncset.done $0x0  }
0x68: {  	s0 =	sadd.s32 $0xA20, s8;
	[sflag:s29] =	ssyncadd.s32 $0xFFFFC000  }
0x69: {  	[tilespmem:s19], [sflag:$0x4] =	stream.linear.gather [hbm4b:s0+s3], $0x100, $0x38;
	[tilespmem:$0x1E200] =	vst v63  }
0x6a: {  	_ =	swait.ge [sflag:s22], $0x100  }
0x6b: {  	[sflag:s22] =	ssyncset.done $0x0  }
0x6c: {  	s0 =	simm.s32 $0xFFFFF680;
	[sflag:s22] =	ssyncadd.s32 $0xFFFFFF00  }
.LBB2_4:
0x6d: {  	[tilespmem:s24], [sflag:$0x1] =	stream.indirect.gather [hbm4b:s4+s23], $0x80, s3, s23, $0xb8;
	[tilespmem:$0x1E200] =	vst v63  }
0x6e: {  	s1 =	smov.u32 s0  }
0x6f: {  	p0 =	sne.s32 s0, $0xFFFFFFC0;
	s0 =	sadd.s32 $0x40, s0;
	_ =	swait.ge [sflag:s25], $0x100  }
0x70: {  	[sflag:s25] =	ssyncset.done $0x0  }
0x71: {  	[sflag:s25] =	ssyncadd.s32 $0xFFFFFF00  }
0x72: {  	[tilespmem:s26], [sflag:$0x2] =	stream.indirect.gather [hbm4b:s4+s23], $0x80, s19, s23, $0xb8;
	[tilespmem:$0x1E200] =	vst v63  }
0x73: {  	_ =	swait.ge [sflag:s28], $0x4000  }
0x74: {  	[sflag:s28] =	ssyncset.done $0x0  }
0x75: {  	[sflag:s28] =	ssyncadd.s32 $0xFFFFC000  }
0x76: {  	[spmem:s2] =	stream.indirect.scatter.add.f32 [tilespmem:s24], [sflag:$0x5], $0x80, s23, s23, $0xb8;
	[tilespmem:$0x1E200] =	vst v63  }
0x77: {  	_ =	swait.ge [sflag:s29], $0x4000  }
0x78: {  	s1 =	sadd.s32 s1, s5;
	[sflag:s29] =	ssyncset.done $0x0  }
0x79: {  	s7 =	sadd.s32 $0xA00, s1;
	[sflag:s29] =	ssyncadd.s32 $0xFFFFC000  }
0x7a: {  	[tilespmem:s3], [sflag:$0x3] =	stream.linear.gather [hbm4b:s7+s3], $0x100, $0x38;
	[tilespmem:$0x1E200] =	vst v63  }
0x7b: {  	_ =	swait.ge [sflag:s21], $0x4000  }
0x7c: {  	[sflag:s21] =	ssyncset.done $0x0  }
0x7d: {  	[sflag:s21] =	ssyncadd.s32 $0xFFFFC000  }
0x7e: {  	[spmem:s2] =	stream.indirect.scatter.add.f32 [tilespmem:s26], [sflag:$0x5], $0x80, s30, s23, $0xb8;
	[tilespmem:$0x1E200] =	vst v63  }
0x7f: {  	_ =	swait.ge [sflag:s29], $0x4000  }
0x80: {  	[sflag:s29] =	ssyncset.done $0x0  }
.Ltmp1:
0x81: {  	s1 =	sadd.s32 $0xA20, s1;
	[sflag:s29] =	ssyncadd.s32 $0xFFFFC000;
	(pc) =	sbr.rel @p0 .LBB2_4-.Ltmp1, $4  }
0x82: {  	[tilespmem:s19], [sflag:$0x4] =	stream.linear.gather [hbm4b:s1+s3], $0x100, $0x38;
	[tilespmem:$0x1E200] =	vst v63  }
0x83: {  	_ =	swait.ge [sflag:s22], $0x100  }
0x84: {  	[sflag:s22] =	ssyncset.done $0x0  }
0x85: {  	[sflag:s22] =	ssyncadd.s32 $0xFFFFFF00  }
0x86: {  	[tilespmem:s24], [sflag:$0x1] =	stream.indirect.gather [hbm4b:s4+s23], $0x80, s3, s23, $0xb8;
	[tilespmem:$0x1E200] =	vst v63  }
0x87: {  	_ =	swait.ge [sflag:s25], $0x100  }
0x88: {  	[sflag:s25] =	ssyncset.done $0x0  }
0x89: {  	[sflag:s25] =	ssyncadd.s32 $0xFFFFFF00  }
0x8a: {  	[tilespmem:s26], [sflag:$0x2] =	stream.indirect.gather [hbm4b:s4+s23], $0x80, s19, s23, $0xb8;
	[tilespmem:$0x1E200] =	vst v63  }
0x8b: {  	_ =	swait.ge [sflag:s28], $0x4000  }
0x8c: {  	[sflag:s28] =	ssyncset.done $0x0  }
0x8d: {  	[sflag:s28] =	ssyncadd.s32 $0xFFFFC000  }
0x8e: {  	[spmem:s2] =	stream.indirect.scatter.add.f32 [tilespmem:s24], [sflag:$0x5], $0x80, s23, s23, $0xb8;
	[tilespmem:$0x1E200] =	vst v63  }
0x8f: {  	_ =	swait.ge [sflag:s29], $0x4000  }
0x90: {  	[sflag:s29] =	ssyncset.done $0x0  }
0x91: {  	[sflag:s29] =	ssyncadd.s32 $0xFFFFC000  }
0x92: {  	_ =	swait.ge [sflag:s21], $0x4000  }
0x93: {  	[sflag:s21] =	ssyncset.done $0x0  }
0x94: {  	[sflag:s21] =	ssyncadd.s32 $0xFFFFC000  }
0x95: {  	[spmem:s2] =	stream.indirect.scatter.add.f32 [tilespmem:s26], [sflag:$0x5], $0x80, s30, s23, $0xb8;
	[tilespmem:$0x1E200] =	vst v63  }
0x96: {  	s0 =	stileid.u32;
	_ =	swait.ge [sflag:s29], $0x4000  }
0x97: {  	s1 =	sshrl.u32 s6, $0x3;
	s31 =	sadd.s32 $0x1, s31;
	[sflag:s29] =	ssyncset.done $0x0  }
0x98: {  	s0 =	sshll.u32 s0, $0x6;
	p0 =	sne.s32 s31, s18;
	[sflag:s29] =	ssyncadd.s32 $0xFFFFC000  }
.Ltmp2:
0x99: {  	s0 =	sor.u32 $0x1C05, s0;
	[bflag:$0x0] =	sbarrier.arrive $0xFFFF;
	(pc) =	sbr.rel @p0 .LBB2_1-.Ltmp2, $4  }
0x9a: {  	[hbm:s17], [sflag:s0] =	dma.local [spmem:s1], $0x2800  }
0x9b: {  	_ =	swait.ge [sflag:s29], $0x2800  }
0x9c: {  	[sflag:s29] =	ssyncset.done $0x0  }
0x9d: {  	[sflag:s29] =	ssyncadd.s32 $0xFFFFD800  }
0x9e: {  	_ =	sfence.sel $0x180000  }
0x9f: {  	[bflag:$0x0] =	sbarrier.arrive $0xFFFF  }
0xa0: {  	_ =	strace $0x9000004A  }
0xa1: {  	s0 =	stileid.u32;
	[bflag:$0x2] =	sbarrier.arrive $0xFFFF  }
0xa2: {  	p0 =	sne.s32 s0, $0x0;
	s0 =	rddreg [dreg:$0x2]  }
0xa3: {  	s0 =	sadd.s32 @!p0 $0x100000, s0  }
0xa4: {  	[sflag:s0] =	ssyncadd.tile.s32 @!p0 $0x1;
	_ =	shalt  }
.Lfunc_end2:
_tile_overlayer_lowered:
.L_overlay_start_2:
0xa5: {  	(tag) =	ssettag $0x2  }
0xa6: {  	s0 =	rddreg [dreg:$0x0];
	s2 =	stileid.u32  }
0xa7: {  	s1 =	rddreg [dreg:$0x1];
	p0 =	sne.s32 s2, $0x0  }
0xa8: {  	s3 =	rddreg [dreg:$0x2];
	[bflag:$0x3] =	sbarrier.arrive $0xFFFF;
	s2 =	simm.s32 @!p0 $0x1C05  }
0xa9: {  	[timem:s3], [sflag:s2] =	dma.local @!p0 [hbm:s0], s1  }
0xaa: {  	s0 =	simm.s32 @!p0 $0x5  }
0xab: {  	_ =	swait.ge @!p0 [sflag:s0], s1  }
0xac: {  	s1 =	ssub.s32 @!p0 $0x0, s1;
	[sflag:s0] =	ssyncset.done @!p0 $0x0  }
0xad: {  	[sflag:s0] =	ssyncadd.s32 @!p0 s1  }
0xae: {  	[bflag:$0x3] =	sbarrier.arrive $0xFFFF  }
0xaf: {  	_ =	shalt  }

// kernel: kernel.16.cloned.1.call-start
scs
__scs_entry_jumppad:
0x0: {  	(pc) =	sbr.rel $0x88, $3  }
0x1: {  	(tag) =	ssettag $0x0;
	lr =	simm.s32 $0x1  }
0x2: {  	[smem:$0x3F90] =	sst lr;
	_ =	strace $0xD0000000  }
0x3: {  	_ = 	snop  }
0x4: {  	_ = 	snop  }
0x5: {  	_ = 	snop  }
0x6: {  	_ = 	snop  }
0x7: {  	_ = 	snop  }
__scs_overlays_trampoline_lowered:
0x8: {  	[smem:$0x3F9F] =	sst s0  }
0x9: {  	[smem:$0x3FA0] =	sst s1  }
0xa: {  	[smem:$0x3FA1] =	sst s2  }
0xb: {  	[smem:$0x3FA2] =	sst s3  }
0xc: {  	[smem:$0x3FA3] =	sst s4  }
0xd: {  	[smem:$0x3FA4] =	sst s5  }
0xe: {  	[smem:$0x3FA5] =	sst s6  }
0xf: {  	[smem:$0x3FA6] =	sst s7  }
0x10: {  	[smem:$0x3FA7] =	sst s8  }
0x11: {  	[smem:$0x3FA8] =	sst s9;
	s0 =	simm.s32 @!p0 $0x0  }
0x12: {  	s1 =	sld [smem:$0x3F8E];
	s0 =	simm.s32 @p0 $0x1  }
0x13: {  	[smem:$0x3FA9] =	sst s0;
	s0 =	simm.s32 @!p1 $0x0  }
0x14: {  	s2 =	sld [smem:$0x3F8D];
	s0 =	simm.s32 @p1 $0x1  }
0x15: {  	[smem:$0x3FAA] =	sst s0;
	s0 =	simm.s32 @!p2 $0x0  }
0x16: {  	s3 =	sld [smem:$0x3FDB];
	s0 =	simm.s32 @p2 $0x1  }
0x17: {  	s4 =	simm.s32 $0x1BF5;
	[smem:$0x3FAC] =	sst s0  }
0x18: {  	s0 =	sld [smem:$0x3F8F];
	_ =	swait.ge [sflag:s4], $0x0  }
0x19: {  	s7 =	sld [smem:$0x3F90]  }
0x1a: {  	s8 =	sadd.s32 $0xFFFFE003, lr  }
0x1b: {  	s9 =	sadd.s32 $0xFFFFFEF7, lr;
	s5 =	simm.s32 $0xFFFFFFFF;
	p2 =	slt.u32 s8, $0xFFFFF086  }
0x1c: {  	p1 =	slt.u32 s9, $0xF7A;
	s5 =	simm.s32 @!p2 $0x0  }
0x1d: {  	s5 =	simm.s32 @p1 $0x1;
	p0 =	seq.s32 s7, s2  }
0x1e: {  	s7 =	smul.u32 @!p0 $0xF7A, s2;
	p2 =	seq.s32 @!p0 s5, $0x0  }
0x1f: {  	s9 =	smul.u32 $0xF7A, s1;
	s8 =	simm.s32 @!p0 $0x1BF5;
	p2 =	por !p2, p0  }
0x20: {  	[sflag:s8] =	ssyncset.s32 @!p0 $0xFFFFF086;
	s6 =	sadd.s32 @!p0 s3, s7;
	s7 =	simm.s32 @!p0 $0x108  }
0x21: {  	s3 =	sadd.s32 s3, s9;
	s6 =	sadd.s32 @!p0 $0x88, s6;
	s7 =	simm.s32 @p2 $0x1082  }
0x22: {  	[simem:s7], [sflag:s8] =	dma.local @!p0 [hbm:s6], $0xF7A  }
0x23: {  	s9 =	sor.u32 $0xD0000000, s2;
	s6 =	simm.s32 $0x108;
	_ =	swait.ge @!p0 [sflag:s8], $0x0  }
0x24: {  	s3 =	sadd.s32 $0x88, s3;
	s6 =	simm.s32 @!p1 $0x1082;
	[sflag:s4] =	ssyncset.s32 $0xFFFFF086  }
0x25: {  	[simem:s6], [sflag:s4] =	dma.local [hbm:s3], $0xF7A  }
0x26: {  	[smem:$0x3F90] =	sst s1;
	(tag) =	ssettag s2;
	_ =	strace s9  }
0x27: {  	s1 =	sld [smem:$0x3FA0]  }
0x28: {  	s2 =	sld [smem:$0x3FA1]  }
0x29: {  	s4 =	sld [smem:$0x3FA3]  }
0x2a: {  	p0 =	seq.s32 s5, $0x0;
	s5 =	sld [smem:$0x3FA4]  }
0x2b: {  	s6 =	sld [smem:$0x3FA5]  }
0x2c: {  	s7 =	sld [smem:$0x3FA6]  }
0x2d: {  	s3 =	simm.s32 $0x108;
	s8 =	sld [smem:$0x3FA7]  }
0x2e: {  	s3 =	simm.s32 @!p0 $0x1082;
	s9 =	sld [smem:$0x3FA8]  }
0x2f: {  	lr =	sadd.s32 s0, s3;
	s0 =	sld [smem:$0x3F9F]  }
0x30: {  	s3 =	sld [smem:$0x3FA2]  }
0x31: {  	[smem:$0x3FAB] =	sst s10  }
0x32: {  	s10 =	sld [smem:$0x3FA9];
	_ =	sdelay $0x3  }
0x33: {  	p0 =	seq.s32 s10, $0x1;
	s10 =	sld [smem:$0x3FAB];
	_ =	sdelay $0x3  }
0x34: {  	[smem:$0x3FAB] =	sst s10  }
0x35: {  	s10 =	sld [smem:$0x3FAA];
	_ =	sdelay $0x3  }
0x36: {  	p1 =	seq.s32 s10, $0x1;
	s10 =	sld [smem:$0x3FAB];
	_ =	sdelay $0x3  }
0x37: {  	[smem:$0x3FAB] =	sst s10  }
0x38: {  	s10 =	sld [smem:$0x3FAC]  }
0x39: {  	_ = 	snop;
	(pc) =	sbr.ind lr, $3  }
0x3a: {  	_ = 	snop  }
0x3b: {  	_ = 	snop  }
0x3c: {  	p2 =	seq.s32 s10, $0x1;
	s10 =	sld [smem:$0x3FAB]  }
0x3d: {  	_ =	shalt  }
0x3e: {  	_ =	shalt  }
0x3f: {  	_ =	shalt  }
0x40: {  	_ =	shalt  }
0x41: {  	_ =	shalt  }
0x42: {  	_ =	shalt  }
0x43: {  	_ =	shalt  }
0x44: {  	_ =	shalt  }
0x45: {  	_ =	shalt  }
0x46: {  	_ =	shalt  }
0x47: {  	_ =	shalt  }
0x48: {  	_ =	shalt  }
0x49: {  	_ =	shalt  }
0x4a: {  	_ =	shalt  }
0x4b: {  	_ =	shalt  }
0x4c: {  	_ =	shalt  }
0x4d: {  	_ =	shalt  }
0x4e: {  	_ =	shalt  }
0x4f: {  	_ =	shalt  }
0x50: {  	_ =	shalt  }
0x51: {  	_ =	shalt  }
0x52: {  	_ =	shalt  }
0x53: {  	_ =	shalt  }
0x54: {  	_ =	shalt  }
0x55: {  	_ =	shalt  }
0x56: {  	_ =	shalt  }
0x57: {  	_ =	shalt  }
0x58: {  	_ =	shalt  }
0x59: {  	_ =	shalt  }
0x5a: {  	_ =	shalt  }
0x5b: {  	_ =	shalt  }
0x5c: {  	_ =	shalt  }
0x5d: {  	_ =	shalt  }
0x5e: {  	_ =	shalt  }
0x5f: {  	_ =	shalt  }
0x60: {  	_ =	shalt  }
0x61: {  	_ =	shalt  }
0x62: {  	_ =	shalt  }
0x63: {  	_ =	shalt  }
0x64: {  	_ =	shalt  }
0x65: {  	_ =	shalt  }
0x66: {  	_ =	shalt  }
0x67: {  	_ =	shalt  }
0x68: {  	_ =	shalt  }
0x69: {  	_ =	shalt  }
0x6a: {  	_ =	shalt  }
0x6b: {  	_ =	shalt  }
0x6c: {  	_ =	shalt  }
0x6d: {  	_ =	shalt  }
0x6e: {  	_ =	shalt  }
0x6f: {  	_ =	shalt  }
0x70: {  	_ =	shalt  }
0x71: {  	_ =	shalt  }
0x72: {  	_ =	shalt  }
0x73: {  	_ =	shalt  }
0x74: {  	_ =	shalt  }
0x75: {  	_ =	shalt  }
0x76: {  	_ =	shalt  }
0x77: {  	_ =	shalt  }
0x78: {  	_ =	shalt  }
0x79: {  	_ =	shalt  }
0x7a: {  	_ =	shalt  }
0x7b: {  	_ =	shalt  }
0x7c: {  	_ =	shalt  }
0x7d: {  	_ =	shalt  }
0x7e: {  	_ =	shalt  }
0x7f: {  	_ =	shalt  }
0x80: {  	_ =	shalt  }
0x81: {  	_ =	shalt  }
0x82: {  	_ =	shalt  }
0x83: {  	_ =	shalt  }
0x84: {  	_ =	shalt  }
0x85: {  	_ =	shalt  }
0x86: {  	_ =	shalt  }
0x87: {  	_ =	shalt  }
.Lfunc_end0:
.L_simem_size_0:
called_computation.2_lowered:
.L_overlay_start_0:
0x88: {  	s2 =	sld [smem:$0x3FD9]  }
0x89: {  	s3 =	sld [smem:$0x3FFE];
	_ =	sdelay $0x1  }
0x8a: {  	s1 =	srdreg.scid  }
0x8b: {  	s0 =	sand.u32 $0x1, s1  }
0x8c: {  	s16 =	sshll.u32 s0, $0xA;
	s2 =	sadd.s32 s3, s2  }
0x8d: {  	s2 =	sadd.s32 s2, s16  }
0x8e: {  	[smem:$0x3FB7] =	sst s2  }
0x8f: {  	_ = 	snop  }
0x90: {  	(tm) =	ssettm $0x1  }
0x91: {  	s17 =	sld [smem:$0x3FFB];
	_ =	sdelay $0x3  }
0x92: {  	_ =	strace s17  }
0x93: {  	s2 =	sld [smem:$0x3FFC];
	_ =	sdelay $0x3  }
0x94: {  	_ =	strace s2  }
0x95: {  	s2 =	sld [smem:$0x3FFD];
	_ =	sdelay $0x3  }
0x96: {  	_ =	strace s2  }
0x97: {  	_ =	strace $0x8FFFFFFF  }
0x98: {  	s18 =	sld [smem:$0x3FDB];
	_ =	sdelay $0x1  }
0x99: {  	s19 =	simm.s32 $_scs_section_size  }
0x9a: {  	s4 =	simm.s32 $_size__tile_overlayer_lowered;
	s5 =	simm.s32 $_tile_overlayer_lowered  }
0x9b: {  	s22 =	simm.s32 $0x1BFF;
	s21 =	sshll.u32 s5, $0x1;
	s2 =	sadd.s32 s19, s18  }
0x9c: {  	s6 =	simm.s32 $0x0;
	s20 =	sshll.u32 s4, $0x1;
	s4 =	sadd.s32 s21, s2  }
0x9d: {  	[timem:s6], [sflag:s22] =	dma.local [hbm:s4], s20  }
0x9e: {  	_ =	swait.ge [sflag:s22], s20  }
0x9f: {  	s3 =	ssub.s32 $0x0, s20;
	[sflag:s22] =	ssyncset.done $0x0  }
0xa0: {  	[sflag:s22] =	ssyncadd.s32 s3;
	_ =	sdelay $0x1  }
0xa1: {  	s23 =	simm.s32 $0x1B8B  }
0xa2: {  	_ =	swait.ge [sflag:s23], $0x1  }
0xa3: {  	[sflag:s23] =	ssyncset.done $0x0  }
0xa4: {  	s25 =	simm.s32 $0x1B8E;
	s24 =	sld [smem:$0x3FFE];
	[sflag:s23] =	ssyncadd.s32 $0xFFFFFFFF  }
0xa5: {  	s26 =	simm.s32 $execute0_lowered;
	[smem:$0x3FD2] =	sst s25  }
0xa6: {  	s4 =	sshll.u32 s26, $0x1;
	_ =	strace $0x8000004C;
	[dreg:$0x1] =	wrdreg $0xFFFFFFFF  }
0xa7: {  	s28 =	simm.s32 $_size_execute0_lowered;
	s2 =	sadd.s32 s2, s4;
	[dreg:$0x0] =	wrdreg $0x0  }
0xa8: {  	s4 =	sshll.u32 s28, $0x1;
	[dreg:$0x2] =	wrdreg s2  }
0xa9: {  	[dreg:$0x3] =	wrdreg s4  }
0xaa: {  	[dreg:$0x4] =	wrdreg $0xC0  }
0xab: {  	_ =	task [dreg:s6], $0x5FFFF  }
0xac: {  	[dreg:$0x1] =	wrdreg $0xFFFFFFFF  }
0xad: {  	[dreg:$0x0] =	wrdreg $0x60  }
0xae: {  	[dreg:$0x2] =	wrdreg s24  }
0xaf: {  	[dreg:$0x3] =	wrdreg $0xA2000  }
0xb0: {  	[dreg:$0x4] =	wrdreg $0x9  }
0xb1: {  	_ =	task.clear_ibuf [dreg:s6], $0x5FFFF;
	_ =	strace $0x9000004C  }
0xb2: {  	s29 =	simm.s32 $0x9;
	_ =	strace $0x8000004E  }
0xb3: {  	_ =	swait.ge [sflag:s29], $0x1  }
0xb4: {  	[sflag:s29] =	ssyncadd.s32 $0xFFFFFFFF  }
0xb5: {  	_ =	strace $0x9000004E  }
0xb6: {  	_ =	sfence  }
0xb7: {  	s30 =	sld [smem:$0x0];
	_ =	sdelay $0x2  }
0xb8: {  	s31 =	sshll.u32 s1, $0xD;
	s1 =	sshrl.u32 s1, $0x2  }
0xb9: {  	s3 =	sand.u32 $0x4000, s31;
	s1 =	sadd.s32 s1, s30  }
0xba: {  	s0 =	sor.u32 s3, s0;
	s1 =	sshll.u32 s1, $0x11  }
0xbb: {  	s0 =	sor.u32 s1, s0  }
0xbc: {  	s0 =	sadd.s32 $0x8F2B, s0  }
0xbd: {  	[sflag:s0] =	ssyncadd.remote.s32 $0x1  }
0xbe: {  	_ =	sfence.sel $0xFFFF  }
0xbf: {  	[dreg:$0x0] =	wrdreg $0xFFFFFFFF;
	(pc) =	sbr.abs _section_cstart, $3  }
0xc0: {  	[dreg:$0x1] =	wrdreg $0xFFFFFFFF  }
0xc1: {  	_ =	task.clear_ibuf [dreg:s6], $0x2FFFF;
	_ =	strace $0x9FFFFFFF  }
0xc2: {  	(tm) =	ssettm $0x7FFFFFFF  }
0xc3: {  	_ =	shalt  }
tec
execute0_lowered:
.L_overlay_start_1:
0x0: {  	(tag) =	ssettag $0x1  }
0x1: {  	s0 =	rddreg [dreg:$0x0]  }
0x2: {  	s2 =	rddreg [dreg:$0x1];
	s3 =	simm.s32 $0x0  }
0x3: {  	s9 =	stileid.u32;
	s1 =	srdreg.scid;
	s19 =	simm.s32 $0x100  }
0x4: {  	s20 =	simm.s32 $0x8200;
	s21 =	simm.s32 $0x2;
	s22 =	simm.s32 $0x3  }
0x5: {  	s28 =	simm.s32 $0x1;
	s29 =	simm.s32 $0x5;
	s30 =	simm.s32 $0x180  }
0x6: {  	s31 =	simm.s32 $0x0;
	[smem:$0x7FF] =	sst s3;
	s5 =	smul.u32 $0xA00, s9  }
0x7: {  	s1 =	sand.u32 $0x1, s1;
	s6 =	smul.u32 $0x2800, s9;
	s4 =	sadd.s32 $0x17A00, s0  }
0x8: {  	s23 =	smul.u32 $0x50000, s9;
	_ =	strace $0x8000004D;
	p0 =	seq.s32 s1, $0x0  }
0x9: {  	s8 =	smul.u32 $0x28000, s1;
	s1 =	ssub.s32 $0x2, s1;
	s7 =	sadd.s32 $0xA000, s5  }
0xa: {  	s24 =	sshrl.u32 s1, $0x1;
	s25 =	sshrl.u32 s23, $0x2;
	s23 =	simm.s32 $0x80  }
0xb: {  	s7 =	smov.u32 @p0 s5;
	s6 =	sadd.s32 s6, s8;
	s1 =	ssub.s32 s1, s24  }
0xc: {  	s24 =	simm.s32 $0x200;
	s7 =	sadd.s32 s7, s0;
	s0 =	sadd.s32 s6, s0  }
0xd: {  	s6 =	sadd.s32 s25, s2;
	s18 =	smax.u32 s1, $0x1;
	s25 =	simm.s32 $0x4  }
0xe: {  	s5 =	sadd.s32 $0x3A00, s7;
	s7 =	sadd.s32 $0x3A20, s7;
	s26 =	sadd.s32 $0x2000, s6  }
0xf: {  	s9 =	sadd.s32 $0x4000, s6;
	s10 =	sadd.s32 $0x6000, s6;
	s11 =	sadd.s32 $0x8000, s6  }
0x10: {  	s12 =	sadd.s32 $0xA000, s6;
	s13 =	sadd.s32 $0xC000, s6;
	s14 =	sadd.s32 $0xE000, s6  }
0x11: {  	s15 =	sadd.s32 $0x10000, s6;
	s16 =	sadd.s32 $0x12000, s6;
	[dreg:$0x3] =	wrdreg s7  }
0x12: {  	v0 =	vimm.f32 $0.0e+00;
	s17 =	sadd.s32 $0x3EC00, s0;
	[dreg:$0x4] =	wrdreg s26;
	s26 =	simm.s32 $0x4200  }
.LBB2_1:
0x13: {  	[tilespmem:s3], [sflag:$0x3] =	stream.linear.gather [hbm4b:s5+s3], $0x100, $0x38;
	[tilespmem:$0x1E200] =	vst v63  }
0x14: {  	s8 =	sand.u32 $0x7E00, s3  }
0x15: {  	s0 =	rddreg [dreg:$0x3];
	s1 =	sand.u32 $0x70, s3;
	s7 =	sshrl.u32 s8, $0x2  }
0x16: {  	[tilespmem:s19], [sflag:$0x4] =	stream.linear.gather [hbm4b:s0+s3], $0x100, $0x38;
	[tilespmem:$0x1E200] =	vst v63  }
0x17: {  	s0 =	simm.s32 $0x40;
	s7 =	sor.u32 s1, s7;
	s1 =	simm.s32 $0x0  }
.LBB2_2:
0x18: {  	p0 =	sne.s32 s0, $0x7FC0  }
0x19: {  	[tilespmem:s7+$0x8200] =	vst v0;
	s1 =	sadd.s32 $0x10, s1;
	s7 =	smov.u32 s0;
	s0 =	sadd.s32 $0x40, s0  }
.Ltmp0:
0x1a: {  	(pc) =	sbr.rel @p0 .LBB2_2-.Ltmp0, $4  }
0x1b: {  	_ = 	snop  }
0x1c: {  	s7 =	sand.u32 $0x7E00, s7  }
0x1d: {  	s8 =	sand.u32 $0x70, s1;
	s7 =	sshrl.u32 s7, $0x2  }
0x1e: {  	s7 =	sor.u32 s8, s7  }
0x1f: {  	[tilespmem:s7+$0x8200] =	vst v0  }
0x20: {  	[spmem:s6] =	stream.linear.scatter [tilespmem:s20], [sflag:$0x2], $0x2000, $0x38;
	[tilespmem:$0x1E200] =	vst v63  }
0x21: {  	s0 =	rddreg [dreg:$0x4]  }
0x22: {  	[spmem:s0] =	stream.linear.scatter [tilespmem:s20], [sflag:$0x2], $0x2000, $0x38;
	[tilespmem:$0x1E200] =	vst v63  }
0x23: {  	_ = 	snop  }
0x24: {  	[spmem:s9] =	stream.linear.scatter [tilespmem:s20], [sflag:$0x2], $0x2000, $0x38;
	[tilespmem:$0x1E200] =	vst v63  }
0x25: {  	_ = 	snop  }
0x26: {  	[spmem:s10] =	stream.linear.scatter [tilespmem:s20], [sflag:$0x2], $0x2000, $0x38;
	[tilespmem:$0x1E200] =	vst v63  }
0x27: {  	_ = 	snop  }
0x28: {  	[spmem:s11] =	stream.linear.scatter [tilespmem:s20], [sflag:$0x2], $0x2000, $0x38;
	[tilespmem:$0x1E200] =	vst v63  }
0x29: {  	_ = 	snop  }
0x2a: {  	[spmem:s12] =	stream.linear.scatter [tilespmem:s20], [sflag:$0x2], $0x2000, $0x38;
	[tilespmem:$0x1E200] =	vst v63  }
0x2b: {  	_ = 	snop  }
0x2c: {  	[spmem:s13] =	stream.linear.scatter [tilespmem:s20], [sflag:$0x2], $0x2000, $0x38;
	[tilespmem:$0x1E200] =	vst v63  }
0x2d: {  	_ = 	snop  }
0x2e: {  	[spmem:s14] =	stream.linear.scatter [tilespmem:s20], [sflag:$0x2], $0x2000, $0x38;
	[tilespmem:$0x1E200] =	vst v63  }
0x2f: {  	_ = 	snop  }
0x30: {  	[spmem:s15] =	stream.linear.scatter [tilespmem:s20], [sflag:$0x2], $0x2000, $0x38;
	[tilespmem:$0x1E200] =	vst v63  }
0x31: {  	_ = 	snop  }
0x32: {  	[spmem:s16] =	stream.linear.scatter [tilespmem:s20], [sflag:$0x2], $0x2000, $0x38;
	[tilespmem:$0x1E200] =	vst v63  }
0x33: {  	_ =	swait.ge [sflag:s21], $0x2000  }
0x34: {  	[sflag:s21] =	ssyncset.done $0x0  }
0x35: {  	[sflag:s21] =	ssyncadd.s32 $0xFFFFE000  }
0x36: {  	_ =	swait.ge [sflag:s21], $0x2000  }
0x37: {  	[sflag:s21] =	ssyncset.done $0x0  }
0x38: {  	[sflag:s21] =	ssyncadd.s32 $0xFFFFE000  }
0x39: {  	_ =	swait.ge [sflag:s21], $0x2000  }
0x3a: {  	[sflag:s21] =	ssyncset.done $0x0  }
0x3b: {  	[sflag:s21] =	ssyncadd.s32 $0xFFFFE000  }
0x3c: {  	_ =	swait.ge [sflag:s21], $0x2000  }
0x3d: {  	[sflag:s21] =	ssyncset.done $0x0  }
0x3e: {  	[sflag:s21] =	ssyncadd.s32 $0xFFFFE000  }
0x3f: {  	_ =	swait.ge [sflag:s21], $0x2000  }
0x40: {  	[sflag:s21] =	ssyncset.done $0x0  }
0x41: {  	[sflag:s21] =	ssyncadd.s32 $0xFFFFE000  }
0x42: {  	_ =	swait.ge [sflag:s21], $0x2000  }
0x43: {  	[sflag:s21] =	ssyncset.done $0x0  }
0x44: {  	[sflag:s21] =	ssyncadd.s32 $0xFFFFE000  }
0x45: {  	_ =	swait.ge [sflag:s21], $0x2000  }
0x46: {  	[sflag:s21] =	ssyncset.done $0x0  }
0x47: {  	[sflag:s21] =	ssyncadd.s32 $0xFFFFE000  }
0x48: {  	_ =	swait.ge [sflag:s21], $0x2000  }
0x49: {  	[sflag:s21] =	ssyncset.done $0x0  }
0x4a: {  	[sflag:s21] =	ssyncadd.s32 $0xFFFFE000  }
0x4b: {  	_ =	swait.ge [sflag:s21], $0x2000  }
0x4c: {  	[sflag:s21] =	ssyncset.done $0x0  }
0x4d: {  	[sflag:s21] =	ssyncadd.s32 $0xFFFFE000  }
0x4e: {  	_ =	swait.ge [sflag:s21], $0x2000  }
0x4f: {  	[sflag:s21] =	ssyncset.done $0x0  }
0x50: {  	[sflag:s21] =	ssyncadd.s32 $0xFFFFE000  }
0x51: {  	_ =	swait.ge [sflag:s22], $0x100  }
0x52: {  	[sflag:s22] =	ssyncset.done $0x0  }
0x53: {  	[sflag:s22] =	ssyncadd.s32 $0xFFFFFF00  }
0x54: {  	[tilespmem:s24], [sflag:$0x1] =	stream.indirect.gather [hbm4b:s4+s23], $0x80, s3, s23, $0xb8;
	[tilespmem:$0x1E200] =	vst v63  }
0x55: {  	[bflag:$0x0] =	sbarrier.arrive $0xFFFF  }
0x56: {  	_ =	swait.ge [sflag:s25], $0x100  }
0x57: {  	[sflag:s25] =	ssyncset.done $0x0  }
0x58: {  	[sflag:s25] =	ssyncadd.s32 $0xFFFFFF00  }
0x59: {  	[tilespmem:s26], [sflag:$0x2] =	stream.indirect.gather [hbm4b:s4+s23], $0x80, s19, s23, $0xb8;
	[tilespmem:$0x1E200] =	vst v63  }
0x5a: {  	_ =	swait.ge [sflag:s28], $0x4000  }
0x5b: {  	[sflag:s28] =	ssyncset.done $0x0  }
0x5c: {  	[sflag:s28] =	ssyncadd.s32 $0xFFFFC000  }
0x5d: {  	[spmem:s2] =	stream.indirect.scatter.add.f32 [tilespmem:s24], [sflag:$0x5], $0x80, s23, s23, $0xb8;
	[tilespmem:$0x1E200] =	vst v63  }
0x5e: {  	_ =	swait.ge [sflag:s29], $0x4000  }
0x5f: {  	s8 =	sadd.s32 $0xFFFFF640, s5;
	[sflag:s29] =	ssyncset.done $0x0  }
0x60: {  	s1 =	sadd.s32 $0xA00, s8;
	[sflag:s29] =	ssyncadd.s32 $0xFFFFC000  }
0x61: {  	[tilespmem:s3], [sflag:$0x3] =	stream.linear.gather [hbm4b:s1+s3], $0x100, $0x38;
	[tilespmem:$0x1E200] =	vst v63  }
0x62: {  	_ =	swait.ge [sflag:s21], $0x4000  }
0x63: {  	[sflag:s21] =	ssyncset.done $0x0  }
0x64: {  	[sflag:s21] =	ssyncadd.s32 $0xFFFFC000  }
0x65: {  	[spmem:s2] =	stream.indirect.scatter.add.f32 [tilespmem:s26], [sflag:$0x5], $0x80, s30, s23, $0xb8;
	[tilespmem:$0x1E200] =	vst v63  }
0x66: {  	_ =	swait.ge [sflag:s29], $0x4000  }
0x67: {  	[sflag:s29] =	ssyncset.done $0x0  }
0x68: {  	s0 =	sadd.s32 $0xA20, s8;
	[sflag:s29] =	ssyncadd.s32 $0xFFFFC000  }
0x69: {  	[tilespmem:s19], [sflag:$0x4] =	stream.linear.gather [hbm4b:s0+s3], $0x100, $0x38;
	[tilespmem:$0x1E200] =	vst v63  }
0x6a: {  	_ =	swait.ge [sflag:s22], $0x100  }
0x6b: {  	[sflag:s22] =	ssyncset.done $0x0  }
0x6c: {  	s0 =	simm.s32 $0xFFFFF680;
	[sflag:s22] =	ssyncadd.s32 $0xFFFFFF00  }
.LBB2_4:
0x6d: {  	[tilespmem:s24], [sflag:$0x1] =	stream.indirect.gather [hbm4b:s4+s23], $0x80, s3, s23, $0xb8;
	[tilespmem:$0x1E200] =	vst v63  }
0x6e: {  	s1 =	smov.u32 s0  }
0x6f: {  	p0 =	sne.s32 s0, $0xFFFFFFC0;
	s0 =	sadd.s32 $0x40, s0;
	_ =	swait.ge [sflag:s25], $0x100  }
0x70: {  	[sflag:s25] =	ssyncset.done $0x0  }
0x71: {  	[sflag:s25] =	ssyncadd.s32 $0xFFFFFF00  }
0x72: {  	[tilespmem:s26], [sflag:$0x2] =	stream.indirect.gather [hbm4b:s4+s23], $0x80, s19, s23, $0xb8;
	[tilespmem:$0x1E200] =	vst v63  }
0x73: {  	_ =	swait.ge [sflag:s28], $0x4000  }
0x74: {  	[sflag:s28] =	ssyncset.done $0x0  }
0x75: {  	[sflag:s28] =	ssyncadd.s32 $0xFFFFC000  }
0x76: {  	[spmem:s2] =	stream.indirect.scatter.add.f32 [tilespmem:s24], [sflag:$0x5], $0x80, s23, s23, $0xb8;
	[tilespmem:$0x1E200] =	vst v63  }
0x77: {  	_ =	swait.ge [sflag:s29], $0x4000  }
0x78: {  	s1 =	sadd.s32 s1, s5;
	[sflag:s29] =	ssyncset.done $0x0  }
0x79: {  	s7 =	sadd.s32 $0xA00, s1;
	[sflag:s29] =	ssyncadd.s32 $0xFFFFC000  }
0x7a: {  	[tilespmem:s3], [sflag:$0x3] =	stream.linear.gather [hbm4b:s7+s3], $0x100, $0x38;
	[tilespmem:$0x1E200] =	vst v63  }
0x7b: {  	_ =	swait.ge [sflag:s21], $0x4000  }
0x7c: {  	[sflag:s21] =	ssyncset.done $0x0  }
0x7d: {  	[sflag:s21] =	ssyncadd.s32 $0xFFFFC000  }
0x7e: {  	[spmem:s2] =	stream.indirect.scatter.add.f32 [tilespmem:s26], [sflag:$0x5], $0x80, s30, s23, $0xb8;
	[tilespmem:$0x1E200] =	vst v63  }
0x7f: {  	_ =	swait.ge [sflag:s29], $0x4000  }
0x80: {  	[sflag:s29] =	ssyncset.done $0x0  }
.Ltmp1:
0x81: {  	s1 =	sadd.s32 $0xA20, s1;
	[sflag:s29] =	ssyncadd.s32 $0xFFFFC000;
	(pc) =	sbr.rel @p0 .LBB2_4-.Ltmp1, $4  }
0x82: {  	[tilespmem:s19], [sflag:$0x4] =	stream.linear.gather [hbm4b:s1+s3], $0x100, $0x38;
	[tilespmem:$0x1E200] =	vst v63  }
0x83: {  	_ =	swait.ge [sflag:s22], $0x100  }
0x84: {  	[sflag:s22] =	ssyncset.done $0x0  }
0x85: {  	[sflag:s22] =	ssyncadd.s32 $0xFFFFFF00  }
0x86: {  	[tilespmem:s24], [sflag:$0x1] =	stream.indirect.gather [hbm4b:s4+s23], $0x80, s3, s23, $0xb8;
	[tilespmem:$0x1E200] =	vst v63  }
0x87: {  	_ =	swait.ge [sflag:s25], $0x100  }
0x88: {  	[sflag:s25] =	ssyncset.done $0x0  }
0x89: {  	[sflag:s25] =	ssyncadd.s32 $0xFFFFFF00  }
0x8a: {  	[tilespmem:s26], [sflag:$0x2] =	stream.indirect.gather [hbm4b:s4+s23], $0x80, s19, s23, $0xb8;
	[tilespmem:$0x1E200] =	vst v63  }
0x8b: {  	_ =	swait.ge [sflag:s28], $0x4000  }
0x8c: {  	[sflag:s28] =	ssyncset.done $0x0  }
0x8d: {  	[sflag:s28] =	ssyncadd.s32 $0xFFFFC000  }
0x8e: {  	[spmem:s2] =	stream.indirect.scatter.add.f32 [tilespmem:s24], [sflag:$0x5], $0x80, s23, s23, $0xb8;
	[tilespmem:$0x1E200] =	vst v63  }
0x8f: {  	_ =	swait.ge [sflag:s29], $0x4000  }
0x90: {  	[sflag:s29] =	ssyncset.done $0x0  }
0x91: {  	[sflag:s29] =	ssyncadd.s32 $0xFFFFC000  }
0x92: {  	_ =	swait.ge [sflag:s21], $0x4000  }
0x93: {  	[sflag:s21] =	ssyncset.done $0x0  }
0x94: {  	[sflag:s21] =	ssyncadd.s32 $0xFFFFC000  }
0x95: {  	[spmem:s2] =	stream.indirect.scatter.add.f32 [tilespmem:s26], [sflag:$0x5], $0x80, s30, s23, $0xb8;
	[tilespmem:$0x1E200] =	vst v63  }
0x96: {  	s0 =	stileid.u32;
	_ =	swait.ge [sflag:s29], $0x4000  }
0x97: {  	s1 =	sshrl.u32 s6, $0x3;
	s31 =	sadd.s32 $0x1, s31;
	[sflag:s29] =	ssyncset.done $0x0  }
0x98: {  	s0 =	sshll.u32 s0, $0x6;
	p0 =	sne.s32 s31, s18;
	[sflag:s29] =	ssyncadd.s32 $0xFFFFC000  }
.Ltmp2:
0x99: {  	s0 =	sor.u32 $0x1C05, s0;
	[bflag:$0x0] =	sbarrier.arrive $0xFFFF;
	(pc) =	sbr.rel @p0 .LBB2_1-.Ltmp2, $4  }
0x9a: {  	[hbm:s17], [sflag:s0] =	dma.local [spmem:s1], $0x2800  }
0x9b: {  	_ =	swait.ge [sflag:s29], $0x2800  }
0x9c: {  	[sflag:s29] =	ssyncset.done $0x0  }
0x9d: {  	[sflag:s29] =	ssyncadd.s32 $0xFFFFD800  }
0x9e: {  	_ =	sfence.sel $0x180000  }
0x9f: {  	[bflag:$0x0] =	sbarrier.arrive $0xFFFF  }
0xa0: {  	_ =	strace $0x9000004D  }
0xa1: {  	s0 =	stileid.u32;
	[bflag:$0x2] =	sbarrier.arrive $0xFFFF  }
0xa2: {  	p0 =	sne.s32 s0, $0x0;
	s0 =	rddreg [dreg:$0x2]  }
0xa3: {  	s0 =	sadd.s32 @!p0 $0x100000, s0  }
0xa4: {  	[sflag:s0] =	ssyncadd.tile.s32 @!p0 $0x1;
	_ =	shalt  }
.Lfunc_end2:
_tile_overlayer_lowered:
.L_overlay_start_2:
0xa5: {  	(tag) =	ssettag $0x2  }
0xa6: {  	s0 =	rddreg [dreg:$0x0];
	s2 =	stileid.u32  }
0xa7: {  	s1 =	rddreg [dreg:$0x1];
	p0 =	sne.s32 s2, $0x0  }
0xa8: {  	s3 =	rddreg [dreg:$0x2];
	[bflag:$0x3] =	sbarrier.arrive $0xFFFF;
	s2 =	simm.s32 @!p0 $0x1C05  }
0xa9: {  	[timem:s3], [sflag:s2] =	dma.local @!p0 [hbm:s0], s1  }
0xaa: {  	s0 =	simm.s32 @!p0 $0x5  }
0xab: {  	_ =	swait.ge @!p0 [sflag:s0], s1  }
0xac: {  	s1 =	ssub.s32 @!p0 $0x0, s1;
	[sflag:s0] =	ssyncset.done @!p0 $0x0  }
0xad: {  	[sflag:s0] =	ssyncadd.s32 @!p0 s1  }
0xae: {  	[bflag:$0x3] =	sbarrier.arrive $0xFFFF  }
0xaf: {  	_ =	shalt  }

// kernel: kernel.19.cloned.1.call-start
scs
__scs_entry_jumppad:
0x0: {  	(pc) =	sbr.rel $0x88, $3  }
0x1: {  	(tag) =	ssettag $0x0;
	lr =	simm.s32 $0x1  }
0x2: {  	[smem:$0x3F90] =	sst lr;
	_ =	strace $0xD0000000  }
0x3: {  	_ = 	snop  }
0x4: {  	_ = 	snop  }
0x5: {  	_ = 	snop  }
0x6: {  	_ = 	snop  }
0x7: {  	_ = 	snop  }
__scs_overlays_trampoline_lowered:
0x8: {  	[smem:$0x3F9F] =	sst s0  }
0x9: {  	[smem:$0x3FA0] =	sst s1  }
0xa: {  	[smem:$0x3FA1] =	sst s2  }
0xb: {  	[smem:$0x3FA2] =	sst s3  }
0xc: {  	[smem:$0x3FA3] =	sst s4  }
0xd: {  	[smem:$0x3FA4] =	sst s5  }
0xe: {  	[smem:$0x3FA5] =	sst s6  }
0xf: {  	[smem:$0x3FA6] =	sst s7  }
0x10: {  	[smem:$0x3FA7] =	sst s8  }
0x11: {  	[smem:$0x3FA8] =	sst s9;
	s0 =	simm.s32 @!p0 $0x0  }
0x12: {  	s1 =	sld [smem:$0x3F8E];
	s0 =	simm.s32 @p0 $0x1  }
0x13: {  	[smem:$0x3FA9] =	sst s0;
	s0 =	simm.s32 @!p1 $0x0  }
0x14: {  	s2 =	sld [smem:$0x3F8D];
	s0 =	simm.s32 @p1 $0x1  }
0x15: {  	[smem:$0x3FAA] =	sst s0;
	s0 =	simm.s32 @!p2 $0x0  }
0x16: {  	s3 =	sld [smem:$0x3FDB];
	s0 =	simm.s32 @p2 $0x1  }
0x17: {  	s4 =	simm.s32 $0x1BF5;
	[smem:$0x3FAC] =	sst s0  }
0x18: {  	s0 =	sld [smem:$0x3F8F];
	_ =	swait.ge [sflag:s4], $0x0  }
0x19: {  	s7 =	sld [smem:$0x3F90]  }
0x1a: {  	s8 =	sadd.s32 $0xFFFFE003, lr  }
0x1b: {  	s9 =	sadd.s32 $0xFFFFFEF7, lr;
	s5 =	simm.s32 $0xFFFFFFFF;
	p2 =	slt.u32 s8, $0xFFFFF086  }
0x1c: {  	p1 =	slt.u32 s9, $0xF7A;
	s5 =	simm.s32 @!p2 $0x0  }
0x1d: {  	s5 =	simm.s32 @p1 $0x1;
	p0 =	seq.s32 s7, s2  }
0x1e: {  	s7 =	smul.u32 @!p0 $0xF7A, s2;
	p2 =	seq.s32 @!p0 s5, $0x0  }
0x1f: {  	s9 =	smul.u32 $0xF7A, s1;
	s8 =	simm.s32 @!p0 $0x1BF5;
	p2 =	por !p2, p0  }
0x20: {  	[sflag:s8] =	ssyncset.s32 @!p0 $0xFFFFF086;
	s6 =	sadd.s32 @!p0 s3, s7;
	s7 =	simm.s32 @!p0 $0x108  }
0x21: {  	s3 =	sadd.s32 s3, s9;
	s6 =	sadd.s32 @!p0 $0x88, s6;
	s7 =	simm.s32 @p2 $0x1082  }
0x22: {  	[simem:s7], [sflag:s8] =	dma.local @!p0 [hbm:s6], $0xF7A  }
0x23: {  	s9 =	sor.u32 $0xD0000000, s2;
	s6 =	simm.s32 $0x108;
	_ =	swait.ge @!p0 [sflag:s8], $0x0  }
0x24: {  	s3 =	sadd.s32 $0x88, s3;
	s6 =	simm.s32 @!p1 $0x1082;
	[sflag:s4] =	ssyncset.s32 $0xFFFFF086  }
0x25: {  	[simem:s6], [sflag:s4] =	dma.local [hbm:s3], $0xF7A  }
0x26: {  	[smem:$0x3F90] =	sst s1;
	(tag) =	ssettag s2;
	_ =	strace s9  }
0x27: {  	s1 =	sld [smem:$0x3FA0]  }
0x28: {  	s2 =	sld [smem:$0x3FA1]  }
0x29: {  	s4 =	sld [smem:$0x3FA3]  }
0x2a: {  	p0 =	seq.s32 s5, $0x0;
	s5 =	sld [smem:$0x3FA4]  }
0x2b: {  	s6 =	sld [smem:$0x3FA5]  }
0x2c: {  	s7 =	sld [smem:$0x3FA6]  }
0x2d: {  	s3 =	simm.s32 $0x108;
	s8 =	sld [smem:$0x3FA7]  }
0x2e: {  	s3 =	simm.s32 @!p0 $0x1082;
	s9 =	sld [smem:$0x3FA8]  }
0x2f: {  	lr =	sadd.s32 s0, s3;
	s0 =	sld [smem:$0x3F9F]  }
0x30: {  	s3 =	sld [smem:$0x3FA2]  }
0x31: {  	[smem:$0x3FAB] =	sst s10  }
0x32: {  	s10 =	sld [smem:$0x3FA9];
	_ =	sdelay $0x3  }
0x33: {  	p0 =	seq.s32 s10, $0x1;
	s10 =	sld [smem:$0x3FAB];
	_ =	sdelay $0x3  }
0x34: {  	[smem:$0x3FAB] =	sst s10  }
0x35: {  	s10 =	sld [smem:$0x3FAA];
	_ =	sdelay $0x3  }
0x36: {  	p1 =	seq.s32 s10, $0x1;
	s10 =	sld [smem:$0x3FAB];
	_ =	sdelay $0x3  }
0x37: {  	[smem:$0x3FAB] =	sst s10  }
0x38: {  	s10 =	sld [smem:$0x3FAC]  }
0x39: {  	_ = 	snop;
	(pc) =	sbr.ind lr, $3  }
0x3a: {  	_ = 	snop  }
0x3b: {  	_ = 	snop  }
0x3c: {  	p2 =	seq.s32 s10, $0x1;
	s10 =	sld [smem:$0x3FAB]  }
0x3d: {  	_ =	shalt  }
0x3e: {  	_ =	shalt  }
0x3f: {  	_ =	shalt  }
0x40: {  	_ =	shalt  }
0x41: {  	_ =	shalt  }
0x42: {  	_ =	shalt  }
0x43: {  	_ =	shalt  }
0x44: {  	_ =	shalt  }
0x45: {  	_ =	shalt  }
0x46: {  	_ =	shalt  }
0x47: {  	_ =	shalt  }
0x48: {  	_ =	shalt  }
0x49: {  	_ =	shalt  }
0x4a: {  	_ =	shalt  }
0x4b: {  	_ =	shalt  }
0x4c: {  	_ =	shalt  }
0x4d: {  	_ =	shalt  }
0x4e: {  	_ =	shalt  }
0x4f: {  	_ =	shalt  }
0x50: {  	_ =	shalt  }
0x51: {  	_ =	shalt  }
0x52: {  	_ =	shalt  }
0x53: {  	_ =	shalt  }
0x54: {  	_ =	shalt  }
0x55: {  	_ =	shalt  }
0x56: {  	_ =	shalt  }
0x57: {  	_ =	shalt  }
0x58: {  	_ =	shalt  }
0x59: {  	_ =	shalt  }
0x5a: {  	_ =	shalt  }
0x5b: {  	_ =	shalt  }
0x5c: {  	_ =	shalt  }
0x5d: {  	_ =	shalt  }
0x5e: {  	_ =	shalt  }
0x5f: {  	_ =	shalt  }
0x60: {  	_ =	shalt  }
0x61: {  	_ =	shalt  }
0x62: {  	_ =	shalt  }
0x63: {  	_ =	shalt  }
0x64: {  	_ =	shalt  }
0x65: {  	_ =	shalt  }
0x66: {  	_ =	shalt  }
0x67: {  	_ =	shalt  }
0x68: {  	_ =	shalt  }
0x69: {  	_ =	shalt  }
0x6a: {  	_ =	shalt  }
0x6b: {  	_ =	shalt  }
0x6c: {  	_ =	shalt  }
0x6d: {  	_ =	shalt  }
0x6e: {  	_ =	shalt  }
0x6f: {  	_ =	shalt  }
0x70: {  	_ =	shalt  }
0x71: {  	_ =	shalt  }
0x72: {  	_ =	shalt  }
0x73: {  	_ =	shalt  }
0x74: {  	_ =	shalt  }
0x75: {  	_ =	shalt  }
0x76: {  	_ =	shalt  }
0x77: {  	_ =	shalt  }
0x78: {  	_ =	shalt  }
0x79: {  	_ =	shalt  }
0x7a: {  	_ =	shalt  }
0x7b: {  	_ =	shalt  }
0x7c: {  	_ =	shalt  }
0x7d: {  	_ =	shalt  }
0x7e: {  	_ =	shalt  }
0x7f: {  	_ =	shalt  }
0x80: {  	_ =	shalt  }
0x81: {  	_ =	shalt  }
0x82: {  	_ =	shalt  }
0x83: {  	_ =	shalt  }
0x84: {  	_ =	shalt  }
0x85: {  	_ =	shalt  }
0x86: {  	_ =	shalt  }
0x87: {  	_ =	shalt  }
.Lfunc_end0:
.L_simem_size_0:
called_computation.3_lowered:
.L_overlay_start_0:
0x88: {  	s2 =	sld [smem:$0x3FD9]  }
0x89: {  	s3 =	sld [smem:$0x3FFE];
	_ =	sdelay $0x1  }
0x8a: {  	s1 =	srdreg.scid  }
0x8b: {  	s0 =	sand.u32 $0x1, s1  }
0x8c: {  	s16 =	sshll.u32 s0, $0xA;
	s2 =	sadd.s32 s3, s2  }
0x8d: {  	s2 =	sadd.s32 s2, s16  }
0x8e: {  	[smem:$0x3FB7] =	sst s2  }
0x8f: {  	_ = 	snop  }
0x90: {  	(tm) =	ssettm $0x1  }
0x91: {  	s17 =	sld [smem:$0x3FFB];
	_ =	sdelay $0x3  }
0x92: {  	_ =	strace s17  }
0x93: {  	s2 =	sld [smem:$0x3FFC];
	_ =	sdelay $0x3  }
0x94: {  	_ =	strace s2  }
0x95: {  	s2 =	sld [smem:$0x3FFD];
	_ =	sdelay $0x3  }
0x96: {  	_ =	strace s2  }
0x97: {  	_ =	strace $0x8FFFFFFF  }
0x98: {  	s18 =	sld [smem:$0x3FDB];
	_ =	sdelay $0x1  }
0x99: {  	s19 =	simm.s32 $_scs_section_size  }
0x9a: {  	s4 =	simm.s32 $_size__tile_overlayer_lowered;
	s5 =	simm.s32 $_tile_overlayer_lowered  }
0x9b: {  	s22 =	simm.s32 $0x1BFF;
	s21 =	sshll.u32 s5, $0x1;
	s2 =	sadd.s32 s19, s18  }
0x9c: {  	s6 =	simm.s32 $0x0;
	s20 =	sshll.u32 s4, $0x1;
	s4 =	sadd.s32 s21, s2  }
0x9d: {  	[timem:s6], [sflag:s22] =	dma.local [hbm:s4], s20  }
0x9e: {  	_ =	swait.ge [sflag:s22], s20  }
0x9f: {  	s3 =	ssub.s32 $0x0, s20;
	[sflag:s22] =	ssyncset.done $0x0  }
0xa0: {  	[sflag:s22] =	ssyncadd.s32 s3;
	_ =	sdelay $0x1  }
0xa1: {  	s23 =	simm.s32 $0x1B8B  }
0xa2: {  	_ =	swait.ge [sflag:s23], $0x1  }
0xa3: {  	[sflag:s23] =	ssyncset.done $0x0  }
0xa4: {  	s25 =	simm.s32 $0x1B8E;
	s24 =	sld [smem:$0x3FFE];
	[sflag:s23] =	ssyncadd.s32 $0xFFFFFFFF  }
0xa5: {  	s26 =	simm.s32 $execute0_lowered;
	[smem:$0x3FD2] =	sst s25  }
0xa6: {  	s4 =	sshll.u32 s26, $0x1;
	_ =	strace $0x8000004F;
	[dreg:$0x1] =	wrdreg $0xFFFFFFFF  }
0xa7: {  	s28 =	simm.s32 $_size_execute0_lowered;
	s2 =	sadd.s32 s2, s4;
	[dreg:$0x0] =	wrdreg $0x0  }
0xa8: {  	s4 =	sshll.u32 s28, $0x1;
	[dreg:$0x2] =	wrdreg s2  }
0xa9: {  	[dreg:$0x3] =	wrdreg s4  }
0xaa: {  	[dreg:$0x4] =	wrdreg $0xC0  }
0xab: {  	_ =	task [dreg:s6], $0x5FFFF  }
0xac: {  	[dreg:$0x1] =	wrdreg $0xFFFFFFFF  }
0xad: {  	[dreg:$0x0] =	wrdreg $0x60  }
0xae: {  	[dreg:$0x2] =	wrdreg s24  }
0xaf: {  	[dreg:$0x3] =	wrdreg $0x8A000  }
0xb0: {  	[dreg:$0x4] =	wrdreg $0x9  }
0xb1: {  	_ =	task.clear_ibuf [dreg:s6], $0x5FFFF;
	_ =	strace $0x9000004F  }
0xb2: {  	s29 =	simm.s32 $0x9;
	_ =	strace $0x80000051  }
0xb3: {  	_ =	swait.ge [sflag:s29], $0x1  }
0xb4: {  	[sflag:s29] =	ssyncadd.s32 $0xFFFFFFFF  }
0xb5: {  	_ =	strace $0x90000051  }
0xb6: {  	_ =	sfence  }
0xb7: {  	s30 =	sld [smem:$0x0];
	_ =	sdelay $0x2  }
0xb8: {  	s31 =	sshll.u32 s1, $0xD;
	s1 =	sshrl.u32 s1, $0x2  }
0xb9: {  	s3 =	sand.u32 $0x4000, s31;
	s1 =	sadd.s32 s1, s30  }
0xba: {  	s0 =	sor.u32 s3, s0;
	s1 =	sshll.u32 s1, $0x11  }
0xbb: {  	s0 =	sor.u32 s1, s0  }
0xbc: {  	s0 =	sadd.s32 $0x8F2B, s0  }
0xbd: {  	[sflag:s0] =	ssyncadd.remote.s32 $0x1  }
0xbe: {  	_ =	sfence.sel $0xFFFF  }
0xbf: {  	[dreg:$0x0] =	wrdreg $0xFFFFFFFF;
	(pc) =	sbr.abs _section_cstart, $3  }
0xc0: {  	[dreg:$0x1] =	wrdreg $0xFFFFFFFF  }
0xc1: {  	_ =	task.clear_ibuf [dreg:s6], $0x2FFFF;
	_ =	strace $0x9FFFFFFF  }
0xc2: {  	(tm) =	ssettm $0x7FFFFFFF  }
0xc3: {  	_ =	shalt  }
tec
execute0_lowered:
.L_overlay_start_1:
0x0: {  	(tag) =	ssettag $0x1  }
0x1: {  	s5 =	rddreg [dreg:$0x0]  }
0x2: {  	s1 =	rddreg [dreg:$0x1]  }
0x3: {  	s0 =	rddreg [dreg:$0x2];
	s3 =	simm.s32 $0x0;
	s4 =	srdreg.scid  }
0x4: {  	s2 =	stileid.u32;
	s11 =	simm.s32 $0x8200;
	s12 =	simm.s32 $0x2  }
0x5: {  	s13 =	simm.s32 $0x3;
	s14 =	simm.s32 $0x80;
	s15 =	simm.s32 $0x200  }
0x6: {  	s16 =	simm.s32 $0x4;
	s17 =	simm.s32 $0x4200;
	s18 =	simm.s32 $0x1  }
0x7: {  	s19 =	simm.s32 $0x5;
	s20 =	simm.s32 $0x180;
	s23 =	simm.s32 $0x0  }
0x8: {  	[smem:$0x7FF] =	sst s3;
	s6 =	sand.u32 $0x1, s4;
	s21 =	sshll.u32 s2, $0x6  }
0x9: {  	s4 =	sadd.s32 $0x3A00, s5;
	s9 =	sshll.u32 s2, $0x8;
	s31 =	sshll.u32 s2, $0xB  }
0xa: {  	_ =	strace $0x80000050;
	s7 =	sshll.u32 s6, $0xA;
	s8 =	ssub.s32 $0x2, s6  }
0xb: {  	s9 =	sadd.s32 s9, s5;
	s6 =	sshll.u32 s6, $0xC;
	s7 =	sor.u32 s7, s21  }
0xc: {  	s10 =	sshrl.u32 s8, $0x1;
	s9 =	sadd.s32 s6, s9;
	s21 =	sor.u32 $0x1C05, s21  }
0xd: {  	s7 =	sadd.s32 s7, s5;
	s10 =	ssub.s32 s8, s10;
	s8 =	sadd.s32 $0x2AC00, s9  }
0xe: {  	s5 =	sadd.s32 $0x8EC00, s7;
	s6 =	sadd.s32 $0x8EC20, s7;
	s7 =	sadd.s32 s31, s1  }
0xf: {  	v0 =	vimm.f32 $0.0e+00;
	s9 =	smax.u32 s10, $0x1;
	s10 =	simm.s32 $0x100;
	s22 =	sshrl.u32 s7, $0x3  }
.LBB2_1:
0x10: {  	[tilespmem:s3], [sflag:$0x3] =	stream.linear.gather [hbm4b:s5+s3], $0x100, $0x38;
	[tilespmem:$0x9200] =	vst v63  }
0x11: {  	s24 =	sand.u32 $0x1E00, s3  }
0x12: {  	s25 =	sand.u32 $0x70, s3;
	s26 =	sshrl.u32 s24, $0x2  }
0x13: {  	[tilespmem:s10], [sflag:$0x4] =	stream.linear.gather [hbm4b:s6+s3], $0x100, $0x38;
	[tilespmem:$0x9200] =	vst v63  }
0x14: {  	s24 =	simm.s32 $0x40;
	s26 =	sor.u32 s25, s26;
	s25 =	simm.s32 $0x0  }
.LBB2_2:
0x15: {  	p0 =	sne.s32 s24, $0x1FC0  }
0x16: {  	[tilespmem:s26+$0x8200] =	vst v0;
	s25 =	sadd.s32 $0x10, s25;
	s26 =	smov.u32 s24;
	s24 =	sadd.s32 $0x40, s24  }
.Ltmp0:
0x17: {  	(pc) =	sbr.rel @p0 .LBB2_2-.Ltmp0, $4  }
0x18: {  	_ = 	snop  }
0x19: {  	s26 =	sand.u32 $0x1E00, s26  }
0x1a: {  	s28 =	sand.u32 $0x70, s25;
	s26 =	sshrl.u32 s26, $0x2  }
0x1b: {  	s26 =	sor.u32 s28, s26  }
0x1c: {  	[tilespmem:s26+$0x8200] =	vst v0  }
0x1d: {  	[spmem:s7] =	stream.linear.scatter [tilespmem:s11], [sflag:$0x2], $0x800, $0x38;
	[tilespmem:$0x9200] =	vst v63  }
0x1e: {  	_ =	swait.ge [sflag:s12], $0x800  }
0x1f: {  	[sflag:s12] =	ssyncset.done $0x0  }
0x20: {  	[sflag:s12] =	ssyncadd.s32 $0xFFFFF800  }
0x21: {  	_ =	swait.ge [sflag:s13], $0x100  }
0x22: {  	[sflag:s13] =	ssyncset.done $0x0  }
0x23: {  	[sflag:s13] =	ssyncadd.s32 $0xFFFFFF00  }
0x24: {  	[tilespmem:s15], [sflag:$0x1] =	stream.indirect.gather [hbm4b:s4+s14], $0x80, s3, s14, $0xb8;
	[tilespmem:$0x9200] =	vst v63  }
0x25: {  	[bflag:$0x0] =	sbarrier.arrive $0xFFFF  }
0x26: {  	_ =	swait.ge [sflag:s16], $0x100  }
0x27: {  	[sflag:s16] =	ssyncset.done $0x0  }
0x28: {  	[sflag:s16] =	ssyncadd.s32 $0xFFFFFF00  }
0x29: {  	[tilespmem:s17], [sflag:$0x2] =	stream.indirect.gather [hbm4b:s4+s14], $0x80, s10, s14, $0xb8;
	[tilespmem:$0x9200] =	vst v63  }
0x2a: {  	_ =	swait.ge [sflag:s18], $0x4000  }
0x2b: {  	[sflag:s18] =	ssyncset.done $0x0  }
0x2c: {  	[sflag:s18] =	ssyncadd.s32 $0xFFFFC000  }
0x2d: {  	[spmem:s1] =	stream.indirect.scatter.add.f32 [tilespmem:s15], [sflag:$0x5], $0x80, s14, s14, $0xb8;
	[tilespmem:$0x9200] =	vst v63  }
0x2e: {  	_ =	swait.ge [sflag:s19], $0x4000  }
0x2f: {  	[sflag:s19] =	ssyncset.done $0x0  }
0x30: {  	[sflag:s19] =	ssyncadd.s32 $0xFFFFC000  }
0x31: {  	_ =	swait.ge [sflag:s12], $0x4000  }
0x32: {  	[sflag:s12] =	ssyncset.done $0x0  }
0x33: {  	[sflag:s12] =	ssyncadd.s32 $0xFFFFC000  }
0x34: {  	[spmem:s1] =	stream.indirect.scatter.add.f32 [tilespmem:s17], [sflag:$0x5], $0x80, s20, s14, $0xb8;
	[tilespmem:$0x9200] =	vst v63  }
0x35: {  	_ =	swait.ge [sflag:s19], $0x4000  }
0x36: {  	s23 =	sadd.s32 $0x1, s23;
	[sflag:s19] =	ssyncset.done $0x0  }
0x37: {  	p0 =	sne.s32 s23, s9;
	[sflag:s19] =	ssyncadd.s32 $0xFFFFC000  }
.Ltmp1:
0x38: {  	[bflag:$0x0] =	sbarrier.arrive $0xFFFF;
	(pc) =	sbr.rel @p0 .LBB2_1-.Ltmp1, $4  }
0x39: {  	[hbm:s8], [sflag:s21] =	dma.local [spmem:s22], $0x100  }
0x3a: {  	_ =	swait.ge [sflag:s19], $0x100  }
0x3b: {  	[sflag:s19] =	ssyncset.done $0x0  }
0x3c: {  	[sflag:s19] =	ssyncadd.s32 $0xFFFFFF00  }
0x3d: {  	_ =	sfence.sel $0x180000  }
0x3e: {  	[bflag:$0x0] =	sbarrier.arrive $0xFFFF  }
0x3f: {  	p0 =	sne.s32 s2, $0x0;
	_ =	strace $0x90000050  }
0x40: {  	s0 =	sadd.s32 @!p0 $0x100000, s0;
	[bflag:$0x2] =	sbarrier.arrive $0xFFFF  }
0x41: {  	[sflag:s0] =	ssyncadd.tile.s32 @!p0 $0x1;
	_ =	shalt  }
.Lfunc_end2:
_tile_overlayer_lowered:
.L_overlay_start_2:
0x42: {  	(tag) =	ssettag $0x2  }
0x43: {  	s0 =	rddreg [dreg:$0x0];
	s2 =	stileid.u32  }
0x44: {  	s1 =	rddreg [dreg:$0x1];
	p0 =	sne.s32 s2, $0x0  }
0x45: {  	s3 =	rddreg [dreg:$0x2];
	[bflag:$0x3] =	sbarrier.arrive $0xFFFF;
	s2 =	simm.s32 @!p0 $0x1C05  }
0x46: {  	[timem:s3], [sflag:s2] =	dma.local @!p0 [hbm:s0], s1  }
0x47: {  	s0 =	simm.s32 @!p0 $0x5  }
0x48: {  	_ =	swait.ge @!p0 [sflag:s0], s1  }
0x49: {  	s1 =	ssub.s32 @!p0 $0x0, s1;
	[sflag:s0] =	ssyncset.done @!p0 $0x0  }
0x4a: {  	[sflag:s0] =	ssyncadd.s32 @!p0 s1  }
0x4b: {  	[bflag:$0x3] =	sbarrier.arrive $0xFFFF  }
0x4c: {  	_ =	shalt  }

</sc_bundles>
